<compile_context>
chip_gen: v7x
topology: tpu7x:2x2x1
jax: 0.10.2.dev20260603
libtpu: 0.0.44.dev20260713+nightly
codegen_flags: <defaults>
</compile_context>

<pallas_src>
import functools

import jax
import jax.numpy as jnp
from jax import lax
from jax.experimental import pallas as pl
from jax.experimental.pallas import tpu as pltpu
from jax.experimental.pallas import tpu_sc as plsc

G = 10
NODES = 1000
NT = G * NODES
FT = 128
HID = 128
E = 320000

NC = 2
NS = 16
CK = 128
NPAD = 10240
RPT = NPAD // NS
IBLK = 16
NGRP = 10
NCHUNK = IBLK * NGRP
EPT = NCHUNK * CK
E_PAD = EPT * NS



def _supports_body(f_ref, s_ref, w0_ref, b0_ref, w1_ref, b1_ref,
                   sf0_ref, ss0_ref, sf1_ref, ss1_ref):
    f = f_ref[...]
    s = s_ref[...]
    w0 = w0_ref[...]
    w1 = w1_ref[...]
    b0 = b0_ref[...]
    b1 = b1_ref[...]
    sf0_ref[...] = jnp.dot(f, w0, preferred_element_type=jnp.float32) + b0
    ss0_ref[...] = jnp.dot(s, w0, preferred_element_type=jnp.float32) + b0
    sf1_ref[...] = jnp.dot(f, w1, preferred_element_type=jnp.float32) + b1
    ss1_ref[...] = jnp.dot(s, w1, preferred_element_type=jnp.float32) + b1


def _supports(fpad, spad, w0, b0r, w1, b1r):
    blk = NPAD // 8
    out = jax.ShapeDtypeStruct((NPAD, HID), jnp.float32)
    return pl.pallas_call(
        _supports_body,
        grid=(8,),
        in_specs=[
            pl.BlockSpec((blk, FT), lambda i: (i, 0)),
            pl.BlockSpec((blk, FT), lambda i: (i, 0)),
            pl.BlockSpec((FT, HID), lambda i: (0, 0)),
            pl.BlockSpec((1, HID), lambda i: (0, 0)),
            pl.BlockSpec((FT, HID), lambda i: (0, 0)),
            pl.BlockSpec((1, HID), lambda i: (0, 0)),
        ],
        out_specs=[pl.BlockSpec((blk, HID), lambda i: (i, 0))] * 4,
        out_shape=[out, out, out, out],
    )(fpad, spad, w0, b0r, w1, b1r)



def _sc_segsum(tab_f0, tab_s0, tab_f1, tab_s1, sd_r, z128, ones128):
    mesh = plsc.VectorSubcoreMesh(core_axis_name="c", subcore_axis_name="s",
                                  num_cores=NC, num_subcores=NS)

    @functools.partial(
        pl.kernel,
        out_type=[jax.ShapeDtypeStruct((2, NC, NPAD, HID), jnp.float32),
                  jax.ShapeDtypeStruct((NC, NPAD, HID), jnp.float32)],
        mesh=mesh,
        scratch_types=[
            pltpu.VMEM((2 * IBLK, CK), jnp.int32),
            pltpu.VMEM((2 * IBLK, CK), jnp.int32),
            pltpu.VMEM((CK, HID), jnp.float32),
            pltpu.VMEM((CK, HID), jnp.float32),
            pltpu.VMEM_SHARED((NPAD, HID), jnp.float32),
            pltpu.SemaphoreType.DMA,
            pltpu.SemaphoreType.DMA,
            pltpu.SemaphoreType.DMA,
            pltpu.SemaphoreType.DMA,
        ],
    )
    def k(tf0_h, ts0_h, tf1_h, ts1_h, sd_h, z128_h, ones_h,
          agg_o, deg_o, sd0_v, sd1_v, rows0_v, rows1_v, acc,
          sem0, sem1, semi0, semi1):
        c = lax.axis_index("c")
        s = lax.axis_index("s")
        r0 = s * RPT

        def start_idx(m, gi, sd_v, semi):
            pltpu.async_copy(sd_h.at[m, s, gi], sd_v, semi)

        def wait_idx(sd_v, semi):
            pltpu.make_async_copy(sd_h.at[0, s, 0], sd_v, semi).wait()

        for m, tf_h, ts_h in ((0, tf0_h, ts0_h), (1, tf1_h, ts1_h)):
            pltpu.sync_copy(z128_h, acc.at[pl.ds(r0, RPT)])
            start_idx(m, 0, sd0_v, semi0)
            plsc.subcore_barrier()

            def start_gather(sd_v, j, buf, sem):
                @pl.when(c == 0)
                def _():
                    pltpu.async_copy(tf_h.at[sd_v.at[j]], buf, sem)

                @pl.when(c == 1)
                def _():
                    pltpu.async_copy(ts_h.at[sd_v.at[j]], buf, sem)

            def wait_gather(buf, sem):
                pltpu.make_async_copy(ones_h, buf, sem).wait()

            def process_group(sd_v):
                start_gather(sd_v, 0, rows0_v, sem0)

                def pair(t, carry2):
                    j0 = 2 * t
                    j1 = 2 * t + 1
                    start_gather(sd_v, j1, rows1_v, sem1)
                    wait_gather(rows0_v, sem0)
                    pltpu.sync_copy(rows0_v, acc.at[sd_v.at[IBLK + j0]],
                                    add=True)

                    @pl.when(j1 + 1 < IBLK)
                    def _():
                        start_gather(sd_v, j1 + 1, rows0_v, sem0)

                    wait_gather(rows1_v, sem1)
                    pltpu.sync_copy(rows1_v, acc.at[sd_v.at[IBLK + j1]],
                                    add=True)
                    return carry2

                lax.fori_loop(0, IBLK // 2, pair, 0)

            def gpair(u, carry):
                g0 = 2 * u
                g1 = 2 * u + 1
                start_idx(m, g1, sd1_v, semi1)
                wait_idx(sd0_v, semi0)
                process_group(sd0_v)

                @pl.when(g1 + 1 < NGRP)
                def _():
                    start_idx(m, g1 + 1, sd0_v, semi0)

                wait_idx(sd1_v, semi1)
                process_group(sd1_v)
                return carry

            lax.fori_loop(0, NGRP // 2, gpair, 0)
            plsc.subcore_barrier()
            pltpu.sync_copy(acc.at[pl.ds(r0, RPT)],
                            agg_o.at[m, c, pl.ds(r0, RPT)])

        pltpu.sync_copy(z128_h, acc.at[pl.ds(r0, RPT)])
        pltpu.sync_copy(ones_h, rows0_v)
        pltpu.async_copy(sd_h.at[c, s, 0], sd0_v, semi0)
        plsc.subcore_barrier()

        def dprocess(sd_v):
            def dchunk(j, carry2):
                pltpu.sync_copy(rows0_v, acc.at[sd_v.at[IBLK + j]], add=True)
                return carry2

            lax.fori_loop(0, IBLK, dchunk, 0)

        def dgpair(u, carry):
            g0 = 2 * u
            g1 = 2 * u + 1
            pltpu.async_copy(sd_h.at[c, s, g1], sd1_v, semi1)
            wait_idx(sd0_v, semi0)
            dprocess(sd0_v)

            @pl.when(g1 + 1 < NGRP)
            def _():
                pltpu.async_copy(sd_h.at[c, s, g1 + 1], sd0_v, semi0)

            wait_idx(sd1_v, semi1)
            dprocess(sd1_v)
            return carry

        lax.fori_loop(0, NGRP // 2, dgpair, 0)
        plsc.subcore_barrier()
        pltpu.sync_copy(acc.at[pl.ds(r0, RPT)], deg_o.at[c, pl.ds(r0, RPT)])

    return k(tab_f0, tab_s0, tab_f1, tab_s1, sd_r, z128, ones128)



def _phase_a_body(sf0_ref, ss0_ref, sf1_ref, ss1_ref, a0_ref, a1_ref,
                  d0_ref, d1_ref, h10_ref, h11_ref, h20_ref, h21_ref,
                  sum0_ref, sum1_ref):
    den0 = d0_ref[0][:, 0:1] + 1.0
    den1 = d1_ref[0][:, 0:1] + 1.0
    v10 = jnp.maximum((a0_ref[0, 0] + sf0_ref[...]) / den0, 0.0)
    v20 = jnp.maximum((a0_ref[0, 1] + ss0_ref[...]) / den0, 0.0)
    v11 = jnp.maximum((a1_ref[0, 0] + sf1_ref[...]) / den1, 0.0)
    v21 = jnp.maximum((a1_ref[0, 1] + ss1_ref[...]) / den1, 0.0)
    h10_ref[...] = v10
    h11_ref[...] = v11
    h20_ref[...] = v20
    h21_ref[...] = v21
    sum0_ref[0] = jnp.sum(v10, axis=0, keepdims=True)
    sum1_ref[0] = jnp.sum(v11, axis=0, keepdims=True)


def _phase_a(sf0, ss0, sf1, ss1, agg, deg):
    h_out = jax.ShapeDtypeStruct((NT, HID), jnp.float32)
    s_out = jax.ShapeDtypeStruct((G, 1, HID), jnp.float32)
    node_spec = pl.BlockSpec((NODES, HID), lambda g: (g, 0))
    agg0_spec = pl.BlockSpec((1, NC, NODES, HID), lambda g: (0, 0, g, 0))
    agg1_spec = pl.BlockSpec((1, NC, NODES, HID), lambda g: (1, 0, g, 0))
    deg0_spec = pl.BlockSpec((1, NODES, HID), lambda g: (0, g, 0))
    deg1_spec = pl.BlockSpec((1, NODES, HID), lambda g: (1, g, 0))
    sum_spec = pl.BlockSpec((1, 1, HID), lambda g: (g, 0, 0))
    return pl.pallas_call(
        _phase_a_body,
        grid=(G,),
        in_specs=[node_spec, node_spec, node_spec, node_spec,
                  agg0_spec, agg1_spec, deg0_spec, deg1_spec],
        out_specs=[node_spec, node_spec, node_spec, node_spec,
                   sum_spec, sum_spec],
        out_shape=[h_out, h_out, h_out, h_out, s_out, s_out],
    )(sf0, ss0, sf1, ss1, agg, agg, deg, deg)



def _phase_b_body(h10_ref, h11_ref, h20_ref, h21_ref, s0_ref, s1_ref,
                  wd_ref, z_ref, l0_ref, l1_ref, reg_ref):
    g = pl.program_id(0)
    dn = (((1,), (1,)), ((), ()))
    c0 = jax.nn.sigmoid(s0_ref[0] * (1.0 / NODES))
    c1 = jax.nn.sigmoid(s1_ref[0] * (1.0 / NODES))
    wd = wd_ref[...]
    u0 = lax.dot_general(c0, wd, dn, preferred_element_type=jnp.float32)
    u1 = lax.dot_general(c1, wd, dn, preferred_element_type=jnp.float32)
    h10 = h10_ref[...]
    h11 = h11_ref[...]
    h20 = h20_ref[...]
    h21 = h21_ref[...]
    sc10 = lax.dot_general(u0, h10, dn, preferred_element_type=jnp.float32)
    sc20 = lax.dot_general(u0, h20, dn, preferred_element_type=jnp.float32)
    sc11 = lax.dot_general(u1, h11, dn, preferred_element_type=jnp.float32)
    sc21 = lax.dot_general(u1, h21, dn, preferred_element_type=jnp.float32)
    l0_ref[0] = jnp.concatenate([sc10, sc20], axis=1)
    l1_ref[0] = jnp.concatenate([sc11, sc21], axis=1)
    zb = z_ref[0]
    h1m = 0.5 * (h10 + h11)
    h2m = 0.5 * (h20 + h21)
    delta = jnp.sum((zb - h1m) ** 2) - jnp.sum((zb - h2m) ** 2)
    prev = jnp.where(g == 0, jnp.zeros((1, 1), jnp.float32), reg_ref[...])
    reg_ref[...] = prev + delta


def _phase_b(h10, h11, h20, h21, sum0, sum1, wd, zi):
    node_spec = pl.BlockSpec((NODES, HID), lambda g: (g, 0))
    sum_spec = pl.BlockSpec((1, 1, HID), lambda g: (g, 0, 0))
    return pl.pallas_call(
        _phase_b_body,
        grid=(G,),
        in_specs=[node_spec, node_spec, node_spec, node_spec,
                  sum_spec, sum_spec,
                  pl.BlockSpec((HID, HID), lambda g: (0, 0)),
                  pl.BlockSpec((1, NODES, HID), lambda g: (g, 0, 0))],
        out_specs=[pl.BlockSpec((1, 1, 2 * NODES), lambda g: (g, 0, 0)),
                   pl.BlockSpec((1, 1, 2 * NODES), lambda g: (g, 0, 0)),
                   pl.BlockSpec((1, 1), lambda g: (0, 0))],
        out_shape=[jax.ShapeDtypeStruct((G, 1, 2 * NODES), jnp.float32),
                   jax.ShapeDtypeStruct((G, 1, 2 * NODES), jnp.float32),
                   jax.ShapeDtypeStruct((1, 1), jnp.float32)],
    )(h10, h11, h20, h21, sum0, sum1, wd, zi)



def _prep_edges(ei):
    pad = E_PAD - E
    fill = jnp.full((pad,), NT, jnp.int32)
    src = jnp.concatenate([ei[0], fill]).reshape(NS, NGRP, IBLK, CK)
    dst = jnp.concatenate([ei[1], fill]).reshape(NS, NGRP, IBLK, CK)
    return jnp.concatenate([src, dst], axis=2)


def kernel(feature, shuf, edge_index_0, edge_index_1, idx, W0, b0, W1, b1, Wd, Z):
    flat_f = feature.reshape(NT, FT)
    flat_s = shuf.reshape(NT, FT)
    fpad = jnp.pad(flat_f, ((0, NPAD - NT), (0, 0)))
    spad = jnp.pad(flat_s, ((0, NPAD - NT), (0, 0)))

    sf0, ss0, sf1, ss1 = _supports(fpad, spad, W0, b0.reshape(1, HID),
                                   W1, b1.reshape(1, HID))

    sd_r = jnp.stack([_prep_edges(edge_index_0), _prep_edges(edge_index_1)])
    z128 = jnp.zeros((RPT, HID), jnp.float32)
    ones128 = jnp.ones((CK, HID), jnp.float32)

    agg, deg = _sc_segsum(sf0, ss0, sf1, ss1, sd_r, z128, ones128)

    h10, h11, h20, h21, sum0, sum1 = _phase_a(sf0, ss0, sf1, ss1, agg, deg)
    zi = jnp.take(Z, idx, axis=0)
    l0, l1, reg = _phase_b(h10, h11, h20, h21, sum0, sum1, Wd, zi)
    return (l0.reshape(G, 2 * NODES), l1.reshape(G, 2 * NODES), reg[0, 0])

# --- scband reference (transcript-rebuilt; emitter-appended) ---
"""Pipeline reference for scband-modeler-17239998726582 (READ-ONLY COPY).

The authoritative reference and input builder live on the scoring server;
editing this copy changes nothing except your own understanding.
"""

import jax, jax.numpy as jnp
import numpy as np

NB_GRAPHS = 10
NB_NODES = 1000
N_TOTAL = NB_GRAPHS * NB_NODES
FT = 128
HID = 128
E = 320000
NB_MODAL = 2


def setup_inputs(seed: int = 0) -> dict:
    key = jax.random.key(seed)
    ks = jax.random.split(key, 12)
    feature = jax.random.normal(ks[0], (NB_GRAPHS, NB_NODES, FT), dtype=jnp.float32)
    # shuf is a node-shuffled view of the features (DGI-style corruption)
    perm = jax.random.permutation(ks[1], NB_NODES)
    shuf = feature[:, perm, :]
    edge_index_0 = jax.random.randint(ks[2], (2, E), 0, N_TOTAL, dtype=jnp.int32)
    edge_index_1 = jax.random.randint(ks[3], (2, E), 0, N_TOTAL, dtype=jnp.int32)
    idx = jnp.arange(NB_GRAPHS, dtype=jnp.int32)
    # learned parameters
    W0 = jax.random.normal(ks[4], (FT, HID), dtype=jnp.float32) * (1.0 / np.sqrt(FT))
    b0 = jnp.zeros((HID,), dtype=jnp.float32)
    W1 = jax.random.normal(ks[5], (FT, HID), dtype=jnp.float32) * (1.0 / np.sqrt(FT))
    b1 = jnp.zeros((HID,), dtype=jnp.float32)
    Wd = jax.random.normal(ks[6], (HID, HID), dtype=jnp.float32) * (1.0 / np.sqrt(HID))
    Z = jax.random.normal(ks[7], (NB_GRAPHS, NB_NODES, HID), dtype=jnp.float32) * 0.1
    return {"feature": feature, "shuf": shuf, "edge_index_0": edge_index_0,
            "edge_index_1": edge_index_1, "idx": idx, "W0": W0, "b0": b0,
            "W1": W1, "b1": b1, "Wd": Wd, "Z": Z}


def _gcn(x, edge_index, W, b):
    # 1-layer GCN: linear transform, gather over src, scatter-add into dst,
    # degree-normalized mean aggregation with self-connection, ReLU.
    support = x @ W + b
    src = edge_index[0]
    dst = edge_index[1]
    msgs = jnp.take(support, src, axis=0)
    agg = jax.ops.segment_sum(msgs, dst, num_segments=N_TOTAL)
    deg = jax.ops.segment_sum(jnp.ones((edge_index.shape[1],), jnp.float32), dst, num_segments=N_TOTAL)
    out = (agg + support) / (deg[:, None] + 1.0)
    return jax.nn.relu(out)


def _disc(c, h1, h2, Wd):
    # DGI bilinear discriminator: score(c, h) = h Wd c
    cx = c[:, None, :]
    sc1 = jnp.sum((h1 @ Wd) * cx, axis=-1)
    sc2 = jnp.sum((h2 @ Wd) * cx, axis=-1)
    return jnp.concatenate([sc1, sc2], axis=1)


def reference(feature, shuf, edge_index_0, edge_index_1, idx, W0, b0, W1, b1, Wd, Z):
    flat_f = feature.reshape(-1, feature.shape[-1])
    flat_s = shuf.reshape(-1, shuf.shape[-1])
    params = [(W0, b0), (W1, b1)]
    eidx = [edge_index_0, edge_index_1]
    logits = []
    h1_list = []
    h2_list = []
    for i in range(NB_MODAL):
        Wg, bg = params[i]
        h1 = _gcn(flat_f, eidx[i], Wg, bg)
        h1_ = h1.reshape(NB_GRAPHS, NB_NODES, HID)
        c = jax.nn.sigmoid(jnp.mean(h1_, axis=1))  # readout_func=mean, act=sigmoid
        h2 = _gcn(flat_s, eidx[i], Wg, bg)
        h2_ = h2.reshape(NB_GRAPHS, NB_NODES, HID)
        logits.append(_disc(c, h1_, h2_, Wd))
        h1_list.append(h1)
        h2_list.append(h2)
    h1_all = jnp.mean(jnp.stack(h1_list), axis=0).reshape(NB_GRAPHS, NB_NODES, HID)
    h2_all = jnp.mean(jnp.stack(h2_list), axis=0).reshape(NB_GRAPHS, NB_NODES, HID)
    Zi = jnp.take(Z, idx, axis=0)
    pos_reg_loss = jnp.sum((Zi - h1_all) ** 2)
    neg_reg_loss = jnp.sum((Zi - h2_all) ** 2)
    reg_loss = pos_reg_loss - neg_reg_loss
    return (logits[0], logits[1], reg_loss)

if __name__ == "__main__":
    import jax
    _d = setup_inputs()
    print(jax.jit(kernel)(*tuple(_d.values())))

</pallas_src>

<mosaic_0001>
#map = affine_map<(d0, d1) -> (0, 0)>
#map1 = affine_map<(d0, d1) -> (0, 0, 0, 0, 0)>
#map2 = affine_map<(d0, d1) -> (0, 0, 0, 0)>
#map3 = affine_map<(d0, d1) -> (0, 0, 0)>
module attributes {stable_mosaic.version = 14 : i64} {
  func.func @k(%arg0: i32, %arg1: i32, %arg2: memref<10240x128xf32, #tpu.memory_space<hbm>>, %arg3: memref<10240x128xf32, #tpu.memory_space<hbm>>, %arg4: memref<10240x128xf32, #tpu.memory_space<hbm>>, %arg5: memref<10240x128xf32, #tpu.memory_space<hbm>>, %arg6: memref<2x16x10x32x128xi32, #tpu.memory_space<hbm>>, %arg7: memref<640x128xf32, #tpu.memory_space<hbm>>, %arg8: memref<128x128xf32, #tpu.memory_space<hbm>>, %arg9: memref<2x2x10240x128xf32, #tpu.memory_space<hbm>>, %arg10: memref<2x10240x128xf32, #tpu.memory_space<hbm>>, %arg11: memref<32x128xi32, #tpu.memory_space<vmem>>, %arg12: memref<32x128xi32, #tpu.memory_space<vmem>>, %arg13: memref<128x128xf32, #tpu.memory_space<vmem>>, %arg14: memref<128x128xf32, #tpu.memory_space<vmem>>, %arg15: memref<10240x128xf32, #tpu.memory_space<vmem_shared>>, %arg16: memref<!tpu.dma_semaphore, #tpu.memory_space<semaphore_mem>>, %arg17: memref<!tpu.dma_semaphore, #tpu.memory_space<semaphore_mem>>, %arg18: memref<!tpu.dma_semaphore, #tpu.memory_space<semaphore_mem>>, %arg19: memref<!tpu.dma_semaphore, #tpu.memory_space<semaphore_mem>>) attributes {dimension_semantics = [#tpu.dimension_semantics<core_parallel>, #tpu.dimension_semantics<subcore_parallel>], iteration_bounds = array<i64: 2, 16>, scalar_prefetch = 0 : i64, scratch_operands = 9 : i64, tpu.core_type = #tpu.core_type<sc_vector_subcore>, window_params = [{transform_indices = #map}, {transform_indices = #map}, {transform_indices = #map}, {transform_indices = #map}, {transform_indices = #map1}, {transform_indices = #map}, {transform_indices = #map}, {transform_indices = #map2}, {transform_indices = #map3}]} {
    %mul3A = arith.constant 640 : i32
    %mul3A_0 = arith.muli %arg1, %mul3A : i32
    "tpu.region"() ({
      %run_scoped3A_52 = tpu.sem_alloc : memref<!tpu.dma_semaphore, #tpu.memory_space<semaphore_mem>>
      %dma_start3A_53 = arith.constant 0 : i32
      %dma_start3A_54 = tpu.memref_slice %arg15[%mul3A_0, %dma_start3A_53] : memref<10240x128xf32, #tpu.memory_space<vmem_shared>> -> memref<640x128xf32, #tpu.memory_space<vmem_shared>>
      tpu.enqueue_dma source(%arg7 : memref<640x128xf32, #tpu.memory_space<hbm>>) target(%dma_start3A_54 : memref<640x128xf32, #tpu.memory_space<vmem_shared>>) target_semaphore(%run_scoped3A_52 : memref<!tpu.dma_semaphore, #tpu.memory_space<semaphore_mem>>)
      %dma_wait3A = arith.constant 0 : i32
      %dma_wait3A_55 = tpu.memref_slice %arg15[%mul3A_0, %dma_wait3A] : memref<10240x128xf32, #tpu.memory_space<vmem_shared>> -> memref<640x128xf32, #tpu.memory_space<vmem_shared>>
      tpu.wait_dma2 semaphore(%run_scoped3A_52 : memref<!tpu.dma_semaphore, #tpu.memory_space<semaphore_mem>>) src(%arg7 : memref<640x128xf32, #tpu.memory_space<hbm>>) dst(%dma_wait3A_55 : memref<640x128xf32, #tpu.memory_space<vmem_shared>>)
      tpu.yield
    }) : () -> ()
    %dma_start3A = arith.constant 0 : i32
    %dma_start3A_1 = arith.constant 0 : i32
    %dma_start3A_2 = arith.constant 0 : i32
    %dma_start3A_3 = arith.constant 0 : i32
    %dma_start3A_4 = tpu.memref_slice %arg6[%dma_start3A, %arg1, %dma_start3A_1, %dma_start3A_2, %dma_start3A_3] : memref<2x16x10x32x128xi32, #tpu.memory_space<hbm>> -> memref<1x1x1x32x128xi32, #tpu.memory_space<hbm>>
    %dma_start3A_5 = tpu.memref_squeeze %dma_start3A_4 : memref<1x1x1x32x128xi32, #tpu.memory_space<hbm>> -> memref<32x128xi32, #tpu.memory_space<hbm>>
    %dma_start3A_6 = arith.constant 0 : i32
    %dma_start3A_7 = arith.constant 0 : i32
    %dma_start3A_8 = tpu.memref_slice %arg6[%dma_start3A, %arg1, %dma_start3A_1, %dma_start3A_6, %dma_start3A_7] : memref<2x16x10x32x128xi32, #tpu.memory_space<hbm>> -> memref<1x1x1x32x128xi32, #tpu.memory_space<hbm>>
    %dma_start3A_9 = tpu.memref_squeeze %dma_start3A_8 : memref<1x1x1x32x128xi32, #tpu.memory_space<hbm>> -> memref<32x128xi32, #tpu.memory_space<hbm>>
    tpu.enqueue_dma source(%dma_start3A_9 : memref<32x128xi32, #tpu.memory_space<hbm>>) target(%arg11 : memref<32x128xi32, #tpu.memory_space<vmem>>) target_semaphore(%arg18 : memref<!tpu.dma_semaphore, #tpu.memory_space<semaphore_mem>>)
    %barrier3A = arith.constant 0 : index
    tpu.barrier barrier_id(%barrier3A)
    %scan3A = arith.constant 0 : i32
    %scan3A_10 = arith.constant 0 : i32
    %scan3A_11 = arith.constant 5 : i32
    %scan3A_12 = arith.addi %scan3A_10, %scan3A_11 : i32
    %scan3A_13 = arith.constant 1 : i32
    scf.for %scan3A_52 = %scan3A_10 to %scan3A_12 step %scan3A_13  : i32 {
      %mul3A_53 = arith.constant 2 : i32
      %mul3A_54 = arith.muli %mul3A_53, %scan3A_52 : i32
      %mul3A_55 = arith.constant 2 : i32
      %mul3A_56 = arith.muli %mul3A_55, %scan3A_52 : i32
      %add3A = arith.constant 1 : i32
      %add3A_57 = arith.addi %mul3A_56, %add3A : i32
      %dma_start3A_58 = arith.constant 0 : i32
      %dma_start3A_59 = arith.constant 0 : i32
      %dma_start3A_60 = arith.constant 0 : i32
      %dma_start3A_61 = tpu.memref_slice %arg6[%dma_start3A_58, %arg1, %add3A_57, %dma_start3A_59, %dma_start3A_60] : memref<2x16x10x32x128xi32, #tpu.memory_space<hbm>> -> memref<1x1x1x32x128xi32, #tpu.memory_space<hbm>>
      %dma_start3A_62 = tpu.memref_squeeze %dma_start3A_61 : memref<1x1x1x32x128xi32, #tpu.memory_space<hbm>> -> memref<32x128xi32, #tpu.memory_space<hbm>>
      %dma_start3A_63 = arith.constant 0 : i32
      %dma_start3A_64 = arith.constant 0 : i32
      %dma_start3A_65 = tpu.memref_slice %arg6[%dma_start3A_58, %arg1, %add3A_57, %dma_start3A_63, %dma_start3A_64] : memref<2x16x10x32x128xi32, #tpu.memory_space<hbm>> -> memref<1x1x1x32x128xi32, #tpu.memory_space<hbm>>
      %dma_start3A_66 = tpu.memref_squeeze %dma_start3A_65 : memref<1x1x1x32x128xi32, #tpu.memory_space<hbm>> -> memref<32x128xi32, #tpu.memory_space<hbm>>
      tpu.enqueue_dma source(%dma_start3A_66 : memref<32x128xi32, #tpu.memory_space<hbm>>) target(%arg12 : memref<32x128xi32, #tpu.memory_space<vmem>>) target_semaphore(%arg19 : memref<!tpu.dma_semaphore, #tpu.memory_space<semaphore_mem>>)
      %dma_wait3A = arith.constant 0 : i32
      %dma_wait3A_67 = arith.constant 0 : i32
      %dma_wait3A_68 = arith.constant 0 : i32
      %dma_wait3A_69 = arith.constant 0 : i32
      %dma_wait3A_70 = tpu.memref_slice %arg6[%dma_wait3A, %arg1, %dma_wait3A_67, %dma_wait3A_68, %dma_wait3A_69] : memref<2x16x10x32x128xi32, #tpu.memory_space<hbm>> -> memref<1x1x1x32x128xi32, #tpu.memory_space<hbm>>
      %dma_wait3A_71 = tpu.memref_squeeze %dma_wait3A_70 : memref<1x1x1x32x128xi32, #tpu.memory_space<hbm>> -> memref<32x128xi32, #tpu.memory_space<hbm>>
      %dma_wait3A_72 = arith.constant 0 : i32
      %dma_wait3A_73 = arith.constant 0 : i32
      %dma_wait3A_74 = tpu.memref_slice %arg6[%dma_wait3A, %arg1, %dma_wait3A_67, %dma_wait3A_72, %dma_wait3A_73] : memref<2x16x10x32x128xi32, #tpu.memory_space<hbm>> -> memref<1x1x1x32x128xi32, #tpu.memory_space<hbm>>
      %dma_wait3A_75 = tpu.memref_squeeze %dma_wait3A_74 : memref<1x1x1x32x128xi32, #tpu.memory_space<hbm>> -> memref<32x128xi32, #tpu.memory_space<hbm>>
      tpu.wait_dma2 semaphore(%arg18 : memref<!tpu.dma_semaphore, #tpu.memory_space<semaphore_mem>>) src(%dma_wait3A_75 : memref<32x128xi32, #tpu.memory_space<hbm>>) dst(%arg11 : memref<32x128xi32, #tpu.memory_space<vmem>>)
      %eq3A = arith.constant 0 : i32
      %eq3A_76 = arith.cmpi eq, %arg0, %eq3A : i32
      %convert_element_type3A = arith.extui %eq3A_76 : i1 to i32
      %cond3A = arith.constant 0 : i32
      %cond3A_77 = arith.cmpi ne, %convert_element_type3A, %cond3A : i32
      scf.if %cond3A_77 {
        %dma_start3A_121 = arith.constant 0 : i32
        %dma_start3A_122 = arith.constant 0 : i32
        %dma_start3A_123 = tpu.memref_slice %arg11[%dma_start3A_121, %dma_start3A_122] : memref<32x128xi32, #tpu.memory_space<vmem>> -> memref<1x128xi32, #tpu.memory_space<vmem>>
        %dma_start3A_124 = tpu.memref_squeeze %dma_start3A_123 : memref<1x128xi32, #tpu.memory_space<vmem>> -> memref<128xi32, #tpu.memory_space<vmem>>
        %dma_start3A_125 = arith.constant 0 : i32
        %dma_start3A_126 = arith.constant 0 : i32
        %dma_start3A_127 = tpu.memref_slice %arg2[%dma_start3A_125, %dma_start3A_126] : memref<10240x128xf32, #tpu.memory_space<hbm>> -> memref<10240x128xf32, #tpu.memory_space<hbm>>
        tpu.enqueue_indirect_dma source(%dma_start3A_127 : memref<10240x128xf32, #tpu.memory_space<hbm>>) target(%arg13 : memref<128x128xf32, #tpu.memory_space<vmem>>) offsets(%dma_start3A_124 : memref<128xi32, #tpu.memory_space<vmem>>) semaphore(%arg16 : memref<!tpu.dma_semaphore, #tpu.memory_space<semaphore_mem>>)
      } else {
      }
      %eq3A_78 = arith.constant 1 : i32
      %eq3A_79 = arith.cmpi eq, %arg0, %eq3A_78 : i32
      %convert_element_type3A_80 = arith.extui %eq3A_79 : i1 to i32
      %cond3A_81 = arith.constant 0 : i32
      %cond3A_82 = arith.cmpi ne, %convert_element_type3A_80, %cond3A_81 : i32
      scf.if %cond3A_82 {
        %dma_start3A_121 = arith.constant 0 : i32
        %dma_start3A_122 = arith.constant 0 : i32
        %dma_start3A_123 = tpu.memref_slice %arg11[%dma_start3A_121, %dma_start3A_122] : memref<32x128xi32, #tpu.memory_space<vmem>> -> memref<1x128xi32, #tpu.memory_space<vmem>>
        %dma_start3A_124 = tpu.memref_squeeze %dma_start3A_123 : memref<1x128xi32, #tpu.memory_space<vmem>> -> memref<128xi32, #tpu.memory_space<vmem>>
        %dma_start3A_125 = arith.constant 0 : i32
        %dma_start3A_126 = arith.constant 0 : i32
        %dma_start3A_127 = tpu.memref_slice %arg3[%dma_start3A_125, %dma_start3A_126] : memref<10240x128xf32, #tpu.memory_space<hbm>> -> memref<10240x128xf32, #tpu.memory_space<hbm>>
        tpu.enqueue_indirect_dma source(%dma_start3A_127 : memref<10240x128xf32, #tpu.memory_space<hbm>>) target(%arg13 : memref<128x128xf32, #tpu.memory_space<vmem>>) offsets(%dma_start3A_124 : memref<128xi32, #tpu.memory_space<vmem>>) semaphore(%arg16 : memref<!tpu.dma_semaphore, #tpu.memory_space<semaphore_mem>>)
      } else {
      }
      %scan3A_83 = arith.constant 0 : i32
      %scan3A_84 = arith.constant 0 : i32
      %scan3A_85 = arith.constant 8 : i32
      %scan3A_86 = arith.addi %scan3A_84, %scan3A_85 : i32
      %scan3A_87 = arith.constant 1 : i32
      scf.for %scan3A_121 = %scan3A_84 to %scan3A_86 step %scan3A_87  : i32 {
        %mul3A_122 = arith.constant 2 : i32
        %mul3A_123 = arith.muli %mul3A_122, %scan3A_121 : i32
        %mul3A_124 = arith.constant 2 : i32
        %mul3A_125 = arith.muli %mul3A_124, %scan3A_121 : i32
        %add3A_126 = arith.constant 1 : i32
        %add3A_127 = arith.addi %mul3A_125, %add3A_126 : i32
        %eq3A_128 = arith.constant 0 : i32
        %eq3A_129 = arith.cmpi eq, %arg0, %eq3A_128 : i32
        %convert_element_type3A_130 = arith.extui %eq3A_129 : i1 to i32
        %cond3A_131 = arith.constant 0 : i32
        %cond3A_132 = arith.cmpi ne, %convert_element_type3A_130, %cond3A_131 : i32
        scf.if %cond3A_132 {
          %dma_start3A_149 = arith.constant 0 : i32
          %dma_start3A_150 = tpu.memref_slice %arg11[%add3A_127, %dma_start3A_149] : memref<32x128xi32, #tpu.memory_space<vmem>> -> memref<1x128xi32, #tpu.memory_space<vmem>>
          %dma_start3A_151 = tpu.memref_squeeze %dma_start3A_150 : memref<1x128xi32, #tpu.memory_space<vmem>> -> memref<128xi32, #tpu.memory_space<vmem>>
          %dma_start3A_152 = arith.constant 0 : i32
          %dma_start3A_153 = arith.constant 0 : i32
          %dma_start3A_154 = tpu.memref_slice %arg2[%dma_start3A_152, %dma_start3A_153] : memref<10240x128xf32, #tpu.memory_space<hbm>> -> memref<10240x128xf32, #tpu.memory_space<hbm>>
          tpu.enqueue_indirect_dma source(%dma_start3A_154 : memref<10240x128xf32, #tpu.memory_space<hbm>>) target(%arg14 : memref<128x128xf32, #tpu.memory_space<vmem>>) offsets(%dma_start3A_151 : memref<128xi32, #tpu.memory_space<vmem>>) semaphore(%arg17 : memref<!tpu.dma_semaphore, #tpu.memory_space<semaphore_mem>>)
        } else {
        }
        %eq3A_133 = arith.constant 1 : i32
        %eq3A_134 = arith.cmpi eq, %arg0, %eq3A_133 : i32
        %convert_element_type3A_135 = arith.extui %eq3A_134 : i1 to i32
        %cond3A_136 = arith.constant 0 : i32
        %cond3A_137 = arith.cmpi ne, %convert_element_type3A_135, %cond3A_136 : i32
        scf.if %cond3A_137 {
          %dma_start3A_149 = arith.constant 0 : i32
          %dma_start3A_150 = tpu.memref_slice %arg11[%add3A_127, %dma_start3A_149] : memref<32x128xi32, #tpu.memory_space<vmem>> -> memref<1x128xi32, #tpu.memory_space<vmem>>
          %dma_start3A_151 = tpu.memref_squeeze %dma_start3A_150 : memref<1x128xi32, #tpu.memory_space<vmem>> -> memref<128xi32, #tpu.memory_space<vmem>>
          %dma_start3A_152 = arith.constant 0 : i32
          %dma_start3A_153 = arith.constant 0 : i32
          %dma_start3A_154 = tpu.memref_slice %arg3[%dma_start3A_152, %dma_start3A_153] : memref<10240x128xf32, #tpu.memory_space<hbm>> -> memref<10240x128xf32, #tpu.memory_space<hbm>>
          tpu.enqueue_indirect_dma source(%dma_start3A_154 : memref<10240x128xf32, #tpu.memory_space<hbm>>) target(%arg14 : memref<128x128xf32, #tpu.memory_space<vmem>>) offsets(%dma_start3A_151 : memref<128xi32, #tpu.memory_space<vmem>>) semaphore(%arg17 : memref<!tpu.dma_semaphore, #tpu.memory_space<semaphore_mem>>)
        } else {
        }
        tpu.wait_dma2 semaphore(%arg16 : memref<!tpu.dma_semaphore, #tpu.memory_space<semaphore_mem>>) src(%arg8 : memref<128x128xf32, #tpu.memory_space<hbm>>) dst(%arg13 : memref<128x128xf32, #tpu.memory_space<vmem>>)
        %add3A_138 = arith.constant 16 : i32
        %add3A_139 = arith.addi %add3A_138, %mul3A_123 : i32
        "tpu.region"() ({
          %run_scoped3A_149 = tpu.sem_alloc : memref<!tpu.dma_semaphore, #tpu.memory_space<semaphore_mem>>
          %dma_start3A_150 = arith.constant 0 : i32
          %dma_start3A_151 = tpu.memref_slice %arg11[%add3A_139, %dma_start3A_150] : memref<32x128xi32, #tpu.memory_space<vmem>> -> memref<1x128xi32, #tpu.memory_space<vmem>>
          %dma_start3A_152 = tpu.memref_squeeze %dma_start3A_151 : memref<1x128xi32, #tpu.memory_space<vmem>> -> memref<128xi32, #tpu.memory_space<vmem>>
          %dma_start3A_153 = arith.constant 0 : i32
          %dma_start3A_154 = arith.constant 0 : i32
          %dma_start3A_155 = tpu.memref_slice %arg15[%dma_start3A_153, %dma_start3A_154] : memref<10240x128xf32, #tpu.memory_space<vmem_shared>> -> memref<10240x128xf32, #tpu.memory_space<vmem_shared>>
          tpu.enqueue_indirect_dma source(%arg13 : memref<128x128xf32, #tpu.memory_space<vmem>>) target(%dma_start3A_155 : memref<10240x128xf32, #tpu.memory_space<vmem_shared>>) offsets(%dma_start3A_152 : memref<128xi32, #tpu.memory_space<vmem>>) semaphore(%run_scoped3A_149 : memref<!tpu.dma_semaphore, #tpu.memory_space<semaphore_mem>>) {add = true}
          %dma_wait3A_156 = arith.constant 0 : i32
          %dma_wait3A_157 = tpu.memref_slice %arg11[%add3A_139, %dma_wait3A_156] : memref<32x128xi32, #tpu.memory_space<vmem>> -> memref<1x128xi32, #tpu.memory_space<vmem>>
          %dma_wait3A_158 = tpu.memref_squeeze %dma_wait3A_157 : memref<1x128xi32, #tpu.memory_space<vmem>> -> memref<128xi32, #tpu.memory_space<vmem>>
          %dma_wait3A_159 = arith.constant 0 : i32
          %dma_wait3A_160 = arith.constant 0 : i32
          %dma_wait3A_161 = tpu.memref_slice %arg15[%dma_wait3A_159, %dma_wait3A_160] : memref<10240x128xf32, #tpu.memory_space<vmem_shared>> -> memref<10240x128xf32, #tpu.memory_space<vmem_shared>>
          tpu.wait_indirect_dma semaphore(%run_scoped3A_149 : memref<!tpu.dma_semaphore, #tpu.memory_space<semaphore_mem>>) src(%arg13 : memref<128x128xf32, #tpu.memory_space<vmem>>) dst(%dma_wait3A_161 : memref<10240x128xf32, #tpu.memory_space<vmem_shared>>)
          tpu.yield
        }) : () -> ()
        %add3A_140 = arith.constant 1 : i32
        %add3A_141 = arith.addi %add3A_127, %add3A_140 : i32
        %lt3A_142 = arith.constant 16 : i32
        %lt3A_143 = arith.cmpi slt, %add3A_141, %lt3A_142 : i32
        %convert_element_type3A_144 = arith.extui %lt3A_143 : i1 to i32
        %cond3A_145 = arith.constant 0 : i32
        %cond3A_146 = arith.cmpi ne, %convert_element_type3A_144, %cond3A_145 : i32
        scf.if %cond3A_146 {
          %add3A_149 = arith.constant 1 : i32
          %add3A_150 = arith.addi %add3A_127, %add3A_149 : i32
          %eq3A_151 = arith.constant 0 : i32
          %eq3A_152 = arith.cmpi eq, %arg0, %eq3A_151 : i32
          %convert_element_type3A_153 = arith.extui %eq3A_152 : i1 to i32
          %cond3A_154 = arith.constant 0 : i32
          %cond3A_155 = arith.cmpi ne, %convert_element_type3A_153, %cond3A_154 : i32
          scf.if %cond3A_155 {
            %dma_start3A_161 = arith.constant 0 : i32
            %dma_start3A_162 = tpu.memref_slice %arg11[%add3A_150, %dma_start3A_161] : memref<32x128xi32, #tpu.memory_space<vmem>> -> memref<1x128xi32, #tpu.memory_space<vmem>>
            %dma_start3A_163 = tpu.memref_squeeze %dma_start3A_162 : memref<1x128xi32, #tpu.memory_space<vmem>> -> memref<128xi32, #tpu.memory_space<vmem>>
            %dma_start3A_164 = arith.constant 0 : i32
            %dma_start3A_165 = arith.constant 0 : i32
            %dma_start3A_166 = tpu.memref_slice %arg2[%dma_start3A_164, %dma_start3A_165] : memref<10240x128xf32, #tpu.memory_space<hbm>> -> memref<10240x128xf32, #tpu.memory_space<hbm>>
            tpu.enqueue_indirect_dma source(%dma_start3A_166 : memref<10240x128xf32, #tpu.memory_space<hbm>>) target(%arg13 : memref<128x128xf32, #tpu.memory_space<vmem>>) offsets(%dma_start3A_163 : memref<128xi32, #tpu.memory_space<vmem>>) semaphore(%arg16 : memref<!tpu.dma_semaphore, #tpu.memory_space<semaphore_mem>>)
          } else {
          }
          %eq3A_156 = arith.constant 1 : i32
          %eq3A_157 = arith.cmpi eq, %arg0, %eq3A_156 : i32
          %convert_element_type3A_158 = arith.extui %eq3A_157 : i1 to i32
          %cond3A_159 = arith.constant 0 : i32
          %cond3A_160 = arith.cmpi ne, %convert_element_type3A_158, %cond3A_159 : i32
          scf.if %cond3A_160 {
            %dma_start3A_161 = arith.constant 0 : i32
            %dma_start3A_162 = tpu.memref_slice %arg11[%add3A_150, %dma_start3A_161] : memref<32x128xi32, #tpu.memory_space<vmem>> -> memref<1x128xi32, #tpu.memory_space<vmem>>
            %dma_start3A_163 = tpu.memref_squeeze %dma_start3A_162 : memref<1x128xi32, #tpu.memory_space<vmem>> -> memref<128xi32, #tpu.memory_space<vmem>>
            %dma_start3A_164 = arith.constant 0 : i32
            %dma_start3A_165 = arith.constant 0 : i32
            %dma_start3A_166 = tpu.memref_slice %arg3[%dma_start3A_164, %dma_start3A_165] : memref<10240x128xf32, #tpu.memory_space<hbm>> -> memref<10240x128xf32, #tpu.memory_space<hbm>>
            tpu.enqueue_indirect_dma source(%dma_start3A_166 : memref<10240x128xf32, #tpu.memory_space<hbm>>) target(%arg13 : memref<128x128xf32, #tpu.memory_space<vmem>>) offsets(%dma_start3A_163 : memref<128xi32, #tpu.memory_space<vmem>>) semaphore(%arg16 : memref<!tpu.dma_semaphore, #tpu.memory_space<semaphore_mem>>)
          } else {
          }
        } else {
        }
        tpu.wait_dma2 semaphore(%arg17 : memref<!tpu.dma_semaphore, #tpu.memory_space<semaphore_mem>>) src(%arg8 : memref<128x128xf32, #tpu.memory_space<hbm>>) dst(%arg14 : memref<128x128xf32, #tpu.memory_space<vmem>>)
        %add3A_147 = arith.constant 16 : i32
        %add3A_148 = arith.addi %add3A_147, %add3A_127 : i32
        "tpu.region"() ({
          %run_scoped3A_149 = tpu.sem_alloc : memref<!tpu.dma_semaphore, #tpu.memory_space<semaphore_mem>>
          %dma_start3A_150 = arith.constant 0 : i32
          %dma_start3A_151 = tpu.memref_slice %arg11[%add3A_148, %dma_start3A_150] : memref<32x128xi32, #tpu.memory_space<vmem>> -> memref<1x128xi32, #tpu.memory_space<vmem>>
          %dma_start3A_152 = tpu.memref_squeeze %dma_start3A_151 : memref<1x128xi32, #tpu.memory_space<vmem>> -> memref<128xi32, #tpu.memory_space<vmem>>
          %dma_start3A_153 = arith.constant 0 : i32
          %dma_start3A_154 = arith.constant 0 : i32
          %dma_start3A_155 = tpu.memref_slice %arg15[%dma_start3A_153, %dma_start3A_154] : memref<10240x128xf32, #tpu.memory_space<vmem_shared>> -> memref<10240x128xf32, #tpu.memory_space<vmem_shared>>
          tpu.enqueue_indirect_dma source(%arg14 : memref<128x128xf32, #tpu.memory_space<vmem>>) target(%dma_start3A_155 : memref<10240x128xf32, #tpu.memory_space<vmem_shared>>) offsets(%dma_start3A_152 : memref<128xi32, #tpu.memory_space<vmem>>) semaphore(%run_scoped3A_149 : memref<!tpu.dma_semaphore, #tpu.memory_space<semaphore_mem>>) {add = true}
          %dma_wait3A_156 = arith.constant 0 : i32
          %dma_wait3A_157 = tpu.memref_slice %arg11[%add3A_148, %dma_wait3A_156] : memref<32x128xi32, #tpu.memory_space<vmem>> -> memref<1x128xi32, #tpu.memory_space<vmem>>
          %dma_wait3A_158 = tpu.memref_squeeze %dma_wait3A_157 : memref<1x128xi32, #tpu.memory_space<vmem>> -> memref<128xi32, #tpu.memory_space<vmem>>
          %dma_wait3A_159 = arith.constant 0 : i32
          %dma_wait3A_160 = arith.constant 0 : i32
          %dma_wait3A_161 = tpu.memref_slice %arg15[%dma_wait3A_159, %dma_wait3A_160] : memref<10240x128xf32, #tpu.memory_space<vmem_shared>> -> memref<10240x128xf32, #tpu.memory_space<vmem_shared>>
          tpu.wait_indirect_dma semaphore(%run_scoped3A_149 : memref<!tpu.dma_semaphore, #tpu.memory_space<semaphore_mem>>) src(%arg14 : memref<128x128xf32, #tpu.memory_space<vmem>>) dst(%dma_wait3A_161 : memref<10240x128xf32, #tpu.memory_space<vmem_shared>>)
          tpu.yield
        }) : () -> ()
      }
      %scan3A_88 = arith.constant 8 : i32
      %add3A_89 = arith.constant 1 : i32
      %add3A_90 = arith.addi %add3A_57, %add3A_89 : i32
      %lt3A = arith.constant 10 : i32
      %lt3A_91 = arith.cmpi slt, %add3A_90, %lt3A : i32
      %convert_element_type3A_92 = arith.extui %lt3A_91 : i1 to i32
      %cond3A_93 = arith.constant 0 : i32
      %cond3A_94 = arith.cmpi ne, %convert_element_type3A_92, %cond3A_93 : i32
      scf.if %cond3A_94 {
        %add3A_121 = arith.constant 1 : i32
        %add3A_122 = arith.addi %add3A_57, %add3A_121 : i32
        %dma_start3A_123 = arith.constant 0 : i32
        %dma_start3A_124 = arith.constant 0 : i32
        %dma_start3A_125 = arith.constant 0 : i32
        %dma_start3A_126 = tpu.memref_slice %arg6[%dma_start3A_123, %arg1, %add3A_122, %dma_start3A_124, %dma_start3A_125] : memref<2x16x10x32x128xi32, #tpu.memory_space<hbm>> -> memref<1x1x1x32x128xi32, #tpu.memory_space<hbm>>
        %dma_start3A_127 = tpu.memref_squeeze %dma_start3A_126 : memref<1x1x1x32x128xi32, #tpu.memory_space<hbm>> -> memref<32x128xi32, #tpu.memory_space<hbm>>
        %dma_start3A_128 = arith.constant 0 : i32
        %dma_start3A_129 = arith.constant 0 : i32
        %dma_start3A_130 = tpu.memref_slice %arg6[%dma_start3A_123, %arg1, %add3A_122, %dma_start3A_128, %dma_start3A_129] : memref<2x16x10x32x128xi32, #tpu.memory_space<hbm>> -> memref<1x1x1x32x128xi32, #tpu.memory_space<hbm>>
        %dma_start3A_131 = tpu.memref_squeeze %dma_start3A_130 : memref<1x1x1x32x128xi32, #tpu.memory_space<hbm>> -> memref<32x128xi32, #tpu.memory_space<hbm>>
        tpu.enqueue_dma source(%dma_start3A_131 : memref<32x128xi32, #tpu.memory_space<hbm>>) target(%arg11 : memref<32x128xi32, #tpu.memory_space<vmem>>) target_semaphore(%arg18 : memref<!tpu.dma_semaphore, #tpu.memory_space<semaphore_mem>>)
      } else {
      }
      %dma_wait3A_95 = arith.constant 0 : i32
      %dma_wait3A_96 = arith.constant 0 : i32
      %dma_wait3A_97 = arith.constant 0 : i32
      %dma_wait3A_98 = arith.constant 0 : i32
      %dma_wait3A_99 = tpu.memref_slice %arg6[%dma_wait3A_95, %arg1, %dma_wait3A_96, %dma_wait3A_97, %dma_wait3A_98] : memref<2x16x10x32x128xi32, #tpu.memory_space<hbm>> -> memref<1x1x1x32x128xi32, #tpu.memory_space<hbm>>
      %dma_wait3A_100 = tpu.memref_squeeze %dma_wait3A_99 : memref<1x1x1x32x128xi32, #tpu.memory_space<hbm>> -> memref<32x128xi32, #tpu.memory_space<hbm>>
      %dma_wait3A_101 = arith.constant 0 : i32
      %dma_wait3A_102 = arith.constant 0 : i32
      %dma_wait3A_103 = tpu.memref_slice %arg6[%dma_wait3A_95, %arg1, %dma_wait3A_96, %dma_wait3A_101, %dma_wait3A_102] : memref<2x16x10x32x128xi32, #tpu.memory_space<hbm>> -> memref<1x1x1x32x128xi32, #tpu.memory_space<hbm>>
      %dma_wait3A_104 = tpu.memref_squeeze %dma_wait3A_103 : memref<1x1x1x32x128xi32, #tpu.memory_space<hbm>> -> memref<32x128xi32, #tpu.memory_space<hbm>>
      tpu.wait_dma2 semaphore(%arg19 : memref<!tpu.dma_semaphore, #tpu.memory_space<semaphore_mem>>) src(%dma_wait3A_104 : memref<32x128xi32, #tpu.memory_space<hbm>>) dst(%arg12 : memref<32x128xi32, #tpu.memory_space<vmem>>)
      %eq3A_105 = arith.constant 0 : i32
      %eq3A_106 = arith.cmpi eq, %arg0, %eq3A_105 : i32
      %convert_element_type3A_107 = arith.extui %eq3A_106 : i1 to i32
      %cond3A_108 = arith.constant 0 : i32
      %cond3A_109 = arith.cmpi ne, %convert_element_type3A_107, %cond3A_108 : i32
      scf.if %cond3A_109 {
        %dma_start3A_121 = arith.constant 0 : i32
        %dma_start3A_122 = arith.constant 0 : i32
        %dma_start3A_123 = tpu.memref_slice %arg12[%dma_start3A_121, %dma_start3A_122] : memref<32x128xi32, #tpu.memory_space<vmem>> -> memref<1x128xi32, #tpu.memory_space<vmem>>
        %dma_start3A_124 = tpu.memref_squeeze %dma_start3A_123 : memref<1x128xi32, #tpu.memory_space<vmem>> -> memref<128xi32, #tpu.memory_space<vmem>>
        %dma_start3A_125 = arith.constant 0 : i32
        %dma_start3A_126 = arith.constant 0 : i32
        %dma_start3A_127 = tpu.memref_slice %arg2[%dma_start3A_125, %dma_start3A_126] : memref<10240x128xf32, #tpu.memory_space<hbm>> -> memref<10240x128xf32, #tpu.memory_space<hbm>>
        tpu.enqueue_indirect_dma source(%dma_start3A_127 : memref<10240x128xf32, #tpu.memory_space<hbm>>) target(%arg13 : memref<128x128xf32, #tpu.memory_space<vmem>>) offsets(%dma_start3A_124 : memref<128xi32, #tpu.memory_space<vmem>>) semaphore(%arg16 : memref<!tpu.dma_semaphore, #tpu.memory_space<semaphore_mem>>)
      } else {
      }
      %eq3A_110 = arith.constant 1 : i32
      %eq3A_111 = arith.cmpi eq, %arg0, %eq3A_110 : i32
      %convert_element_type3A_112 = arith.extui %eq3A_111 : i1 to i32
      %cond3A_113 = arith.constant 0 : i32
      %cond3A_114 = arith.cmpi ne, %convert_element_type3A_112, %cond3A_113 : i32
      scf.if %cond3A_114 {
        %dma_start3A_121 = arith.constant 0 : i32
        %dma_start3A_122 = arith.constant 0 : i32
        %dma_start3A_123 = tpu.memref_slice %arg12[%dma_start3A_121, %dma_start3A_122] : memref<32x128xi32, #tpu.memory_space<vmem>> -> memref<1x128xi32, #tpu.memory_space<vmem>>
        %dma_start3A_124 = tpu.memref_squeeze %dma_start3A_123 : memref<1x128xi32, #tpu.memory_space<vmem>> -> memref<128xi32, #tpu.memory_space<vmem>>
        %dma_start3A_125 = arith.constant 0 : i32
        %dma_start3A_126 = arith.constant 0 : i32
        %dma_start3A_127 = tpu.memref_slice %arg3[%dma_start3A_125, %dma_start3A_126] : memref<10240x128xf32, #tpu.memory_space<hbm>> -> memref<10240x128xf32, #tpu.memory_space<hbm>>
        tpu.enqueue_indirect_dma source(%dma_start3A_127 : memref<10240x128xf32, #tpu.memory_space<hbm>>) target(%arg13 : memref<128x128xf32, #tpu.memory_space<vmem>>) offsets(%dma_start3A_124 : memref<128xi32, #tpu.memory_space<vmem>>) semaphore(%arg16 : memref<!tpu.dma_semaphore, #tpu.memory_space<semaphore_mem>>)
      } else {
      }
      %scan3A_115 = arith.constant 0 : i32
      %scan3A_116 = arith.constant 0 : i32
      %scan3A_117 = arith.constant 8 : i32
      %scan3A_118 = arith.addi %scan3A_116, %scan3A_117 : i32
      %scan3A_119 = arith.constant 1 : i32
      scf.for %scan3A_121 = %scan3A_116 to %scan3A_118 step %scan3A_119  : i32 {
        %mul3A_122 = arith.constant 2 : i32
        %mul3A_123 = arith.muli %mul3A_122, %scan3A_121 : i32
        %mul3A_124 = arith.constant 2 : i32
        %mul3A_125 = arith.muli %mul3A_124, %scan3A_121 : i32
        %add3A_126 = arith.constant 1 : i32
        %add3A_127 = arith.addi %mul3A_125, %add3A_126 : i32
        %eq3A_128 = arith.constant 0 : i32
        %eq3A_129 = arith.cmpi eq, %arg0, %eq3A_128 : i32
        %convert_element_type3A_130 = arith.extui %eq3A_129 : i1 to i32
        %cond3A_131 = arith.constant 0 : i32
        %cond3A_132 = arith.cmpi ne, %convert_element_type3A_130, %cond3A_131 : i32
        scf.if %cond3A_132 {
          %dma_start3A_149 = arith.constant 0 : i32
          %dma_start3A_150 = tpu.memref_slice %arg12[%add3A_127, %dma_start3A_149] : memref<32x128xi32, #tpu.memory_space<vmem>> -> memref<1x128xi32, #tpu.memory_space<vmem>>
          %dma_start3A_151 = tpu.memref_squeeze %dma_start3A_150 : memref<1x128xi32, #tpu.memory_space<vmem>> -> memref<128xi32, #tpu.memory_space<vmem>>
          %dma_start3A_152 = arith.constant 0 : i32
          %dma_start3A_153 = arith.constant 0 : i32
          %dma_start3A_154 = tpu.memref_slice %arg2[%dma_start3A_152, %dma_start3A_153] : memref<10240x128xf32, #tpu.memory_space<hbm>> -> memref<10240x128xf32, #tpu.memory_space<hbm>>
          tpu.enqueue_indirect_dma source(%dma_start3A_154 : memref<10240x128xf32, #tpu.memory_space<hbm>>) target(%arg14 : memref<128x128xf32, #tpu.memory_space<vmem>>) offsets(%dma_start3A_151 : memref<128xi32, #tpu.memory_space<vmem>>) semaphore(%arg17 : memref<!tpu.dma_semaphore, #tpu.memory_space<semaphore_mem>>)
        } else {
        }
        %eq3A_133 = arith.constant 1 : i32
        %eq3A_134 = arith.cmpi eq, %arg0, %eq3A_133 : i32
        %convert_element_type3A_135 = arith.extui %eq3A_134 : i1 to i32
        %cond3A_136 = arith.constant 0 : i32
        %cond3A_137 = arith.cmpi ne, %convert_element_type3A_135, %cond3A_136 : i32
        scf.if %cond3A_137 {
          %dma_start3A_149 = arith.constant 0 : i32
          %dma_start3A_150 = tpu.memref_slice %arg12[%add3A_127, %dma_start3A_149] : memref<32x128xi32, #tpu.memory_space<vmem>> -> memref<1x128xi32, #tpu.memory_space<vmem>>
          %dma_start3A_151 = tpu.memref_squeeze %dma_start3A_150 : memref<1x128xi32, #tpu.memory_space<vmem>> -> memref<128xi32, #tpu.memory_space<vmem>>
          %dma_start3A_152 = arith.constant 0 : i32
          %dma_start3A_153 = arith.constant 0 : i32
          %dma_start3A_154 = tpu.memref_slice %arg3[%dma_start3A_152, %dma_start3A_153] : memref<10240x128xf32, #tpu.memory_space<hbm>> -> memref<10240x128xf32, #tpu.memory_space<hbm>>
          tpu.enqueue_indirect_dma source(%dma_start3A_154 : memref<10240x128xf32, #tpu.memory_space<hbm>>) target(%arg14 : memref<128x128xf32, #tpu.memory_space<vmem>>) offsets(%dma_start3A_151 : memref<128xi32, #tpu.memory_space<vmem>>) semaphore(%arg17 : memref<!tpu.dma_semaphore, #tpu.memory_space<semaphore_mem>>)
        } else {
        }
        tpu.wait_dma2 semaphore(%arg16 : memref<!tpu.dma_semaphore, #tpu.memory_space<semaphore_mem>>) src(%arg8 : memref<128x128xf32, #tpu.memory_space<hbm>>) dst(%arg13 : memref<128x128xf32, #tpu.memory_space<vmem>>)
        %add3A_138 = arith.constant 16 : i32
        %add3A_139 = arith.addi %add3A_138, %mul3A_123 : i32
        "tpu.region"() ({
          %run_scoped3A_149 = tpu.sem_alloc : memref<!tpu.dma_semaphore, #tpu.memory_space<semaphore_mem>>
          %dma_start3A_150 = arith.constant 0 : i32
          %dma_start3A_151 = tpu.memref_slice %arg12[%add3A_139, %dma_start3A_150] : memref<32x128xi32, #tpu.memory_space<vmem>> -> memref<1x128xi32, #tpu.memory_space<vmem>>
          %dma_start3A_152 = tpu.memref_squeeze %dma_start3A_151 : memref<1x128xi32, #tpu.memory_space<vmem>> -> memref<128xi32, #tpu.memory_space<vmem>>
          %dma_start3A_153 = arith.constant 0 : i32
          %dma_start3A_154 = arith.constant 0 : i32
          %dma_start3A_155 = tpu.memref_slice %arg15[%dma_start3A_153, %dma_start3A_154] : memref<10240x128xf32, #tpu.memory_space<vmem_shared>> -> memref<10240x128xf32, #tpu.memory_space<vmem_shared>>
          tpu.enqueue_indirect_dma source(%arg13 : memref<128x128xf32, #tpu.memory_space<vmem>>) target(%dma_start3A_155 : memref<10240x128xf32, #tpu.memory_space<vmem_shared>>) offsets(%dma_start3A_152 : memref<128xi32, #tpu.memory_space<vmem>>) semaphore(%run_scoped3A_149 : memref<!tpu.dma_semaphore, #tpu.memory_space<semaphore_mem>>) {add = true}
          %dma_wait3A_156 = arith.constant 0 : i32
          %dma_wait3A_157 = tpu.memref_slice %arg12[%add3A_139, %dma_wait3A_156] : memref<32x128xi32, #tpu.memory_space<vmem>> -> memref<1x128xi32, #tpu.memory_space<vmem>>
          %dma_wait3A_158 = tpu.memref_squeeze %dma_wait3A_157 : memref<1x128xi32, #tpu.memory_space<vmem>> -> memref<128xi32, #tpu.memory_space<vmem>>
          %dma_wait3A_159 = arith.constant 0 : i32
          %dma_wait3A_160 = arith.constant 0 : i32
          %dma_wait3A_161 = tpu.memref_slice %arg15[%dma_wait3A_159, %dma_wait3A_160] : memref<10240x128xf32, #tpu.memory_space<vmem_shared>> -> memref<10240x128xf32, #tpu.memory_space<vmem_shared>>
          tpu.wait_indirect_dma semaphore(%run_scoped3A_149 : memref<!tpu.dma_semaphore, #tpu.memory_space<semaphore_mem>>) src(%arg13 : memref<128x128xf32, #tpu.memory_space<vmem>>) dst(%dma_wait3A_161 : memref<10240x128xf32, #tpu.memory_space<vmem_shared>>)
          tpu.yield
        }) : () -> ()
        %add3A_140 = arith.constant 1 : i32
        %add3A_141 = arith.addi %add3A_127, %add3A_140 : i32
        %lt3A_142 = arith.constant 16 : i32
        %lt3A_143 = arith.cmpi slt, %add3A_141, %lt3A_142 : i32
        %convert_element_type3A_144 = arith.extui %lt3A_143 : i1 to i32
        %cond3A_145 = arith.constant 0 : i32
        %cond3A_146 = arith.cmpi ne, %convert_element_type3A_144, %cond3A_145 : i32
        scf.if %cond3A_146 {
          %add3A_149 = arith.constant 1 : i32
          %add3A_150 = arith.addi %add3A_127, %add3A_149 : i32
          %eq3A_151 = arith.constant 0 : i32
          %eq3A_152 = arith.cmpi eq, %arg0, %eq3A_151 : i32
          %convert_element_type3A_153 = arith.extui %eq3A_152 : i1 to i32
          %cond3A_154 = arith.constant 0 : i32
          %cond3A_155 = arith.cmpi ne, %convert_element_type3A_153, %cond3A_154 : i32
          scf.if %cond3A_155 {
            %dma_start3A_161 = arith.constant 0 : i32
            %dma_start3A_162 = tpu.memref_slice %arg12[%add3A_150, %dma_start3A_161] : memref<32x128xi32, #tpu.memory_space<vmem>> -> memref<1x128xi32, #tpu.memory_space<vmem>>
            %dma_start3A_163 = tpu.memref_squeeze %dma_start3A_162 : memref<1x128xi32, #tpu.memory_space<vmem>> -> memref<128xi32, #tpu.memory_space<vmem>>
            %dma_start3A_164 = arith.constant 0 : i32
            %dma_start3A_165 = arith.constant 0 : i32
            %dma_start3A_166 = tpu.memref_slice %arg2[%dma_start3A_164, %dma_start3A_165] : memref<10240x128xf32, #tpu.memory_space<hbm>> -> memref<10240x128xf32, #tpu.memory_space<hbm>>
            tpu.enqueue_indirect_dma source(%dma_start3A_166 : memref<10240x128xf32, #tpu.memory_space<hbm>>) target(%arg13 : memref<128x128xf32, #tpu.memory_space<vmem>>) offsets(%dma_start3A_163 : memref<128xi32, #tpu.memory_space<vmem>>) semaphore(%arg16 : memref<!tpu.dma_semaphore, #tpu.memory_space<semaphore_mem>>)
          } else {
          }
          %eq3A_156 = arith.constant 1 : i32
          %eq3A_157 = arith.cmpi eq, %arg0, %eq3A_156 : i32
          %convert_element_type3A_158 = arith.extui %eq3A_157 : i1 to i32
          %cond3A_159 = arith.constant 0 : i32
          %cond3A_160 = arith.cmpi ne, %convert_element_type3A_158, %cond3A_159 : i32
          scf.if %cond3A_160 {
            %dma_start3A_161 = arith.constant 0 : i32
            %dma_start3A_162 = tpu.memref_slice %arg12[%add3A_150, %dma_start3A_161] : memref<32x128xi32, #tpu.memory_space<vmem>> -> memref<1x128xi32, #tpu.memory_space<vmem>>
            %dma_start3A_163 = tpu.memref_squeeze %dma_start3A_162 : memref<1x128xi32, #tpu.memory_space<vmem>> -> memref<128xi32, #tpu.memory_space<vmem>>
            %dma_start3A_164 = arith.constant 0 : i32
            %dma_start3A_165 = arith.constant 0 : i32
            %dma_start3A_166 = tpu.memref_slice %arg3[%dma_start3A_164, %dma_start3A_165] : memref<10240x128xf32, #tpu.memory_space<hbm>> -> memref<10240x128xf32, #tpu.memory_space<hbm>>
            tpu.enqueue_indirect_dma source(%dma_start3A_166 : memref<10240x128xf32, #tpu.memory_space<hbm>>) target(%arg13 : memref<128x128xf32, #tpu.memory_space<vmem>>) offsets(%dma_start3A_163 : memref<128xi32, #tpu.memory_space<vmem>>) semaphore(%arg16 : memref<!tpu.dma_semaphore, #tpu.memory_space<semaphore_mem>>)
          } else {
          }
        } else {
        }
        tpu.wait_dma2 semaphore(%arg17 : memref<!tpu.dma_semaphore, #tpu.memory_space<semaphore_mem>>) src(%arg8 : memref<128x128xf32, #tpu.memory_space<hbm>>) dst(%arg14 : memref<128x128xf32, #tpu.memory_space<vmem>>)
        %add3A_147 = arith.constant 16 : i32
        %add3A_148 = arith.addi %add3A_147, %add3A_127 : i32
        "tpu.region"() ({
          %run_scoped3A_149 = tpu.sem_alloc : memref<!tpu.dma_semaphore, #tpu.memory_space<semaphore_mem>>
          %dma_start3A_150 = arith.constant 0 : i32
          %dma_start3A_151 = tpu.memref_slice %arg12[%add3A_148, %dma_start3A_150] : memref<32x128xi32, #tpu.memory_space<vmem>> -> memref<1x128xi32, #tpu.memory_space<vmem>>
          %dma_start3A_152 = tpu.memref_squeeze %dma_start3A_151 : memref<1x128xi32, #tpu.memory_space<vmem>> -> memref<128xi32, #tpu.memory_space<vmem>>
          %dma_start3A_153 = arith.constant 0 : i32
          %dma_start3A_154 = arith.constant 0 : i32
          %dma_start3A_155 = tpu.memref_slice %arg15[%dma_start3A_153, %dma_start3A_154] : memref<10240x128xf32, #tpu.memory_space<vmem_shared>> -> memref<10240x128xf32, #tpu.memory_space<vmem_shared>>
          tpu.enqueue_indirect_dma source(%arg14 : memref<128x128xf32, #tpu.memory_space<vmem>>) target(%dma_start3A_155 : memref<10240x128xf32, #tpu.memory_space<vmem_shared>>) offsets(%dma_start3A_152 : memref<128xi32, #tpu.memory_space<vmem>>) semaphore(%run_scoped3A_149 : memref<!tpu.dma_semaphore, #tpu.memory_space<semaphore_mem>>) {add = true}
          %dma_wait3A_156 = arith.constant 0 : i32
          %dma_wait3A_157 = tpu.memref_slice %arg12[%add3A_148, %dma_wait3A_156] : memref<32x128xi32, #tpu.memory_space<vmem>> -> memref<1x128xi32, #tpu.memory_space<vmem>>
          %dma_wait3A_158 = tpu.memref_squeeze %dma_wait3A_157 : memref<1x128xi32, #tpu.memory_space<vmem>> -> memref<128xi32, #tpu.memory_space<vmem>>
          %dma_wait3A_159 = arith.constant 0 : i32
          %dma_wait3A_160 = arith.constant 0 : i32
          %dma_wait3A_161 = tpu.memref_slice %arg15[%dma_wait3A_159, %dma_wait3A_160] : memref<10240x128xf32, #tpu.memory_space<vmem_shared>> -> memref<10240x128xf32, #tpu.memory_space<vmem_shared>>
          tpu.wait_indirect_dma semaphore(%run_scoped3A_149 : memref<!tpu.dma_semaphore, #tpu.memory_space<semaphore_mem>>) src(%arg14 : memref<128x128xf32, #tpu.memory_space<vmem>>) dst(%dma_wait3A_161 : memref<10240x128xf32, #tpu.memory_space<vmem_shared>>)
          tpu.yield
        }) : () -> ()
      }
      %scan3A_120 = arith.constant 8 : i32
    }
    %scan3A_14 = arith.constant 5 : i32
    %barrier3A_15 = arith.constant 0 : index
    tpu.barrier barrier_id(%barrier3A_15)
    %run_scoped3A = arith.constant 0 : i32
    "tpu.region"() ({
      %run_scoped3A_52 = tpu.sem_alloc : memref<!tpu.dma_semaphore, #tpu.memory_space<semaphore_mem>>
      %dma_start3A_53 = arith.constant 0 : i32
      %dma_start3A_54 = tpu.memref_slice %arg9[%run_scoped3A, %arg0, %mul3A_0, %dma_start3A_53] : memref<2x2x10240x128xf32, #tpu.memory_space<hbm>> -> memref<1x1x640x128xf32, #tpu.memory_space<hbm>>
      %dma_start3A_55 = tpu.memref_squeeze %dma_start3A_54 : memref<1x1x640x128xf32, #tpu.memory_space<hbm>> -> memref<640x128xf32, #tpu.memory_space<hbm>>
      %dma_start3A_56 = arith.constant 0 : i32
      %dma_start3A_57 = tpu.memref_slice %arg15[%mul3A_0, %dma_start3A_56] : memref<10240x128xf32, #tpu.memory_space<vmem_shared>> -> memref<640x128xf32, #tpu.memory_space<vmem_shared>>
      tpu.enqueue_dma source(%dma_start3A_57 : memref<640x128xf32, #tpu.memory_space<vmem_shared>>) target(%dma_start3A_55 : memref<640x128xf32, #tpu.memory_space<hbm>>) target_semaphore(%run_scoped3A_52 : memref<!tpu.dma_semaphore, #tpu.memory_space<semaphore_mem>>)
      %dma_wait3A = arith.constant 0 : i32
      %dma_wait3A_58 = tpu.memref_slice %arg9[%run_scoped3A, %arg0, %mul3A_0, %dma_wait3A] : memref<2x2x10240x128xf32, #tpu.memory_space<hbm>> -> memref<1x1x640x128xf32, #tpu.memory_space<hbm>>
      %dma_wait3A_59 = tpu.memref_squeeze %dma_wait3A_58 : memref<1x1x640x128xf32, #tpu.memory_space<hbm>> -> memref<640x128xf32, #tpu.memory_space<hbm>>
      %dma_wait3A_60 = arith.constant 0 : i32
      %dma_wait3A_61 = tpu.memref_slice %arg15[%mul3A_0, %dma_wait3A_60] : memref<10240x128xf32, #tpu.memory_space<vmem_shared>> -> memref<640x128xf32, #tpu.memory_space<vmem_shared>>
      tpu.wait_dma2 semaphore(%run_scoped3A_52 : memref<!tpu.dma_semaphore, #tpu.memory_space<semaphore_mem>>) src(%dma_wait3A_61 : memref<640x128xf32, #tpu.memory_space<vmem_shared>>) dst(%dma_wait3A_59 : memref<640x128xf32, #tpu.memory_space<hbm>>)
      tpu.yield
    }) : () -> ()
    "tpu.region"() ({
      %run_scoped3A_52 = tpu.sem_alloc : memref<!tpu.dma_semaphore, #tpu.memory_space<semaphore_mem>>
      %dma_start3A_53 = arith.constant 0 : i32
      %dma_start3A_54 = tpu.memref_slice %arg15[%mul3A_0, %dma_start3A_53] : memref<10240x128xf32, #tpu.memory_space<vmem_shared>> -> memref<640x128xf32, #tpu.memory_space<vmem_shared>>
      tpu.enqueue_dma source(%arg7 : memref<640x128xf32, #tpu.memory_space<hbm>>) target(%dma_start3A_54 : memref<640x128xf32, #tpu.memory_space<vmem_shared>>) target_semaphore(%run_scoped3A_52 : memref<!tpu.dma_semaphore, #tpu.memory_space<semaphore_mem>>)
      %dma_wait3A = arith.constant 0 : i32
      %dma_wait3A_55 = tpu.memref_slice %arg15[%mul3A_0, %dma_wait3A] : memref<10240x128xf32, #tpu.memory_space<vmem_shared>> -> memref<640x128xf32, #tpu.memory_space<vmem_shared>>
      tpu.wait_dma2 semaphore(%run_scoped3A_52 : memref<!tpu.dma_semaphore, #tpu.memory_space<semaphore_mem>>) src(%arg7 : memref<640x128xf32, #tpu.memory_space<hbm>>) dst(%dma_wait3A_55 : memref<640x128xf32, #tpu.memory_space<vmem_shared>>)
      tpu.yield
    }) : () -> ()
    %dma_start3A_16 = arith.constant 1 : i32
    %dma_start3A_17 = arith.constant 0 : i32
    %dma_start3A_18 = arith.constant 0 : i32
    %dma_start3A_19 = arith.constant 0 : i32
    %dma_start3A_20 = tpu.memref_slice %arg6[%dma_start3A_16, %arg1, %dma_start3A_17, %dma_start3A_18, %dma_start3A_19] : memref<2x16x10x32x128xi32, #tpu.memory_space<hbm>> -> memref<1x1x1x32x128xi32, #tpu.memory_space<hbm>>
    %dma_start3A_21 = tpu.memref_squeeze %dma_start3A_20 : memref<1x1x1x32x128xi32, #tpu.memory_space<hbm>> -> memref<32x128xi32, #tpu.memory_space<hbm>>
    %dma_start3A_22 = arith.constant 0 : i32
    %dma_start3A_23 = arith.constant 0 : i32
    %dma_start3A_24 = tpu.memref_slice %arg6[%dma_start3A_16, %arg1, %dma_start3A_17, %dma_start3A_22, %dma_start3A_23] : memref<2x16x10x32x128xi32, #tpu.memory_space<hbm>> -> memref<1x1x1x32x128xi32, #tpu.memory_space<hbm>>
    %dma_start3A_25 = tpu.memref_squeeze %dma_start3A_24 : memref<1x1x1x32x128xi32, #tpu.memory_space<hbm>> -> memref<32x128xi32, #tpu.memory_space<hbm>>
    tpu.enqueue_dma source(%dma_start3A_25 : memref<32x128xi32, #tpu.memory_space<hbm>>) target(%arg11 : memref<32x128xi32, #tpu.memory_space<vmem>>) target_semaphore(%arg18 : memref<!tpu.dma_semaphore, #tpu.memory_space<semaphore_mem>>)
    %barrier3A_26 = arith.constant 0 : index
    tpu.barrier barrier_id(%barrier3A_26)
    %scan3A_27 = arith.constant 0 : i32
    %scan3A_28 = arith.constant 0 : i32
    %scan3A_29 = arith.constant 5 : i32
    %scan3A_30 = arith.addi %scan3A_28, %scan3A_29 : i32
    %scan3A_31 = arith.constant 1 : i32
    scf.for %scan3A_52 = %scan3A_28 to %scan3A_30 step %scan3A_31  : i32 {
      %mul3A_53 = arith.constant 2 : i32
      %mul3A_54 = arith.muli %mul3A_53, %scan3A_52 : i32
      %mul3A_55 = arith.constant 2 : i32
      %mul3A_56 = arith.muli %mul3A_55, %scan3A_52 : i32
      %add3A = arith.constant 1 : i32
      %add3A_57 = arith.addi %mul3A_56, %add3A : i32
      %dma_start3A_58 = arith.constant 1 : i32
      %dma_start3A_59 = arith.constant 0 : i32
      %dma_start3A_60 = arith.constant 0 : i32
      %dma_start3A_61 = tpu.memref_slice %arg6[%dma_start3A_58, %arg1, %add3A_57, %dma_start3A_59, %dma_start3A_60] : memref<2x16x10x32x128xi32, #tpu.memory_space<hbm>> -> memref<1x1x1x32x128xi32, #tpu.memory_space<hbm>>
      %dma_start3A_62 = tpu.memref_squeeze %dma_start3A_61 : memref<1x1x1x32x128xi32, #tpu.memory_space<hbm>> -> memref<32x128xi32, #tpu.memory_space<hbm>>
      %dma_start3A_63 = arith.constant 0 : i32
      %dma_start3A_64 = arith.constant 0 : i32
      %dma_start3A_65 = tpu.memref_slice %arg6[%dma_start3A_58, %arg1, %add3A_57, %dma_start3A_63, %dma_start3A_64] : memref<2x16x10x32x128xi32, #tpu.memory_space<hbm>> -> memref<1x1x1x32x128xi32, #tpu.memory_space<hbm>>
      %dma_start3A_66 = tpu.memref_squeeze %dma_start3A_65 : memref<1x1x1x32x128xi32, #tpu.memory_space<hbm>> -> memref<32x128xi32, #tpu.memory_space<hbm>>
      tpu.enqueue_dma source(%dma_start3A_66 : memref<32x128xi32, #tpu.memory_space<hbm>>) target(%arg12 : memref<32x128xi32, #tpu.memory_space<vmem>>) target_semaphore(%arg19 : memref<!tpu.dma_semaphore, #tpu.memory_space<semaphore_mem>>)
      %dma_wait3A = arith.constant 0 : i32
      %dma_wait3A_67 = arith.constant 0 : i32
      %dma_wait3A_68 = arith.constant 0 : i32
      %dma_wait3A_69 = arith.constant 0 : i32
      %dma_wait3A_70 = tpu.memref_slice %arg6[%dma_wait3A, %arg1, %dma_wait3A_67, %dma_wait3A_68, %dma_wait3A_69] : memref<2x16x10x32x128xi32, #tpu.memory_space<hbm>> -> memref<1x1x1x32x128xi32, #tpu.memory_space<hbm>>
      %dma_wait3A_71 = tpu.memref_squeeze %dma_wait3A_70 : memref<1x1x1x32x128xi32, #tpu.memory_space<hbm>> -> memref<32x128xi32, #tpu.memory_space<hbm>>
      %dma_wait3A_72 = arith.constant 0 : i32
      %dma_wait3A_73 = arith.constant 0 : i32
      %dma_wait3A_74 = tpu.memref_slice %arg6[%dma_wait3A, %arg1, %dma_wait3A_67, %dma_wait3A_72, %dma_wait3A_73] : memref<2x16x10x32x128xi32, #tpu.memory_space<hbm>> -> memref<1x1x1x32x128xi32, #tpu.memory_space<hbm>>
      %dma_wait3A_75 = tpu.memref_squeeze %dma_wait3A_74 : memref<1x1x1x32x128xi32, #tpu.memory_space<hbm>> -> memref<32x128xi32, #tpu.memory_space<hbm>>
      tpu.wait_dma2 semaphore(%arg18 : memref<!tpu.dma_semaphore, #tpu.memory_space<semaphore_mem>>) src(%dma_wait3A_75 : memref<32x128xi32, #tpu.memory_space<hbm>>) dst(%arg11 : memref<32x128xi32, #tpu.memory_space<vmem>>)
      %eq3A = arith.constant 0 : i32
      %eq3A_76 = arith.cmpi eq, %arg0, %eq3A : i32
      %convert_element_type3A = arith.extui %eq3A_76 : i1 to i32
      %cond3A = arith.constant 0 : i32
      %cond3A_77 = arith.cmpi ne, %convert_element_type3A, %cond3A : i32
      scf.if %cond3A_77 {
        %dma_start3A_121 = arith.constant 0 : i32
        %dma_start3A_122 = arith.constant 0 : i32
        %dma_start3A_123 = tpu.memref_slice %arg11[%dma_start3A_121, %dma_start3A_122] : memref<32x128xi32, #tpu.memory_space<vmem>> -> memref<1x128xi32, #tpu.memory_space<vmem>>
        %dma_start3A_124 = tpu.memref_squeeze %dma_start3A_123 : memref<1x128xi32, #tpu.memory_space<vmem>> -> memref<128xi32, #tpu.memory_space<vmem>>
        %dma_start3A_125 = arith.constant 0 : i32
        %dma_start3A_126 = arith.constant 0 : i32
        %dma_start3A_127 = tpu.memref_slice %arg4[%dma_start3A_125, %dma_start3A_126] : memref<10240x128xf32, #tpu.memory_space<hbm>> -> memref<10240x128xf32, #tpu.memory_space<hbm>>
        tpu.enqueue_indirect_dma source(%dma_start3A_127 : memref<10240x128xf32, #tpu.memory_space<hbm>>) target(%arg13 : memref<128x128xf32, #tpu.memory_space<vmem>>) offsets(%dma_start3A_124 : memref<128xi32, #tpu.memory_space<vmem>>) semaphore(%arg16 : memref<!tpu.dma_semaphore, #tpu.memory_space<semaphore_mem>>)
      } else {
      }
      %eq3A_78 = arith.constant 1 : i32
      %eq3A_79 = arith.cmpi eq, %arg0, %eq3A_78 : i32
      %convert_element_type3A_80 = arith.extui %eq3A_79 : i1 to i32
      %cond3A_81 = arith.constant 0 : i32
      %cond3A_82 = arith.cmpi ne, %convert_element_type3A_80, %cond3A_81 : i32
      scf.if %cond3A_82 {
        %dma_start3A_121 = arith.constant 0 : i32
        %dma_start3A_122 = arith.constant 0 : i32
        %dma_start3A_123 = tpu.memref_slice %arg11[%dma_start3A_121, %dma_start3A_122] : memref<32x128xi32, #tpu.memory_space<vmem>> -> memref<1x128xi32, #tpu.memory_space<vmem>>
        %dma_start3A_124 = tpu.memref_squeeze %dma_start3A_123 : memref<1x128xi32, #tpu.memory_space<vmem>> -> memref<128xi32, #tpu.memory_space<vmem>>
        %dma_start3A_125 = arith.constant 0 : i32
        %dma_start3A_126 = arith.constant 0 : i32
        %dma_start3A_127 = tpu.memref_slice %arg5[%dma_start3A_125, %dma_start3A_126] : memref<10240x128xf32, #tpu.memory_space<hbm>> -> memref<10240x128xf32, #tpu.memory_space<hbm>>
        tpu.enqueue_indirect_dma source(%dma_start3A_127 : memref<10240x128xf32, #tpu.memory_space<hbm>>) target(%arg13 : memref<128x128xf32, #tpu.memory_space<vmem>>) offsets(%dma_start3A_124 : memref<128xi32, #tpu.memory_space<vmem>>) semaphore(%arg16 : memref<!tpu.dma_semaphore, #tpu.memory_space<semaphore_mem>>)
      } else {
      }
      %scan3A_83 = arith.constant 0 : i32
      %scan3A_84 = arith.constant 0 : i32
      %scan3A_85 = arith.constant 8 : i32
      %scan3A_86 = arith.addi %scan3A_84, %scan3A_85 : i32
      %scan3A_87 = arith.constant 1 : i32
      scf.for %scan3A_121 = %scan3A_84 to %scan3A_86 step %scan3A_87  : i32 {
        %mul3A_122 = arith.constant 2 : i32
        %mul3A_123 = arith.muli %mul3A_122, %scan3A_121 : i32
        %mul3A_124 = arith.constant 2 : i32
        %mul3A_125 = arith.muli %mul3A_124, %scan3A_121 : i32
        %add3A_126 = arith.constant 1 : i32
        %add3A_127 = arith.addi %mul3A_125, %add3A_126 : i32
        %eq3A_128 = arith.constant 0 : i32
        %eq3A_129 = arith.cmpi eq, %arg0, %eq3A_128 : i32
        %convert_element_type3A_130 = arith.extui %eq3A_129 : i1 to i32
        %cond3A_131 = arith.constant 0 : i32
        %cond3A_132 = arith.cmpi ne, %convert_element_type3A_130, %cond3A_131 : i32
        scf.if %cond3A_132 {
          %dma_start3A_149 = arith.constant 0 : i32
          %dma_start3A_150 = tpu.memref_slice %arg11[%add3A_127, %dma_start3A_149] : memref<32x128xi32, #tpu.memory_space<vmem>> -> memref<1x128xi32, #tpu.memory_space<vmem>>
          %dma_start3A_151 = tpu.memref_squeeze %dma_start3A_150 : memref<1x128xi32, #tpu.memory_space<vmem>> -> memref<128xi32, #tpu.memory_space<vmem>>
          %dma_start3A_152 = arith.constant 0 : i32
          %dma_start3A_153 = arith.constant 0 : i32
          %dma_start3A_154 = tpu.memref_slice %arg4[%dma_start3A_152, %dma_start3A_153] : memref<10240x128xf32, #tpu.memory_space<hbm>> -> memref<10240x128xf32, #tpu.memory_space<hbm>>
          tpu.enqueue_indirect_dma source(%dma_start3A_154 : memref<10240x128xf32, #tpu.memory_space<hbm>>) target(%arg14 : memref<128x128xf32, #tpu.memory_space<vmem>>) offsets(%dma_start3A_151 : memref<128xi32, #tpu.memory_space<vmem>>) semaphore(%arg17 : memref<!tpu.dma_semaphore, #tpu.memory_space<semaphore_mem>>)
        } else {
        }
        %eq3A_133 = arith.constant 1 : i32
        %eq3A_134 = arith.cmpi eq, %arg0, %eq3A_133 : i32
        %convert_element_type3A_135 = arith.extui %eq3A_134 : i1 to i32
        %cond3A_136 = arith.constant 0 : i32
        %cond3A_137 = arith.cmpi ne, %convert_element_type3A_135, %cond3A_136 : i32
        scf.if %cond3A_137 {
          %dma_start3A_149 = arith.constant 0 : i32
          %dma_start3A_150 = tpu.memref_slice %arg11[%add3A_127, %dma_start3A_149] : memref<32x128xi32, #tpu.memory_space<vmem>> -> memref<1x128xi32, #tpu.memory_space<vmem>>
          %dma_start3A_151 = tpu.memref_squeeze %dma_start3A_150 : memref<1x128xi32, #tpu.memory_space<vmem>> -> memref<128xi32, #tpu.memory_space<vmem>>
          %dma_start3A_152 = arith.constant 0 : i32
          %dma_start3A_153 = arith.constant 0 : i32
          %dma_start3A_154 = tpu.memref_slice %arg5[%dma_start3A_152, %dma_start3A_153] : memref<10240x128xf32, #tpu.memory_space<hbm>> -> memref<10240x128xf32, #tpu.memory_space<hbm>>
          tpu.enqueue_indirect_dma source(%dma_start3A_154 : memref<10240x128xf32, #tpu.memory_space<hbm>>) target(%arg14 : memref<128x128xf32, #tpu.memory_space<vmem>>) offsets(%dma_start3A_151 : memref<128xi32, #tpu.memory_space<vmem>>) semaphore(%arg17 : memref<!tpu.dma_semaphore, #tpu.memory_space<semaphore_mem>>)
        } else {
        }
        tpu.wait_dma2 semaphore(%arg16 : memref<!tpu.dma_semaphore, #tpu.memory_space<semaphore_mem>>) src(%arg8 : memref<128x128xf32, #tpu.memory_space<hbm>>) dst(%arg13 : memref<128x128xf32, #tpu.memory_space<vmem>>)
        %add3A_138 = arith.constant 16 : i32
        %add3A_139 = arith.addi %add3A_138, %mul3A_123 : i32
        "tpu.region"() ({
          %run_scoped3A_149 = tpu.sem_alloc : memref<!tpu.dma_semaphore, #tpu.memory_space<semaphore_mem>>
          %dma_start3A_150 = arith.constant 0 : i32
          %dma_start3A_151 = tpu.memref_slice %arg11[%add3A_139, %dma_start3A_150] : memref<32x128xi32, #tpu.memory_space<vmem>> -> memref<1x128xi32, #tpu.memory_space<vmem>>
          %dma_start3A_152 = tpu.memref_squeeze %dma_start3A_151 : memref<1x128xi32, #tpu.memory_space<vmem>> -> memref<128xi32, #tpu.memory_space<vmem>>
          %dma_start3A_153 = arith.constant 0 : i32
          %dma_start3A_154 = arith.constant 0 : i32
          %dma_start3A_155 = tpu.memref_slice %arg15[%dma_start3A_153, %dma_start3A_154] : memref<10240x128xf32, #tpu.memory_space<vmem_shared>> -> memref<10240x128xf32, #tpu.memory_space<vmem_shared>>
          tpu.enqueue_indirect_dma source(%arg13 : memref<128x128xf32, #tpu.memory_space<vmem>>) target(%dma_start3A_155 : memref<10240x128xf32, #tpu.memory_space<vmem_shared>>) offsets(%dma_start3A_152 : memref<128xi32, #tpu.memory_space<vmem>>) semaphore(%run_scoped3A_149 : memref<!tpu.dma_semaphore, #tpu.memory_space<semaphore_mem>>) {add = true}
          %dma_wait3A_156 = arith.constant 0 : i32
          %dma_wait3A_157 = tpu.memref_slice %arg11[%add3A_139, %dma_wait3A_156] : memref<32x128xi32, #tpu.memory_space<vmem>> -> memref<1x128xi32, #tpu.memory_space<vmem>>
          %dma_wait3A_158 = tpu.memref_squeeze %dma_wait3A_157 : memref<1x128xi32, #tpu.memory_space<vmem>> -> memref<128xi32, #tpu.memory_space<vmem>>
          %dma_wait3A_159 = arith.constant 0 : i32
          %dma_wait3A_160 = arith.constant 0 : i32
          %dma_wait3A_161 = tpu.memref_slice %arg15[%dma_wait3A_159, %dma_wait3A_160] : memref<10240x128xf32, #tpu.memory_space<vmem_shared>> -> memref<10240x128xf32, #tpu.memory_space<vmem_shared>>
          tpu.wait_indirect_dma semaphore(%run_scoped3A_149 : memref<!tpu.dma_semaphore, #tpu.memory_space<semaphore_mem>>) src(%arg13 : memref<128x128xf32, #tpu.memory_space<vmem>>) dst(%dma_wait3A_161 : memref<10240x128xf32, #tpu.memory_space<vmem_shared>>)
          tpu.yield
        }) : () -> ()
        %add3A_140 = arith.constant 1 : i32
        %add3A_141 = arith.addi %add3A_127, %add3A_140 : i32
        %lt3A_142 = arith.constant 16 : i32
        %lt3A_143 = arith.cmpi slt, %add3A_141, %lt3A_142 : i32
        %convert_element_type3A_144 = arith.extui %lt3A_143 : i1 to i32
        %cond3A_145 = arith.constant 0 : i32
        %cond3A_146 = arith.cmpi ne, %convert_element_type3A_144, %cond3A_145 : i32
        scf.if %cond3A_146 {
          %add3A_149 = arith.constant 1 : i32
          %add3A_150 = arith.addi %add3A_127, %add3A_149 : i32
          %eq3A_151 = arith.constant 0 : i32
          %eq3A_152 = arith.cmpi eq, %arg0, %eq3A_151 : i32
          %convert_element_type3A_153 = arith.extui %eq3A_152 : i1 to i32
          %cond3A_154 = arith.constant 0 : i32
          %cond3A_155 = arith.cmpi ne, %convert_element_type3A_153, %cond3A_154 : i32
          scf.if %cond3A_155 {
            %dma_start3A_161 = arith.constant 0 : i32
            %dma_start3A_162 = tpu.memref_slice %arg11[%add3A_150, %dma_start3A_161] : memref<32x128xi32, #tpu.memory_space<vmem>> -> memref<1x128xi32, #tpu.memory_space<vmem>>
            %dma_start3A_163 = tpu.memref_squeeze %dma_start3A_162 : memref<1x128xi32, #tpu.memory_space<vmem>> -> memref<128xi32, #tpu.memory_space<vmem>>
            %dma_start3A_164 = arith.constant 0 : i32
            %dma_start3A_165 = arith.constant 0 : i32
            %dma_start3A_166 = tpu.memref_slice %arg4[%dma_start3A_164, %dma_start3A_165] : memref<10240x128xf32, #tpu.memory_space<hbm>> -> memref<10240x128xf32, #tpu.memory_space<hbm>>
            tpu.enqueue_indirect_dma source(%dma_start3A_166 : memref<10240x128xf32, #tpu.memory_space<hbm>>) target(%arg13 : memref<128x128xf32, #tpu.memory_space<vmem>>) offsets(%dma_start3A_163 : memref<128xi32, #tpu.memory_space<vmem>>) semaphore(%arg16 : memref<!tpu.dma_semaphore, #tpu.memory_space<semaphore_mem>>)
          } else {
          }
          %eq3A_156 = arith.constant 1 : i32
          %eq3A_157 = arith.cmpi eq, %arg0, %eq3A_156 : i32
          %convert_element_type3A_158 = arith.extui %eq3A_157 : i1 to i32
          %cond3A_159 = arith.constant 0 : i32
          %cond3A_160 = arith.cmpi ne, %convert_element_type3A_158, %cond3A_159 : i32
          scf.if %cond3A_160 {
            %dma_start3A_161 = arith.constant 0 : i32
            %dma_start3A_162 = tpu.memref_slice %arg11[%add3A_150, %dma_start3A_161] : memref<32x128xi32, #tpu.memory_space<vmem>> -> memref<1x128xi32, #tpu.memory_space<vmem>>
            %dma_start3A_163 = tpu.memref_squeeze %dma_start3A_162 : memref<1x128xi32, #tpu.memory_space<vmem>> -> memref<128xi32, #tpu.memory_space<vmem>>
            %dma_start3A_164 = arith.constant 0 : i32
            %dma_start3A_165 = arith.constant 0 : i32
            %dma_start3A_166 = tpu.memref_slice %arg5[%dma_start3A_164, %dma_start3A_165] : memref<10240x128xf32, #tpu.memory_space<hbm>> -> memref<10240x128xf32, #tpu.memory_space<hbm>>
            tpu.enqueue_indirect_dma source(%dma_start3A_166 : memref<10240x128xf32, #tpu.memory_space<hbm>>) target(%arg13 : memref<128x128xf32, #tpu.memory_space<vmem>>) offsets(%dma_start3A_163 : memref<128xi32, #tpu.memory_space<vmem>>) semaphore(%arg16 : memref<!tpu.dma_semaphore, #tpu.memory_space<semaphore_mem>>)
          } else {
          }
        } else {
        }
        tpu.wait_dma2 semaphore(%arg17 : memref<!tpu.dma_semaphore, #tpu.memory_space<semaphore_mem>>) src(%arg8 : memref<128x128xf32, #tpu.memory_space<hbm>>) dst(%arg14 : memref<128x128xf32, #tpu.memory_space<vmem>>)
        %add3A_147 = arith.constant 16 : i32
        %add3A_148 = arith.addi %add3A_147, %add3A_127 : i32
        "tpu.region"() ({
          %run_scoped3A_149 = tpu.sem_alloc : memref<!tpu.dma_semaphore, #tpu.memory_space<semaphore_mem>>
          %dma_start3A_150 = arith.constant 0 : i32
          %dma_start3A_151 = tpu.memref_slice %arg11[%add3A_148, %dma_start3A_150] : memref<32x128xi32, #tpu.memory_space<vmem>> -> memref<1x128xi32, #tpu.memory_space<vmem>>
          %dma_start3A_152 = tpu.memref_squeeze %dma_start3A_151 : memref<1x128xi32, #tpu.memory_space<vmem>> -> memref<128xi32, #tpu.memory_space<vmem>>
          %dma_start3A_153 = arith.constant 0 : i32
          %dma_start3A_154 = arith.constant 0 : i32
          %dma_start3A_155 = tpu.memref_slice %arg15[%dma_start3A_153, %dma_start3A_154] : memref<10240x128xf32, #tpu.memory_space<vmem_shared>> -> memref<10240x128xf32, #tpu.memory_space<vmem_shared>>
          tpu.enqueue_indirect_dma source(%arg14 : memref<128x128xf32, #tpu.memory_space<vmem>>) target(%dma_start3A_155 : memref<10240x128xf32, #tpu.memory_space<vmem_shared>>) offsets(%dma_start3A_152 : memref<128xi32, #tpu.memory_space<vmem>>) semaphore(%run_scoped3A_149 : memref<!tpu.dma_semaphore, #tpu.memory_space<semaphore_mem>>) {add = true}
          %dma_wait3A_156 = arith.constant 0 : i32
          %dma_wait3A_157 = tpu.memref_slice %arg11[%add3A_148, %dma_wait3A_156] : memref<32x128xi32, #tpu.memory_space<vmem>> -> memref<1x128xi32, #tpu.memory_space<vmem>>
          %dma_wait3A_158 = tpu.memref_squeeze %dma_wait3A_157 : memref<1x128xi32, #tpu.memory_space<vmem>> -> memref<128xi32, #tpu.memory_space<vmem>>
          %dma_wait3A_159 = arith.constant 0 : i32
          %dma_wait3A_160 = arith.constant 0 : i32
          %dma_wait3A_161 = tpu.memref_slice %arg15[%dma_wait3A_159, %dma_wait3A_160] : memref<10240x128xf32, #tpu.memory_space<vmem_shared>> -> memref<10240x128xf32, #tpu.memory_space<vmem_shared>>
          tpu.wait_indirect_dma semaphore(%run_scoped3A_149 : memref<!tpu.dma_semaphore, #tpu.memory_space<semaphore_mem>>) src(%arg14 : memref<128x128xf32, #tpu.memory_space<vmem>>) dst(%dma_wait3A_161 : memref<10240x128xf32, #tpu.memory_space<vmem_shared>>)
          tpu.yield
        }) : () -> ()
      }
      %scan3A_88 = arith.constant 8 : i32
      %add3A_89 = arith.constant 1 : i32
      %add3A_90 = arith.addi %add3A_57, %add3A_89 : i32
      %lt3A = arith.constant 10 : i32
      %lt3A_91 = arith.cmpi slt, %add3A_90, %lt3A : i32
      %convert_element_type3A_92 = arith.extui %lt3A_91 : i1 to i32
      %cond3A_93 = arith.constant 0 : i32
      %cond3A_94 = arith.cmpi ne, %convert_element_type3A_92, %cond3A_93 : i32
      scf.if %cond3A_94 {
        %add3A_121 = arith.constant 1 : i32
        %add3A_122 = arith.addi %add3A_57, %add3A_121 : i32
        %dma_start3A_123 = arith.constant 1 : i32
        %dma_start3A_124 = arith.constant 0 : i32
        %dma_start3A_125 = arith.constant 0 : i32
        %dma_start3A_126 = tpu.memref_slice %arg6[%dma_start3A_123, %arg1, %add3A_122, %dma_start3A_124, %dma_start3A_125] : memref<2x16x10x32x128xi32, #tpu.memory_space<hbm>> -> memref<1x1x1x32x128xi32, #tpu.memory_space<hbm>>
        %dma_start3A_127 = tpu.memref_squeeze %dma_start3A_126 : memref<1x1x1x32x128xi32, #tpu.memory_space<hbm>> -> memref<32x128xi32, #tpu.memory_space<hbm>>
        %dma_start3A_128 = arith.constant 0 : i32
        %dma_start3A_129 = arith.constant 0 : i32
        %dma_start3A_130 = tpu.memref_slice %arg6[%dma_start3A_123, %arg1, %add3A_122, %dma_start3A_128, %dma_start3A_129] : memref<2x16x10x32x128xi32, #tpu.memory_space<hbm>> -> memref<1x1x1x32x128xi32, #tpu.memory_space<hbm>>
        %dma_start3A_131 = tpu.memref_squeeze %dma_start3A_130 : memref<1x1x1x32x128xi32, #tpu.memory_space<hbm>> -> memref<32x128xi32, #tpu.memory_space<hbm>>
        tpu.enqueue_dma source(%dma_start3A_131 : memref<32x128xi32, #tpu.memory_space<hbm>>) target(%arg11 : memref<32x128xi32, #tpu.memory_space<vmem>>) target_semaphore(%arg18 : memref<!tpu.dma_semaphore, #tpu.memory_space<semaphore_mem>>)
      } else {
      }
      %dma_wait3A_95 = arith.constant 0 : i32
      %dma_wait3A_96 = arith.constant 0 : i32
      %dma_wait3A_97 = arith.constant 0 : i32
      %dma_wait3A_98 = arith.constant 0 : i32
      %dma_wait3A_99 = tpu.memref_slice %arg6[%dma_wait3A_95, %arg1, %dma_wait3A_96, %dma_wait3A_97, %dma_wait3A_98] : memref<2x16x10x32x128xi32, #tpu.memory_space<hbm>> -> memref<1x1x1x32x128xi32, #tpu.memory_space<hbm>>
      %dma_wait3A_100 = tpu.memref_squeeze %dma_wait3A_99 : memref<1x1x1x32x128xi32, #tpu.memory_space<hbm>> -> memref<32x128xi32, #tpu.memory_space<hbm>>
      %dma_wait3A_101 = arith.constant 0 : i32
      %dma_wait3A_102 = arith.constant 0 : i32
      %dma_wait3A_103 = tpu.memref_slice %arg6[%dma_wait3A_95, %arg1, %dma_wait3A_96, %dma_wait3A_101, %dma_wait3A_102] : memref<2x16x10x32x128xi32, #tpu.memory_space<hbm>> -> memref<1x1x1x32x128xi32, #tpu.memory_space<hbm>>
      %dma_wait3A_104 = tpu.memref_squeeze %dma_wait3A_103 : memref<1x1x1x32x128xi32, #tpu.memory_space<hbm>> -> memref<32x128xi32, #tpu.memory_space<hbm>>
      tpu.wait_dma2 semaphore(%arg19 : memref<!tpu.dma_semaphore, #tpu.memory_space<semaphore_mem>>) src(%dma_wait3A_104 : memref<32x128xi32, #tpu.memory_space<hbm>>) dst(%arg12 : memref<32x128xi32, #tpu.memory_space<vmem>>)
      %eq3A_105 = arith.constant 0 : i32
      %eq3A_106 = arith.cmpi eq, %arg0, %eq3A_105 : i32
      %convert_element_type3A_107 = arith.extui %eq3A_106 : i1 to i32
      %cond3A_108 = arith.constant 0 : i32
      %cond3A_109 = arith.cmpi ne, %convert_element_type3A_107, %cond3A_108 : i32
      scf.if %cond3A_109 {
        %dma_start3A_121 = arith.constant 0 : i32
        %dma_start3A_122 = arith.constant 0 : i32
        %dma_start3A_123 = tpu.memref_slice %arg12[%dma_start3A_121, %dma_start3A_122] : memref<32x128xi32, #tpu.memory_space<vmem>> -> memref<1x128xi32, #tpu.memory_space<vmem>>
        %dma_start3A_124 = tpu.memref_squeeze %dma_start3A_123 : memref<1x128xi32, #tpu.memory_space<vmem>> -> memref<128xi32, #tpu.memory_space<vmem>>
        %dma_start3A_125 = arith.constant 0 : i32
        %dma_start3A_126 = arith.constant 0 : i32
        %dma_start3A_127 = tpu.memref_slice %arg4[%dma_start3A_125, %dma_start3A_126] : memref<10240x128xf32, #tpu.memory_space<hbm>> -> memref<10240x128xf32, #tpu.memory_space<hbm>>
        tpu.enqueue_indirect_dma source(%dma_start3A_127 : memref<10240x128xf32, #tpu.memory_space<hbm>>) target(%arg13 : memref<128x128xf32, #tpu.memory_space<vmem>>) offsets(%dma_start3A_124 : memref<128xi32, #tpu.memory_space<vmem>>) semaphore(%arg16 : memref<!tpu.dma_semaphore, #tpu.memory_space<semaphore_mem>>)
      } else {
      }
      %eq3A_110 = arith.constant 1 : i32
      %eq3A_111 = arith.cmpi eq, %arg0, %eq3A_110 : i32
      %convert_element_type3A_112 = arith.extui %eq3A_111 : i1 to i32
      %cond3A_113 = arith.constant 0 : i32
      %cond3A_114 = arith.cmpi ne, %convert_element_type3A_112, %cond3A_113 : i32
      scf.if %cond3A_114 {
        %dma_start3A_121 = arith.constant 0 : i32
        %dma_start3A_122 = arith.constant 0 : i32
        %dma_start3A_123 = tpu.memref_slice %arg12[%dma_start3A_121, %dma_start3A_122] : memref<32x128xi32, #tpu.memory_space<vmem>> -> memref<1x128xi32, #tpu.memory_space<vmem>>
        %dma_start3A_124 = tpu.memref_squeeze %dma_start3A_123 : memref<1x128xi32, #tpu.memory_space<vmem>> -> memref<128xi32, #tpu.memory_space<vmem>>
        %dma_start3A_125 = arith.constant 0 : i32
        %dma_start3A_126 = arith.constant 0 : i32
        %dma_start3A_127 = tpu.memref_slice %arg5[%dma_start3A_125, %dma_start3A_126] : memref<10240x128xf32, #tpu.memory_space<hbm>> -> memref<10240x128xf32, #tpu.memory_space<hbm>>
        tpu.enqueue_indirect_dma source(%dma_start3A_127 : memref<10240x128xf32, #tpu.memory_space<hbm>>) target(%arg13 : memref<128x128xf32, #tpu.memory_space<vmem>>) offsets(%dma_start3A_124 : memref<128xi32, #tpu.memory_space<vmem>>) semaphore(%arg16 : memref<!tpu.dma_semaphore, #tpu.memory_space<semaphore_mem>>)
      } else {
      }
      %scan3A_115 = arith.constant 0 : i32
      %scan3A_116 = arith.constant 0 : i32
      %scan3A_117 = arith.constant 8 : i32
      %scan3A_118 = arith.addi %scan3A_116, %scan3A_117 : i32
      %scan3A_119 = arith.constant 1 : i32
      scf.for %scan3A_121 = %scan3A_116 to %scan3A_118 step %scan3A_119  : i32 {
        %mul3A_122 = arith.constant 2 : i32
        %mul3A_123 = arith.muli %mul3A_122, %scan3A_121 : i32
        %mul3A_124 = arith.constant 2 : i32
        %mul3A_125 = arith.muli %mul3A_124, %scan3A_121 : i32
        %add3A_126 = arith.constant 1 : i32
        %add3A_127 = arith.addi %mul3A_125, %add3A_126 : i32
        %eq3A_128 = arith.constant 0 : i32
        %eq3A_129 = arith.cmpi eq, %arg0, %eq3A_128 : i32
        %convert_element_type3A_130 = arith.extui %eq3A_129 : i1 to i32
        %cond3A_131 = arith.constant 0 : i32
        %cond3A_132 = arith.cmpi ne, %convert_element_type3A_130, %cond3A_131 : i32
        scf.if %cond3A_132 {
          %dma_start3A_149 = arith.constant 0 : i32
          %dma_start3A_150 = tpu.memref_slice %arg12[%add3A_127, %dma_start3A_149] : memref<32x128xi32, #tpu.memory_space<vmem>> -> memref<1x128xi32, #tpu.memory_space<vmem>>
          %dma_start3A_151 = tpu.memref_squeeze %dma_start3A_150 : memref<1x128xi32, #tpu.memory_space<vmem>> -> memref<128xi32, #tpu.memory_space<vmem>>
          %dma_start3A_152 = arith.constant 0 : i32
          %dma_start3A_153 = arith.constant 0 : i32
          %dma_start3A_154 = tpu.memref_slice %arg4[%dma_start3A_152, %dma_start3A_153] : memref<10240x128xf32, #tpu.memory_space<hbm>> -> memref<10240x128xf32, #tpu.memory_space<hbm>>
          tpu.enqueue_indirect_dma source(%dma_start3A_154 : memref<10240x128xf32, #tpu.memory_space<hbm>>) target(%arg14 : memref<128x128xf32, #tpu.memory_space<vmem>>) offsets(%dma_start3A_151 : memref<128xi32, #tpu.memory_space<vmem>>) semaphore(%arg17 : memref<!tpu.dma_semaphore, #tpu.memory_space<semaphore_mem>>)
        } else {
        }
        %eq3A_133 = arith.constant 1 : i32
        %eq3A_134 = arith.cmpi eq, %arg0, %eq3A_133 : i32
        %convert_element_type3A_135 = arith.extui %eq3A_134 : i1 to i32
        %cond3A_136 = arith.constant 0 : i32
        %cond3A_137 = arith.cmpi ne, %convert_element_type3A_135, %cond3A_136 : i32
        scf.if %cond3A_137 {
          %dma_start3A_149 = arith.constant 0 : i32
          %dma_start3A_150 = tpu.memref_slice %arg12[%add3A_127, %dma_start3A_149] : memref<32x128xi32, #tpu.memory_space<vmem>> -> memref<1x128xi32, #tpu.memory_space<vmem>>
          %dma_start3A_151 = tpu.memref_squeeze %dma_start3A_150 : memref<1x128xi32, #tpu.memory_space<vmem>> -> memref<128xi32, #tpu.memory_space<vmem>>
          %dma_start3A_152 = arith.constant 0 : i32
          %dma_start3A_153 = arith.constant 0 : i32
          %dma_start3A_154 = tpu.memref_slice %arg5[%dma_start3A_152, %dma_start3A_153] : memref<10240x128xf32, #tpu.memory_space<hbm>> -> memref<10240x128xf32, #tpu.memory_space<hbm>>
          tpu.enqueue_indirect_dma source(%dma_start3A_154 : memref<10240x128xf32, #tpu.memory_space<hbm>>) target(%arg14 : memref<128x128xf32, #tpu.memory_space<vmem>>) offsets(%dma_start3A_151 : memref<128xi32, #tpu.memory_space<vmem>>) semaphore(%arg17 : memref<!tpu.dma_semaphore, #tpu.memory_space<semaphore_mem>>)
        } else {
        }
        tpu.wait_dma2 semaphore(%arg16 : memref<!tpu.dma_semaphore, #tpu.memory_space<semaphore_mem>>) src(%arg8 : memref<128x128xf32, #tpu.memory_space<hbm>>) dst(%arg13 : memref<128x128xf32, #tpu.memory_space<vmem>>)
        %add3A_138 = arith.constant 16 : i32
        %add3A_139 = arith.addi %add3A_138, %mul3A_123 : i32
        "tpu.region"() ({
          %run_scoped3A_149 = tpu.sem_alloc : memref<!tpu.dma_semaphore, #tpu.memory_space<semaphore_mem>>
          %dma_start3A_150 = arith.constant 0 : i32
          %dma_start3A_151 = tpu.memref_slice %arg12[%add3A_139, %dma_start3A_150] : memref<32x128xi32, #tpu.memory_space<vmem>> -> memref<1x128xi32, #tpu.memory_space<vmem>>
          %dma_start3A_152 = tpu.memref_squeeze %dma_start3A_151 : memref<1x128xi32, #tpu.memory_space<vmem>> -> memref<128xi32, #tpu.memory_space<vmem>>
          %dma_start3A_153 = arith.constant 0 : i32
          %dma_start3A_154 = arith.constant 0 : i32
          %dma_start3A_155 = tpu.memref_slice %arg15[%dma_start3A_153, %dma_start3A_154] : memref<10240x128xf32, #tpu.memory_space<vmem_shared>> -> memref<10240x128xf32, #tpu.memory_space<vmem_shared>>
          tpu.enqueue_indirect_dma source(%arg13 : memref<128x128xf32, #tpu.memory_space<vmem>>) target(%dma_start3A_155 : memref<10240x128xf32, #tpu.memory_space<vmem_shared>>) offsets(%dma_start3A_152 : memref<128xi32, #tpu.memory_space<vmem>>) semaphore(%run_scoped3A_149 : memref<!tpu.dma_semaphore, #tpu.memory_space<semaphore_mem>>) {add = true}
          %dma_wait3A_156 = arith.constant 0 : i32
          %dma_wait3A_157 = tpu.memref_slice %arg12[%add3A_139, %dma_wait3A_156] : memref<32x128xi32, #tpu.memory_space<vmem>> -> memref<1x128xi32, #tpu.memory_space<vmem>>
          %dma_wait3A_158 = tpu.memref_squeeze %dma_wait3A_157 : memref<1x128xi32, #tpu.memory_space<vmem>> -> memref<128xi32, #tpu.memory_space<vmem>>
          %dma_wait3A_159 = arith.constant 0 : i32
          %dma_wait3A_160 = arith.constant 0 : i32
          %dma_wait3A_161 = tpu.memref_slice %arg15[%dma_wait3A_159, %dma_wait3A_160] : memref<10240x128xf32, #tpu.memory_space<vmem_shared>> -> memref<10240x128xf32, #tpu.memory_space<vmem_shared>>
          tpu.wait_indirect_dma semaphore(%run_scoped3A_149 : memref<!tpu.dma_semaphore, #tpu.memory_space<semaphore_mem>>) src(%arg13 : memref<128x128xf32, #tpu.memory_space<vmem>>) dst(%dma_wait3A_161 : memref<10240x128xf32, #tpu.memory_space<vmem_shared>>)
          tpu.yield
        }) : () -> ()
        %add3A_140 = arith.constant 1 : i32
        %add3A_141 = arith.addi %add3A_127, %add3A_140 : i32
        %lt3A_142 = arith.constant 16 : i32
        %lt3A_143 = arith.cmpi slt, %add3A_141, %lt3A_142 : i32
        %convert_element_type3A_144 = arith.extui %lt3A_143 : i1 to i32
        %cond3A_145 = arith.constant 0 : i32
        %cond3A_146 = arith.cmpi ne, %convert_element_type3A_144, %cond3A_145 : i32
        scf.if %cond3A_146 {
          %add3A_149 = arith.constant 1 : i32
          %add3A_150 = arith.addi %add3A_127, %add3A_149 : i32
          %eq3A_151 = arith.constant 0 : i32
          %eq3A_152 = arith.cmpi eq, %arg0, %eq3A_151 : i32
          %convert_element_type3A_153 = arith.extui %eq3A_152 : i1 to i32
          %cond3A_154 = arith.constant 0 : i32
          %cond3A_155 = arith.cmpi ne, %convert_element_type3A_153, %cond3A_154 : i32
          scf.if %cond3A_155 {
            %dma_start3A_161 = arith.constant 0 : i32
            %dma_start3A_162 = tpu.memref_slice %arg12[%add3A_150, %dma_start3A_161] : memref<32x128xi32, #tpu.memory_space<vmem>> -> memref<1x128xi32, #tpu.memory_space<vmem>>
            %dma_start3A_163 = tpu.memref_squeeze %dma_start3A_162 : memref<1x128xi32, #tpu.memory_space<vmem>> -> memref<128xi32, #tpu.memory_space<vmem>>
            %dma_start3A_164 = arith.constant 0 : i32
            %dma_start3A_165 = arith.constant 0 : i32
            %dma_start3A_166 = tpu.memref_slice %arg4[%dma_start3A_164, %dma_start3A_165] : memref<10240x128xf32, #tpu.memory_space<hbm>> -> memref<10240x128xf32, #tpu.memory_space<hbm>>
            tpu.enqueue_indirect_dma source(%dma_start3A_166 : memref<10240x128xf32, #tpu.memory_space<hbm>>) target(%arg13 : memref<128x128xf32, #tpu.memory_space<vmem>>) offsets(%dma_start3A_163 : memref<128xi32, #tpu.memory_space<vmem>>) semaphore(%arg16 : memref<!tpu.dma_semaphore, #tpu.memory_space<semaphore_mem>>)
          } else {
          }
          %eq3A_156 = arith.constant 1 : i32
          %eq3A_157 = arith.cmpi eq, %arg0, %eq3A_156 : i32
          %convert_element_type3A_158 = arith.extui %eq3A_157 : i1 to i32
          %cond3A_159 = arith.constant 0 : i32
          %cond3A_160 = arith.cmpi ne, %convert_element_type3A_158, %cond3A_159 : i32
          scf.if %cond3A_160 {
            %dma_start3A_161 = arith.constant 0 : i32
            %dma_start3A_162 = tpu.memref_slice %arg12[%add3A_150, %dma_start3A_161] : memref<32x128xi32, #tpu.memory_space<vmem>> -> memref<1x128xi32, #tpu.memory_space<vmem>>
            %dma_start3A_163 = tpu.memref_squeeze %dma_start3A_162 : memref<1x128xi32, #tpu.memory_space<vmem>> -> memref<128xi32, #tpu.memory_space<vmem>>
            %dma_start3A_164 = arith.constant 0 : i32
            %dma_start3A_165 = arith.constant 0 : i32
            %dma_start3A_166 = tpu.memref_slice %arg5[%dma_start3A_164, %dma_start3A_165] : memref<10240x128xf32, #tpu.memory_space<hbm>> -> memref<10240x128xf32, #tpu.memory_space<hbm>>
            tpu.enqueue_indirect_dma source(%dma_start3A_166 : memref<10240x128xf32, #tpu.memory_space<hbm>>) target(%arg13 : memref<128x128xf32, #tpu.memory_space<vmem>>) offsets(%dma_start3A_163 : memref<128xi32, #tpu.memory_space<vmem>>) semaphore(%arg16 : memref<!tpu.dma_semaphore, #tpu.memory_space<semaphore_mem>>)
          } else {
          }
        } else {
        }
        tpu.wait_dma2 semaphore(%arg17 : memref<!tpu.dma_semaphore, #tpu.memory_space<semaphore_mem>>) src(%arg8 : memref<128x128xf32, #tpu.memory_space<hbm>>) dst(%arg14 : memref<128x128xf32, #tpu.memory_space<vmem>>)
        %add3A_147 = arith.constant 16 : i32
        %add3A_148 = arith.addi %add3A_147, %add3A_127 : i32
        "tpu.region"() ({
          %run_scoped3A_149 = tpu.sem_alloc : memref<!tpu.dma_semaphore, #tpu.memory_space<semaphore_mem>>
          %dma_start3A_150 = arith.constant 0 : i32
          %dma_start3A_151 = tpu.memref_slice %arg12[%add3A_148, %dma_start3A_150] : memref<32x128xi32, #tpu.memory_space<vmem>> -> memref<1x128xi32, #tpu.memory_space<vmem>>
          %dma_start3A_152 = tpu.memref_squeeze %dma_start3A_151 : memref<1x128xi32, #tpu.memory_space<vmem>> -> memref<128xi32, #tpu.memory_space<vmem>>
          %dma_start3A_153 = arith.constant 0 : i32
          %dma_start3A_154 = arith.constant 0 : i32
          %dma_start3A_155 = tpu.memref_slice %arg15[%dma_start3A_153, %dma_start3A_154] : memref<10240x128xf32, #tpu.memory_space<vmem_shared>> -> memref<10240x128xf32, #tpu.memory_space<vmem_shared>>
          tpu.enqueue_indirect_dma source(%arg14 : memref<128x128xf32, #tpu.memory_space<vmem>>) target(%dma_start3A_155 : memref<10240x128xf32, #tpu.memory_space<vmem_shared>>) offsets(%dma_start3A_152 : memref<128xi32, #tpu.memory_space<vmem>>) semaphore(%run_scoped3A_149 : memref<!tpu.dma_semaphore, #tpu.memory_space<semaphore_mem>>) {add = true}
          %dma_wait3A_156 = arith.constant 0 : i32
          %dma_wait3A_157 = tpu.memref_slice %arg12[%add3A_148, %dma_wait3A_156] : memref<32x128xi32, #tpu.memory_space<vmem>> -> memref<1x128xi32, #tpu.memory_space<vmem>>
          %dma_wait3A_158 = tpu.memref_squeeze %dma_wait3A_157 : memref<1x128xi32, #tpu.memory_space<vmem>> -> memref<128xi32, #tpu.memory_space<vmem>>
          %dma_wait3A_159 = arith.constant 0 : i32
          %dma_wait3A_160 = arith.constant 0 : i32
          %dma_wait3A_161 = tpu.memref_slice %arg15[%dma_wait3A_159, %dma_wait3A_160] : memref<10240x128xf32, #tpu.memory_space<vmem_shared>> -> memref<10240x128xf32, #tpu.memory_space<vmem_shared>>
          tpu.wait_indirect_dma semaphore(%run_scoped3A_149 : memref<!tpu.dma_semaphore, #tpu.memory_space<semaphore_mem>>) src(%arg14 : memref<128x128xf32, #tpu.memory_space<vmem>>) dst(%dma_wait3A_161 : memref<10240x128xf32, #tpu.memory_space<vmem_shared>>)
          tpu.yield
        }) : () -> ()
      }
      %scan3A_120 = arith.constant 8 : i32
    }
    %scan3A_32 = arith.constant 5 : i32
    %barrier3A_33 = arith.constant 0 : index
    tpu.barrier barrier_id(%barrier3A_33)
    %run_scoped3A_34 = arith.constant 1 : i32
    "tpu.region"() ({
      %run_scoped3A_52 = tpu.sem_alloc : memref<!tpu.dma_semaphore, #tpu.memory_space<semaphore_mem>>
      %dma_start3A_53 = arith.constant 0 : i32
      %dma_start3A_54 = tpu.memref_slice %arg9[%run_scoped3A_34, %arg0, %mul3A_0, %dma_start3A_53] : memref<2x2x10240x128xf32, #tpu.memory_space<hbm>> -> memref<1x1x640x128xf32, #tpu.memory_space<hbm>>
      %dma_start3A_55 = tpu.memref_squeeze %dma_start3A_54 : memref<1x1x640x128xf32, #tpu.memory_space<hbm>> -> memref<640x128xf32, #tpu.memory_space<hbm>>
      %dma_start3A_56 = arith.constant 0 : i32
      %dma_start3A_57 = tpu.memref_slice %arg15[%mul3A_0, %dma_start3A_56] : memref<10240x128xf32, #tpu.memory_space<vmem_shared>> -> memref<640x128xf32, #tpu.memory_space<vmem_shared>>
      tpu.enqueue_dma source(%dma_start3A_57 : memref<640x128xf32, #tpu.memory_space<vmem_shared>>) target(%dma_start3A_55 : memref<640x128xf32, #tpu.memory_space<hbm>>) target_semaphore(%run_scoped3A_52 : memref<!tpu.dma_semaphore, #tpu.memory_space<semaphore_mem>>)
      %dma_wait3A = arith.constant 0 : i32
      %dma_wait3A_58 = tpu.memref_slice %arg9[%run_scoped3A_34, %arg0, %mul3A_0, %dma_wait3A] : memref<2x2x10240x128xf32, #tpu.memory_space<hbm>> -> memref<1x1x640x128xf32, #tpu.memory_space<hbm>>
      %dma_wait3A_59 = tpu.memref_squeeze %dma_wait3A_58 : memref<1x1x640x128xf32, #tpu.memory_space<hbm>> -> memref<640x128xf32, #tpu.memory_space<hbm>>
      %dma_wait3A_60 = arith.constant 0 : i32
      %dma_wait3A_61 = tpu.memref_slice %arg15[%mul3A_0, %dma_wait3A_60] : memref<10240x128xf32, #tpu.memory_space<vmem_shared>> -> memref<640x128xf32, #tpu.memory_space<vmem_shared>>
      tpu.wait_dma2 semaphore(%run_scoped3A_52 : memref<!tpu.dma_semaphore, #tpu.memory_space<semaphore_mem>>) src(%dma_wait3A_61 : memref<640x128xf32, #tpu.memory_space<vmem_shared>>) dst(%dma_wait3A_59 : memref<640x128xf32, #tpu.memory_space<hbm>>)
      tpu.yield
    }) : () -> ()
    "tpu.region"() ({
      %run_scoped3A_52 = tpu.sem_alloc : memref<!tpu.dma_semaphore, #tpu.memory_space<semaphore_mem>>
      %dma_start3A_53 = arith.constant 0 : i32
      %dma_start3A_54 = tpu.memref_slice %arg15[%mul3A_0, %dma_start3A_53] : memref<10240x128xf32, #tpu.memory_space<vmem_shared>> -> memref<640x128xf32, #tpu.memory_space<vmem_shared>>
      tpu.enqueue_dma source(%arg7 : memref<640x128xf32, #tpu.memory_space<hbm>>) target(%dma_start3A_54 : memref<640x128xf32, #tpu.memory_space<vmem_shared>>) target_semaphore(%run_scoped3A_52 : memref<!tpu.dma_semaphore, #tpu.memory_space<semaphore_mem>>)
      %dma_wait3A = arith.constant 0 : i32
      %dma_wait3A_55 = tpu.memref_slice %arg15[%mul3A_0, %dma_wait3A] : memref<10240x128xf32, #tpu.memory_space<vmem_shared>> -> memref<640x128xf32, #tpu.memory_space<vmem_shared>>
      tpu.wait_dma2 semaphore(%run_scoped3A_52 : memref<!tpu.dma_semaphore, #tpu.memory_space<semaphore_mem>>) src(%arg7 : memref<640x128xf32, #tpu.memory_space<hbm>>) dst(%dma_wait3A_55 : memref<640x128xf32, #tpu.memory_space<vmem_shared>>)
      tpu.yield
    }) : () -> ()
    "tpu.region"() ({
      %run_scoped3A_52 = tpu.sem_alloc : memref<!tpu.dma_semaphore, #tpu.memory_space<semaphore_mem>>
      tpu.enqueue_dma source(%arg8 : memref<128x128xf32, #tpu.memory_space<hbm>>) target(%arg13 : memref<128x128xf32, #tpu.memory_space<vmem>>) target_semaphore(%run_scoped3A_52 : memref<!tpu.dma_semaphore, #tpu.memory_space<semaphore_mem>>)
      tpu.wait_dma2 semaphore(%run_scoped3A_52 : memref<!tpu.dma_semaphore, #tpu.memory_space<semaphore_mem>>) src(%arg8 : memref<128x128xf32, #tpu.memory_space<hbm>>) dst(%arg13 : memref<128x128xf32, #tpu.memory_space<vmem>>)
      tpu.yield
    }) : () -> ()
    %dma_start3A_35 = arith.constant 0 : i32
    %dma_start3A_36 = arith.constant 0 : i32
    %dma_start3A_37 = arith.constant 0 : i32
    %dma_start3A_38 = tpu.memref_slice %arg6[%arg0, %arg1, %dma_start3A_35, %dma_start3A_36, %dma_start3A_37] : memref<2x16x10x32x128xi32, #tpu.memory_space<hbm>> -> memref<1x1x1x32x128xi32, #tpu.memory_space<hbm>>
    %dma_start3A_39 = tpu.memref_squeeze %dma_start3A_38 : memref<1x1x1x32x128xi32, #tpu.memory_space<hbm>> -> memref<32x128xi32, #tpu.memory_space<hbm>>
    %dma_start3A_40 = arith.constant 0 : i32
    %dma_start3A_41 = arith.constant 0 : i32
    %dma_start3A_42 = tpu.memref_slice %arg6[%arg0, %arg1, %dma_start3A_35, %dma_start3A_40, %dma_start3A_41] : memref<2x16x10x32x128xi32, #tpu.memory_space<hbm>> -> memref<1x1x1x32x128xi32, #tpu.memory_space<hbm>>
    %dma_start3A_43 = tpu.memref_squeeze %dma_start3A_42 : memref<1x1x1x32x128xi32, #tpu.memory_space<hbm>> -> memref<32x128xi32, #tpu.memory_space<hbm>>
    tpu.enqueue_dma source(%dma_start3A_43 : memref<32x128xi32, #tpu.memory_space<hbm>>) target(%arg11 : memref<32x128xi32, #tpu.memory_space<vmem>>) target_semaphore(%arg18 : memref<!tpu.dma_semaphore, #tpu.memory_space<semaphore_mem>>)
    %barrier3A_44 = arith.constant 0 : index
    tpu.barrier barrier_id(%barrier3A_44)
    %scan3A_45 = arith.constant 0 : i32
    %scan3A_46 = arith.constant 0 : i32
    %scan3A_47 = arith.constant 5 : i32
    %scan3A_48 = arith.addi %scan3A_46, %scan3A_47 : i32
    %scan3A_49 = arith.constant 1 : i32
    scf.for %scan3A_52 = %scan3A_46 to %scan3A_48 step %scan3A_49  : i32 {
      %mul3A_53 = arith.constant 2 : i32
      %mul3A_54 = arith.muli %mul3A_53, %scan3A_52 : i32
      %mul3A_55 = arith.constant 2 : i32
      %mul3A_56 = arith.muli %mul3A_55, %scan3A_52 : i32
      %add3A = arith.constant 1 : i32
      %add3A_57 = arith.addi %mul3A_56, %add3A : i32
      %dma_start3A_58 = arith.constant 0 : i32
      %dma_start3A_59 = arith.constant 0 : i32
      %dma_start3A_60 = tpu.memref_slice %arg6[%arg0, %arg1, %add3A_57, %dma_start3A_58, %dma_start3A_59] : memref<2x16x10x32x128xi32, #tpu.memory_space<hbm>> -> memref<1x1x1x32x128xi32, #tpu.memory_space<hbm>>
      %dma_start3A_61 = tpu.memref_squeeze %dma_start3A_60 : memref<1x1x1x32x128xi32, #tpu.memory_space<hbm>> -> memref<32x128xi32, #tpu.memory_space<hbm>>
      %dma_start3A_62 = arith.constant 0 : i32
      %dma_start3A_63 = arith.constant 0 : i32
      %dma_start3A_64 = tpu.memref_slice %arg6[%arg0, %arg1, %add3A_57, %dma_start3A_62, %dma_start3A_63] : memref<2x16x10x32x128xi32, #tpu.memory_space<hbm>> -> memref<1x1x1x32x128xi32, #tpu.memory_space<hbm>>
      %dma_start3A_65 = tpu.memref_squeeze %dma_start3A_64 : memref<1x1x1x32x128xi32, #tpu.memory_space<hbm>> -> memref<32x128xi32, #tpu.memory_space<hbm>>
      tpu.enqueue_dma source(%dma_start3A_65 : memref<32x128xi32, #tpu.memory_space<hbm>>) target(%arg12 : memref<32x128xi32, #tpu.memory_space<vmem>>) target_semaphore(%arg19 : memref<!tpu.dma_semaphore, #tpu.memory_space<semaphore_mem>>)
      %dma_wait3A = arith.constant 0 : i32
      %dma_wait3A_66 = arith.constant 0 : i32
      %dma_wait3A_67 = arith.constant 0 : i32
      %dma_wait3A_68 = arith.constant 0 : i32
      %dma_wait3A_69 = tpu.memref_slice %arg6[%dma_wait3A, %arg1, %dma_wait3A_66, %dma_wait3A_67, %dma_wait3A_68] : memref<2x16x10x32x128xi32, #tpu.memory_space<hbm>> -> memref<1x1x1x32x128xi32, #tpu.memory_space<hbm>>
      %dma_wait3A_70 = tpu.memref_squeeze %dma_wait3A_69 : memref<1x1x1x32x128xi32, #tpu.memory_space<hbm>> -> memref<32x128xi32, #tpu.memory_space<hbm>>
      %dma_wait3A_71 = arith.constant 0 : i32
      %dma_wait3A_72 = arith.constant 0 : i32
      %dma_wait3A_73 = tpu.memref_slice %arg6[%dma_wait3A, %arg1, %dma_wait3A_66, %dma_wait3A_71, %dma_wait3A_72] : memref<2x16x10x32x128xi32, #tpu.memory_space<hbm>> -> memref<1x1x1x32x128xi32, #tpu.memory_space<hbm>>
      %dma_wait3A_74 = tpu.memref_squeeze %dma_wait3A_73 : memref<1x1x1x32x128xi32, #tpu.memory_space<hbm>> -> memref<32x128xi32, #tpu.memory_space<hbm>>
      tpu.wait_dma2 semaphore(%arg18 : memref<!tpu.dma_semaphore, #tpu.memory_space<semaphore_mem>>) src(%dma_wait3A_74 : memref<32x128xi32, #tpu.memory_space<hbm>>) dst(%arg11 : memref<32x128xi32, #tpu.memory_space<vmem>>)
      %scan3A_75 = arith.constant 0 : i32
      %scan3A_76 = arith.constant 0 : i32
      %scan3A_77 = arith.constant 16 : i32
      %scan3A_78 = arith.addi %scan3A_76, %scan3A_77 : i32
      %scan3A_79 = arith.constant 1 : i32
      scf.for %scan3A_101 = %scan3A_76 to %scan3A_78 step %scan3A_79  : i32 {
        %add3A_102 = arith.constant 16 : i32
        %add3A_103 = arith.addi %add3A_102, %scan3A_101 : i32
        "tpu.region"() ({
          %run_scoped3A_104 = tpu.sem_alloc : memref<!tpu.dma_semaphore, #tpu.memory_space<semaphore_mem>>
          %dma_start3A_105 = arith.constant 0 : i32
          %dma_start3A_106 = tpu.memref_slice %arg11[%add3A_103, %dma_start3A_105] : memref<32x128xi32, #tpu.memory_space<vmem>> -> memref<1x128xi32, #tpu.memory_space<vmem>>
          %dma_start3A_107 = tpu.memref_squeeze %dma_start3A_106 : memref<1x128xi32, #tpu.memory_space<vmem>> -> memref<128xi32, #tpu.memory_space<vmem>>
          %dma_start3A_108 = arith.constant 0 : i32
          %dma_start3A_109 = arith.constant 0 : i32
          %dma_start3A_110 = tpu.memref_slice %arg15[%dma_start3A_108, %dma_start3A_109] : memref<10240x128xf32, #tpu.memory_space<vmem_shared>> -> memref<10240x128xf32, #tpu.memory_space<vmem_shared>>
          tpu.enqueue_indirect_dma source(%arg13 : memref<128x128xf32, #tpu.memory_space<vmem>>) target(%dma_start3A_110 : memref<10240x128xf32, #tpu.memory_space<vmem_shared>>) offsets(%dma_start3A_107 : memref<128xi32, #tpu.memory_space<vmem>>) semaphore(%run_scoped3A_104 : memref<!tpu.dma_semaphore, #tpu.memory_space<semaphore_mem>>) {add = true}
          %dma_wait3A_111 = arith.constant 0 : i32
          %dma_wait3A_112 = tpu.memref_slice %arg11[%add3A_103, %dma_wait3A_111] : memref<32x128xi32, #tpu.memory_space<vmem>> -> memref<1x128xi32, #tpu.memory_space<vmem>>
          %dma_wait3A_113 = tpu.memref_squeeze %dma_wait3A_112 : memref<1x128xi32, #tpu.memory_space<vmem>> -> memref<128xi32, #tpu.memory_space<vmem>>
          %dma_wait3A_114 = arith.constant 0 : i32
          %dma_wait3A_115 = arith.constant 0 : i32
          %dma_wait3A_116 = tpu.memref_slice %arg15[%dma_wait3A_114, %dma_wait3A_115] : memref<10240x128xf32, #tpu.memory_space<vmem_shared>> -> memref<10240x128xf32, #tpu.memory_space<vmem_shared>>
          tpu.wait_indirect_dma semaphore(%run_scoped3A_104 : memref<!tpu.dma_semaphore, #tpu.memory_space<semaphore_mem>>) src(%arg13 : memref<128x128xf32, #tpu.memory_space<vmem>>) dst(%dma_wait3A_116 : memref<10240x128xf32, #tpu.memory_space<vmem_shared>>)
          tpu.yield
        }) : () -> ()
      }
      %scan3A_80 = arith.constant 16 : i32
      %add3A_81 = arith.constant 1 : i32
      %add3A_82 = arith.addi %add3A_57, %add3A_81 : i32
      %lt3A = arith.constant 10 : i32
      %lt3A_83 = arith.cmpi slt, %add3A_82, %lt3A : i32
      %convert_element_type3A = arith.extui %lt3A_83 : i1 to i32
      %cond3A = arith.constant 0 : i32
      %cond3A_84 = arith.cmpi ne, %convert_element_type3A, %cond3A : i32
      scf.if %cond3A_84 {
        %add3A_101 = arith.constant 1 : i32
        %add3A_102 = arith.addi %add3A_57, %add3A_101 : i32
        %dma_start3A_103 = arith.constant 0 : i32
        %dma_start3A_104 = arith.constant 0 : i32
        %dma_start3A_105 = tpu.memref_slice %arg6[%arg0, %arg1, %add3A_102, %dma_start3A_103, %dma_start3A_104] : memref<2x16x10x32x128xi32, #tpu.memory_space<hbm>> -> memref<1x1x1x32x128xi32, #tpu.memory_space<hbm>>
        %dma_start3A_106 = tpu.memref_squeeze %dma_start3A_105 : memref<1x1x1x32x128xi32, #tpu.memory_space<hbm>> -> memref<32x128xi32, #tpu.memory_space<hbm>>
        %dma_start3A_107 = arith.constant 0 : i32
        %dma_start3A_108 = arith.constant 0 : i32
        %dma_start3A_109 = tpu.memref_slice %arg6[%arg0, %arg1, %add3A_102, %dma_start3A_107, %dma_start3A_108] : memref<2x16x10x32x128xi32, #tpu.memory_space<hbm>> -> memref<1x1x1x32x128xi32, #tpu.memory_space<hbm>>
        %dma_start3A_110 = tpu.memref_squeeze %dma_start3A_109 : memref<1x1x1x32x128xi32, #tpu.memory_space<hbm>> -> memref<32x128xi32, #tpu.memory_space<hbm>>
        tpu.enqueue_dma source(%dma_start3A_110 : memref<32x128xi32, #tpu.memory_space<hbm>>) target(%arg11 : memref<32x128xi32, #tpu.memory_space<vmem>>) target_semaphore(%arg18 : memref<!tpu.dma_semaphore, #tpu.memory_space<semaphore_mem>>)
      } else {
      }
      %dma_wait3A_85 = arith.constant 0 : i32
      %dma_wait3A_86 = arith.constant 0 : i32
      %dma_wait3A_87 = arith.constant 0 : i32
      %dma_wait3A_88 = arith.constant 0 : i32
      %dma_wait3A_89 = tpu.memref_slice %arg6[%dma_wait3A_85, %arg1, %dma_wait3A_86, %dma_wait3A_87, %dma_wait3A_88] : memref<2x16x10x32x128xi32, #tpu.memory_space<hbm>> -> memref<1x1x1x32x128xi32, #tpu.memory_space<hbm>>
      %dma_wait3A_90 = tpu.memref_squeeze %dma_wait3A_89 : memref<1x1x1x32x128xi32, #tpu.memory_space<hbm>> -> memref<32x128xi32, #tpu.memory_space<hbm>>
      %dma_wait3A_91 = arith.constant 0 : i32
      %dma_wait3A_92 = arith.constant 0 : i32
      %dma_wait3A_93 = tpu.memref_slice %arg6[%dma_wait3A_85, %arg1, %dma_wait3A_86, %dma_wait3A_91, %dma_wait3A_92] : memref<2x16x10x32x128xi32, #tpu.memory_space<hbm>> -> memref<1x1x1x32x128xi32, #tpu.memory_space<hbm>>
      %dma_wait3A_94 = tpu.memref_squeeze %dma_wait3A_93 : memref<1x1x1x32x128xi32, #tpu.memory_space<hbm>> -> memref<32x128xi32, #tpu.memory_space<hbm>>
      tpu.wait_dma2 semaphore(%arg19 : memref<!tpu.dma_semaphore, #tpu.memory_space<semaphore_mem>>) src(%dma_wait3A_94 : memref<32x128xi32, #tpu.memory_space<hbm>>) dst(%arg12 : memref<32x128xi32, #tpu.memory_space<vmem>>)
      %scan3A_95 = arith.constant 0 : i32
      %scan3A_96 = arith.constant 0 : i32
      %scan3A_97 = arith.constant 16 : i32
      %scan3A_98 = arith.addi %scan3A_96, %scan3A_97 : i32
      %scan3A_99 = arith.constant 1 : i32
      scf.for %scan3A_101 = %scan3A_96 to %scan3A_98 step %scan3A_99  : i32 {
        %add3A_102 = arith.constant 16 : i32
        %add3A_103 = arith.addi %add3A_102, %scan3A_101 : i32
        "tpu.region"() ({
          %run_scoped3A_104 = tpu.sem_alloc : memref<!tpu.dma_semaphore, #tpu.memory_space<semaphore_mem>>
          %dma_start3A_105 = arith.constant 0 : i32
          %dma_start3A_106 = tpu.memref_slice %arg12[%add3A_103, %dma_start3A_105] : memref<32x128xi32, #tpu.memory_space<vmem>> -> memref<1x128xi32, #tpu.memory_space<vmem>>
          %dma_start3A_107 = tpu.memref_squeeze %dma_start3A_106 : memref<1x128xi32, #tpu.memory_space<vmem>> -> memref<128xi32, #tpu.memory_space<vmem>>
          %dma_start3A_108 = arith.constant 0 : i32
          %dma_start3A_109 = arith.constant 0 : i32
          %dma_start3A_110 = tpu.memref_slice %arg15[%dma_start3A_108, %dma_start3A_109] : memref<10240x128xf32, #tpu.memory_space<vmem_shared>> -> memref<10240x128xf32, #tpu.memory_space<vmem_shared>>
          tpu.enqueue_indirect_dma source(%arg13 : memref<128x128xf32, #tpu.memory_space<vmem>>) target(%dma_start3A_110 : memref<10240x128xf32, #tpu.memory_space<vmem_shared>>) offsets(%dma_start3A_107 : memref<128xi32, #tpu.memory_space<vmem>>) semaphore(%run_scoped3A_104 : memref<!tpu.dma_semaphore, #tpu.memory_space<semaphore_mem>>) {add = true}
          %dma_wait3A_111 = arith.constant 0 : i32
          %dma_wait3A_112 = tpu.memref_slice %arg12[%add3A_103, %dma_wait3A_111] : memref<32x128xi32, #tpu.memory_space<vmem>> -> memref<1x128xi32, #tpu.memory_space<vmem>>
          %dma_wait3A_113 = tpu.memref_squeeze %dma_wait3A_112 : memref<1x128xi32, #tpu.memory_space<vmem>> -> memref<128xi32, #tpu.memory_space<vmem>>
          %dma_wait3A_114 = arith.constant 0 : i32
          %dma_wait3A_115 = arith.constant 0 : i32
          %dma_wait3A_116 = tpu.memref_slice %arg15[%dma_wait3A_114, %dma_wait3A_115] : memref<10240x128xf32, #tpu.memory_space<vmem_shared>> -> memref<10240x128xf32, #tpu.memory_space<vmem_shared>>
          tpu.wait_indirect_dma semaphore(%run_scoped3A_104 : memref<!tpu.dma_semaphore, #tpu.memory_space<semaphore_mem>>) src(%arg13 : memref<128x128xf32, #tpu.memory_space<vmem>>) dst(%dma_wait3A_116 : memref<10240x128xf32, #tpu.memory_space<vmem_shared>>)
          tpu.yield
        }) : () -> ()
      }
      %scan3A_100 = arith.constant 16 : i32
    }
    %scan3A_50 = arith.constant 5 : i32
    %barrier3A_51 = arith.constant 0 : index
    tpu.barrier barrier_id(%barrier3A_51)
    "tpu.region"() ({
      %run_scoped3A_52 = tpu.sem_alloc : memref<!tpu.dma_semaphore, #tpu.memory_space<semaphore_mem>>
      %dma_start3A_53 = arith.constant 0 : i32
      %dma_start3A_54 = tpu.memref_slice %arg10[%arg0, %mul3A_0, %dma_start3A_53] : memref<2x10240x128xf32, #tpu.memory_space<hbm>> -> memref<1x640x128xf32, #tpu.memory_space<hbm>>
      %dma_start3A_55 = tpu.memref_squeeze %dma_start3A_54 : memref<1x640x128xf32, #tpu.memory_space<hbm>> -> memref<640x128xf32, #tpu.memory_space<hbm>>
      %dma_start3A_56 = arith.constant 0 : i32
      %dma_start3A_57 = tpu.memref_slice %arg15[%mul3A_0, %dma_start3A_56] : memref<10240x128xf32, #tpu.memory_space<vmem_shared>> -> memref<640x128xf32, #tpu.memory_space<vmem_shared>>
      tpu.enqueue_dma source(%dma_start3A_57 : memref<640x128xf32, #tpu.memory_space<vmem_shared>>) target(%dma_start3A_55 : memref<640x128xf32, #tpu.memory_space<hbm>>) target_semaphore(%run_scoped3A_52 : memref<!tpu.dma_semaphore, #tpu.memory_space<semaphore_mem>>)
      %dma_wait3A = arith.constant 0 : i32
      %dma_wait3A_58 = tpu.memref_slice %arg10[%arg0, %mul3A_0, %dma_wait3A] : memref<2x10240x128xf32, #tpu.memory_space<hbm>> -> memref<1x640x128xf32, #tpu.memory_space<hbm>>
      %dma_wait3A_59 = tpu.memref_squeeze %dma_wait3A_58 : memref<1x640x128xf32, #tpu.memory_space<hbm>> -> memref<640x128xf32, #tpu.memory_space<hbm>>
      %dma_wait3A_60 = arith.constant 0 : i32
      %dma_wait3A_61 = tpu.memref_slice %arg15[%mul3A_0, %dma_wait3A_60] : memref<10240x128xf32, #tpu.memory_space<vmem_shared>> -> memref<640x128xf32, #tpu.memory_space<vmem_shared>>
      tpu.wait_dma2 semaphore(%run_scoped3A_52 : memref<!tpu.dma_semaphore, #tpu.memory_space<semaphore_mem>>) src(%dma_wait3A_61 : memref<640x128xf32, #tpu.memory_space<vmem_shared>>) dst(%dma_wait3A_59 : memref<640x128xf32, #tpu.memory_space<hbm>>)
      tpu.yield
    }) : () -> ()
    return
  }
}

module attributes {stable_mosaic.version = 14 : i64} {
  func.func @_supports_body(%arg0: i32, %arg1: memref<1280x128xf32, #tpu.memory_space<vmem>>, %arg2: memref<1280x128xf32, #tpu.memory_space<vmem>>, %arg3: memref<128x128xf32, #tpu.memory_space<vmem>>, %arg4: memref<1x128xf32, #tpu.memory_space<vmem>>, %arg5: memref<128x128xf32, #tpu.memory_space<vmem>>, %arg6: memref<1x128xf32, #tpu.memory_space<vmem>>, %arg7: memref<1280x128xf32, #tpu.memory_space<vmem>>, %arg8: memref<1280x128xf32, #tpu.memory_space<vmem>>, %arg9: memref<1280x128xf32, #tpu.memory_space<vmem>>, %arg10: memref<1280x128xf32, #tpu.memory_space<vmem>>) attributes {dimension_semantics = [#tpu.dimension_semantics<arbitrary>], iteration_bounds = array<i64: 8>, scalar_prefetch = 0 : i64, scratch_operands = 0 : i64, tpu.core_type = #tpu.core_type<tc>, window_params = [{transform_indices = @transform_0, window_bounds = array<i64: 1280, 128>}, {transform_indices = @transform_1, window_bounds = array<i64: 1280, 128>}, {pipeline_mode = #tpu.pipeline_mode<synchronous>, transform_indices = @transform_2, window_bounds = array<i64: 128, 128>}, {pipeline_mode = #tpu.pipeline_mode<synchronous>, transform_indices = @transform_3, window_bounds = array<i64: 1, 128>}, {pipeline_mode = #tpu.pipeline_mode<synchronous>, transform_indices = @transform_4, window_bounds = array<i64: 128, 128>}, {pipeline_mode = #tpu.pipeline_mode<synchronous>, transform_indices = @transform_5, window_bounds = array<i64: 1, 128>}, {transform_indices = @transform_6, window_bounds = array<i64: 1280, 128>}, {transform_indices = @transform_7, window_bounds = array<i64: 1280, 128>}, {transform_indices = @transform_8, window_bounds = array<i64: 1280, 128>}, {transform_indices = @transform_9, window_bounds = array<i64: 1280, 128>}]} {
    %get3A = arith.constant 0 : index
    %get3A_0 = arith.constant 0 : index
    %get3A_1 = vector.load %arg1[%get3A, %get3A_0] : memref<1280x128xf32, #tpu.memory_space<vmem>>, vector<1280x128xf32>
    %get3A_2 = arith.constant 0 : index
    %get3A_3 = arith.constant 0 : index
    %get3A_4 = vector.load %arg2[%get3A_2, %get3A_3] : memref<1280x128xf32, #tpu.memory_space<vmem>>, vector<1280x128xf32>
    %get3A_5 = arith.constant 0 : index
    %get3A_6 = arith.constant 0 : index
    %get3A_7 = vector.load %arg3[%get3A_5, %get3A_6] : memref<128x128xf32, #tpu.memory_space<vmem>>, vector<128x128xf32>
    %get3A_8 = arith.constant 0 : index
    %get3A_9 = arith.constant 0 : index
    %get3A_10 = vector.load %arg5[%get3A_8, %get3A_9] : memref<128x128xf32, #tpu.memory_space<vmem>>, vector<128x128xf32>
    %get3A_11 = arith.constant 0 : index
    %get3A_12 = arith.constant 0 : index
    %get3A_13 = vector.load %arg4[%get3A_11, %get3A_12] : memref<1x128xf32, #tpu.memory_space<vmem>>, vector<1x128xf32>
    %get3A_14 = arith.constant 0 : index
    %get3A_15 = arith.constant 0 : index
    %get3A_16 = vector.load %arg6[%get3A_14, %get3A_15] : memref<1x128xf32, #tpu.memory_space<vmem>>, vector<1x128xf32>
    %dot_general3A = arith.constant dense<0.000000e+00> : vector<1280x128xf32>
    %dot_general3A_17 = tpu.matmul %get3A_1, %get3A_7, %dot_general3A {dimension_numbers = #tpu.dot_dimension_numbers<[1], [0], [0], [1], [0, 0, 1, 1], [], []>, transpose_lhs_hint = false} : vector<1280x128xf32>, vector<128x128xf32>, vector<1280x128xf32> -> vector<1280x128xf32>
    %add3A = vector.broadcast %get3A_13 : vector<1x128xf32> to vector<1280x128xf32>
    %add3A_18 = arith.addf %dot_general3A_17, %add3A : vector<1280x128xf32>
    %swap3A = arith.constant 0 : index
    %swap3A_19 = arith.constant 0 : index
    %swap3A_20 = vector.load %arg7[%swap3A, %swap3A_19] : memref<1280x128xf32, #tpu.memory_space<vmem>>, vector<1280x128xf32>
    tpu.vector_store %arg7[%swap3A, %swap3A_19], %add3A_18 {strides = array<i32>} : memref<1280x128xf32, #tpu.memory_space<vmem>>, vector<1280x128xf32>,
    %dot_general3A_21 = arith.constant dense<0.000000e+00> : vector<1280x128xf32>
    %dot_general3A_22 = tpu.matmul %get3A_4, %get3A_7, %dot_general3A_21 {dimension_numbers = #tpu.dot_dimension_numbers<[1], [0], [0], [1], [0, 0, 1, 1], [], []>, transpose_lhs_hint = false} : vector<1280x128xf32>, vector<128x128xf32>, vector<1280x128xf32> -> vector<1280x128xf32>
    %add3A_23 = vector.broadcast %get3A_13 : vector<1x128xf32> to vector<1280x128xf32>
    %add3A_24 = arith.addf %dot_general3A_22, %add3A_23 : vector<1280x128xf32>
    %swap3A_25 = arith.constant 0 : index
    %swap3A_26 = arith.constant 0 : index
    %swap3A_27 = vector.load %arg8[%swap3A_25, %swap3A_26] : memref<1280x128xf32, #tpu.memory_space<vmem>>, vector<1280x128xf32>
    tpu.vector_store %arg8[%swap3A_25, %swap3A_26], %add3A_24 {strides = array<i32>} : memref<1280x128xf32, #tpu.memory_space<vmem>>, vector<1280x128xf32>,
    %dot_general3A_28 = arith.constant dense<0.000000e+00> : vector<1280x128xf32>
    %dot_general3A_29 = tpu.matmul %get3A_1, %get3A_10, %dot_general3A_28 {dimension_numbers = #tpu.dot_dimension_numbers<[1], [0], [0], [1], [0, 0, 1, 1], [], []>, transpose_lhs_hint = false} : vector<1280x128xf32>, vector<128x128xf32>, vector<1280x128xf32> -> vector<1280x128xf32>
    %add3A_30 = vector.broadcast %get3A_16 : vector<1x128xf32> to vector<1280x128xf32>
    %add3A_31 = arith.addf %dot_general3A_29, %add3A_30 : vector<1280x128xf32>
    %swap3A_32 = arith.constant 0 : index
    %swap3A_33 = arith.constant 0 : index
    %swap3A_34 = vector.load %arg9[%swap3A_32, %swap3A_33] : memref<1280x128xf32, #tpu.memory_space<vmem>>, vector<1280x128xf32>
    tpu.vector_store %arg9[%swap3A_32, %swap3A_33], %add3A_31 {strides = array<i32>} : memref<1280x128xf32, #tpu.memory_space<vmem>>, vector<1280x128xf32>,
    %dot_general3A_35 = arith.constant dense<0.000000e+00> : vector<1280x128xf32>
    %dot_general3A_36 = tpu.matmul %get3A_4, %get3A_10, %dot_general3A_35 {dimension_numbers = #tpu.dot_dimension_numbers<[1], [0], [0], [1], [0, 0, 1, 1], [], []>, transpose_lhs_hint = false} : vector<1280x128xf32>, vector<128x128xf32>, vector<1280x128xf32> -> vector<1280x128xf32>
    %add3A_37 = vector.broadcast %get3A_16 : vector<1x128xf32> to vector<1280x128xf32>
    %add3A_38 = arith.addf %dot_general3A_36, %add3A_37 : vector<1280x128xf32>
    %swap3A_39 = arith.constant 0 : index
    %swap3A_40 = arith.constant 0 : index
    %swap3A_41 = vector.load %arg10[%swap3A_39, %swap3A_40] : memref<1280x128xf32, #tpu.memory_space<vmem>>, vector<1280x128xf32>
    tpu.vector_store %arg10[%swap3A_39, %swap3A_40], %add3A_38 {strides = array<i32>} : memref<1280x128xf32, #tpu.memory_space<vmem>>, vector<1280x128xf32>,
    return
  }
  func.func @transform_0(%arg0: i32) -> (i32, i32) {
    %c0_i32 = arith.constant 0 : i32
    %c0_i32_0 = arith.constant 0 : i32
    return %arg0, %c0_i32 : i32, i32
  }
  func.func @transform_1(%arg0: i32) -> (i32, i32) {
    %c0_i32 = arith.constant 0 : i32
    %c0_i32_0 = arith.constant 0 : i32
    return %arg0, %c0_i32 : i32, i32
  }
  func.func @transform_2(%arg0: i32) -> (i32, i32) {
    %c0_i32 = arith.constant 0 : i32
    %c0_i32_0 = arith.constant 0 : i32
    %c0_i32_1 = arith.constant 0 : i32
    return %c0_i32, %c0_i32_0 : i32, i32
  }
  func.func @transform_3(%arg0: i32) -> (i32, i32) {
    %c0_i32 = arith.constant 0 : i32
    %c0_i32_0 = arith.constant 0 : i32
    %c0_i32_1 = arith.constant 0 : i32
    return %c0_i32, %c0_i32_0 : i32, i32
  }
  func.func @transform_4(%arg0: i32) -> (i32, i32) {
    %c0_i32 = arith.constant 0 : i32
    %c0_i32_0 = arith.constant 0 : i32
    %c0_i32_1 = arith.constant 0 : i32
    return %c0_i32, %c0_i32_0 : i32, i32
  }
  func.func @transform_5(%arg0: i32) -> (i32, i32) {
    %c0_i32 = arith.constant 0 : i32
    %c0_i32_0 = arith.constant 0 : i32
    %c0_i32_1 = arith.constant 0 : i32
    return %c0_i32, %c0_i32_0 : i32, i32
  }
  func.func @transform_6(%arg0: i32) -> (i32, i32) {
    %c0_i32 = arith.constant 0 : i32
    %c0_i32_0 = arith.constant 0 : i32
    return %arg0, %c0_i32 : i32, i32
  }
  func.func @transform_7(%arg0: i32) -> (i32, i32) {
    %c0_i32 = arith.constant 0 : i32
    %c0_i32_0 = arith.constant 0 : i32
    return %arg0, %c0_i32 : i32, i32
  }
  func.func @transform_8(%arg0: i32) -> (i32, i32) {
    %c0_i32 = arith.constant 0 : i32
    %c0_i32_0 = arith.constant 0 : i32
    return %arg0, %c0_i32 : i32, i32
  }
  func.func @transform_9(%arg0: i32) -> (i32, i32) {
    %c0_i32 = arith.constant 0 : i32
    %c0_i32_0 = arith.constant 0 : i32
    return %arg0, %c0_i32 : i32, i32
  }
}

module attributes {stable_mosaic.version = 14 : i64} {
  func.func @_phase_a_body(%arg0: i32, %arg1: memref<1000x128xf32, #tpu.memory_space<vmem>>, %arg2: memref<1000x128xf32, #tpu.memory_space<vmem>>, %arg3: memref<1000x128xf32, #tpu.memory_space<vmem>>, %arg4: memref<1000x128xf32, #tpu.memory_space<vmem>>, %arg5: memref<1x2x1000x128xf32, #tpu.memory_space<vmem>>, %arg6: memref<1x2x1000x128xf32, #tpu.memory_space<vmem>>, %arg7: memref<1x1000x128xf32, #tpu.memory_space<vmem>>, %arg8: memref<1x1000x128xf32, #tpu.memory_space<vmem>>, %arg9: memref<1000x128xf32, #tpu.memory_space<vmem>>, %arg10: memref<1000x128xf32, #tpu.memory_space<vmem>>, %arg11: memref<1000x128xf32, #tpu.memory_space<vmem>>, %arg12: memref<1000x128xf32, #tpu.memory_space<vmem>>, %arg13: memref<1x1x128xf32, #tpu.memory_space<vmem>>, %arg14: memref<1x1x128xf32, #tpu.memory_space<vmem>>) attributes {dimension_semantics = [#tpu.dimension_semantics<arbitrary>], iteration_bounds = array<i64: 10>, scalar_prefetch = 0 : i64, scratch_operands = 0 : i64, tpu.core_type = #tpu.core_type<tc>, window_params = [{transform_indices = @transform_0, window_bounds = array<i64: 1000, 128>}, {transform_indices = @transform_1, window_bounds = array<i64: 1000, 128>}, {transform_indices = @transform_2, window_bounds = array<i64: 1000, 128>}, {transform_indices = @transform_3, window_bounds = array<i64: 1000, 128>}, {transform_indices = @transform_4, window_bounds = array<i64: 1, 2, 1000, 128>}, {transform_indices = @transform_5, window_bounds = array<i64: 1, 2, 1000, 128>}, {transform_indices = @transform_6, window_bounds = array<i64: 1, 1000, 128>}, {transform_indices = @transform_7, window_bounds = array<i64: 1, 1000, 128>}, {transform_indices = @transform_8, window_bounds = array<i64: 1000, 128>}, {transform_indices = @transform_9, window_bounds = array<i64: 1000, 128>}, {transform_indices = @transform_10, window_bounds = array<i64: 1000, 128>}, {transform_indices = @transform_11, window_bounds = array<i64: 1000, 128>}, {transform_indices = @transform_12, window_bounds = array<i64: 1, 1, 128>}, {transform_indices = @transform_13, window_bounds = array<i64: 1, 1, 128>}]} {
    %get3A = arith.constant 0 : index
    %get3A_0 = arith.constant 0 : index
    %get3A_1 = arith.constant 0 : index
    %get3A_2 = vector.load %arg7[%get3A, %get3A_0, %get3A_1] : memref<1x1000x128xf32, #tpu.memory_space<vmem>>, vector<1x1000x128xf32>
    %get3A_3 = vector.shape_cast %get3A_2 : vector<1x1000x128xf32> to vector<1000x128xf32>
    %slice3A = vector.extract_strided_slice %get3A_3 {offsets = [0, 0], sizes = [1000, 1], strides = [1, 1]} : vector<1000x128xf32> to vector<1000x1xf32>
    %add3A = arith.constant 1.000000e+00 : f32
    %add3A_4 = vector.broadcast %add3A : f32 to vector<1000x1xf32>
    %add3A_5 = arith.addf %slice3A, %add3A_4 : vector<1000x1xf32>
    %get3A_6 = arith.constant 0 : index
    %get3A_7 = arith.constant 0 : index
    %get3A_8 = arith.constant 0 : index
    %get3A_9 = vector.load %arg8[%get3A_6, %get3A_7, %get3A_8] : memref<1x1000x128xf32, #tpu.memory_space<vmem>>, vector<1x1000x128xf32>
    %get3A_10 = vector.shape_cast %get3A_9 : vector<1x1000x128xf32> to vector<1000x128xf32>
    %slice3A_11 = vector.extract_strided_slice %get3A_10 {offsets = [0, 0], sizes = [1000, 1], strides = [1, 1]} : vector<1000x128xf32> to vector<1000x1xf32>
    %add3A_12 = arith.constant 1.000000e+00 : f32
    %add3A_13 = vector.broadcast %add3A_12 : f32 to vector<1000x1xf32>
    %add3A_14 = arith.addf %slice3A_11, %add3A_13 : vector<1000x1xf32>
    %get3A_15 = arith.constant 0 : index
    %get3A_16 = arith.constant 0 : index
    %get3A_17 = arith.constant 0 : index
    %get3A_18 = arith.constant 0 : index
    %get3A_19 = vector.load %arg5[%get3A_15, %get3A_16, %get3A_17, %get3A_18] : memref<1x2x1000x128xf32, #tpu.memory_space<vmem>>, vector<1x1x1000x128xf32>
    %get3A_20 = vector.shape_cast %get3A_19 : vector<1x1x1000x128xf32> to vector<1000x128xf32>
    %get3A_21 = arith.constant 0 : index
    %get3A_22 = arith.constant 0 : index
    %get3A_23 = vector.load %arg1[%get3A_21, %get3A_22] : memref<1000x128xf32, #tpu.memory_space<vmem>>, vector<1000x128xf32>
    %add3A_24 = arith.addf %get3A_20, %get3A_23 : vector<1000x128xf32>
    %div3A = vector.broadcast %add3A_5 : vector<1000x1xf32> to vector<1000x128xf32>
    %div3A_25 = arith.divf %add3A_24, %div3A : vector<1000x128xf32>
    %max3A = arith.constant 0.000000e+00 : f32
    %max3A_26 = vector.broadcast %max3A : f32 to vector<1000x128xf32>
    %max3A_27 = arith.maximumf %div3A_25, %max3A_26 : vector<1000x128xf32>
    %get3A_28 = arith.constant 0 : index
    %get3A_29 = arith.constant 1 : index
    %get3A_30 = arith.constant 0 : index
    %get3A_31 = arith.constant 0 : index
    %get3A_32 = vector.load %arg5[%get3A_28, %get3A_29, %get3A_30, %get3A_31] : memref<1x2x1000x128xf32, #tpu.memory_space<vmem>>, vector<1x1x1000x128xf32>
    %get3A_33 = vector.shape_cast %get3A_32 : vector<1x1x1000x128xf32> to vector<1000x128xf32>
    %get3A_34 = arith.constant 0 : index
    %get3A_35 = arith.constant 0 : index
    %get3A_36 = vector.load %arg2[%get3A_34, %get3A_35] : memref<1000x128xf32, #tpu.memory_space<vmem>>, vector<1000x128xf32>
    %add3A_37 = arith.addf %get3A_33, %get3A_36 : vector<1000x128xf32>
    %div3A_38 = vector.broadcast %add3A_5 : vector<1000x1xf32> to vector<1000x128xf32>
    %div3A_39 = arith.divf %add3A_37, %div3A_38 : vector<1000x128xf32>
    %max3A_40 = arith.constant 0.000000e+00 : f32
    %max3A_41 = vector.broadcast %max3A_40 : f32 to vector<1000x128xf32>
    %max3A_42 = arith.maximumf %div3A_39, %max3A_41 : vector<1000x128xf32>
    %get3A_43 = arith.constant 0 : index
    %get3A_44 = arith.constant 0 : index
    %get3A_45 = arith.constant 0 : index
    %get3A_46 = arith.constant 0 : index
    %get3A_47 = vector.load %arg6[%get3A_43, %get3A_44, %get3A_45, %get3A_46] : memref<1x2x1000x128xf32, #tpu.memory_space<vmem>>, vector<1x1x1000x128xf32>
    %get3A_48 = vector.shape_cast %get3A_47 : vector<1x1x1000x128xf32> to vector<1000x128xf32>
    %get3A_49 = arith.constant 0 : index
    %get3A_50 = arith.constant 0 : index
    %get3A_51 = vector.load %arg3[%get3A_49, %get3A_50] : memref<1000x128xf32, #tpu.memory_space<vmem>>, vector<1000x128xf32>
    %add3A_52 = arith.addf %get3A_48, %get3A_51 : vector<1000x128xf32>
    %div3A_53 = vector.broadcast %add3A_14 : vector<1000x1xf32> to vector<1000x128xf32>
    %div3A_54 = arith.divf %add3A_52, %div3A_53 : vector<1000x128xf32>
    %max3A_55 = arith.constant 0.000000e+00 : f32
    %max3A_56 = vector.broadcast %max3A_55 : f32 to vector<1000x128xf32>
    %max3A_57 = arith.maximumf %div3A_54, %max3A_56 : vector<1000x128xf32>
    %get3A_58 = arith.constant 0 : index
    %get3A_59 = arith.constant 1 : index
    %get3A_60 = arith.constant 0 : index
    %get3A_61 = arith.constant 0 : index
    %get3A_62 = vector.load %arg6[%get3A_58, %get3A_59, %get3A_60, %get3A_61] : memref<1x2x1000x128xf32, #tpu.memory_space<vmem>>, vector<1x1x1000x128xf32>
    %get3A_63 = vector.shape_cast %get3A_62 : vector<1x1x1000x128xf32> to vector<1000x128xf32>
    %get3A_64 = arith.constant 0 : index
    %get3A_65 = arith.constant 0 : index
    %get3A_66 = vector.load %arg4[%get3A_64, %get3A_65] : memref<1000x128xf32, #tpu.memory_space<vmem>>, vector<1000x128xf32>
    %add3A_67 = arith.addf %get3A_63, %get3A_66 : vector<1000x128xf32>
    %div3A_68 = vector.broadcast %add3A_14 : vector<1000x1xf32> to vector<1000x128xf32>
    %div3A_69 = arith.divf %add3A_67, %div3A_68 : vector<1000x128xf32>
    %max3A_70 = arith.constant 0.000000e+00 : f32
    %max3A_71 = vector.broadcast %max3A_70 : f32 to vector<1000x128xf32>
    %max3A_72 = arith.maximumf %div3A_69, %max3A_71 : vector<1000x128xf32>
    %swap3A = arith.constant 0 : index
    %swap3A_73 = arith.constant 0 : index
    %swap3A_74 = vector.load %arg9[%swap3A, %swap3A_73] : memref<1000x128xf32, #tpu.memory_space<vmem>>, vector<1000x128xf32>
    tpu.vector_store %arg9[%swap3A, %swap3A_73], %max3A_27 {strides = array<i32>} : memref<1000x128xf32, #tpu.memory_space<vmem>>, vector<1000x128xf32>,
    %swap3A_75 = arith.constant 0 : index
    %swap3A_76 = arith.constant 0 : index
    %swap3A_77 = vector.load %arg10[%swap3A_75, %swap3A_76] : memref<1000x128xf32, #tpu.memory_space<vmem>>, vector<1000x128xf32>
    tpu.vector_store %arg10[%swap3A_75, %swap3A_76], %max3A_57 {strides = array<i32>} : memref<1000x128xf32, #tpu.memory_space<vmem>>, vector<1000x128xf32>,
    %swap3A_78 = arith.constant 0 : index
    %swap3A_79 = arith.constant 0 : index
    %swap3A_80 = vector.load %arg11[%swap3A_78, %swap3A_79] : memref<1000x128xf32, #tpu.memory_space<vmem>>, vector<1000x128xf32>
    tpu.vector_store %arg11[%swap3A_78, %swap3A_79], %max3A_42 {strides = array<i32>} : memref<1000x128xf32, #tpu.memory_space<vmem>>, vector<1000x128xf32>,
    %swap3A_81 = arith.constant 0 : index
    %swap3A_82 = arith.constant 0 : index
    %swap3A_83 = vector.load %arg12[%swap3A_81, %swap3A_82] : memref<1000x128xf32, #tpu.memory_space<vmem>>, vector<1000x128xf32>
    tpu.vector_store %arg12[%swap3A_81, %swap3A_82], %max3A_72 {strides = array<i32>} : memref<1000x128xf32, #tpu.memory_space<vmem>>, vector<1000x128xf32>,
    %reduce_sum3A = arith.constant dense<0.000000e+00> : vector<128xf32>
    %reduce_sum3A_84 = vector.multi_reduction <add>, %max3A_27, %reduce_sum3A [0] : vector<1000x128xf32> to vector<128xf32>
    %broadcast_in_dim3A = vector.shape_cast %reduce_sum3A_84 : vector<128xf32> to vector<1x128xf32>
    %swap3A_85 = arith.constant 0 : index
    %swap3A_86 = arith.constant 0 : index
    %swap3A_87 = arith.constant 0 : index
    %swap3A_88 = vector.load %arg13[%swap3A_85, %swap3A_86, %swap3A_87] : memref<1x1x128xf32, #tpu.memory_space<vmem>>, vector<1x1x128xf32>
    %swap3A_89 = vector.shape_cast %swap3A_88 : vector<1x1x128xf32> to vector<1x128xf32>
    %swap3A_90 = vector.shape_cast %broadcast_in_dim3A : vector<1x128xf32> to vector<1x1x128xf32>
    tpu.vector_store %arg13[%swap3A_85, %swap3A_86, %swap3A_87], %swap3A_90 {strides = array<i32>} : memref<1x1x128xf32, #tpu.memory_space<vmem>>, vector<1x1x128xf32>,
    %reduce_sum3A_91 = arith.constant dense<0.000000e+00> : vector<128xf32>
    %reduce_sum3A_92 = vector.multi_reduction <add>, %max3A_57, %reduce_sum3A_91 [0] : vector<1000x128xf32> to vector<128xf32>
    %broadcast_in_dim3A_93 = vector.shape_cast %reduce_sum3A_92 : vector<128xf32> to vector<1x128xf32>
    %swap3A_94 = arith.constant 0 : index
    %swap3A_95 = arith.constant 0 : index
    %swap3A_96 = arith.constant 0 : index
    %swap3A_97 = vector.load %arg14[%swap3A_94, %swap3A_95, %swap3A_96] : memref<1x1x128xf32, #tpu.memory_space<vmem>>, vector<1x1x128xf32>
    %swap3A_98 = vector.shape_cast %swap3A_97 : vector<1x1x128xf32> to vector<1x128xf32>
    %swap3A_99 = vector.shape_cast %broadcast_in_dim3A_93 : vector<1x128xf32> to vector<1x1x128xf32>
    tpu.vector_store %arg14[%swap3A_94, %swap3A_95, %swap3A_96], %swap3A_99 {strides = array<i32>} : memref<1x1x128xf32, #tpu.memory_space<vmem>>, vector<1x1x128xf32>,
    return
  }
  func.func @transform_0(%arg0: i32) -> (i32, i32) {
    %c0_i32 = arith.constant 0 : i32
    %c0_i32_0 = arith.constant 0 : i32
    return %arg0, %c0_i32 : i32, i32
  }
  func.func @transform_1(%arg0: i32) -> (i32, i32) {
    %c0_i32 = arith.constant 0 : i32
    %c0_i32_0 = arith.constant 0 : i32
    return %arg0, %c0_i32 : i32, i32
  }
  func.func @transform_2(%arg0: i32) -> (i32, i32) {
    %c0_i32 = arith.constant 0 : i32
    %c0_i32_0 = arith.constant 0 : i32
    return %arg0, %c0_i32 : i32, i32
  }
  func.func @transform_3(%arg0: i32) -> (i32, i32) {
    %c0_i32 = arith.constant 0 : i32
    %c0_i32_0 = arith.constant 0 : i32
    return %arg0, %c0_i32 : i32, i32
  }
  func.func @transform_4(%arg0: i32) -> (i32, i32, i32, i32) {
    %c0_i32 = arith.constant 0 : i32
    %c0_i32_0 = arith.constant 0 : i32
    %c0_i32_1 = arith.constant 0 : i32
    %c0_i32_2 = arith.constant 0 : i32
    return %c0_i32, %c0_i32_0, %arg0, %c0_i32_1 : i32, i32, i32, i32
  }
  func.func @transform_5(%arg0: i32) -> (i32, i32, i32, i32) {
    %c1_i32 = arith.constant 1 : i32
    %c0_i32 = arith.constant 0 : i32
    %c0_i32_0 = arith.constant 0 : i32
    %c0_i32_1 = arith.constant 0 : i32
    return %c1_i32, %c0_i32, %arg0, %c0_i32_0 : i32, i32, i32, i32
  }
  func.func @transform_6(%arg0: i32) -> (i32, i32, i32) {
    %c0_i32 = arith.constant 0 : i32
    %c0_i32_0 = arith.constant 0 : i32
    %c0_i32_1 = arith.constant 0 : i32
    return %c0_i32, %arg0, %c0_i32_0 : i32, i32, i32
  }
  func.func @transform_7(%arg0: i32) -> (i32, i32, i32) {
    %c1_i32 = arith.constant 1 : i32
    %c0_i32 = arith.constant 0 : i32
    %c0_i32_0 = arith.constant 0 : i32
    return %c1_i32, %arg0, %c0_i32 : i32, i32, i32
  }
  func.func @transform_8(%arg0: i32) -> (i32, i32) {
    %c0_i32 = arith.constant 0 : i32
    %c0_i32_0 = arith.constant 0 : i32
    return %arg0, %c0_i32 : i32, i32
  }
  func.func @transform_9(%arg0: i32) -> (i32, i32) {
    %c0_i32 = arith.constant 0 : i32
    %c0_i32_0 = arith.constant 0 : i32
    return %arg0, %c0_i32 : i32, i32
  }
  func.func @transform_10(%arg0: i32) -> (i32, i32) {
    %c0_i32 = arith.constant 0 : i32
    %c0_i32_0 = arith.constant 0 : i32
    return %arg0, %c0_i32 : i32, i32
  }
  func.func @transform_11(%arg0: i32) -> (i32, i32) {
    %c0_i32 = arith.constant 0 : i32
    %c0_i32_0 = arith.constant 0 : i32
    return %arg0, %c0_i32 : i32, i32
  }
  func.func @transform_12(%arg0: i32) -> (i32, i32, i32) {
    %c0_i32 = arith.constant 0 : i32
    %c0_i32_0 = arith.constant 0 : i32
    %c0_i32_1 = arith.constant 0 : i32
    return %arg0, %c0_i32, %c0_i32_0 : i32, i32, i32
  }
  func.func @transform_13(%arg0: i32) -> (i32, i32, i32) {
    %c0_i32 = arith.constant 0 : i32
    %c0_i32_0 = arith.constant 0 : i32
    %c0_i32_1 = arith.constant 0 : i32
    return %arg0, %c0_i32, %c0_i32_0 : i32, i32, i32
  }
}

module attributes {stable_mosaic.version = 14 : i64} {
  func.func @_phase_b_body(%arg0: i32, %arg1: memref<1000x128xf32, #tpu.memory_space<vmem>>, %arg2: memref<1000x128xf32, #tpu.memory_space<vmem>>, %arg3: memref<1000x128xf32, #tpu.memory_space<vmem>>, %arg4: memref<1000x128xf32, #tpu.memory_space<vmem>>, %arg5: memref<1x1x128xf32, #tpu.memory_space<vmem>>, %arg6: memref<1x1x128xf32, #tpu.memory_space<vmem>>, %arg7: memref<128x128xf32, #tpu.memory_space<vmem>>, %arg8: memref<1x1000x128xf32, #tpu.memory_space<vmem>>, %arg9: memref<1x1x2000xf32, #tpu.memory_space<vmem>>, %arg10: memref<1x1x2000xf32, #tpu.memory_space<vmem>>, %arg11: memref<1x1xf32, #tpu.memory_space<vmem>>) attributes {dimension_semantics = [#tpu.dimension_semantics<arbitrary>], iteration_bounds = array<i64: 10>, scalar_prefetch = 0 : i64, scratch_operands = 0 : i64, tpu.core_type = #tpu.core_type<tc>, window_params = [{transform_indices = @transform_0, window_bounds = array<i64: 1000, 128>}, {transform_indices = @transform_1, window_bounds = array<i64: 1000, 128>}, {transform_indices = @transform_2, window_bounds = array<i64: 1000, 128>}, {transform_indices = @transform_3, window_bounds = array<i64: 1000, 128>}, {transform_indices = @transform_4, window_bounds = array<i64: 1, 1, 128>}, {transform_indices = @transform_5, window_bounds = array<i64: 1, 1, 128>}, {pipeline_mode = #tpu.pipeline_mode<synchronous>, transform_indices = @transform_6, window_bounds = array<i64: 128, 128>}, {transform_indices = @transform_7, window_bounds = array<i64: 1, 1000, 128>}, {transform_indices = @transform_8, window_bounds = array<i64: 1, 1, 2000>}, {transform_indices = @transform_9, window_bounds = array<i64: 1, 1, 2000>}, {pipeline_mode = #tpu.pipeline_mode<synchronous>, transform_indices = @transform_10, window_bounds = array<i64: 1, 1>}]} {
    %get3A = arith.constant 0 : index
    %get3A_0 = arith.constant 0 : index
    %get3A_1 = arith.constant 0 : index
    %get3A_2 = vector.load %arg5[%get3A, %get3A_0, %get3A_1] : memref<1x1x128xf32, #tpu.memory_space<vmem>>, vector<1x1x128xf32>
    %get3A_3 = vector.shape_cast %get3A_2 : vector<1x1x128xf32> to vector<1x128xf32>
    %mul3A = arith.constant 1.000000e-03 : f32
    %mul3A_4 = vector.broadcast %mul3A : f32 to vector<1x128xf32>
    %mul3A_5 = arith.mulf %get3A_3, %mul3A_4 : vector<1x128xf32>
    %logistic3A = arith.negf %mul3A_5 : vector<1x128xf32>
    %logistic3A_6 = math.exp %logistic3A : vector<1x128xf32>
    %logistic3A_7 = arith.constant 1.000000e+00 : f32
    %logistic3A_8 = vector.broadcast %logistic3A_7 : f32 to vector<1x128xf32>
    %logistic3A_9 = arith.addf %logistic3A_8, %logistic3A_6 : vector<1x128xf32>
    %logistic3A_10 = arith.divf %logistic3A_8, %logistic3A_9 : vector<1x128xf32>
    %get3A_11 = arith.constant 0 : index
    %get3A_12 = arith.constant 0 : index
    %get3A_13 = arith.constant 0 : index
    %get3A_14 = vector.load %arg6[%get3A_11, %get3A_12, %get3A_13] : memref<1x1x128xf32, #tpu.memory_space<vmem>>, vector<1x1x128xf32>
    %get3A_15 = vector.shape_cast %get3A_14 : vector<1x1x128xf32> to vector<1x128xf32>
    %mul3A_16 = arith.constant 1.000000e-03 : f32
    %mul3A_17 = vector.broadcast %mul3A_16 : f32 to vector<1x128xf32>
    %mul3A_18 = arith.mulf %get3A_15, %mul3A_17 : vector<1x128xf32>
    %logistic3A_19 = arith.negf %mul3A_18 : vector<1x128xf32>
    %logistic3A_20 = math.exp %logistic3A_19 : vector<1x128xf32>
    %logistic3A_21 = arith.constant 1.000000e+00 : f32
    %logistic3A_22 = vector.broadcast %logistic3A_21 : f32 to vector<1x128xf32>
    %logistic3A_23 = arith.addf %logistic3A_22, %logistic3A_20 : vector<1x128xf32>
    %logistic3A_24 = arith.divf %logistic3A_22, %logistic3A_23 : vector<1x128xf32>
    %get3A_25 = arith.constant 0 : index
    %get3A_26 = arith.constant 0 : index
    %get3A_27 = vector.load %arg7[%get3A_25, %get3A_26] : memref<128x128xf32, #tpu.memory_space<vmem>>, vector<128x128xf32>
    %dot_general3A = arith.constant dense<0.000000e+00> : vector<1x128xf32>
    %dot_general3A_28 = tpu.matmul %logistic3A_10, %get3A_27, %dot_general3A {dimension_numbers = #tpu.dot_dimension_numbers<[1], [1], [0], [0], [0, 0, 1, 0], [], []>, transpose_lhs_hint = false} : vector<1x128xf32>, vector<128x128xf32>, vector<1x128xf32> -> vector<1x128xf32>
    %dot_general3A_29 = arith.constant dense<0.000000e+00> : vector<1x128xf32>
    %dot_general3A_30 = tpu.matmul %logistic3A_24, %get3A_27, %dot_general3A_29 {dimension_numbers = #tpu.dot_dimension_numbers<[1], [1], [0], [0], [0, 0, 1, 0], [], []>, transpose_lhs_hint = false} : vector<1x128xf32>, vector<128x128xf32>, vector<1x128xf32> -> vector<1x128xf32>
    %get3A_31 = arith.constant 0 : index
    %get3A_32 = arith.constant 0 : index
    %get3A_33 = vector.load %arg1[%get3A_31, %get3A_32] : memref<1000x128xf32, #tpu.memory_space<vmem>>, vector<1000x128xf32>
    %get3A_34 = arith.constant 0 : index
    %get3A_35 = arith.constant 0 : index
    %get3A_36 = vector.load %arg2[%get3A_34, %get3A_35] : memref<1000x128xf32, #tpu.memory_space<vmem>>, vector<1000x128xf32>
    %get3A_37 = arith.constant 0 : index
    %get3A_38 = arith.constant 0 : index
    %get3A_39 = vector.load %arg3[%get3A_37, %get3A_38] : memref<1000x128xf32, #tpu.memory_space<vmem>>, vector<1000x128xf32>
    %get3A_40 = arith.constant 0 : index
    %get3A_41 = arith.constant 0 : index
    %get3A_42 = vector.load %arg4[%get3A_40, %get3A_41] : memref<1000x128xf32, #tpu.memory_space<vmem>>, vector<1000x128xf32>
    %dot_general3A_43 = arith.constant dense<0.000000e+00> : vector<1x1000xf32>
    %dot_general3A_44 = tpu.matmul %dot_general3A_28, %get3A_33, %dot_general3A_43 {dimension_numbers = #tpu.dot_dimension_numbers<[1], [1], [0], [0], [0, 0, 1, 0], [], []>, transpose_lhs_hint = false} : vector<1x128xf32>, vector<1000x128xf32>, vector<1x1000xf32> -> vector<1x1000xf32>
    %dot_general3A_45 = arith.constant dense<0.000000e+00> : vector<1x1000xf32>
    %dot_general3A_46 = tpu.matmul %dot_general3A_28, %get3A_39, %dot_general3A_45 {dimension_numbers = #tpu.dot_dimension_numbers<[1], [1], [0], [0], [0, 0, 1, 0], [], []>, transpose_lhs_hint = false} : vector<1x128xf32>, vector<1000x128xf32>, vector<1x1000xf32> -> vector<1x1000xf32>
    %dot_general3A_47 = arith.constant dense<0.000000e+00> : vector<1x1000xf32>
    %dot_general3A_48 = tpu.matmul %dot_general3A_30, %get3A_36, %dot_general3A_47 {dimension_numbers = #tpu.dot_dimension_numbers<[1], [1], [0], [0], [0, 0, 1, 0], [], []>, transpose_lhs_hint = false} : vector<1x128xf32>, vector<1000x128xf32>, vector<1x1000xf32> -> vector<1x1000xf32>
    %dot_general3A_49 = arith.constant dense<0.000000e+00> : vector<1x1000xf32>
    %dot_general3A_50 = tpu.matmul %dot_general3A_30, %get3A_42, %dot_general3A_49 {dimension_numbers = #tpu.dot_dimension_numbers<[1], [1], [0], [0], [0, 0, 1, 0], [], []>, transpose_lhs_hint = false} : vector<1x128xf32>, vector<1000x128xf32>, vector<1x1000xf32> -> vector<1x1000xf32>
    %concatenate3A = tpu.concatenate %dot_general3A_44, %dot_general3A_46 in 1 : vector<1x1000xf32>, vector<1x1000xf32> -> vector<1x2000xf32>
    %swap3A = arith.constant 0 : index
    %swap3A_51 = arith.constant 0 : index
    %swap3A_52 = arith.constant 0 : index
    %swap3A_53 = vector.load %arg9[%swap3A, %swap3A_51, %swap3A_52] : memref<1x1x2000xf32, #tpu.memory_space<vmem>>, vector<1x1x2000xf32>
    %swap3A_54 = vector.shape_cast %swap3A_53 : vector<1x1x2000xf32> to vector<1x2000xf32>
    %swap3A_55 = vector.shape_cast %concatenate3A : vector<1x2000xf32> to vector<1x1x2000xf32>
    tpu.vector_store %arg9[%swap3A, %swap3A_51, %swap3A_52], %swap3A_55 {strides = array<i32>} : memref<1x1x2000xf32, #tpu.memory_space<vmem>>, vector<1x1x2000xf32>,
    %concatenate3A_56 = tpu.concatenate %dot_general3A_48, %dot_general3A_50 in 1 : vector<1x1000xf32>, vector<1x1000xf32> -> vector<1x2000xf32>
    %swap3A_57 = arith.constant 0 : index
    %swap3A_58 = arith.constant 0 : index
    %swap3A_59 = arith.constant 0 : index
    %swap3A_60 = vector.load %arg10[%swap3A_57, %swap3A_58, %swap3A_59] : memref<1x1x2000xf32, #tpu.memory_space<vmem>>, vector<1x1x2000xf32>
    %swap3A_61 = vector.shape_cast %swap3A_60 : vector<1x1x2000xf32> to vector<1x2000xf32>
    %swap3A_62 = vector.shape_cast %concatenate3A_56 : vector<1x2000xf32> to vector<1x1x2000xf32>
    tpu.vector_store %arg10[%swap3A_57, %swap3A_58, %swap3A_59], %swap3A_62 {strides = array<i32>} : memref<1x1x2000xf32, #tpu.memory_space<vmem>>, vector<1x1x2000xf32>,
    %get3A_63 = arith.constant 0 : index
    %get3A_64 = arith.constant 0 : index
    %get3A_65 = arith.constant 0 : index
    %get3A_66 = vector.load %arg8[%get3A_63, %get3A_64, %get3A_65] : memref<1x1000x128xf32, #tpu.memory_space<vmem>>, vector<1x1000x128xf32>
    %get3A_67 = vector.shape_cast %get3A_66 : vector<1x1000x128xf32> to vector<1000x128xf32>
    %add3A = arith.addf %get3A_33, %get3A_36 : vector<1000x128xf32>
    %mul3A_68 = arith.constant 5.000000e-01 : f32
    %mul3A_69 = vector.broadcast %mul3A_68 : f32 to vector<1000x128xf32>
    %mul3A_70 = arith.mulf %mul3A_69, %add3A : vector<1000x128xf32>
    %add3A_71 = arith.addf %get3A_39, %get3A_42 : vector<1000x128xf32>
    %mul3A_72 = arith.constant 5.000000e-01 : f32
    %mul3A_73 = vector.broadcast %mul3A_72 : f32 to vector<1000x128xf32>
    %mul3A_74 = arith.mulf %mul3A_73, %add3A_71 : vector<1000x128xf32>
    %sub3A = arith.subf %get3A_67, %mul3A_70 : vector<1000x128xf32>
    %integer_pow3A = arith.mulf %sub3A, %sub3A : vector<1000x128xf32>
    %reduce_sum3A = vector.shape_cast %integer_pow3A : vector<1000x128xf32> to vector<1x1000x128xf32>
    %reduce_sum3A_75 = arith.constant dense<0.000000e+00> : vector<1xf32>
    %reduce_sum3A_76 = vector.multi_reduction <add>, %reduce_sum3A, %reduce_sum3A_75 [1, 2] : vector<1x1000x128xf32> to vector<1xf32>
    %reduce_sum3A_77 = vector.shape_cast %reduce_sum3A_76 : vector<1xf32> to vector<1x1x1xf32>
    %reduce_sum3A_78 = vector.extract %reduce_sum3A_77[0, 0, 0] : f32 from vector<1x1x1xf32>
    %sub3A_79 = arith.subf %get3A_67, %mul3A_74 : vector<1000x128xf32>
    %integer_pow3A_80 = arith.mulf %sub3A_79, %sub3A_79 : vector<1000x128xf32>
    %reduce_sum3A_81 = vector.shape_cast %integer_pow3A_80 : vector<1000x128xf32> to vector<1x1000x128xf32>
    %reduce_sum3A_82 = arith.constant dense<0.000000e+00> : vector<1xf32>
    %reduce_sum3A_83 = vector.multi_reduction <add>, %reduce_sum3A_81, %reduce_sum3A_82 [1, 2] : vector<1x1000x128xf32> to vector<1xf32>
    %reduce_sum3A_84 = vector.shape_cast %reduce_sum3A_83 : vector<1xf32> to vector<1x1x1xf32>
    %reduce_sum3A_85 = vector.extract %reduce_sum3A_84[0, 0, 0] : f32 from vector<1x1x1xf32>
    %sub3A_86 = arith.subf %reduce_sum3A_78, %reduce_sum3A_85 : f32
    %eq3A = arith.constant 0 : i32
    %eq3A_87 = arith.cmpi eq, %arg0, %eq3A : i32
    %broadcast_in_dim3A = arith.constant 0.000000e+00 : f32
    %broadcast_in_dim3A_88 = vector.broadcast %broadcast_in_dim3A : f32 to vector<1x1xf32>
    %get3A_89 = arith.constant 0 : index
    %get3A_90 = arith.constant 0 : index
    %get3A_91 = vector.load %arg11[%get3A_89, %get3A_90] : memref<1x1xf32, #tpu.memory_space<vmem>>, vector<1x1xf32>
    %select_n3A = arith.select %eq3A_87, %broadcast_in_dim3A_88, %get3A_91 : vector<1x1xf32>
    %add3A_92 = vector.broadcast %sub3A_86 : f32 to vector<1x1xf32>
    %add3A_93 = arith.addf %select_n3A, %add3A_92 : vector<1x1xf32>
    %swap3A_94 = arith.constant 0 : index
    %swap3A_95 = arith.constant 0 : index
    %swap3A_96 = vector.load %arg11[%swap3A_94, %swap3A_95] : memref<1x1xf32, #tpu.memory_space<vmem>>, vector<1x1xf32>
    tpu.vector_store %arg11[%swap3A_94, %swap3A_95], %add3A_93 {strides = array<i32>} : memref<1x1xf32, #tpu.memory_space<vmem>>, vector<1x1xf32>,
    return
  }
  func.func @transform_0(%arg0: i32) -> (i32, i32) {
    %c0_i32 = arith.constant 0 : i32
    %c0_i32_0 = arith.constant 0 : i32
    return %arg0, %c0_i32 : i32, i32
  }
  func.func @transform_1(%arg0: i32) -> (i32, i32) {
    %c0_i32 = arith.constant 0 : i32
    %c0_i32_0 = arith.constant 0 : i32
    return %arg0, %c0_i32 : i32, i32
  }
  func.func @transform_2(%arg0: i32) -> (i32, i32) {
    %c0_i32 = arith.constant 0 : i32
    %c0_i32_0 = arith.constant 0 : i32
    return %arg0, %c0_i32 : i32, i32
  }
  func.func @transform_3(%arg0: i32) -> (i32, i32) {
    %c0_i32 = arith.constant 0 : i32
    %c0_i32_0 = arith.constant 0 : i32
    return %arg0, %c0_i32 : i32, i32
  }
  func.func @transform_4(%arg0: i32) -> (i32, i32, i32) {
    %c0_i32 = arith.constant 0 : i32
    %c0_i32_0 = arith.constant 0 : i32
    %c0_i32_1 = arith.constant 0 : i32
    return %arg0, %c0_i32, %c0_i32_0 : i32, i32, i32
  }
  func.func @transform_5(%arg0: i32) -> (i32, i32, i32) {
    %c0_i32 = arith.constant 0 : i32
    %c0_i32_0 = arith.constant 0 : i32
    %c0_i32_1 = arith.constant 0 : i32
    return %arg0, %c0_i32, %c0_i32_0 : i32, i32, i32
  }
  func.func @transform_6(%arg0: i32) -> (i32, i32) {
    %c0_i32 = arith.constant 0 : i32
    %c0_i32_0 = arith.constant 0 : i32
    %c0_i32_1 = arith.constant 0 : i32
    return %c0_i32, %c0_i32_0 : i32, i32
  }
  func.func @transform_7(%arg0: i32) -> (i32, i32, i32) {
    %c0_i32 = arith.constant 0 : i32
    %c0_i32_0 = arith.constant 0 : i32
    %c0_i32_1 = arith.constant 0 : i32
    return %arg0, %c0_i32, %c0_i32_0 : i32, i32, i32
  }
  func.func @transform_8(%arg0: i32) -> (i32, i32, i32) {
    %c0_i32 = arith.constant 0 : i32
    %c0_i32_0 = arith.constant 0 : i32
    %c0_i32_1 = arith.constant 0 : i32
    return %arg0, %c0_i32, %c0_i32_0 : i32, i32, i32
  }
  func.func @transform_9(%arg0: i32) -> (i32, i32, i32) {
    %c0_i32 = arith.constant 0 : i32
    %c0_i32_0 = arith.constant 0 : i32
    %c0_i32_1 = arith.constant 0 : i32
    return %arg0, %c0_i32, %c0_i32_0 : i32, i32, i32
  }
  func.func @transform_10(%arg0: i32) -> (i32, i32) {
    %c0_i32 = arith.constant 0 : i32
    %c0_i32_0 = arith.constant 0 : i32
    %c0_i32_1 = arith.constant 0 : i32
    return %c0_i32, %c0_i32_0 : i32, i32
  }
}

</mosaic_0001>

<sc_bundles>
// kernel: kernel.6.cloned.1.call-start
scs
__scs_entry_jumppad:
0x0: {  	(pc) =	sbr.rel $0x88, $3  }
0x1: {  	(tag) =	ssettag $0x0;
	lr =	simm.s32 $0x1  }
0x2: {  	[smem:$0x3F96] =	sst lr;
	_ =	strace $0xD0000000  }
0x3: {  	_ = 	snop  }
0x4: {  	_ = 	snop  }
0x5: {  	_ = 	snop  }
0x6: {  	_ = 	snop  }
0x7: {  	_ = 	snop  }
__scs_overlays_trampoline_lowered:
0x8: {  	[smem:$0x3FA5] =	sst s0  }
0x9: {  	[smem:$0x3FA6] =	sst s1  }
0xa: {  	[smem:$0x3FA7] =	sst s2  }
0xb: {  	[smem:$0x3FA8] =	sst s3  }
0xc: {  	[smem:$0x3FA9] =	sst s4  }
0xd: {  	[smem:$0x3FAA] =	sst s5  }
0xe: {  	[smem:$0x3FAB] =	sst s6  }
0xf: {  	[smem:$0x3FAC] =	sst s7  }
0x10: {  	[smem:$0x3FAD] =	sst s8  }
0x11: {  	[smem:$0x3FAE] =	sst s9;
	s0 =	simm.s32 @!p0 $0x0  }
0x12: {  	s1 =	sld [smem:$0x3F94];
	s0 =	simm.s32 @p0 $0x1  }
0x13: {  	[smem:$0x3FAF] =	sst s0;
	s0 =	simm.s32 @!p1 $0x0  }
0x14: {  	s2 =	sld [smem:$0x3F93];
	s0 =	simm.s32 @p1 $0x1  }
0x15: {  	[smem:$0x3FB0] =	sst s0;
	s0 =	simm.s32 @!p2 $0x0  }
0x16: {  	s3 =	sld [smem:$0x3FDB];
	s0 =	simm.s32 @p2 $0x1  }
0x17: {  	s4 =	simm.s32 $0x1BF5;
	[smem:$0x3FB2] =	sst s0  }
0x18: {  	s0 =	sld [smem:$0x3F95];
	_ =	swait.ge [sflag:s4], $0x0  }
0x19: {  	s7 =	sld [smem:$0x3F96]  }
0x1a: {  	s8 =	sadd.s32 $0xFFFFE003, lr  }
0x1b: {  	s9 =	sadd.s32 $0xFFFFFEF7, lr;
	s5 =	simm.s32 $0xFFFFFFFF;
	p2 =	slt.u32 s8, $0xFFFFF086  }
0x1c: {  	p1 =	slt.u32 s9, $0xF7A;
	s5 =	simm.s32 @!p2 $0x0  }
0x1d: {  	s5 =	simm.s32 @p1 $0x1;
	p0 =	seq.s32 s7, s2  }
0x1e: {  	s7 =	smul.u32 @!p0 $0xF7A, s2;
	p2 =	seq.s32 @!p0 s5, $0x0  }
0x1f: {  	s9 =	smul.u32 $0xF7A, s1;
	s8 =	simm.s32 @!p0 $0x1BF5;
	p2 =	por !p2, p0  }
0x20: {  	[sflag:s8] =	ssyncset.s32 @!p0 $0xFFFFF086;
	s6 =	sadd.s32 @!p0 s3, s7;
	s7 =	simm.s32 @!p0 $0x108  }
0x21: {  	s3 =	sadd.s32 s3, s9;
	s6 =	sadd.s32 @!p0 $0x88, s6;
	s7 =	simm.s32 @p2 $0x1082  }
0x22: {  	[simem:s7], [sflag:s8] =	dma.local @!p0 [hbm:s6], $0xF7A  }
0x23: {  	s9 =	sor.u32 $0xD0000000, s2;
	s6 =	simm.s32 $0x108;
	_ =	swait.ge @!p0 [sflag:s8], $0x0  }
0x24: {  	s3 =	sadd.s32 $0x88, s3;
	s6 =	simm.s32 @!p1 $0x1082;
	[sflag:s4] =	ssyncset.s32 $0xFFFFF086  }
0x25: {  	[simem:s6], [sflag:s4] =	dma.local [hbm:s3], $0xF7A  }
0x26: {  	[smem:$0x3F96] =	sst s1;
	(tag) =	ssettag s2;
	_ =	strace s9  }
0x27: {  	s1 =	sld [smem:$0x3FA6]  }
0x28: {  	s2 =	sld [smem:$0x3FA7]  }
0x29: {  	s4 =	sld [smem:$0x3FA9]  }
0x2a: {  	p0 =	seq.s32 s5, $0x0;
	s5 =	sld [smem:$0x3FAA]  }
0x2b: {  	s6 =	sld [smem:$0x3FAB]  }
0x2c: {  	s7 =	sld [smem:$0x3FAC]  }
0x2d: {  	s3 =	simm.s32 $0x108;
	s8 =	sld [smem:$0x3FAD]  }
0x2e: {  	s3 =	simm.s32 @!p0 $0x1082;
	s9 =	sld [smem:$0x3FAE]  }
0x2f: {  	lr =	sadd.s32 s0, s3;
	s0 =	sld [smem:$0x3FA5]  }
0x30: {  	s3 =	sld [smem:$0x3FA8]  }
0x31: {  	[smem:$0x3FB1] =	sst s10  }
0x32: {  	s10 =	sld [smem:$0x3FAF];
	_ =	sdelay $0x3  }
0x33: {  	p0 =	seq.s32 s10, $0x1;
	s10 =	sld [smem:$0x3FB1];
	_ =	sdelay $0x3  }
0x34: {  	[smem:$0x3FB1] =	sst s10  }
0x35: {  	s10 =	sld [smem:$0x3FB0];
	_ =	sdelay $0x3  }
0x36: {  	p1 =	seq.s32 s10, $0x1;
	s10 =	sld [smem:$0x3FB1];
	_ =	sdelay $0x3  }
0x37: {  	[smem:$0x3FB1] =	sst s10  }
0x38: {  	s10 =	sld [smem:$0x3FB2]  }
0x39: {  	_ = 	snop;
	(pc) =	sbr.ind lr, $3  }
0x3a: {  	_ = 	snop  }
0x3b: {  	_ = 	snop  }
0x3c: {  	p2 =	seq.s32 s10, $0x1;
	s10 =	sld [smem:$0x3FB1]  }
0x3d: {  	_ =	shalt  }
0x3e: {  	_ =	shalt  }
0x3f: {  	_ =	shalt  }
0x40: {  	_ =	shalt  }
0x41: {  	_ =	shalt  }
0x42: {  	_ =	shalt  }
0x43: {  	_ =	shalt  }
0x44: {  	_ =	shalt  }
0x45: {  	_ =	shalt  }
0x46: {  	_ =	shalt  }
0x47: {  	_ =	shalt  }
0x48: {  	_ =	shalt  }
0x49: {  	_ =	shalt  }
0x4a: {  	_ =	shalt  }
0x4b: {  	_ =	shalt  }
0x4c: {  	_ =	shalt  }
0x4d: {  	_ =	shalt  }
0x4e: {  	_ =	shalt  }
0x4f: {  	_ =	shalt  }
0x50: {  	_ =	shalt  }
0x51: {  	_ =	shalt  }
0x52: {  	_ =	shalt  }
0x53: {  	_ =	shalt  }
0x54: {  	_ =	shalt  }
0x55: {  	_ =	shalt  }
0x56: {  	_ =	shalt  }
0x57: {  	_ =	shalt  }
0x58: {  	_ =	shalt  }
0x59: {  	_ =	shalt  }
0x5a: {  	_ =	shalt  }
0x5b: {  	_ =	shalt  }
0x5c: {  	_ =	shalt  }
0x5d: {  	_ =	shalt  }
0x5e: {  	_ =	shalt  }
0x5f: {  	_ =	shalt  }
0x60: {  	_ =	shalt  }
0x61: {  	_ =	shalt  }
0x62: {  	_ =	shalt  }
0x63: {  	_ =	shalt  }
0x64: {  	_ =	shalt  }
0x65: {  	_ =	shalt  }
0x66: {  	_ =	shalt  }
0x67: {  	_ =	shalt  }
0x68: {  	_ =	shalt  }
0x69: {  	_ =	shalt  }
0x6a: {  	_ =	shalt  }
0x6b: {  	_ =	shalt  }
0x6c: {  	_ =	shalt  }
0x6d: {  	_ =	shalt  }
0x6e: {  	_ =	shalt  }
0x6f: {  	_ =	shalt  }
0x70: {  	_ =	shalt  }
0x71: {  	_ =	shalt  }
0x72: {  	_ =	shalt  }
0x73: {  	_ =	shalt  }
0x74: {  	_ =	shalt  }
0x75: {  	_ =	shalt  }
0x76: {  	_ =	shalt  }
0x77: {  	_ =	shalt  }
0x78: {  	_ =	shalt  }
0x79: {  	_ =	shalt  }
0x7a: {  	_ =	shalt  }
0x7b: {  	_ =	shalt  }
0x7c: {  	_ =	shalt  }
0x7d: {  	_ =	shalt  }
0x7e: {  	_ =	shalt  }
0x7f: {  	_ =	shalt  }
0x80: {  	_ =	shalt  }
0x81: {  	_ =	shalt  }
0x82: {  	_ =	shalt  }
0x83: {  	_ =	shalt  }
0x84: {  	_ =	shalt  }
0x85: {  	_ =	shalt  }
0x86: {  	_ =	shalt  }
0x87: {  	_ =	shalt  }
.Lfunc_end0:
.L_simem_size_0:
called_computation_lowered:
.L_overlay_start_0:
0x88: {  	s2 =	sld [smem:$0x3FD9]  }
0x89: {  	s3 =	sld [smem:$0x3FFE];
	_ =	sdelay $0x1  }
0x8a: {  	s1 =	srdreg.scid  }
0x8b: {  	s0 =	sand.u32 $0x1, s1  }
0x8c: {  	s14 =	sshll.u32 s0, $0xA;
	s2 =	sadd.s32 s3, s2  }
0x8d: {  	s2 =	sadd.s32 s2, s14  }
0x8e: {  	[smem:$0x3FBD] =	sst s2  }
0x8f: {  	_ = 	snop  }
0x90: {  	s2 =	sld [smem:$0x3FD0];
	_ =	sdelay $0x2  }
0x91: {  	s15 =	simm.s32 $0xA;
	s4 =	simm.s32 $0x10  }
0x92: {  	[smem:s4], [sflag:s15] =	dma.local [hbm:s2], $0x1  }
0x93: {  	_ =	swait.eq [sflag:s15], $0x1  }
0x94: {  	[sflag:s15] =	ssyncset.done $0x0  }
0x95: {  	[sflag:s15] =	ssyncadd.s32 $0xFFFFFFFF  }
0x96: {  	s16 =	sld [smem:$0x11];
	(tm) =	ssettm $0x1  }
0x97: {  	s17 =	sld [smem:$0x3FFB];
	_ =	sdelay $0x3  }
0x98: {  	_ =	strace s17  }
0x99: {  	s3 =	sld [smem:$0x3FFC];
	_ =	sdelay $0x3  }
0x9a: {  	_ =	strace s3  }
0x9b: {  	s3 =	sld [smem:$0x3FFD];
	_ =	sdelay $0x3  }
0x9c: {  	_ =	strace s3  }
0x9d: {  	_ =	strace $0x8FFFFFFF  }
0x9e: {  	s18 =	sld [smem:$0x3FDB];
	_ =	sdelay $0x1  }
0x9f: {  	s19 =	simm.s32 $_scs_section_size  }
0xa0: {  	s5 =	simm.s32 $_size__tile_overlayer_lowered;
	s6 =	simm.s32 $_tile_overlayer_lowered  }
0xa1: {  	s22 =	simm.s32 $0x1BFF;
	s21 =	sshll.u32 s6, $0x1;
	s3 =	sadd.s32 s19, s18  }
0xa2: {  	s7 =	simm.s32 $0x0;
	s20 =	sshll.u32 s5, $0x1;
	s5 =	sadd.s32 s21, s3  }
0xa3: {  	[timem:s7], [sflag:s22] =	dma.local [hbm:s5], s20  }
0xa4: {  	_ =	swait.ge [sflag:s22], s20  }
0xa5: {  	s4 =	ssub.s32 $0x0, s20;
	[sflag:s22] =	ssyncset.done $0x0  }
0xa6: {  	[sflag:s22] =	ssyncadd.s32 s4;
	_ =	sdelay $0x1  }
0xa7: {  	s23 =	simm.s32 $0x1B8B  }
0xa8: {  	_ =	swait.ge [sflag:s23], $0x1  }
0xa9: {  	[sflag:s23] =	ssyncset.done $0x0  }
0xaa: {  	s25 =	simm.s32 $0x1B8E;
	s24 =	sld [smem:$0x3FFE];
	[sflag:s23] =	ssyncadd.s32 $0xFFFFFFFF  }
0xab: {  	s26 =	simm.s32 $execute0_lowered;
	[smem:$0x3FD2] =	sst s25  }
0xac: {  	s5 =	sshll.u32 s26, $0x1;
	_ =	strace $0x80000046;
	[dreg:$0x1] =	wrdreg $0xFFFFFFFF  }
0xad: {  	s28 =	simm.s32 $_size_execute0_lowered;
	s3 =	sadd.s32 s3, s5;
	[dreg:$0x0] =	wrdreg $0x0  }
0xae: {  	s5 =	sshll.u32 s28, $0x1;
	[dreg:$0x2] =	wrdreg s3  }
0xaf: {  	[dreg:$0x3] =	wrdreg s5  }
0xb0: {  	[dreg:$0x4] =	wrdreg $0xC0  }
0xb1: {  	_ =	task [dreg:s7], $0x5FFFF  }
0xb2: {  	[dreg:$0x1] =	wrdreg $0xFFFFFFFF  }
0xb3: {  	[dreg:$0x0] =	wrdreg $0x60  }
0xb4: {  	[dreg:$0x2] =	wrdreg s24  }
0xb5: {  	[dreg:$0x3] =	wrdreg s16  }
0xb6: {  	[dreg:$0x4] =	wrdreg $0xA0000  }
0xb7: {  	[dreg:$0x5] =	wrdreg $0x9  }
0xb8: {  	_ =	task.clear_ibuf [dreg:s7], $0x6FFFF;
	_ =	strace $0x90000046  }
0xb9: {  	s29 =	simm.s32 $0x9;
	_ =	strace $0x80000048  }
0xba: {  	_ =	swait.ge [sflag:s29], $0x1  }
0xbb: {  	[sflag:s29] =	ssyncadd.s32 $0xFFFFFFFF  }
0xbc: {  	_ =	strace $0x90000048  }
0xbd: {  	_ =	sfence  }
0xbe: {  	s30 =	sld [smem:$0x0];
	_ =	sdelay $0x2  }
0xbf: {  	s31 =	sshll.u32 s1, $0xD;
	s1 =	sshrl.u32 s1, $0x2  }
0xc0: {  	s3 =	sand.u32 $0x4000, s31;
	s1 =	sadd.s32 s1, s30  }
0xc1: {  	s0 =	sor.u32 s3, s0;
	s1 =	sshll.u32 s1, $0x11  }
0xc2: {  	s0 =	sor.u32 s1, s0  }
0xc3: {  	s0 =	sadd.s32 $0x8F2B, s0  }
0xc4: {  	[sflag:s0] =	ssyncadd.remote.s32 $0x1  }
0xc5: {  	_ =	sfence.sel $0xFFFF  }
0xc6: {  	[dreg:$0x0] =	wrdreg $0xFFFFFFFF;
	(pc) =	sbr.abs _section_cstart, $3  }
0xc7: {  	[dreg:$0x1] =	wrdreg $0xFFFFFFFF  }
0xc8: {  	_ =	task.clear_ibuf [dreg:s7], $0x2FFFF;
	_ =	strace $0x9FFFFFFF  }
0xc9: {  	(tm) =	ssettm $0x7FFFFFFF  }
tec
execute0_lowered:
.L_overlay_start_1:
0x0: {  	(tag) =	ssettag $0x1  }
0x1: {  	s1 =	rddreg [dreg:$0x0]  }
0x2: {  	s2 =	rddreg [dreg:$0x2];
	s13 =	simm.s32 $0x0  }
0x3: {  	s0 =	srdreg.scid;
	s12 =	stileid.u32;
	s21 =	simm.s32 $0x100  }
0x4: {  	s23 =	simm.s32 $0x200;
	s25 =	simm.s32 $0x300;
	s29 =	simm.s32 $0x2000  }
0x5: {  	s30 =	simm.s32 $0x2;
	s31 =	simm.s32 $0xA00;
	[smem:$0x7FF] =	sst s13  }
0x6: {  	s0 =	sand.u32 $0x1, s0;
	s5 =	sadd.s32 $0x2800, s1;
	s4 =	smul.u32 $0x14000, s12  }
0x7: {  	s6 =	sadd.s32 $0x2A800, s1;
	s7 =	sadd.s32 $0x7A800, s1;
	s10 =	sadd.s32 $0xCA800, s1  }
0x8: {  	s8 =	smul.u32 $0x50000, s12;
	_ =	strace $0x80000047;
	[dreg:$0x14] =	wrdreg s10  }
0x9: {  	s17 =	sadd.s32 $0xA2800, s1;
	s28 =	smul.u32 $0xA000, s12;
	[dreg:$0x4] =	wrdreg s21  }
0xa: {  	s14 =	sadd.s32 $0x52800, s1;
	s3 =	smul.u32 $0x140000, s0;
	[dreg:$0x5] =	wrdreg s23  }
0xb: {  	s11 =	sshll.u32 s12, $0x6;
	s9 =	smul.u32 $0xA0000, s0;
	[dreg:$0x6] =	wrdreg s25  }
0xc: {  	s15 =	ssub.s32 $0x2, s0;
	s21 =	simm.s32 $0x1200;
	[dreg:$0x13] =	wrdreg s14  }
0xd: {  	s11 =	sor.u32 $0x1C05, s11;
	s23 =	simm.s32 $0x1300;
	[dreg:$0xc] =	wrdreg s21  }
0xe: {  	s25 =	simm.s32 $0x1500;
	p0 =	sne.s32 s0, $0x0;
	[dreg:$0xd] =	wrdreg s23  }
0xf: {  	s16 =	sshrl.u32 s15, $0x1;
	s8 =	sshrl.u32 s8, $0x2;
	[dreg:$0xf] =	wrdreg s25  }
0x10: {  	[dreg:$0x15] =	wrdreg s11;
	s3 =	sadd.s32 s4, s3;
	s9 =	sadd.s32 s28, s9  }
0x11: {  	s8 =	sadd.s32 s8, s2;
	s4 =	sshrl.u32 s28, $0x3;
	s28 =	simm.s32 $0x400  }
0x12: {  	s3 =	sshrl.u32 s3, $0x3;
	[dreg:$0x7] =	wrdreg s28;
	s28 =	simm.s32 $0x1700  }
0x13: {  	s8 =	sshrl.u32 s8, $0x3;
	s1 =	sadd.s32 s3, s1;
	[dreg:$0x11] =	wrdreg s28  }
0x14: {  	s3 =	ssub.s32 s15, s16;
	s15 =	sadd.s32 s14, s4;
	[dreg:$0x1e] =	wrdreg s8  }
0x15: {  	s18 =	sor.u32 $0x1000, s9;
	s16 =	simm.s32 $0x600;
	[dreg:$0x16] =	wrdreg s15  }
0x16: {  	s10 =	sshrl.u32 s18, $0x3;
	s20 =	sadd.s32 $0xCD000, s1;
	[dreg:$0x9] =	wrdreg s16  }
0x17: {  	p1 =	seq.s32 s0, $0x0;
	s19 =	sadd.s32 s10, s14;
	[dreg:$0x17] =	wrdreg s20  }
0x18: {  	s0 =	simm.s32 $0x6000;
	s22 =	sadd.s32 $0x14000, s15;
	[dreg:$0x12] =	wrdreg s19  }
0x19: {  	s26 =	sshrl.u32 s9, $0x3;
	s24 =	sadd.s32 $0x11D000, s1;
	[dreg:$0x18] =	wrdreg s22  }
0x1a: {  	s25 =	simm.s32 $0x1;
	s10 =	sadd.s32 s14, s26;
	[dreg:$0x19] =	wrdreg s24  }
0x1b: {  	s23 =	simm.s32 $0x980;
	s1 =	sadd.s32 $0x16D000, s1;
	[dreg:$0x1a] =	wrdreg s10  }
0x1c: {  	s18 =	smul.u32 $0x1400, s12;
	s15 =	simm.s32 $0x500;
	[dreg:$0x1b] =	wrdreg s1  }
0x1d: {  	s12 =	simm.s32 $0x1000;
	s3 =	smax.u32 s3, $0x1;
	[dreg:$0x8] =	wrdreg s15  }
0x1e: {  	s4 =	simm.s32 $0x4;
	s26 =	simm.s32 $0x1600;
	[dreg:$0x1c] =	wrdreg s3  }
0x1f: {  	s16 =	simm.s32 $0x880;
	s19 =	simm.s32 $0x700;
	[dreg:$0x10] =	wrdreg s26  }
0x20: {  	s20 =	simm.s32 $0x1100;
	s22 =	sadd.s32 $0x2000, s9;
	[dreg:$0xa] =	wrdreg s19  }
0x21: {  	s24 =	simm.s32 $0x1400;
	s26 =	simm.s32 $0x80;
	[dreg:$0xb] =	wrdreg s20  }
0x22: {  	s15 =	simm.s32 $0x800;
	s3 =	simm.s32 $0x0;
	[dreg:$0x1d] =	wrdreg s22  }
0x23: {  	s19 =	sadd.s32 s18, s14;
	s22 =	simm.s32 $0x5;
	[dreg:$0xe] =	wrdreg s24  }
0x24: {  	s24 =	simm.s32 $0x3;
	s20 =	simm.s32 $0x900;
	[smem:$0x7FD] =	sst s19  }
.LBB2_1:
0x25: {  	[dreg:$0x1f] =	wrdreg s3  }
0x26: {  	s1 =	rddreg [dreg:$0x14]  }
0x27: {  	[spmem:s8], [sflag:s11] =	dma.local [hbm:s1], $0x2800  }
0x28: {  	_ =	swait.ge [sflag:s22], $0x2800  }
0x29: {  	[sflag:s22] =	ssyncset.done $0x0  }
0x2a: {  	s14 =	sadd.s32 $0xFFFFEC00, s19;
	s11 =	rddreg [dreg:$0x16];
	[sflag:s22] =	ssyncadd.s32 $0xFFFFD800  }
0x2b: {  	[tilespmem:s13], [sflag:$0x3] =	stream.linear.gather [hbm4b:s11+s13], $0x1000, $0x38;
	[tilespmem:$0x1E000] =	vst v63  }
0x2c: {  	s1 =	sadd.s32 $0x1600, s14;
	[bflag:$0x0] =	sbarrier.arrive $0xFFFF  }
0x2d: {  	[tilespmem:s12], [sflag:$0x4] =	stream.linear.gather [hbm4b:s1+s13], $0x1000, $0x38;
	[tilespmem:$0x1E000] =	vst v63  }
0x2e: {  	_ =	swait.ge [sflag:s24], $0x1000  }
0x2f: {  	s3 =	simm.s32 @p0 $0x80;
	[sflag:s24] =	ssyncset.done $0x0  }
0x30: {  	s8 =	simm.s32 @p0 $0x0;
	s1 =	simm.s32 @p0 $0x2000;
	[sflag:s24] =	ssyncadd.s32 $0xFFFFF000  }
0x31: {  	[tilespmem:s1], [sflag:$0x1] =	stream.indirect.gather @p0 [hbm4b:s6+s3], $0x80, s8, s3, $0xb8;
	[tilespmem:$0x1E000] =	vst v63  }
0x32: {  	s9 =	simm.s32 @p0 $0x6000  }
0x33: {  	[tilespmem:s9], [sflag:$0x2] =	stream.indirect.gather @p0 [hbm4b:s6+s3], $0x80, s3, s3, $0xb8;
	[tilespmem:$0x1E000] =	vst v63  }
0x34: {  	s10 =	simm.s32 @!p0 $0x80;
	s11 =	simm.s32 @!p0 $0x2000;
	s8 =	simm.s32 @!p0 $0x0  }
0x35: {  	[tilespmem:s11], [sflag:$0x1] =	stream.indirect.gather @!p0 [hbm4b:s5+s10], $0x80, s8, s10, $0xb8;
	[tilespmem:$0x1E000] =	vst v63  }
0x36: {  	s13 =	simm.s32 @!p0 $0x6000  }
0x37: {  	[tilespmem:s13], [sflag:$0x2] =	stream.indirect.gather @!p0 [hbm4b:s5+s10], $0x80, s10, s10, $0xb8;
	[tilespmem:$0x1E000] =	vst v63  }
0x38: {  	_ =	swait.ge [sflag:s25], $0x4000  }
0x39: {  	[sflag:s25] =	ssyncset.done $0x0  }
0x3a: {  	[sflag:s25] =	ssyncadd.s32 $0xFFFFC000  }
0x3b: {  	[spmem:s2] =	stream.indirect.scatter.add.f32 [tilespmem:s29], [sflag:$0x5], $0x80, s15, s26, $0xb8;
	[tilespmem:$0x1E000] =	vst v63  }
0x3c: {  	_ =	swait.ge [sflag:s22], $0x4000  }
0x3d: {  	[sflag:s22] =	ssyncset.done $0x0  }
0x3e: {  	s8 =	simm.s32 @p0 $0x100;
	[sflag:s22] =	ssyncadd.s32 $0xFFFFC000  }
0x3f: {  	[tilespmem:s1], [sflag:$0x1] =	stream.indirect.gather @p0 [hbm4b:s6+s3], $0x80, s8, s3, $0xb8;
	[tilespmem:$0x1E000] =	vst v63  }
0x40: {  	s8 =	simm.s32 @!p0 $0x100  }
0x41: {  	[tilespmem:s11], [sflag:$0x1] =	stream.indirect.gather @!p0 [hbm4b:s5+s10], $0x80, s8, s10, $0xb8;
	[tilespmem:$0x1E000] =	vst v63  }
0x42: {  	_ =	swait.ge [sflag:s30], $0x4000  }
0x43: {  	[sflag:s30] =	ssyncset.done $0x0  }
0x44: {  	[sflag:s30] =	ssyncadd.s32 $0xFFFFC000  }
0x45: {  	[spmem:s2] =	stream.indirect.scatter.add.f32 [tilespmem:s0], [sflag:$0x5], $0x80, s16, s26, $0xb8;
	[tilespmem:$0x1E000] =	vst v63  }
0x46: {  	_ =	swait.ge [sflag:s22], $0x4000  }
0x47: {  	s18 =	simm.s32 @p1 $0x80;
	[sflag:s22] =	ssyncset.done $0x0  }
0x48: {  	s8 =	simm.s32 @p1 $0x180;
	s16 =	simm.s32 @p1 $0x6000;
	[sflag:s22] =	ssyncadd.s32 $0xFFFFC000  }
0x49: {  	[tilespmem:s16], [sflag:$0x2] =	stream.indirect.gather @p1 [hbm4b:s5+s18], $0x80, s8, s18, $0xb8;
	[tilespmem:$0x1E000] =	vst v63  }
0x4a: {  	s21 =	simm.s32 @!p1 $0x80;
	s28 =	simm.s32 @!p1 $0x6000;
	s8 =	simm.s32 @!p1 $0x180  }
0x4b: {  	[tilespmem:s28], [sflag:$0x2] =	stream.indirect.gather @!p1 [hbm4b:s6+s21], $0x80, s8, s21, $0xb8;
	[tilespmem:$0x1E000] =	vst v63  }
0x4c: {  	_ =	swait.ge [sflag:s25], $0x4000  }
0x4d: {  	[sflag:s25] =	ssyncset.done $0x0  }
0x4e: {  	[sflag:s25] =	ssyncadd.s32 $0xFFFFC000  }
0x4f: {  	[spmem:s2] =	stream.indirect.scatter.add.f32 [tilespmem:s29], [sflag:$0x5], $0x80, s20, s26, $0xb8;
	[tilespmem:$0x1E000] =	vst v63  }
0x50: {  	_ =	swait.ge [sflag:s22], $0x4000  }
0x51: {  	[sflag:s22] =	ssyncset.done $0x0  }
0x52: {  	s14 =	simm.s32 @p1 $0x200;
	s8 =	simm.s32 @p1 $0x2000;
	[sflag:s22] =	ssyncadd.s32 $0xFFFFC000  }
0x53: {  	[tilespmem:s8], [sflag:$0x1] =	stream.indirect.gather @p1 [hbm4b:s5+s18], $0x80, s14, s18, $0xb8;
	[tilespmem:$0x1E000] =	vst v63  }
0x54: {  	s20 =	simm.s32 @!p1 $0x200;
	s14 =	simm.s32 @!p1 $0x2000  }
0x55: {  	[tilespmem:s14], [sflag:$0x1] =	stream.indirect.gather @!p1 [hbm4b:s6+s21], $0x80, s20, s21, $0xb8;
	[tilespmem:$0x1E000] =	vst v63  }
0x56: {  	_ =	swait.ge [sflag:s30], $0x4000  }
0x57: {  	[sflag:s30] =	ssyncset.done $0x0  }
0x58: {  	[sflag:s30] =	ssyncadd.s32 $0xFFFFC000  }
0x59: {  	[spmem:s2] =	stream.indirect.scatter.add.f32 [tilespmem:s0], [sflag:$0x5], $0x80, s23, s26, $0xb8;
	[tilespmem:$0x1E000] =	vst v63  }
0x5a: {  	_ =	swait.ge [sflag:s22], $0x4000  }
0x5b: {  	[sflag:s22] =	ssyncset.done $0x0  }
0x5c: {  	s20 =	simm.s32 @p1 $0x280;
	[sflag:s22] =	ssyncadd.s32 $0xFFFFC000  }
0x5d: {  	[tilespmem:s16], [sflag:$0x2] =	stream.indirect.gather @p1 [hbm4b:s5+s18], $0x80, s20, s18, $0xb8;
	[tilespmem:$0x1E000] =	vst v63  }
0x5e: {  	s20 =	simm.s32 @!p1 $0x280  }
0x5f: {  	[tilespmem:s28], [sflag:$0x2] =	stream.indirect.gather @!p1 [hbm4b:s6+s21], $0x80, s20, s21, $0xb8;
	[tilespmem:$0x1E000] =	vst v63  }
0x60: {  	_ =	swait.ge [sflag:s25], $0x4000  }
0x61: {  	[sflag:s25] =	ssyncset.done $0x0  }
0x62: {  	[sflag:s25] =	ssyncadd.s32 $0xFFFFC000  }
0x63: {  	[spmem:s2] =	stream.indirect.scatter.add.f32 [tilespmem:s29], [sflag:$0x5], $0x80, s31, s26, $0xb8;
	[tilespmem:$0x1E000] =	vst v63  }
0x64: {  	_ =	swait.ge [sflag:s22], $0x4000  }
0x65: {  	[sflag:s22] =	ssyncset.done $0x0  }
0x66: {  	s20 =	simm.s32 @p1 $0x300;
	[sflag:s22] =	ssyncadd.s32 $0xFFFFC000  }
0x67: {  	[tilespmem:s8], [sflag:$0x1] =	stream.indirect.gather @p1 [hbm4b:s5+s18], $0x80, s20, s18, $0xb8;
	[tilespmem:$0x1E000] =	vst v63  }
0x68: {  	s20 =	simm.s32 @!p1 $0x300  }
0x69: {  	[tilespmem:s14], [sflag:$0x1] =	stream.indirect.gather @!p1 [hbm4b:s6+s21], $0x80, s20, s21, $0xb8;
	[tilespmem:$0x1E000] =	vst v63  }
0x6a: {  	_ =	swait.ge [sflag:s30], $0x4000  }
0x6b: {  	[sflag:s30] =	ssyncset.done $0x0  }
0x6c: {  	s12 =	simm.s32 $0xA80;
	[sflag:s30] =	ssyncadd.s32 $0xFFFFC000  }
0x6d: {  	[spmem:s2] =	stream.indirect.scatter.add.f32 [tilespmem:s0], [sflag:$0x5], $0x80, s12, s26, $0xb8;
	[tilespmem:$0x1E000] =	vst v63  }
0x6e: {  	_ =	swait.ge [sflag:s22], $0x4000  }
0x6f: {  	[sflag:s22] =	ssyncset.done $0x0  }
0x70: {  	s12 =	simm.s32 @p1 $0x380;
	[sflag:s22] =	ssyncadd.s32 $0xFFFFC000  }
0x71: {  	[tilespmem:s16], [sflag:$0x2] =	stream.indirect.gather @p1 [hbm4b:s5+s18], $0x80, s12, s18, $0xb8;
	[tilespmem:$0x1E000] =	vst v63  }
0x72: {  	s12 =	simm.s32 @!p1 $0x380  }
0x73: {  	[tilespmem:s28], [sflag:$0x2] =	stream.indirect.gather @!p1 [hbm4b:s6+s21], $0x80, s12, s21, $0xb8;
	[tilespmem:$0x1E000] =	vst v63  }
0x74: {  	_ =	swait.ge [sflag:s25], $0x4000  }
0x75: {  	[sflag:s25] =	ssyncset.done $0x0  }
0x76: {  	s15 =	simm.s32 $0xB00;
	[sflag:s25] =	ssyncadd.s32 $0xFFFFC000  }
0x77: {  	[spmem:s2] =	stream.indirect.scatter.add.f32 [tilespmem:s29], [sflag:$0x5], $0x80, s15, s26, $0xb8;
	[tilespmem:$0x1E000] =	vst v63  }
0x78: {  	_ =	swait.ge [sflag:s22], $0x4000  }
0x79: {  	[sflag:s22] =	ssyncset.done $0x0  }
0x7a: {  	s12 =	simm.s32 @p1 $0x400;
	[sflag:s22] =	ssyncadd.s32 $0xFFFFC000  }
0x7b: {  	[tilespmem:s8], [sflag:$0x1] =	stream.indirect.gather @p1 [hbm4b:s5+s18], $0x80, s12, s18, $0xb8;
	[tilespmem:$0x1E000] =	vst v63  }
0x7c: {  	s12 =	simm.s32 @!p1 $0x400  }
0x7d: {  	[tilespmem:s14], [sflag:$0x1] =	stream.indirect.gather @!p1 [hbm4b:s6+s21], $0x80, s12, s21, $0xb8;
	[tilespmem:$0x1E000] =	vst v63  }
0x7e: {  	_ =	swait.ge [sflag:s30], $0x4000  }
0x7f: {  	[sflag:s30] =	ssyncset.done $0x0  }
0x80: {  	s15 =	simm.s32 $0xB80;
	[sflag:s30] =	ssyncadd.s32 $0xFFFFC000  }
0x81: {  	[spmem:s2] =	stream.indirect.scatter.add.f32 [tilespmem:s0], [sflag:$0x5], $0x80, s15, s26, $0xb8;
	[tilespmem:$0x1E000] =	vst v63  }
0x82: {  	_ =	swait.ge [sflag:s22], $0x4000  }
0x83: {  	[sflag:s22] =	ssyncset.done $0x0  }
0x84: {  	s12 =	simm.s32 @p1 $0x480;
	[sflag:s22] =	ssyncadd.s32 $0xFFFFC000  }
0x85: {  	[tilespmem:s16], [sflag:$0x2] =	stream.indirect.gather @p1 [hbm4b:s5+s18], $0x80, s12, s18, $0xb8;
	[tilespmem:$0x1E000] =	vst v63  }
0x86: {  	s12 =	simm.s32 @!p1 $0x480  }
0x87: {  	[tilespmem:s28], [sflag:$0x2] =	stream.indirect.gather @!p1 [hbm4b:s6+s21], $0x80, s12, s21, $0xb8;
	[tilespmem:$0x1E000] =	vst v63  }
0x88: {  	_ =	swait.ge [sflag:s25], $0x4000  }
0x89: {  	[sflag:s25] =	ssyncset.done $0x0  }
0x8a: {  	s20 =	simm.s32 $0xC00;
	[sflag:s25] =	ssyncadd.s32 $0xFFFFC000  }
0x8b: {  	[spmem:s2] =	stream.indirect.scatter.add.f32 [tilespmem:s29], [sflag:$0x5], $0x80, s20, s26, $0xb8;
	[tilespmem:$0x1E000] =	vst v63  }
0x8c: {  	_ =	swait.ge [sflag:s22], $0x4000  }
0x8d: {  	[sflag:s22] =	ssyncset.done $0x0  }
0x8e: {  	s12 =	simm.s32 @p1 $0x500;
	[sflag:s22] =	ssyncadd.s32 $0xFFFFC000  }
0x8f: {  	[tilespmem:s8], [sflag:$0x1] =	stream.indirect.gather @p1 [hbm4b:s5+s18], $0x80, s12, s18, $0xb8;
	[tilespmem:$0x1E000] =	vst v63  }
0x90: {  	s12 =	simm.s32 @!p1 $0x500  }
0x91: {  	[tilespmem:s14], [sflag:$0x1] =	stream.indirect.gather @!p1 [hbm4b:s6+s21], $0x80, s12, s21, $0xb8;
	[tilespmem:$0x1E000] =	vst v63  }
0x92: {  	_ =	swait.ge [sflag:s30], $0x4000  }
0x93: {  	[sflag:s30] =	ssyncset.done $0x0  }
0x94: {  	s23 =	simm.s32 $0xC80;
	[sflag:s30] =	ssyncadd.s32 $0xFFFFC000  }
0x95: {  	[spmem:s2] =	stream.indirect.scatter.add.f32 [tilespmem:s0], [sflag:$0x5], $0x80, s23, s26, $0xb8;
	[tilespmem:$0x1E000] =	vst v63  }
0x96: {  	_ =	swait.ge [sflag:s22], $0x4000  }
0x97: {  	[sflag:s22] =	ssyncset.done $0x0  }
0x98: {  	s12 =	simm.s32 @p1 $0x580;
	[sflag:s22] =	ssyncadd.s32 $0xFFFFC000  }
0x99: {  	[tilespmem:s16], [sflag:$0x2] =	stream.indirect.gather @p1 [hbm4b:s5+s18], $0x80, s12, s18, $0xb8;
	[tilespmem:$0x1E000] =	vst v63  }
0x9a: {  	s12 =	simm.s32 @!p1 $0x580  }
0x9b: {  	[tilespmem:s28], [sflag:$0x2] =	stream.indirect.gather @!p1 [hbm4b:s6+s21], $0x80, s12, s21, $0xb8;
	[tilespmem:$0x1E000] =	vst v63  }
0x9c: {  	_ =	swait.ge [sflag:s25], $0x4000  }
0x9d: {  	[sflag:s25] =	ssyncset.done $0x0  }
0x9e: {  	s15 =	simm.s32 $0xD00;
	[sflag:s25] =	ssyncadd.s32 $0xFFFFC000  }
0x9f: {  	[spmem:s2] =	stream.indirect.scatter.add.f32 [tilespmem:s29], [sflag:$0x5], $0x80, s15, s26, $0xb8;
	[tilespmem:$0x1E000] =	vst v63  }
0xa0: {  	_ =	swait.ge [sflag:s22], $0x4000  }
0xa1: {  	[sflag:s22] =	ssyncset.done $0x0  }
0xa2: {  	s12 =	simm.s32 @p1 $0x600;
	[sflag:s22] =	ssyncadd.s32 $0xFFFFC000  }
0xa3: {  	[tilespmem:s8], [sflag:$0x1] =	stream.indirect.gather @p1 [hbm4b:s5+s18], $0x80, s12, s18, $0xb8;
	[tilespmem:$0x1E000] =	vst v63  }
0xa4: {  	s12 =	simm.s32 @!p1 $0x600  }
0xa5: {  	[tilespmem:s14], [sflag:$0x1] =	stream.indirect.gather @!p1 [hbm4b:s6+s21], $0x80, s12, s21, $0xb8;
	[tilespmem:$0x1E000] =	vst v63  }
0xa6: {  	_ =	swait.ge [sflag:s30], $0x4000  }
0xa7: {  	[sflag:s30] =	ssyncset.done $0x0  }
0xa8: {  	s20 =	simm.s32 $0xD80;
	[sflag:s30] =	ssyncadd.s32 $0xFFFFC000  }
0xa9: {  	[spmem:s2] =	stream.indirect.scatter.add.f32 [tilespmem:s0], [sflag:$0x5], $0x80, s20, s26, $0xb8;
	[tilespmem:$0x1E000] =	vst v63  }
0xaa: {  	_ =	swait.ge [sflag:s22], $0x4000  }
0xab: {  	[sflag:s22] =	ssyncset.done $0x0  }
0xac: {  	s12 =	simm.s32 @p1 $0x680;
	[sflag:s22] =	ssyncadd.s32 $0xFFFFC000  }
0xad: {  	[tilespmem:s16], [sflag:$0x2] =	stream.indirect.gather @p1 [hbm4b:s5+s18], $0x80, s12, s18, $0xb8;
	[tilespmem:$0x1E000] =	vst v63  }
0xae: {  	s12 =	simm.s32 @!p1 $0x680  }
0xaf: {  	[tilespmem:s28], [sflag:$0x2] =	stream.indirect.gather @!p1 [hbm4b:s6+s21], $0x80, s12, s21, $0xb8;
	[tilespmem:$0x1E000] =	vst v63  }
0xb0: {  	_ =	swait.ge [sflag:s25], $0x4000  }
0xb1: {  	[sflag:s25] =	ssyncset.done $0x0  }
0xb2: {  	s23 =	simm.s32 $0xE00;
	[sflag:s25] =	ssyncadd.s32 $0xFFFFC000  }
0xb3: {  	[spmem:s2] =	stream.indirect.scatter.add.f32 [tilespmem:s29], [sflag:$0x5], $0x80, s23, s26, $0xb8;
	[tilespmem:$0x1E000] =	vst v63  }
0xb4: {  	_ =	swait.ge [sflag:s22], $0x4000  }
0xb5: {  	[sflag:s22] =	ssyncset.done $0x0  }
0xb6: {  	s12 =	simm.s32 @p1 $0x700;
	[sflag:s22] =	ssyncadd.s32 $0xFFFFC000  }
0xb7: {  	[tilespmem:s8], [sflag:$0x1] =	stream.indirect.gather @p1 [hbm4b:s5+s18], $0x80, s12, s18, $0xb8;
	[tilespmem:$0x1E000] =	vst v63  }
0xb8: {  	s12 =	simm.s32 @!p1 $0x700  }
0xb9: {  	[tilespmem:s14], [sflag:$0x1] =	stream.indirect.gather @!p1 [hbm4b:s6+s21], $0x80, s12, s21, $0xb8;
	[tilespmem:$0x1E000] =	vst v63  }
0xba: {  	_ =	swait.ge [sflag:s30], $0x4000  }
0xbb: {  	[sflag:s30] =	ssyncset.done $0x0  }
0xbc: {  	s15 =	simm.s32 $0xE80;
	[sflag:s30] =	ssyncadd.s32 $0xFFFFC000  }
0xbd: {  	[spmem:s2] =	stream.indirect.scatter.add.f32 [tilespmem:s0], [sflag:$0x5], $0x80, s15, s26, $0xb8;
	[tilespmem:$0x1E000] =	vst v63  }
0xbe: {  	_ =	swait.ge [sflag:s22], $0x4000  }
0xbf: {  	[sflag:s22] =	ssyncset.done $0x0  }
0xc0: {  	s12 =	simm.s32 @p1 $0x780;
	[sflag:s22] =	ssyncadd.s32 $0xFFFFC000  }
0xc1: {  	[tilespmem:s16], [sflag:$0x2] =	stream.indirect.gather @p1 [hbm4b:s5+s18], $0x80, s12, s18, $0xb8;
	[tilespmem:$0x1E000] =	vst v63  }
0xc2: {  	s12 =	simm.s32 @!p1 $0x780  }
0xc3: {  	[tilespmem:s28], [sflag:$0x2] =	stream.indirect.gather @!p1 [hbm4b:s6+s21], $0x80, s12, s21, $0xb8;
	[tilespmem:$0x1E000] =	vst v63  }
0xc4: {  	_ =	swait.ge [sflag:s25], $0x4000  }
0xc5: {  	[sflag:s25] =	ssyncset.done $0x0  }
0xc6: {  	s20 =	simm.s32 $0xF00;
	[sflag:s25] =	ssyncadd.s32 $0xFFFFC000  }
0xc7: {  	[spmem:s2] =	stream.indirect.scatter.add.f32 [tilespmem:s29], [sflag:$0x5], $0x80, s20, s26, $0xb8;
	[tilespmem:$0x1E000] =	vst v63  }
0xc8: {  	_ =	swait.ge [sflag:s22], $0x4000  }
0xc9: {  	[sflag:s22] =	ssyncset.done $0x0  }
0xca: {  	[sflag:s22] =	ssyncadd.s32 $0xFFFFC000  }
0xcb: {  	_ =	swait.ge [sflag:s30], $0x4000  }
0xcc: {  	[sflag:s30] =	ssyncset.done $0x0  }
0xcd: {  	s23 =	simm.s32 $0xF80;
	[sflag:s30] =	ssyncadd.s32 $0xFFFFC000  }
0xce: {  	[spmem:s2] =	stream.indirect.scatter.add.f32 [tilespmem:s0], [sflag:$0x5], $0x80, s23, s26, $0xb8;
	[tilespmem:$0x1E000] =	vst v63  }
0xcf: {  	p2 =	por $0x0, $0x0;
	_ =	swait.ge [sflag:s22], $0x4000  }
0xd0: {  	s12 =	sadd.s32 @!p2 $0xFFFFEC00, s19;
	[sflag:s22] =	ssyncset.done $0x0  }
0xd1: {  	s15 =	simm.s32 @!p2 $0x0;
	s12 =	sadd.s32 @!p2 $0x1800, s12;
	[sflag:s22] =	ssyncadd.s32 $0xFFFFC000  }
0xd2: {  	[tilespmem:s15], [sflag:$0x3] =	stream.linear.gather @!p2 [hbm4b:s12+s15], $0x1000, $0x38;
	[tilespmem:$0x1E000] =	vst v63  }
0xd3: {  	_ =	swait.ge [sflag:s4], $0x1000  }
0xd4: {  	[sflag:s4] =	ssyncset.done $0x0  }
0xd5: {  	s12 =	simm.s32 @p0 $0x1000;
	[sflag:s4] =	ssyncadd.s32 $0xFFFFF000  }
0xd6: {  	[tilespmem:s1], [sflag:$0x1] =	stream.indirect.gather @p0 [hbm4b:s6+s3], $0x80, s12, s3, $0xb8;
	[tilespmem:$0x1E000] =	vst v63  }
0xd7: {  	s12 =	simm.s32 @p0 $0x1080  }
0xd8: {  	[tilespmem:s9], [sflag:$0x2] =	stream.indirect.gather @p0 [hbm4b:s6+s3], $0x80, s12, s3, $0xb8;
	[tilespmem:$0x1E000] =	vst v63  }
0xd9: {  	s9 =	simm.s32 @!p0 $0x1000  }
0xda: {  	[tilespmem:s11], [sflag:$0x1] =	stream.indirect.gather @!p0 [hbm4b:s5+s10], $0x80, s9, s10, $0xb8;
	[tilespmem:$0x1E000] =	vst v63  }
0xdb: {  	s9 =	simm.s32 @!p0 $0x1080  }
0xdc: {  	[tilespmem:s13], [sflag:$0x2] =	stream.indirect.gather @!p0 [hbm4b:s5+s10], $0x80, s9, s10, $0xb8;
	[tilespmem:$0x1E000] =	vst v63  }
0xdd: {  	_ =	swait.ge [sflag:s25], $0x4000  }
0xde: {  	[sflag:s25] =	ssyncset.done $0x0  }
0xdf: {  	s9 =	simm.s32 $0x1800;
	[sflag:s25] =	ssyncadd.s32 $0xFFFFC000  }
0xe0: {  	[spmem:s2] =	stream.indirect.scatter.add.f32 [tilespmem:s29], [sflag:$0x5], $0x80, s9, s26, $0xb8;
	[tilespmem:$0x1E000] =	vst v63  }
0xe1: {  	_ =	swait.ge [sflag:s22], $0x4000  }
0xe2: {  	[sflag:s22] =	ssyncset.done $0x0  }
0xe3: {  	s9 =	simm.s32 @p0 $0x1100;
	[sflag:s22] =	ssyncadd.s32 $0xFFFFC000  }
0xe4: {  	[tilespmem:s1], [sflag:$0x1] =	stream.indirect.gather @p0 [hbm4b:s6+s3], $0x80, s9, s3, $0xb8;
	[tilespmem:$0x1E000] =	vst v63  }
0xe5: {  	s9 =	simm.s32 @!p0 $0x1100  }
0xe6: {  	[tilespmem:s11], [sflag:$0x1] =	stream.indirect.gather @!p0 [hbm4b:s5+s10], $0x80, s9, s10, $0xb8;
	[tilespmem:$0x1E000] =	vst v63  }
0xe7: {  	_ =	swait.ge [sflag:s30], $0x4000  }
0xe8: {  	[sflag:s30] =	ssyncset.done $0x0  }
0xe9: {  	s15 =	simm.s32 $0x1880;
	[sflag:s30] =	ssyncadd.s32 $0xFFFFC000  }
0xea: {  	[spmem:s2] =	stream.indirect.scatter.add.f32 [tilespmem:s0], [sflag:$0x5], $0x80, s15, s26, $0xb8;
	[tilespmem:$0x1E000] =	vst v63  }
0xeb: {  	_ =	swait.ge [sflag:s22], $0x4000  }
0xec: {  	[sflag:s22] =	ssyncset.done $0x0  }
0xed: {  	s9 =	simm.s32 @p1 $0x1180;
	[sflag:s22] =	ssyncadd.s32 $0xFFFFC000  }
0xee: {  	[tilespmem:s16], [sflag:$0x2] =	stream.indirect.gather @p1 [hbm4b:s5+s18], $0x80, s9, s18, $0xb8;
	[tilespmem:$0x1E000] =	vst v63  }
0xef: {  	s9 =	simm.s32 @!p1 $0x1180  }
0xf0: {  	[tilespmem:s28], [sflag:$0x2] =	stream.indirect.gather @!p1 [hbm4b:s6+s21], $0x80, s9, s21, $0xb8;
	[tilespmem:$0x1E000] =	vst v63  }
0xf1: {  	_ =	swait.ge [sflag:s25], $0x4000  }
0xf2: {  	[sflag:s25] =	ssyncset.done $0x0  }
0xf3: {  	s20 =	simm.s32 $0x1900;
	[sflag:s25] =	ssyncadd.s32 $0xFFFFC000  }
0xf4: {  	[spmem:s2] =	stream.indirect.scatter.add.f32 [tilespmem:s29], [sflag:$0x5], $0x80, s20, s26, $0xb8;
	[tilespmem:$0x1E000] =	vst v63  }
0xf5: {  	_ =	swait.ge [sflag:s22], $0x4000  }
0xf6: {  	[sflag:s22] =	ssyncset.done $0x0  }
0xf7: {  	s9 =	simm.s32 @p1 $0x1200;
	[sflag:s22] =	ssyncadd.s32 $0xFFFFC000  }
0xf8: {  	[tilespmem:s8], [sflag:$0x1] =	stream.indirect.gather @p1 [hbm4b:s5+s18], $0x80, s9, s18, $0xb8;
	[tilespmem:$0x1E000] =	vst v63  }
0xf9: {  	s9 =	simm.s32 @!p1 $0x1200  }
0xfa: {  	[tilespmem:s14], [sflag:$0x1] =	stream.indirect.gather @!p1 [hbm4b:s6+s21], $0x80, s9, s21, $0xb8;
	[tilespmem:$0x1E000] =	vst v63  }
0xfb: {  	_ =	swait.ge [sflag:s30], $0x4000  }
0xfc: {  	[sflag:s30] =	ssyncset.done $0x0  }
0xfd: {  	s23 =	simm.s32 $0x1980;
	[sflag:s30] =	ssyncadd.s32 $0xFFFFC000  }
0xfe: {  	[spmem:s2] =	stream.indirect.scatter.add.f32 [tilespmem:s0], [sflag:$0x5], $0x80, s23, s26, $0xb8;
	[tilespmem:$0x1E000] =	vst v63  }
0xff: {  	_ =	swait.ge [sflag:s22], $0x4000  }
0x100: {  	[sflag:s22] =	ssyncset.done $0x0  }
0x101: {  	s9 =	simm.s32 @p1 $0x1280;
	[sflag:s22] =	ssyncadd.s32 $0xFFFFC000  }
0x102: {  	[tilespmem:s16], [sflag:$0x2] =	stream.indirect.gather @p1 [hbm4b:s5+s18], $0x80, s9, s18, $0xb8;
	[tilespmem:$0x1E000] =	vst v63  }
0x103: {  	s9 =	simm.s32 @!p1 $0x1280  }
0x104: {  	[tilespmem:s28], [sflag:$0x2] =	stream.indirect.gather @!p1 [hbm4b:s6+s21], $0x80, s9, s21, $0xb8;
	[tilespmem:$0x1E000] =	vst v63  }
0x105: {  	_ =	swait.ge [sflag:s25], $0x4000  }
0x106: {  	[sflag:s25] =	ssyncset.done $0x0  }
0x107: {  	s9 =	simm.s32 $0x1A00;
	[sflag:s25] =	ssyncadd.s32 $0xFFFFC000  }
0x108: {  	[spmem:s2] =	stream.indirect.scatter.add.f32 [tilespmem:s29], [sflag:$0x5], $0x80, s9, s26, $0xb8;
	[tilespmem:$0x1E000] =	vst v63  }
0x109: {  	_ =	swait.ge [sflag:s22], $0x4000  }
0x10a: {  	[sflag:s22] =	ssyncset.done $0x0  }
0x10b: {  	s9 =	simm.s32 @p1 $0x1300;
	[sflag:s22] =	ssyncadd.s32 $0xFFFFC000  }
0x10c: {  	[tilespmem:s8], [sflag:$0x1] =	stream.indirect.gather @p1 [hbm4b:s5+s18], $0x80, s9, s18, $0xb8;
	[tilespmem:$0x1E000] =	vst v63  }
0x10d: {  	s9 =	simm.s32 @!p1 $0x1300  }
0x10e: {  	[tilespmem:s14], [sflag:$0x1] =	stream.indirect.gather @!p1 [hbm4b:s6+s21], $0x80, s9, s21, $0xb8;
	[tilespmem:$0x1E000] =	vst v63  }
0x10f: {  	_ =	swait.ge [sflag:s30], $0x4000  }
0x110: {  	[sflag:s30] =	ssyncset.done $0x0  }
0x111: {  	s15 =	simm.s32 $0x1A80;
	[sflag:s30] =	ssyncadd.s32 $0xFFFFC000  }
0x112: {  	[spmem:s2] =	stream.indirect.scatter.add.f32 [tilespmem:s0], [sflag:$0x5], $0x80, s15, s26, $0xb8;
	[tilespmem:$0x1E000] =	vst v63  }
0x113: {  	_ =	swait.ge [sflag:s22], $0x4000  }
0x114: {  	[sflag:s22] =	ssyncset.done $0x0  }
0x115: {  	s9 =	simm.s32 @p1 $0x1380;
	[sflag:s22] =	ssyncadd.s32 $0xFFFFC000  }
0x116: {  	[tilespmem:s16], [sflag:$0x2] =	stream.indirect.gather @p1 [hbm4b:s5+s18], $0x80, s9, s18, $0xb8;
	[tilespmem:$0x1E000] =	vst v63  }
0x117: {  	s9 =	simm.s32 @!p1 $0x1380  }
0x118: {  	[tilespmem:s28], [sflag:$0x2] =	stream.indirect.gather @!p1 [hbm4b:s6+s21], $0x80, s9, s21, $0xb8;
	[tilespmem:$0x1E000] =	vst v63  }
0x119: {  	_ =	swait.ge [sflag:s25], $0x4000  }
0x11a: {  	[sflag:s25] =	ssyncset.done $0x0  }
0x11b: {  	s20 =	simm.s32 $0x1B00;
	[sflag:s25] =	ssyncadd.s32 $0xFFFFC000  }
0x11c: {  	[spmem:s2] =	stream.indirect.scatter.add.f32 [tilespmem:s29], [sflag:$0x5], $0x80, s20, s26, $0xb8;
	[tilespmem:$0x1E000] =	vst v63  }
0x11d: {  	_ =	swait.ge [sflag:s22], $0x4000  }
0x11e: {  	[sflag:s22] =	ssyncset.done $0x0  }
0x11f: {  	s9 =	simm.s32 @p1 $0x1400;
	[sflag:s22] =	ssyncadd.s32 $0xFFFFC000  }
0x120: {  	[tilespmem:s8], [sflag:$0x1] =	stream.indirect.gather @p1 [hbm4b:s5+s18], $0x80, s9, s18, $0xb8;
	[tilespmem:$0x1E000] =	vst v63  }
0x121: {  	s9 =	simm.s32 @!p1 $0x1400  }
0x122: {  	[tilespmem:s14], [sflag:$0x1] =	stream.indirect.gather @!p1 [hbm4b:s6+s21], $0x80, s9, s21, $0xb8;
	[tilespmem:$0x1E000] =	vst v63  }
0x123: {  	_ =	swait.ge [sflag:s30], $0x4000  }
0x124: {  	[sflag:s30] =	ssyncset.done $0x0  }
0x125: {  	s23 =	simm.s32 $0x1B80;
	[sflag:s30] =	ssyncadd.s32 $0xFFFFC000  }
0x126: {  	[spmem:s2] =	stream.indirect.scatter.add.f32 [tilespmem:s0], [sflag:$0x5], $0x80, s23, s26, $0xb8;
	[tilespmem:$0x1E000] =	vst v63  }
0x127: {  	_ =	swait.ge [sflag:s22], $0x4000  }
0x128: {  	[sflag:s22] =	ssyncset.done $0x0  }
0x129: {  	s9 =	simm.s32 @p1 $0x1480;
	[sflag:s22] =	ssyncadd.s32 $0xFFFFC000  }
0x12a: {  	[tilespmem:s16], [sflag:$0x2] =	stream.indirect.gather @p1 [hbm4b:s5+s18], $0x80, s9, s18, $0xb8;
	[tilespmem:$0x1E000] =	vst v63  }
0x12b: {  	s9 =	simm.s32 @!p1 $0x1480  }
0x12c: {  	[tilespmem:s28], [sflag:$0x2] =	stream.indirect.gather @!p1 [hbm4b:s6+s21], $0x80, s9, s21, $0xb8;
	[tilespmem:$0x1E000] =	vst v63  }
0x12d: {  	_ =	swait.ge [sflag:s25], $0x4000  }
0x12e: {  	[sflag:s25] =	ssyncset.done $0x0  }
0x12f: {  	s9 =	simm.s32 $0x1C00;
	[sflag:s25] =	ssyncadd.s32 $0xFFFFC000  }
0x130: {  	[spmem:s2] =	stream.indirect.scatter.add.f32 [tilespmem:s29], [sflag:$0x5], $0x80, s9, s26, $0xb8;
	[tilespmem:$0x1E000] =	vst v63  }
0x131: {  	_ =	swait.ge [sflag:s22], $0x4000  }
0x132: {  	[sflag:s22] =	ssyncset.done $0x0  }
0x133: {  	s9 =	simm.s32 @p1 $0x1500;
	[sflag:s22] =	ssyncadd.s32 $0xFFFFC000  }
0x134: {  	[tilespmem:s8], [sflag:$0x1] =	stream.indirect.gather @p1 [hbm4b:s5+s18], $0x80, s9, s18, $0xb8;
	[tilespmem:$0x1E000] =	vst v63  }
0x135: {  	s9 =	simm.s32 @!p1 $0x1500  }
0x136: {  	[tilespmem:s14], [sflag:$0x1] =	stream.indirect.gather @!p1 [hbm4b:s6+s21], $0x80, s9, s21, $0xb8;
	[tilespmem:$0x1E000] =	vst v63  }
0x137: {  	_ =	swait.ge [sflag:s30], $0x4000  }
0x138: {  	[sflag:s30] =	ssyncset.done $0x0  }
0x139: {  	s15 =	simm.s32 $0x1C80;
	[sflag:s30] =	ssyncadd.s32 $0xFFFFC000  }
0x13a: {  	[spmem:s2] =	stream.indirect.scatter.add.f32 [tilespmem:s0], [sflag:$0x5], $0x80, s15, s26, $0xb8;
	[tilespmem:$0x1E000] =	vst v63  }
0x13b: {  	_ =	swait.ge [sflag:s22], $0x4000  }
0x13c: {  	[sflag:s22] =	ssyncset.done $0x0  }
0x13d: {  	s9 =	simm.s32 @p1 $0x1580;
	[sflag:s22] =	ssyncadd.s32 $0xFFFFC000  }
0x13e: {  	[tilespmem:s16], [sflag:$0x2] =	stream.indirect.gather @p1 [hbm4b:s5+s18], $0x80, s9, s18, $0xb8;
	[tilespmem:$0x1E000] =	vst v63  }
0x13f: {  	s9 =	simm.s32 @!p1 $0x1580  }
0x140: {  	[tilespmem:s28], [sflag:$0x2] =	stream.indirect.gather @!p1 [hbm4b:s6+s21], $0x80, s9, s21, $0xb8;
	[tilespmem:$0x1E000] =	vst v63  }
0x141: {  	_ =	swait.ge [sflag:s25], $0x4000  }
0x142: {  	[sflag:s25] =	ssyncset.done $0x0  }
0x143: {  	s20 =	simm.s32 $0x1D00;
	[sflag:s25] =	ssyncadd.s32 $0xFFFFC000  }
0x144: {  	[spmem:s2] =	stream.indirect.scatter.add.f32 [tilespmem:s29], [sflag:$0x5], $0x80, s20, s26, $0xb8;
	[tilespmem:$0x1E000] =	vst v63  }
0x145: {  	_ =	swait.ge [sflag:s22], $0x4000  }
0x146: {  	[sflag:s22] =	ssyncset.done $0x0  }
0x147: {  	s9 =	simm.s32 @p1 $0x1600;
	[sflag:s22] =	ssyncadd.s32 $0xFFFFC000  }
0x148: {  	[tilespmem:s8], [sflag:$0x1] =	stream.indirect.gather @p1 [hbm4b:s5+s18], $0x80, s9, s18, $0xb8;
	[tilespmem:$0x1E000] =	vst v63  }
0x149: {  	s9 =	simm.s32 @!p1 $0x1600  }
0x14a: {  	[tilespmem:s14], [sflag:$0x1] =	stream.indirect.gather @!p1 [hbm4b:s6+s21], $0x80, s9, s21, $0xb8;
	[tilespmem:$0x1E000] =	vst v63  }
0x14b: {  	_ =	swait.ge [sflag:s30], $0x4000  }
0x14c: {  	[sflag:s30] =	ssyncset.done $0x0  }
0x14d: {  	s23 =	simm.s32 $0x1D80;
	[sflag:s30] =	ssyncadd.s32 $0xFFFFC000  }
0x14e: {  	[spmem:s2] =	stream.indirect.scatter.add.f32 [tilespmem:s0], [sflag:$0x5], $0x80, s23, s26, $0xb8;
	[tilespmem:$0x1E000] =	vst v63  }
0x14f: {  	_ =	swait.ge [sflag:s22], $0x4000  }
0x150: {  	[sflag:s22] =	ssyncset.done $0x0  }
0x151: {  	s9 =	simm.s32 @p1 $0x1680;
	[sflag:s22] =	ssyncadd.s32 $0xFFFFC000  }
0x152: {  	[tilespmem:s16], [sflag:$0x2] =	stream.indirect.gather @p1 [hbm4b:s5+s18], $0x80, s9, s18, $0xb8;
	[tilespmem:$0x1E000] =	vst v63  }
0x153: {  	s9 =	simm.s32 @!p1 $0x1680  }
0x154: {  	[tilespmem:s28], [sflag:$0x2] =	stream.indirect.gather @!p1 [hbm4b:s6+s21], $0x80, s9, s21, $0xb8;
	[tilespmem:$0x1E000] =	vst v63  }
0x155: {  	_ =	swait.ge [sflag:s25], $0x4000  }
0x156: {  	[sflag:s25] =	ssyncset.done $0x0  }
0x157: {  	s9 =	simm.s32 $0x1E00;
	[sflag:s25] =	ssyncadd.s32 $0xFFFFC000  }
0x158: {  	[spmem:s2] =	stream.indirect.scatter.add.f32 [tilespmem:s29], [sflag:$0x5], $0x80, s9, s26, $0xb8;
	[tilespmem:$0x1E000] =	vst v63  }
0x159: {  	_ =	swait.ge [sflag:s22], $0x4000  }
0x15a: {  	[sflag:s22] =	ssyncset.done $0x0  }
0x15b: {  	s9 =	simm.s32 @p1 $0x1700;
	[sflag:s22] =	ssyncadd.s32 $0xFFFFC000  }
0x15c: {  	[tilespmem:s8], [sflag:$0x1] =	stream.indirect.gather @p1 [hbm4b:s5+s18], $0x80, s9, s18, $0xb8;
	[tilespmem:$0x1E000] =	vst v63  }
0x15d: {  	s9 =	simm.s32 @!p1 $0x1700  }
0x15e: {  	[tilespmem:s14], [sflag:$0x1] =	stream.indirect.gather @!p1 [hbm4b:s6+s21], $0x80, s9, s21, $0xb8;
	[tilespmem:$0x1E000] =	vst v63  }
0x15f: {  	_ =	swait.ge [sflag:s30], $0x4000  }
0x160: {  	[sflag:s30] =	ssyncset.done $0x0  }
0x161: {  	s15 =	simm.s32 $0x1E80;
	[sflag:s30] =	ssyncadd.s32 $0xFFFFC000  }
0x162: {  	[spmem:s2] =	stream.indirect.scatter.add.f32 [tilespmem:s0], [sflag:$0x5], $0x80, s15, s26, $0xb8;
	[tilespmem:$0x1E000] =	vst v63  }
0x163: {  	_ =	swait.ge [sflag:s22], $0x4000  }
0x164: {  	[sflag:s22] =	ssyncset.done $0x0  }
0x165: {  	s9 =	simm.s32 @p1 $0x1780;
	[sflag:s22] =	ssyncadd.s32 $0xFFFFC000  }
0x166: {  	[tilespmem:s16], [sflag:$0x2] =	stream.indirect.gather @p1 [hbm4b:s5+s18], $0x80, s9, s18, $0xb8;
	[tilespmem:$0x1E000] =	vst v63  }
0x167: {  	s9 =	simm.s32 @!p1 $0x1780  }
0x168: {  	[tilespmem:s28], [sflag:$0x2] =	stream.indirect.gather @!p1 [hbm4b:s6+s21], $0x80, s9, s21, $0xb8;
	[tilespmem:$0x1E000] =	vst v63  }
0x169: {  	_ =	swait.ge [sflag:s25], $0x4000  }
0x16a: {  	[sflag:s25] =	ssyncset.done $0x0  }
0x16b: {  	s20 =	simm.s32 $0x1F00;
	[sflag:s25] =	ssyncadd.s32 $0xFFFFC000  }
0x16c: {  	[spmem:s2] =	stream.indirect.scatter.add.f32 [tilespmem:s29], [sflag:$0x5], $0x80, s20, s26, $0xb8;
	[tilespmem:$0x1E000] =	vst v63  }
0x16d: {  	_ =	swait.ge [sflag:s22], $0x4000  }
0x16e: {  	[sflag:s22] =	ssyncset.done $0x0  }
0x16f: {  	[sflag:s22] =	ssyncadd.s32 $0xFFFFC000  }
0x170: {  	_ =	swait.ge [sflag:s30], $0x4000  }
0x171: {  	[sflag:s30] =	ssyncset.done $0x0  }
0x172: {  	s23 =	simm.s32 $0x1F80;
	[sflag:s30] =	ssyncadd.s32 $0xFFFFC000  }
0x173: {  	[spmem:s2] =	stream.indirect.scatter.add.f32 [tilespmem:s0], [sflag:$0x5], $0x80, s23, s26, $0xb8;
	[tilespmem:$0x1E000] =	vst v63  }
0x174: {  	s31 =	simm.s32 $0xFFFFF400;
	_ =	swait.ge [sflag:s22], $0x4000  }
0x175: {  	s12 =	simm.s32 $0xFFFFF000;
	s23 =	sadd.s32 $0xFFFFF000, s19;
	[sflag:s22] =	ssyncset.done $0x0  }
.LBB2_2:
0x176: {  	s15 =	sadd.s32 $0x1600, s23;
	[sflag:s22] =	ssyncadd.s32 $0xFFFFC000;
	s23 =	smov.u32 s31  }
0x177: {  	s31 =	sadd.s32 $0x400, s31;
	s20 =	simm.s32 $0x0;
	s9 =	simm.s32 $0x1000  }
0x178: {  	[tilespmem:s9], [sflag:$0x4] =	stream.linear.gather [hbm4b:s15+s20], $0x1000, $0x38;
	[tilespmem:$0x1E000] =	vst v63  }
0x179: {  	p2 =	sne.s32 s31, $0x0;
	_ =	swait.ge [sflag:s24], $0x1000  }
0x17a: {  	[sflag:s24] =	ssyncset.done $0x0  }
0x17b: {  	s9 =	simm.s32 @p0 $0x0;
	[sflag:s24] =	ssyncadd.s32 $0xFFFFF000  }
0x17c: {  	[tilespmem:s1], [sflag:$0x1] =	stream.indirect.gather @p0 [hbm4b:s6+s3], $0x80, s9, s3, $0xb8;
	[tilespmem:$0x1E000] =	vst v63  }
0x17d: {  	s9 =	simm.s32 @p0 $0x6000  }
0x17e: {  	[tilespmem:s9], [sflag:$0x2] =	stream.indirect.gather @p0 [hbm4b:s6+s3], $0x80, s3, s3, $0xb8;
	[tilespmem:$0x1E000] =	vst v63  }
0x17f: {  	s15 =	simm.s32 @!p0 $0x0  }
0x180: {  	[tilespmem:s11], [sflag:$0x1] =	stream.indirect.gather @!p0 [hbm4b:s5+s10], $0x80, s15, s10, $0xb8;
	[tilespmem:$0x1E000] =	vst v63  }
0x181: {  	_ = 	snop  }
0x182: {  	[tilespmem:s13], [sflag:$0x2] =	stream.indirect.gather @!p0 [hbm4b:s5+s10], $0x80, s10, s10, $0xb8;
	[tilespmem:$0x1E000] =	vst v63  }
0x183: {  	_ =	swait.ge [sflag:s25], $0x4000  }
0x184: {  	[sflag:s25] =	ssyncset.done $0x0  }
0x185: {  	s15 =	simm.s32 $0x800;
	[sflag:s25] =	ssyncadd.s32 $0xFFFFC000  }
0x186: {  	[spmem:s2] =	stream.indirect.scatter.add.f32 [tilespmem:s29], [sflag:$0x5], $0x80, s15, s26, $0xb8;
	[tilespmem:$0x1E000] =	vst v63  }
0x187: {  	_ =	swait.ge [sflag:s22], $0x4000  }
0x188: {  	[sflag:s22] =	ssyncset.done $0x0  }
0x189: {  	s15 =	simm.s32 @p0 $0x100;
	[sflag:s22] =	ssyncadd.s32 $0xFFFFC000  }
0x18a: {  	[tilespmem:s1], [sflag:$0x1] =	stream.indirect.gather @p0 [hbm4b:s6+s3], $0x80, s15, s3, $0xb8;
	[tilespmem:$0x1E000] =	vst v63  }
0x18b: {  	s15 =	simm.s32 @!p0 $0x100  }
0x18c: {  	[tilespmem:s11], [sflag:$0x1] =	stream.indirect.gather @!p0 [hbm4b:s5+s10], $0x80, s15, s10, $0xb8;
	[tilespmem:$0x1E000] =	vst v63  }
0x18d: {  	_ =	swait.ge [sflag:s30], $0x4000  }
0x18e: {  	[sflag:s30] =	ssyncset.done $0x0  }
0x18f: {  	s15 =	simm.s32 $0x880;
	[sflag:s30] =	ssyncadd.s32 $0xFFFFC000  }
0x190: {  	[spmem:s2] =	stream.indirect.scatter.add.f32 [tilespmem:s0], [sflag:$0x5], $0x80, s15, s26, $0xb8;
	[tilespmem:$0x1E000] =	vst v63  }
0x191: {  	_ =	swait.ge [sflag:s22], $0x4000  }
0x192: {  	[sflag:s22] =	ssyncset.done $0x0  }
0x193: {  	s15 =	simm.s32 @p1 $0x180;
	[sflag:s22] =	ssyncadd.s32 $0xFFFFC000  }
0x194: {  	[tilespmem:s16], [sflag:$0x2] =	stream.indirect.gather @p1 [hbm4b:s5+s18], $0x80, s15, s18, $0xb8;
	[tilespmem:$0x1E000] =	vst v63  }
0x195: {  	s15 =	simm.s32 @!p1 $0x180  }
0x196: {  	[tilespmem:s28], [sflag:$0x2] =	stream.indirect.gather @!p1 [hbm4b:s6+s21], $0x80, s15, s21, $0xb8;
	[tilespmem:$0x1E000] =	vst v63  }
0x197: {  	_ =	swait.ge [sflag:s25], $0x4000  }
0x198: {  	[sflag:s25] =	ssyncset.done $0x0  }
0x199: {  	s15 =	simm.s32 $0x900;
	[sflag:s25] =	ssyncadd.s32 $0xFFFFC000  }
0x19a: {  	[spmem:s2] =	stream.indirect.scatter.add.f32 [tilespmem:s29], [sflag:$0x5], $0x80, s15, s26, $0xb8;
	[tilespmem:$0x1E000] =	vst v63  }
0x19b: {  	_ =	swait.ge [sflag:s22], $0x4000  }
0x19c: {  	[sflag:s22] =	ssyncset.done $0x0  }
0x19d: {  	s15 =	simm.s32 @p1 $0x200;
	[sflag:s22] =	ssyncadd.s32 $0xFFFFC000  }
0x19e: {  	[tilespmem:s8], [sflag:$0x1] =	stream.indirect.gather @p1 [hbm4b:s5+s18], $0x80, s15, s18, $0xb8;
	[tilespmem:$0x1E000] =	vst v63  }
0x19f: {  	s15 =	simm.s32 @!p1 $0x200  }
0x1a0: {  	[tilespmem:s14], [sflag:$0x1] =	stream.indirect.gather @!p1 [hbm4b:s6+s21], $0x80, s15, s21, $0xb8;
	[tilespmem:$0x1E000] =	vst v63  }
0x1a1: {  	_ =	swait.ge [sflag:s30], $0x4000  }
0x1a2: {  	[sflag:s30] =	ssyncset.done $0x0  }
0x1a3: {  	s15 =	simm.s32 $0x980;
	[sflag:s30] =	ssyncadd.s32 $0xFFFFC000  }
0x1a4: {  	[spmem:s2] =	stream.indirect.scatter.add.f32 [tilespmem:s0], [sflag:$0x5], $0x80, s15, s26, $0xb8;
	[tilespmem:$0x1E000] =	vst v63  }
0x1a5: {  	_ =	swait.ge [sflag:s22], $0x4000  }
0x1a6: {  	[sflag:s22] =	ssyncset.done $0x0  }
0x1a7: {  	s15 =	simm.s32 @p1 $0x280;
	[sflag:s22] =	ssyncadd.s32 $0xFFFFC000  }
0x1a8: {  	[tilespmem:s16], [sflag:$0x2] =	stream.indirect.gather @p1 [hbm4b:s5+s18], $0x80, s15, s18, $0xb8;
	[tilespmem:$0x1E000] =	vst v63  }
0x1a9: {  	s15 =	simm.s32 @!p1 $0x280  }
0x1aa: {  	[tilespmem:s28], [sflag:$0x2] =	stream.indirect.gather @!p1 [hbm4b:s6+s21], $0x80, s15, s21, $0xb8;
	[tilespmem:$0x1E000] =	vst v63  }
0x1ab: {  	_ =	swait.ge [sflag:s25], $0x4000  }
0x1ac: {  	[sflag:s25] =	ssyncset.done $0x0  }
0x1ad: {  	s15 =	simm.s32 $0xA00;
	[sflag:s25] =	ssyncadd.s32 $0xFFFFC000  }
0x1ae: {  	[spmem:s2] =	stream.indirect.scatter.add.f32 [tilespmem:s29], [sflag:$0x5], $0x80, s15, s26, $0xb8;
	[tilespmem:$0x1E000] =	vst v63  }
0x1af: {  	_ =	swait.ge [sflag:s22], $0x4000  }
0x1b0: {  	[sflag:s22] =	ssyncset.done $0x0  }
0x1b1: {  	s15 =	simm.s32 @p1 $0x300;
	[sflag:s22] =	ssyncadd.s32 $0xFFFFC000  }
0x1b2: {  	[tilespmem:s8], [sflag:$0x1] =	stream.indirect.gather @p1 [hbm4b:s5+s18], $0x80, s15, s18, $0xb8;
	[tilespmem:$0x1E000] =	vst v63  }
0x1b3: {  	s15 =	simm.s32 @!p1 $0x300  }
0x1b4: {  	[tilespmem:s14], [sflag:$0x1] =	stream.indirect.gather @!p1 [hbm4b:s6+s21], $0x80, s15, s21, $0xb8;
	[tilespmem:$0x1E000] =	vst v63  }
0x1b5: {  	_ =	swait.ge [sflag:s30], $0x4000  }
0x1b6: {  	[sflag:s30] =	ssyncset.done $0x0  }
0x1b7: {  	s15 =	simm.s32 $0xA80;
	[sflag:s30] =	ssyncadd.s32 $0xFFFFC000  }
0x1b8: {  	[spmem:s2] =	stream.indirect.scatter.add.f32 [tilespmem:s0], [sflag:$0x5], $0x80, s15, s26, $0xb8;
	[tilespmem:$0x1E000] =	vst v63  }
0x1b9: {  	_ =	swait.ge [sflag:s22], $0x4000  }
0x1ba: {  	[sflag:s22] =	ssyncset.done $0x0  }
0x1bb: {  	s15 =	simm.s32 @p1 $0x380;
	[sflag:s22] =	ssyncadd.s32 $0xFFFFC000  }
0x1bc: {  	[tilespmem:s16], [sflag:$0x2] =	stream.indirect.gather @p1 [hbm4b:s5+s18], $0x80, s15, s18, $0xb8;
	[tilespmem:$0x1E000] =	vst v63  }
0x1bd: {  	s15 =	simm.s32 @!p1 $0x380  }
0x1be: {  	[tilespmem:s28], [sflag:$0x2] =	stream.indirect.gather @!p1 [hbm4b:s6+s21], $0x80, s15, s21, $0xb8;
	[tilespmem:$0x1E000] =	vst v63  }
0x1bf: {  	_ =	swait.ge [sflag:s25], $0x4000  }
0x1c0: {  	[sflag:s25] =	ssyncset.done $0x0  }
0x1c1: {  	s15 =	simm.s32 $0xB00;
	[sflag:s25] =	ssyncadd.s32 $0xFFFFC000  }
0x1c2: {  	[spmem:s2] =	stream.indirect.scatter.add.f32 [tilespmem:s29], [sflag:$0x5], $0x80, s15, s26, $0xb8;
	[tilespmem:$0x1E000] =	vst v63  }
0x1c3: {  	_ =	swait.ge [sflag:s22], $0x4000  }
0x1c4: {  	[sflag:s22] =	ssyncset.done $0x0  }
0x1c5: {  	s15 =	simm.s32 @p1 $0x400;
	[sflag:s22] =	ssyncadd.s32 $0xFFFFC000  }
0x1c6: {  	[tilespmem:s8], [sflag:$0x1] =	stream.indirect.gather @p1 [hbm4b:s5+s18], $0x80, s15, s18, $0xb8;
	[tilespmem:$0x1E000] =	vst v63  }
0x1c7: {  	s15 =	simm.s32 @!p1 $0x400  }
0x1c8: {  	[tilespmem:s14], [sflag:$0x1] =	stream.indirect.gather @!p1 [hbm4b:s6+s21], $0x80, s15, s21, $0xb8;
	[tilespmem:$0x1E000] =	vst v63  }
0x1c9: {  	_ =	swait.ge [sflag:s30], $0x4000  }
0x1ca: {  	[sflag:s30] =	ssyncset.done $0x0  }
0x1cb: {  	s15 =	simm.s32 $0xB80;
	[sflag:s30] =	ssyncadd.s32 $0xFFFFC000  }
0x1cc: {  	[spmem:s2] =	stream.indirect.scatter.add.f32 [tilespmem:s0], [sflag:$0x5], $0x80, s15, s26, $0xb8;
	[tilespmem:$0x1E000] =	vst v63  }
0x1cd: {  	_ =	swait.ge [sflag:s22], $0x4000  }
0x1ce: {  	[sflag:s22] =	ssyncset.done $0x0  }
0x1cf: {  	s15 =	simm.s32 @p1 $0x480;
	[sflag:s22] =	ssyncadd.s32 $0xFFFFC000  }
0x1d0: {  	[tilespmem:s16], [sflag:$0x2] =	stream.indirect.gather @p1 [hbm4b:s5+s18], $0x80, s15, s18, $0xb8;
	[tilespmem:$0x1E000] =	vst v63  }
0x1d1: {  	s15 =	simm.s32 @!p1 $0x480  }
0x1d2: {  	[tilespmem:s28], [sflag:$0x2] =	stream.indirect.gather @!p1 [hbm4b:s6+s21], $0x80, s15, s21, $0xb8;
	[tilespmem:$0x1E000] =	vst v63  }
0x1d3: {  	_ =	swait.ge [sflag:s25], $0x4000  }
0x1d4: {  	[sflag:s25] =	ssyncset.done $0x0  }
0x1d5: {  	s15 =	simm.s32 $0xC00;
	[sflag:s25] =	ssyncadd.s32 $0xFFFFC000  }
0x1d6: {  	[spmem:s2] =	stream.indirect.scatter.add.f32 [tilespmem:s29], [sflag:$0x5], $0x80, s15, s26, $0xb8;
	[tilespmem:$0x1E000] =	vst v63  }
0x1d7: {  	_ =	swait.ge [sflag:s22], $0x4000  }
0x1d8: {  	[sflag:s22] =	ssyncset.done $0x0  }
0x1d9: {  	s15 =	simm.s32 @p1 $0x500;
	[sflag:s22] =	ssyncadd.s32 $0xFFFFC000  }
0x1da: {  	[tilespmem:s8], [sflag:$0x1] =	stream.indirect.gather @p1 [hbm4b:s5+s18], $0x80, s15, s18, $0xb8;
	[tilespmem:$0x1E000] =	vst v63  }
0x1db: {  	s15 =	simm.s32 @!p1 $0x500  }
0x1dc: {  	[tilespmem:s14], [sflag:$0x1] =	stream.indirect.gather @!p1 [hbm4b:s6+s21], $0x80, s15, s21, $0xb8;
	[tilespmem:$0x1E000] =	vst v63  }
0x1dd: {  	_ =	swait.ge [sflag:s30], $0x4000  }
0x1de: {  	[sflag:s30] =	ssyncset.done $0x0  }
0x1df: {  	s15 =	simm.s32 $0xC80;
	[sflag:s30] =	ssyncadd.s32 $0xFFFFC000  }
0x1e0: {  	[spmem:s2] =	stream.indirect.scatter.add.f32 [tilespmem:s0], [sflag:$0x5], $0x80, s15, s26, $0xb8;
	[tilespmem:$0x1E000] =	vst v63  }
0x1e1: {  	_ =	swait.ge [sflag:s22], $0x4000  }
0x1e2: {  	[sflag:s22] =	ssyncset.done $0x0  }
0x1e3: {  	s15 =	simm.s32 @p1 $0x580;
	[sflag:s22] =	ssyncadd.s32 $0xFFFFC000  }
0x1e4: {  	[tilespmem:s16], [sflag:$0x2] =	stream.indirect.gather @p1 [hbm4b:s5+s18], $0x80, s15, s18, $0xb8;
	[tilespmem:$0x1E000] =	vst v63  }
0x1e5: {  	s15 =	simm.s32 @!p1 $0x580  }
0x1e6: {  	[tilespmem:s28], [sflag:$0x2] =	stream.indirect.gather @!p1 [hbm4b:s6+s21], $0x80, s15, s21, $0xb8;
	[tilespmem:$0x1E000] =	vst v63  }
0x1e7: {  	_ =	swait.ge [sflag:s25], $0x4000  }
0x1e8: {  	[sflag:s25] =	ssyncset.done $0x0  }
0x1e9: {  	s15 =	simm.s32 $0xD00;
	[sflag:s25] =	ssyncadd.s32 $0xFFFFC000  }
0x1ea: {  	[spmem:s2] =	stream.indirect.scatter.add.f32 [tilespmem:s29], [sflag:$0x5], $0x80, s15, s26, $0xb8;
	[tilespmem:$0x1E000] =	vst v63  }
0x1eb: {  	_ =	swait.ge [sflag:s22], $0x4000  }
0x1ec: {  	[sflag:s22] =	ssyncset.done $0x0  }
0x1ed: {  	s15 =	simm.s32 @p1 $0x600;
	[sflag:s22] =	ssyncadd.s32 $0xFFFFC000  }
0x1ee: {  	[tilespmem:s8], [sflag:$0x1] =	stream.indirect.gather @p1 [hbm4b:s5+s18], $0x80, s15, s18, $0xb8;
	[tilespmem:$0x1E000] =	vst v63  }
0x1ef: {  	s15 =	simm.s32 @!p1 $0x600  }
0x1f0: {  	[tilespmem:s14], [sflag:$0x1] =	stream.indirect.gather @!p1 [hbm4b:s6+s21], $0x80, s15, s21, $0xb8;
	[tilespmem:$0x1E000] =	vst v63  }
0x1f1: {  	_ =	swait.ge [sflag:s30], $0x4000  }
0x1f2: {  	[sflag:s30] =	ssyncset.done $0x0  }
0x1f3: {  	s15 =	simm.s32 $0xD80;
	[sflag:s30] =	ssyncadd.s32 $0xFFFFC000  }
0x1f4: {  	[spmem:s2] =	stream.indirect.scatter.add.f32 [tilespmem:s0], [sflag:$0x5], $0x80, s15, s26, $0xb8;
	[tilespmem:$0x1E000] =	vst v63  }
0x1f5: {  	_ =	swait.ge [sflag:s22], $0x4000  }
0x1f6: {  	[sflag:s22] =	ssyncset.done $0x0  }
0x1f7: {  	s15 =	simm.s32 @p1 $0x680;
	[sflag:s22] =	ssyncadd.s32 $0xFFFFC000  }
0x1f8: {  	[tilespmem:s16], [sflag:$0x2] =	stream.indirect.gather @p1 [hbm4b:s5+s18], $0x80, s15, s18, $0xb8;
	[tilespmem:$0x1E000] =	vst v63  }
0x1f9: {  	s15 =	simm.s32 @!p1 $0x680  }
0x1fa: {  	[tilespmem:s28], [sflag:$0x2] =	stream.indirect.gather @!p1 [hbm4b:s6+s21], $0x80, s15, s21, $0xb8;
	[tilespmem:$0x1E000] =	vst v63  }
0x1fb: {  	_ =	swait.ge [sflag:s25], $0x4000  }
0x1fc: {  	[sflag:s25] =	ssyncset.done $0x0  }
0x1fd: {  	s15 =	simm.s32 $0xE00;
	[sflag:s25] =	ssyncadd.s32 $0xFFFFC000  }
0x1fe: {  	[spmem:s2] =	stream.indirect.scatter.add.f32 [tilespmem:s29], [sflag:$0x5], $0x80, s15, s26, $0xb8;
	[tilespmem:$0x1E000] =	vst v63  }
0x1ff: {  	_ =	swait.ge [sflag:s22], $0x4000  }
0x200: {  	[sflag:s22] =	ssyncset.done $0x0  }
0x201: {  	s15 =	simm.s32 @p1 $0x700;
	[sflag:s22] =	ssyncadd.s32 $0xFFFFC000  }
0x202: {  	[tilespmem:s8], [sflag:$0x1] =	stream.indirect.gather @p1 [hbm4b:s5+s18], $0x80, s15, s18, $0xb8;
	[tilespmem:$0x1E000] =	vst v63  }
0x203: {  	s15 =	simm.s32 @!p1 $0x700  }
0x204: {  	[tilespmem:s14], [sflag:$0x1] =	stream.indirect.gather @!p1 [hbm4b:s6+s21], $0x80, s15, s21, $0xb8;
	[tilespmem:$0x1E000] =	vst v63  }
0x205: {  	_ =	swait.ge [sflag:s30], $0x4000  }
0x206: {  	[sflag:s30] =	ssyncset.done $0x0  }
0x207: {  	s15 =	simm.s32 $0xE80;
	[sflag:s30] =	ssyncadd.s32 $0xFFFFC000  }
0x208: {  	[spmem:s2] =	stream.indirect.scatter.add.f32 [tilespmem:s0], [sflag:$0x5], $0x80, s15, s26, $0xb8;
	[tilespmem:$0x1E000] =	vst v63  }
0x209: {  	_ =	swait.ge [sflag:s22], $0x4000  }
0x20a: {  	[sflag:s22] =	ssyncset.done $0x0  }
0x20b: {  	s15 =	simm.s32 @p1 $0x780;
	[sflag:s22] =	ssyncadd.s32 $0xFFFFC000  }
0x20c: {  	[tilespmem:s16], [sflag:$0x2] =	stream.indirect.gather @p1 [hbm4b:s5+s18], $0x80, s15, s18, $0xb8;
	[tilespmem:$0x1E000] =	vst v63  }
0x20d: {  	s15 =	simm.s32 @!p1 $0x780  }
0x20e: {  	[tilespmem:s28], [sflag:$0x2] =	stream.indirect.gather @!p1 [hbm4b:s6+s21], $0x80, s15, s21, $0xb8;
	[tilespmem:$0x1E000] =	vst v63  }
0x20f: {  	_ =	swait.ge [sflag:s25], $0x4000  }
0x210: {  	[sflag:s25] =	ssyncset.done $0x0  }
0x211: {  	s15 =	simm.s32 $0xF00;
	[sflag:s25] =	ssyncadd.s32 $0xFFFFC000  }
0x212: {  	[spmem:s2] =	stream.indirect.scatter.add.f32 [tilespmem:s29], [sflag:$0x5], $0x80, s15, s26, $0xb8;
	[tilespmem:$0x1E000] =	vst v63  }
0x213: {  	_ =	swait.ge [sflag:s22], $0x4000  }
0x214: {  	[sflag:s22] =	ssyncset.done $0x0  }
0x215: {  	[sflag:s22] =	ssyncadd.s32 $0xFFFFC000  }
0x216: {  	_ =	swait.ge [sflag:s30], $0x4000  }
0x217: {  	[sflag:s30] =	ssyncset.done $0x0  }
0x218: {  	s15 =	simm.s32 $0xF80;
	[sflag:s30] =	ssyncadd.s32 $0xFFFFC000  }
0x219: {  	[spmem:s2] =	stream.indirect.scatter.add.f32 [tilespmem:s0], [sflag:$0x5], $0x80, s15, s26, $0xb8;
	[tilespmem:$0x1E000] =	vst v63  }
0x21a: {  	p3 =	seq.s32 s12, $0xFFFFFC00;
	_ =	swait.ge [sflag:s22], $0x4000  }
0x21b: {  	s15 =	sadd.s32 @!p3 s12, s19;
	s12 =	smov.u32 s23;
	[sflag:s22] =	ssyncset.done $0x0  }
0x21c: {  	s23 =	simm.s32 @!p3 $0x0;
	s15 =	sadd.s32 @!p3 $0x1800, s15;
	[sflag:s22] =	ssyncadd.s32 $0xFFFFC000  }
0x21d: {  	[tilespmem:s23], [sflag:$0x3] =	stream.linear.gather @!p3 [hbm4b:s15+s23], $0x1000, $0x38;
	[tilespmem:$0x1E000] =	vst v63  }
0x21e: {  	_ =	swait.ge [sflag:s4], $0x1000  }
0x21f: {  	[sflag:s4] =	ssyncset.done $0x0  }
0x220: {  	s15 =	simm.s32 @p0 $0x1000;
	[sflag:s4] =	ssyncadd.s32 $0xFFFFF000  }
0x221: {  	[tilespmem:s1], [sflag:$0x1] =	stream.indirect.gather @p0 [hbm4b:s6+s3], $0x80, s15, s3, $0xb8;
	[tilespmem:$0x1E000] =	vst v63  }
0x222: {  	s15 =	simm.s32 @p0 $0x1080  }
0x223: {  	[tilespmem:s9], [sflag:$0x2] =	stream.indirect.gather @p0 [hbm4b:s6+s3], $0x80, s15, s3, $0xb8;
	[tilespmem:$0x1E000] =	vst v63  }
0x224: {  	s9 =	simm.s32 @!p0 $0x1000  }
0x225: {  	[tilespmem:s11], [sflag:$0x1] =	stream.indirect.gather @!p0 [hbm4b:s5+s10], $0x80, s9, s10, $0xb8;
	[tilespmem:$0x1E000] =	vst v63  }
0x226: {  	s9 =	simm.s32 @!p0 $0x1080  }
0x227: {  	[tilespmem:s13], [sflag:$0x2] =	stream.indirect.gather @!p0 [hbm4b:s5+s10], $0x80, s9, s10, $0xb8;
	[tilespmem:$0x1E000] =	vst v63  }
0x228: {  	_ =	swait.ge [sflag:s25], $0x4000  }
0x229: {  	[sflag:s25] =	ssyncset.done $0x0  }
0x22a: {  	s15 =	simm.s32 $0x1800;
	[sflag:s25] =	ssyncadd.s32 $0xFFFFC000  }
0x22b: {  	[spmem:s2] =	stream.indirect.scatter.add.f32 [tilespmem:s29], [sflag:$0x5], $0x80, s15, s26, $0xb8;
	[tilespmem:$0x1E000] =	vst v63  }
0x22c: {  	_ =	swait.ge [sflag:s22], $0x4000  }
0x22d: {  	[sflag:s22] =	ssyncset.done $0x0  }
0x22e: {  	s9 =	simm.s32 @p0 $0x1100;
	[sflag:s22] =	ssyncadd.s32 $0xFFFFC000  }
0x22f: {  	[tilespmem:s1], [sflag:$0x1] =	stream.indirect.gather @p0 [hbm4b:s6+s3], $0x80, s9, s3, $0xb8;
	[tilespmem:$0x1E000] =	vst v63  }
0x230: {  	s9 =	simm.s32 @!p0 $0x1100  }
0x231: {  	[tilespmem:s11], [sflag:$0x1] =	stream.indirect.gather @!p0 [hbm4b:s5+s10], $0x80, s9, s10, $0xb8;
	[tilespmem:$0x1E000] =	vst v63  }
0x232: {  	_ =	swait.ge [sflag:s30], $0x4000  }
0x233: {  	[sflag:s30] =	ssyncset.done $0x0  }
0x234: {  	s15 =	simm.s32 $0x1880;
	[sflag:s30] =	ssyncadd.s32 $0xFFFFC000  }
0x235: {  	[spmem:s2] =	stream.indirect.scatter.add.f32 [tilespmem:s0], [sflag:$0x5], $0x80, s15, s26, $0xb8;
	[tilespmem:$0x1E000] =	vst v63  }
0x236: {  	_ =	swait.ge [sflag:s22], $0x4000  }
0x237: {  	[sflag:s22] =	ssyncset.done $0x0  }
0x238: {  	s9 =	simm.s32 @p1 $0x1180;
	[sflag:s22] =	ssyncadd.s32 $0xFFFFC000  }
0x239: {  	[tilespmem:s16], [sflag:$0x2] =	stream.indirect.gather @p1 [hbm4b:s5+s18], $0x80, s9, s18, $0xb8;
	[tilespmem:$0x1E000] =	vst v63  }
0x23a: {  	s9 =	simm.s32 @!p1 $0x1180  }
0x23b: {  	[tilespmem:s28], [sflag:$0x2] =	stream.indirect.gather @!p1 [hbm4b:s6+s21], $0x80, s9, s21, $0xb8;
	[tilespmem:$0x1E000] =	vst v63  }
0x23c: {  	_ =	swait.ge [sflag:s25], $0x4000  }
0x23d: {  	[sflag:s25] =	ssyncset.done $0x0  }
0x23e: {  	s15 =	simm.s32 $0x1900;
	[sflag:s25] =	ssyncadd.s32 $0xFFFFC000  }
0x23f: {  	[spmem:s2] =	stream.indirect.scatter.add.f32 [tilespmem:s29], [sflag:$0x5], $0x80, s15, s26, $0xb8;
	[tilespmem:$0x1E000] =	vst v63  }
0x240: {  	_ =	swait.ge [sflag:s22], $0x4000  }
0x241: {  	[sflag:s22] =	ssyncset.done $0x0  }
0x242: {  	s9 =	simm.s32 @p1 $0x1200;
	[sflag:s22] =	ssyncadd.s32 $0xFFFFC000  }
0x243: {  	[tilespmem:s8], [sflag:$0x1] =	stream.indirect.gather @p1 [hbm4b:s5+s18], $0x80, s9, s18, $0xb8;
	[tilespmem:$0x1E000] =	vst v63  }
0x244: {  	s9 =	simm.s32 @!p1 $0x1200  }
0x245: {  	[tilespmem:s14], [sflag:$0x1] =	stream.indirect.gather @!p1 [hbm4b:s6+s21], $0x80, s9, s21, $0xb8;
	[tilespmem:$0x1E000] =	vst v63  }
0x246: {  	_ =	swait.ge [sflag:s30], $0x4000  }
0x247: {  	[sflag:s30] =	ssyncset.done $0x0  }
0x248: {  	s15 =	simm.s32 $0x1980;
	[sflag:s30] =	ssyncadd.s32 $0xFFFFC000  }
0x249: {  	[spmem:s2] =	stream.indirect.scatter.add.f32 [tilespmem:s0], [sflag:$0x5], $0x80, s15, s26, $0xb8;
	[tilespmem:$0x1E000] =	vst v63  }
0x24a: {  	_ =	swait.ge [sflag:s22], $0x4000  }
0x24b: {  	[sflag:s22] =	ssyncset.done $0x0  }
0x24c: {  	s9 =	simm.s32 @p1 $0x1280;
	[sflag:s22] =	ssyncadd.s32 $0xFFFFC000  }
0x24d: {  	[tilespmem:s16], [sflag:$0x2] =	stream.indirect.gather @p1 [hbm4b:s5+s18], $0x80, s9, s18, $0xb8;
	[tilespmem:$0x1E000] =	vst v63  }
0x24e: {  	s9 =	simm.s32 @!p1 $0x1280  }
0x24f: {  	[tilespmem:s28], [sflag:$0x2] =	stream.indirect.gather @!p1 [hbm4b:s6+s21], $0x80, s9, s21, $0xb8;
	[tilespmem:$0x1E000] =	vst v63  }
0x250: {  	_ =	swait.ge [sflag:s25], $0x4000  }
0x251: {  	[sflag:s25] =	ssyncset.done $0x0  }
0x252: {  	s15 =	simm.s32 $0x1A00;
	[sflag:s25] =	ssyncadd.s32 $0xFFFFC000  }
0x253: {  	[spmem:s2] =	stream.indirect.scatter.add.f32 [tilespmem:s29], [sflag:$0x5], $0x80, s15, s26, $0xb8;
	[tilespmem:$0x1E000] =	vst v63  }
0x254: {  	_ =	swait.ge [sflag:s22], $0x4000  }
0x255: {  	[sflag:s22] =	ssyncset.done $0x0  }
0x256: {  	s9 =	simm.s32 @p1 $0x1300;
	[sflag:s22] =	ssyncadd.s32 $0xFFFFC000  }
0x257: {  	[tilespmem:s8], [sflag:$0x1] =	stream.indirect.gather @p1 [hbm4b:s5+s18], $0x80, s9, s18, $0xb8;
	[tilespmem:$0x1E000] =	vst v63  }
0x258: {  	s9 =	simm.s32 @!p1 $0x1300  }
0x259: {  	[tilespmem:s14], [sflag:$0x1] =	stream.indirect.gather @!p1 [hbm4b:s6+s21], $0x80, s9, s21, $0xb8;
	[tilespmem:$0x1E000] =	vst v63  }
0x25a: {  	_ =	swait.ge [sflag:s30], $0x4000  }
0x25b: {  	[sflag:s30] =	ssyncset.done $0x0  }
0x25c: {  	s15 =	simm.s32 $0x1A80;
	[sflag:s30] =	ssyncadd.s32 $0xFFFFC000  }
0x25d: {  	[spmem:s2] =	stream.indirect.scatter.add.f32 [tilespmem:s0], [sflag:$0x5], $0x80, s15, s26, $0xb8;
	[tilespmem:$0x1E000] =	vst v63  }
0x25e: {  	_ =	swait.ge [sflag:s22], $0x4000  }
0x25f: {  	[sflag:s22] =	ssyncset.done $0x0  }
0x260: {  	s9 =	simm.s32 @p1 $0x1380;
	[sflag:s22] =	ssyncadd.s32 $0xFFFFC000  }
0x261: {  	[tilespmem:s16], [sflag:$0x2] =	stream.indirect.gather @p1 [hbm4b:s5+s18], $0x80, s9, s18, $0xb8;
	[tilespmem:$0x1E000] =	vst v63  }
0x262: {  	s9 =	simm.s32 @!p1 $0x1380  }
0x263: {  	[tilespmem:s28], [sflag:$0x2] =	stream.indirect.gather @!p1 [hbm4b:s6+s21], $0x80, s9, s21, $0xb8;
	[tilespmem:$0x1E000] =	vst v63  }
0x264: {  	_ =	swait.ge [sflag:s25], $0x4000  }
0x265: {  	[sflag:s25] =	ssyncset.done $0x0  }
0x266: {  	s15 =	simm.s32 $0x1B00;
	[sflag:s25] =	ssyncadd.s32 $0xFFFFC000  }
0x267: {  	[spmem:s2] =	stream.indirect.scatter.add.f32 [tilespmem:s29], [sflag:$0x5], $0x80, s15, s26, $0xb8;
	[tilespmem:$0x1E000] =	vst v63  }
0x268: {  	_ =	swait.ge [sflag:s22], $0x4000  }
0x269: {  	[sflag:s22] =	ssyncset.done $0x0  }
0x26a: {  	s9 =	simm.s32 @p1 $0x1400;
	[sflag:s22] =	ssyncadd.s32 $0xFFFFC000  }
0x26b: {  	[tilespmem:s8], [sflag:$0x1] =	stream.indirect.gather @p1 [hbm4b:s5+s18], $0x80, s9, s18, $0xb8;
	[tilespmem:$0x1E000] =	vst v63  }
0x26c: {  	s9 =	simm.s32 @!p1 $0x1400  }
0x26d: {  	[tilespmem:s14], [sflag:$0x1] =	stream.indirect.gather @!p1 [hbm4b:s6+s21], $0x80, s9, s21, $0xb8;
	[tilespmem:$0x1E000] =	vst v63  }
0x26e: {  	_ =	swait.ge [sflag:s30], $0x4000  }
0x26f: {  	[sflag:s30] =	ssyncset.done $0x0  }
0x270: {  	s15 =	simm.s32 $0x1B80;
	[sflag:s30] =	ssyncadd.s32 $0xFFFFC000  }
0x271: {  	[spmem:s2] =	stream.indirect.scatter.add.f32 [tilespmem:s0], [sflag:$0x5], $0x80, s15, s26, $0xb8;
	[tilespmem:$0x1E000] =	vst v63  }
0x272: {  	_ =	swait.ge [sflag:s22], $0x4000  }
0x273: {  	[sflag:s22] =	ssyncset.done $0x0  }
0x274: {  	s9 =	simm.s32 @p1 $0x1480;
	[sflag:s22] =	ssyncadd.s32 $0xFFFFC000  }
0x275: {  	[tilespmem:s16], [sflag:$0x2] =	stream.indirect.gather @p1 [hbm4b:s5+s18], $0x80, s9, s18, $0xb8;
	[tilespmem:$0x1E000] =	vst v63  }
0x276: {  	s9 =	simm.s32 @!p1 $0x1480  }
0x277: {  	[tilespmem:s28], [sflag:$0x2] =	stream.indirect.gather @!p1 [hbm4b:s6+s21], $0x80, s9, s21, $0xb8;
	[tilespmem:$0x1E000] =	vst v63  }
0x278: {  	_ =	swait.ge [sflag:s25], $0x4000  }
0x279: {  	[sflag:s25] =	ssyncset.done $0x0  }
0x27a: {  	s15 =	simm.s32 $0x1C00;
	[sflag:s25] =	ssyncadd.s32 $0xFFFFC000  }
0x27b: {  	[spmem:s2] =	stream.indirect.scatter.add.f32 [tilespmem:s29], [sflag:$0x5], $0x80, s15, s26, $0xb8;
	[tilespmem:$0x1E000] =	vst v63  }
0x27c: {  	_ =	swait.ge [sflag:s22], $0x4000  }
0x27d: {  	[sflag:s22] =	ssyncset.done $0x0  }
0x27e: {  	s9 =	simm.s32 @p1 $0x1500;
	[sflag:s22] =	ssyncadd.s32 $0xFFFFC000  }
0x27f: {  	[tilespmem:s8], [sflag:$0x1] =	stream.indirect.gather @p1 [hbm4b:s5+s18], $0x80, s9, s18, $0xb8;
	[tilespmem:$0x1E000] =	vst v63  }
0x280: {  	s9 =	simm.s32 @!p1 $0x1500  }
0x281: {  	[tilespmem:s14], [sflag:$0x1] =	stream.indirect.gather @!p1 [hbm4b:s6+s21], $0x80, s9, s21, $0xb8;
	[tilespmem:$0x1E000] =	vst v63  }
0x282: {  	_ =	swait.ge [sflag:s30], $0x4000  }
0x283: {  	[sflag:s30] =	ssyncset.done $0x0  }
0x284: {  	s15 =	simm.s32 $0x1C80;
	[sflag:s30] =	ssyncadd.s32 $0xFFFFC000  }
0x285: {  	[spmem:s2] =	stream.indirect.scatter.add.f32 [tilespmem:s0], [sflag:$0x5], $0x80, s15, s26, $0xb8;
	[tilespmem:$0x1E000] =	vst v63  }
0x286: {  	_ =	swait.ge [sflag:s22], $0x4000  }
0x287: {  	[sflag:s22] =	ssyncset.done $0x0  }
0x288: {  	s9 =	simm.s32 @p1 $0x1580;
	[sflag:s22] =	ssyncadd.s32 $0xFFFFC000  }
0x289: {  	[tilespmem:s16], [sflag:$0x2] =	stream.indirect.gather @p1 [hbm4b:s5+s18], $0x80, s9, s18, $0xb8;
	[tilespmem:$0x1E000] =	vst v63  }
0x28a: {  	s9 =	simm.s32 @!p1 $0x1580  }
0x28b: {  	[tilespmem:s28], [sflag:$0x2] =	stream.indirect.gather @!p1 [hbm4b:s6+s21], $0x80, s9, s21, $0xb8;
	[tilespmem:$0x1E000] =	vst v63  }
0x28c: {  	_ =	swait.ge [sflag:s25], $0x4000  }
0x28d: {  	[sflag:s25] =	ssyncset.done $0x0  }
0x28e: {  	s15 =	simm.s32 $0x1D00;
	[sflag:s25] =	ssyncadd.s32 $0xFFFFC000  }
0x28f: {  	[spmem:s2] =	stream.indirect.scatter.add.f32 [tilespmem:s29], [sflag:$0x5], $0x80, s15, s26, $0xb8;
	[tilespmem:$0x1E000] =	vst v63  }
0x290: {  	_ =	swait.ge [sflag:s22], $0x4000  }
0x291: {  	[sflag:s22] =	ssyncset.done $0x0  }
0x292: {  	s9 =	simm.s32 @p1 $0x1600;
	[sflag:s22] =	ssyncadd.s32 $0xFFFFC000  }
0x293: {  	[tilespmem:s8], [sflag:$0x1] =	stream.indirect.gather @p1 [hbm4b:s5+s18], $0x80, s9, s18, $0xb8;
	[tilespmem:$0x1E000] =	vst v63  }
0x294: {  	s9 =	simm.s32 @!p1 $0x1600  }
0x295: {  	[tilespmem:s14], [sflag:$0x1] =	stream.indirect.gather @!p1 [hbm4b:s6+s21], $0x80, s9, s21, $0xb8;
	[tilespmem:$0x1E000] =	vst v63  }
0x296: {  	_ =	swait.ge [sflag:s30], $0x4000  }
0x297: {  	[sflag:s30] =	ssyncset.done $0x0  }
0x298: {  	s15 =	simm.s32 $0x1D80;
	[sflag:s30] =	ssyncadd.s32 $0xFFFFC000  }
0x299: {  	[spmem:s2] =	stream.indirect.scatter.add.f32 [tilespmem:s0], [sflag:$0x5], $0x80, s15, s26, $0xb8;
	[tilespmem:$0x1E000] =	vst v63  }
0x29a: {  	_ =	swait.ge [sflag:s22], $0x4000  }
0x29b: {  	[sflag:s22] =	ssyncset.done $0x0  }
0x29c: {  	s9 =	simm.s32 @p1 $0x1680;
	[sflag:s22] =	ssyncadd.s32 $0xFFFFC000  }
0x29d: {  	[tilespmem:s16], [sflag:$0x2] =	stream.indirect.gather @p1 [hbm4b:s5+s18], $0x80, s9, s18, $0xb8;
	[tilespmem:$0x1E000] =	vst v63  }
0x29e: {  	s9 =	simm.s32 @!p1 $0x1680  }
0x29f: {  	[tilespmem:s28], [sflag:$0x2] =	stream.indirect.gather @!p1 [hbm4b:s6+s21], $0x80, s9, s21, $0xb8;
	[tilespmem:$0x1E000] =	vst v63  }
0x2a0: {  	_ =	swait.ge [sflag:s25], $0x4000  }
0x2a1: {  	[sflag:s25] =	ssyncset.done $0x0  }
0x2a2: {  	s15 =	simm.s32 $0x1E00;
	[sflag:s25] =	ssyncadd.s32 $0xFFFFC000  }
0x2a3: {  	[spmem:s2] =	stream.indirect.scatter.add.f32 [tilespmem:s29], [sflag:$0x5], $0x80, s15, s26, $0xb8;
	[tilespmem:$0x1E000] =	vst v63  }
0x2a4: {  	_ =	swait.ge [sflag:s22], $0x4000  }
0x2a5: {  	[sflag:s22] =	ssyncset.done $0x0  }
0x2a6: {  	s9 =	simm.s32 @p1 $0x1700;
	[sflag:s22] =	ssyncadd.s32 $0xFFFFC000  }
0x2a7: {  	[tilespmem:s8], [sflag:$0x1] =	stream.indirect.gather @p1 [hbm4b:s5+s18], $0x80, s9, s18, $0xb8;
	[tilespmem:$0x1E000] =	vst v63  }
0x2a8: {  	s9 =	simm.s32 @!p1 $0x1700  }
0x2a9: {  	[tilespmem:s14], [sflag:$0x1] =	stream.indirect.gather @!p1 [hbm4b:s6+s21], $0x80, s9, s21, $0xb8;
	[tilespmem:$0x1E000] =	vst v63  }
0x2aa: {  	_ =	swait.ge [sflag:s30], $0x4000  }
0x2ab: {  	[sflag:s30] =	ssyncset.done $0x0  }
0x2ac: {  	s15 =	simm.s32 $0x1E80;
	[sflag:s30] =	ssyncadd.s32 $0xFFFFC000  }
0x2ad: {  	[spmem:s2] =	stream.indirect.scatter.add.f32 [tilespmem:s0], [sflag:$0x5], $0x80, s15, s26, $0xb8;
	[tilespmem:$0x1E000] =	vst v63  }
0x2ae: {  	_ =	swait.ge [sflag:s22], $0x4000  }
0x2af: {  	[sflag:s22] =	ssyncset.done $0x0  }
0x2b0: {  	s9 =	simm.s32 @p1 $0x1780;
	[sflag:s22] =	ssyncadd.s32 $0xFFFFC000  }
0x2b1: {  	[tilespmem:s16], [sflag:$0x2] =	stream.indirect.gather @p1 [hbm4b:s5+s18], $0x80, s9, s18, $0xb8;
	[tilespmem:$0x1E000] =	vst v63  }
0x2b2: {  	s9 =	simm.s32 @!p1 $0x1780  }
0x2b3: {  	[tilespmem:s28], [sflag:$0x2] =	stream.indirect.gather @!p1 [hbm4b:s6+s21], $0x80, s9, s21, $0xb8;
	[tilespmem:$0x1E000] =	vst v63  }
0x2b4: {  	_ =	swait.ge [sflag:s25], $0x4000  }
0x2b5: {  	[sflag:s25] =	ssyncset.done $0x0  }
0x2b6: {  	s15 =	simm.s32 $0x1F00;
	[sflag:s25] =	ssyncadd.s32 $0xFFFFC000  }
0x2b7: {  	[spmem:s2] =	stream.indirect.scatter.add.f32 [tilespmem:s29], [sflag:$0x5], $0x80, s15, s26, $0xb8;
	[tilespmem:$0x1E000] =	vst v63  }
0x2b8: {  	_ =	swait.ge [sflag:s22], $0x4000  }
0x2b9: {  	[sflag:s22] =	ssyncset.done $0x0  }
0x2ba: {  	[sflag:s22] =	ssyncadd.s32 $0xFFFFC000  }
0x2bb: {  	_ =	swait.ge [sflag:s30], $0x4000  }
.Ltmp0:
0x2bc: {  	[sflag:s30] =	ssyncset.done $0x0;
	(pc) =	sbr.rel @p2 .LBB2_2-.Ltmp0, $4  }
0x2bd: {  	s15 =	simm.s32 $0x1F80;
	[sflag:s30] =	ssyncadd.s32 $0xFFFFC000  }
0x2be: {  	[spmem:s2] =	stream.indirect.scatter.add.f32 [tilespmem:s0], [sflag:$0x5], $0x80, s15, s26, $0xb8;
	[tilespmem:$0x1E000] =	vst v63  }
0x2bf: {  	_ =	swait.ge [sflag:s22], $0x4000  }
0x2c0: {  	s23 =	sadd.s32 s12, s19;
	[sflag:s22] =	ssyncset.done $0x0  }
0x2c1: {  	s1 =	sadd.s32 $0x1600, s23  }
0x2c2: {  	[sflag:s22] =	ssyncadd.s32 $0xFFFFC000;
	s9 =	simm.s32 $0x0;
	s3 =	simm.s32 $0x1000  }
0x2c3: {  	[tilespmem:s3], [sflag:$0x4] =	stream.linear.gather [hbm4b:s1+s9], $0x1000, $0x38;
	[tilespmem:$0x1E000] =	vst v63  }
0x2c4: {  	_ =	swait.ge [sflag:s24], $0x1000  }
0x2c5: {  	s23 =	simm.s32 @p0 $0x80;
	[sflag:s24] =	ssyncset.done $0x0  }
0x2c6: {  	s3 =	simm.s32 @p0 $0x2000;
	s1 =	simm.s32 @p0 $0x0;
	[sflag:s24] =	ssyncadd.s32 $0xFFFFF000  }
0x2c7: {  	[tilespmem:s3], [sflag:$0x1] =	stream.indirect.gather @p0 [hbm4b:s6+s23], $0x80, s1, s23, $0xb8;
	[tilespmem:$0x1E000] =	vst v63  }
0x2c8: {  	s21 =	simm.s32 @p0 $0x6000  }
0x2c9: {  	[tilespmem:s21], [sflag:$0x2] =	stream.indirect.gather @p0 [hbm4b:s6+s23], $0x80, s23, s23, $0xb8;
	[tilespmem:$0x1E000] =	vst v63  }
0x2ca: {  	s31 =	simm.s32 @!p0 $0x80;
	s8 =	simm.s32 @!p0 $0x0;
	s1 =	simm.s32 @!p0 $0x2000  }
0x2cb: {  	[tilespmem:s1], [sflag:$0x1] =	stream.indirect.gather @!p0 [hbm4b:s5+s31], $0x80, s8, s31, $0xb8;
	[tilespmem:$0x1E000] =	vst v63  }
0x2cc: {  	s20 =	simm.s32 @!p0 $0x6000  }
0x2cd: {  	[tilespmem:s20], [sflag:$0x2] =	stream.indirect.gather @!p0 [hbm4b:s5+s31], $0x80, s31, s31, $0xb8;
	[tilespmem:$0x1E000] =	vst v63  }
0x2ce: {  	_ =	swait.ge [sflag:s25], $0x4000  }
0x2cf: {  	[sflag:s25] =	ssyncset.done $0x0  }
0x2d0: {  	s18 =	simm.s32 $0x800;
	[sflag:s25] =	ssyncadd.s32 $0xFFFFC000  }
0x2d1: {  	[spmem:s2] =	stream.indirect.scatter.add.f32 [tilespmem:s29], [sflag:$0x5], $0x80, s18, s26, $0xb8;
	[tilespmem:$0x1E000] =	vst v63  }
0x2d2: {  	_ =	swait.ge [sflag:s22], $0x4000  }
0x2d3: {  	[sflag:s22] =	ssyncset.done $0x0  }
0x2d4: {  	s8 =	simm.s32 @p0 $0x100;
	[sflag:s22] =	ssyncadd.s32 $0xFFFFC000  }
0x2d5: {  	[tilespmem:s3], [sflag:$0x1] =	stream.indirect.gather @p0 [hbm4b:s6+s23], $0x80, s8, s23, $0xb8;
	[tilespmem:$0x1E000] =	vst v63  }
0x2d6: {  	s8 =	simm.s32 @!p0 $0x100  }
0x2d7: {  	[tilespmem:s1], [sflag:$0x1] =	stream.indirect.gather @!p0 [hbm4b:s5+s31], $0x80, s8, s31, $0xb8;
	[tilespmem:$0x1E000] =	vst v63  }
0x2d8: {  	_ =	swait.ge [sflag:s30], $0x4000  }
0x2d9: {  	[sflag:s30] =	ssyncset.done $0x0  }
0x2da: {  	s28 =	simm.s32 $0x880;
	[sflag:s30] =	ssyncadd.s32 $0xFFFFC000  }
0x2db: {  	[spmem:s2] =	stream.indirect.scatter.add.f32 [tilespmem:s0], [sflag:$0x5], $0x80, s28, s26, $0xb8;
	[tilespmem:$0x1E000] =	vst v63  }
0x2dc: {  	_ =	swait.ge [sflag:s22], $0x4000  }
0x2dd: {  	s13 =	simm.s32 @p1 $0x6000;
	[sflag:s22] =	ssyncset.done $0x0  }
0x2de: {  	s14 =	simm.s32 @p1 $0x80;
	s8 =	simm.s32 @p1 $0x180;
	[sflag:s22] =	ssyncadd.s32 $0xFFFFC000  }
0x2df: {  	[tilespmem:s13], [sflag:$0x2] =	stream.indirect.gather @p1 [hbm4b:s5+s14], $0x80, s8, s14, $0xb8;
	[tilespmem:$0x1E000] =	vst v63  }
0x2e0: {  	s15 =	simm.s32 @!p1 $0x80;
	s16 =	simm.s32 @!p1 $0x6000;
	s8 =	simm.s32 @!p1 $0x180  }
0x2e1: {  	[tilespmem:s16], [sflag:$0x2] =	stream.indirect.gather @!p1 [hbm4b:s6+s15], $0x80, s8, s15, $0xb8;
	[tilespmem:$0x1E000] =	vst v63  }
0x2e2: {  	_ =	swait.ge [sflag:s25], $0x4000  }
0x2e3: {  	[sflag:s25] =	ssyncset.done $0x0  }
0x2e4: {  	s10 =	simm.s32 $0x900;
	[sflag:s25] =	ssyncadd.s32 $0xFFFFC000  }
0x2e5: {  	[spmem:s2] =	stream.indirect.scatter.add.f32 [tilespmem:s29], [sflag:$0x5], $0x80, s10, s26, $0xb8;
	[tilespmem:$0x1E000] =	vst v63  }
0x2e6: {  	_ =	swait.ge [sflag:s22], $0x4000  }
0x2e7: {  	[sflag:s22] =	ssyncset.done $0x0  }
0x2e8: {  	s8 =	simm.s32 @p1 $0x2000;
	s10 =	simm.s32 @p1 $0x200;
	[sflag:s22] =	ssyncadd.s32 $0xFFFFC000  }
0x2e9: {  	[tilespmem:s8], [sflag:$0x1] =	stream.indirect.gather @p1 [hbm4b:s5+s14], $0x80, s10, s14, $0xb8;
	[tilespmem:$0x1E000] =	vst v63  }
0x2ea: {  	s11 =	simm.s32 @!p1 $0x200;
	s18 =	simm.s32 @!p1 $0x2000  }
0x2eb: {  	[tilespmem:s18], [sflag:$0x1] =	stream.indirect.gather @!p1 [hbm4b:s6+s15], $0x80, s11, s15, $0xb8;
	[tilespmem:$0x1E000] =	vst v63  }
0x2ec: {  	_ =	swait.ge [sflag:s30], $0x4000  }
0x2ed: {  	[sflag:s30] =	ssyncset.done $0x0  }
0x2ee: {  	s11 =	simm.s32 $0x980;
	[sflag:s30] =	ssyncadd.s32 $0xFFFFC000  }
0x2ef: {  	[spmem:s2] =	stream.indirect.scatter.add.f32 [tilespmem:s0], [sflag:$0x5], $0x80, s11, s26, $0xb8;
	[tilespmem:$0x1E000] =	vst v63  }
0x2f0: {  	_ =	swait.ge [sflag:s22], $0x4000  }
0x2f1: {  	[sflag:s22] =	ssyncset.done $0x0  }
0x2f2: {  	s10 =	simm.s32 @p1 $0x280;
	[sflag:s22] =	ssyncadd.s32 $0xFFFFC000  }
0x2f3: {  	[tilespmem:s13], [sflag:$0x2] =	stream.indirect.gather @p1 [hbm4b:s5+s14], $0x80, s10, s14, $0xb8;
	[tilespmem:$0x1E000] =	vst v63  }
0x2f4: {  	s10 =	simm.s32 @!p1 $0x280  }
0x2f5: {  	[tilespmem:s16], [sflag:$0x2] =	stream.indirect.gather @!p1 [hbm4b:s6+s15], $0x80, s10, s15, $0xb8;
	[tilespmem:$0x1E000] =	vst v63  }
0x2f6: {  	_ =	swait.ge [sflag:s25], $0x4000  }
0x2f7: {  	[sflag:s25] =	ssyncset.done $0x0  }
0x2f8: {  	s28 =	simm.s32 $0xA00;
	[sflag:s25] =	ssyncadd.s32 $0xFFFFC000  }
0x2f9: {  	[spmem:s2] =	stream.indirect.scatter.add.f32 [tilespmem:s29], [sflag:$0x5], $0x80, s28, s26, $0xb8;
	[tilespmem:$0x1E000] =	vst v63  }
0x2fa: {  	_ =	swait.ge [sflag:s22], $0x4000  }
0x2fb: {  	[sflag:s22] =	ssyncset.done $0x0  }
0x2fc: {  	s11 =	simm.s32 @p1 $0x300;
	[sflag:s22] =	ssyncadd.s32 $0xFFFFC000  }
0x2fd: {  	[tilespmem:s8], [sflag:$0x1] =	stream.indirect.gather @p1 [hbm4b:s5+s14], $0x80, s11, s14, $0xb8;
	[tilespmem:$0x1E000] =	vst v63  }
0x2fe: {  	s11 =	simm.s32 @!p1 $0x300  }
0x2ff: {  	[tilespmem:s18], [sflag:$0x1] =	stream.indirect.gather @!p1 [hbm4b:s6+s15], $0x80, s11, s15, $0xb8;
	[tilespmem:$0x1E000] =	vst v63  }
0x300: {  	_ =	swait.ge [sflag:s30], $0x4000  }
0x301: {  	[sflag:s30] =	ssyncset.done $0x0  }
0x302: {  	s11 =	simm.s32 $0xA80;
	[sflag:s30] =	ssyncadd.s32 $0xFFFFC000  }
0x303: {  	[spmem:s2] =	stream.indirect.scatter.add.f32 [tilespmem:s0], [sflag:$0x5], $0x80, s11, s26, $0xb8;
	[tilespmem:$0x1E000] =	vst v63  }
0x304: {  	_ =	swait.ge [sflag:s22], $0x4000  }
0x305: {  	[sflag:s22] =	ssyncset.done $0x0  }
0x306: {  	s10 =	simm.s32 @p1 $0x380;
	[sflag:s22] =	ssyncadd.s32 $0xFFFFC000  }
0x307: {  	[tilespmem:s13], [sflag:$0x2] =	stream.indirect.gather @p1 [hbm4b:s5+s14], $0x80, s10, s14, $0xb8;
	[tilespmem:$0x1E000] =	vst v63  }
0x308: {  	s10 =	simm.s32 @!p1 $0x380  }
0x309: {  	[tilespmem:s16], [sflag:$0x2] =	stream.indirect.gather @!p1 [hbm4b:s6+s15], $0x80, s10, s15, $0xb8;
	[tilespmem:$0x1E000] =	vst v63  }
0x30a: {  	_ =	swait.ge [sflag:s25], $0x4000  }
0x30b: {  	[sflag:s25] =	ssyncset.done $0x0  }
0x30c: {  	s28 =	simm.s32 $0xB00;
	[sflag:s25] =	ssyncadd.s32 $0xFFFFC000  }
0x30d: {  	[spmem:s2] =	stream.indirect.scatter.add.f32 [tilespmem:s29], [sflag:$0x5], $0x80, s28, s26, $0xb8;
	[tilespmem:$0x1E000] =	vst v63  }
0x30e: {  	_ =	swait.ge [sflag:s22], $0x4000  }
0x30f: {  	[sflag:s22] =	ssyncset.done $0x0  }
0x310: {  	s11 =	simm.s32 @p1 $0x400;
	[sflag:s22] =	ssyncadd.s32 $0xFFFFC000  }
0x311: {  	[tilespmem:s8], [sflag:$0x1] =	stream.indirect.gather @p1 [hbm4b:s5+s14], $0x80, s11, s14, $0xb8;
	[tilespmem:$0x1E000] =	vst v63  }
0x312: {  	s11 =	simm.s32 @!p1 $0x400  }
0x313: {  	[tilespmem:s18], [sflag:$0x1] =	stream.indirect.gather @!p1 [hbm4b:s6+s15], $0x80, s11, s15, $0xb8;
	[tilespmem:$0x1E000] =	vst v63  }
0x314: {  	_ =	swait.ge [sflag:s30], $0x4000  }
0x315: {  	[sflag:s30] =	ssyncset.done $0x0  }
0x316: {  	s11 =	simm.s32 $0xB80;
	[sflag:s30] =	ssyncadd.s32 $0xFFFFC000  }
0x317: {  	[spmem:s2] =	stream.indirect.scatter.add.f32 [tilespmem:s0], [sflag:$0x5], $0x80, s11, s26, $0xb8;
	[tilespmem:$0x1E000] =	vst v63  }
0x318: {  	_ =	swait.ge [sflag:s22], $0x4000  }
0x319: {  	[sflag:s22] =	ssyncset.done $0x0  }
0x31a: {  	s10 =	simm.s32 @p1 $0x480;
	[sflag:s22] =	ssyncadd.s32 $0xFFFFC000  }
0x31b: {  	[tilespmem:s13], [sflag:$0x2] =	stream.indirect.gather @p1 [hbm4b:s5+s14], $0x80, s10, s14, $0xb8;
	[tilespmem:$0x1E000] =	vst v63  }
0x31c: {  	s10 =	simm.s32 @!p1 $0x480  }
0x31d: {  	[tilespmem:s16], [sflag:$0x2] =	stream.indirect.gather @!p1 [hbm4b:s6+s15], $0x80, s10, s15, $0xb8;
	[tilespmem:$0x1E000] =	vst v63  }
0x31e: {  	_ =	swait.ge [sflag:s25], $0x4000  }
0x31f: {  	[sflag:s25] =	ssyncset.done $0x0  }
0x320: {  	s28 =	simm.s32 $0xC00;
	[sflag:s25] =	ssyncadd.s32 $0xFFFFC000  }
0x321: {  	[spmem:s2] =	stream.indirect.scatter.add.f32 [tilespmem:s29], [sflag:$0x5], $0x80, s28, s26, $0xb8;
	[tilespmem:$0x1E000] =	vst v63  }
0x322: {  	_ =	swait.ge [sflag:s22], $0x4000  }
0x323: {  	[sflag:s22] =	ssyncset.done $0x0  }
0x324: {  	s11 =	simm.s32 @p1 $0x500;
	[sflag:s22] =	ssyncadd.s32 $0xFFFFC000  }
0x325: {  	[tilespmem:s8], [sflag:$0x1] =	stream.indirect.gather @p1 [hbm4b:s5+s14], $0x80, s11, s14, $0xb8;
	[tilespmem:$0x1E000] =	vst v63  }
0x326: {  	s11 =	simm.s32 @!p1 $0x500  }
0x327: {  	[tilespmem:s18], [sflag:$0x1] =	stream.indirect.gather @!p1 [hbm4b:s6+s15], $0x80, s11, s15, $0xb8;
	[tilespmem:$0x1E000] =	vst v63  }
0x328: {  	_ =	swait.ge [sflag:s30], $0x4000  }
0x329: {  	[sflag:s30] =	ssyncset.done $0x0  }
0x32a: {  	s11 =	simm.s32 $0xC80;
	[sflag:s30] =	ssyncadd.s32 $0xFFFFC000  }
0x32b: {  	[spmem:s2] =	stream.indirect.scatter.add.f32 [tilespmem:s0], [sflag:$0x5], $0x80, s11, s26, $0xb8;
	[tilespmem:$0x1E000] =	vst v63  }
0x32c: {  	_ =	swait.ge [sflag:s22], $0x4000  }
0x32d: {  	[sflag:s22] =	ssyncset.done $0x0  }
0x32e: {  	s10 =	simm.s32 @p1 $0x580;
	[sflag:s22] =	ssyncadd.s32 $0xFFFFC000  }
0x32f: {  	[tilespmem:s13], [sflag:$0x2] =	stream.indirect.gather @p1 [hbm4b:s5+s14], $0x80, s10, s14, $0xb8;
	[tilespmem:$0x1E000] =	vst v63  }
0x330: {  	s10 =	simm.s32 @!p1 $0x580  }
0x331: {  	[tilespmem:s16], [sflag:$0x2] =	stream.indirect.gather @!p1 [hbm4b:s6+s15], $0x80, s10, s15, $0xb8;
	[tilespmem:$0x1E000] =	vst v63  }
0x332: {  	_ =	swait.ge [sflag:s25], $0x4000  }
0x333: {  	[sflag:s25] =	ssyncset.done $0x0  }
0x334: {  	s28 =	simm.s32 $0xD00;
	[sflag:s25] =	ssyncadd.s32 $0xFFFFC000  }
0x335: {  	[spmem:s2] =	stream.indirect.scatter.add.f32 [tilespmem:s29], [sflag:$0x5], $0x80, s28, s26, $0xb8;
	[tilespmem:$0x1E000] =	vst v63  }
0x336: {  	_ =	swait.ge [sflag:s22], $0x4000  }
0x337: {  	[sflag:s22] =	ssyncset.done $0x0  }
0x338: {  	s11 =	simm.s32 @p1 $0x600;
	[sflag:s22] =	ssyncadd.s32 $0xFFFFC000  }
0x339: {  	[tilespmem:s8], [sflag:$0x1] =	stream.indirect.gather @p1 [hbm4b:s5+s14], $0x80, s11, s14, $0xb8;
	[tilespmem:$0x1E000] =	vst v63  }
0x33a: {  	s11 =	simm.s32 @!p1 $0x600  }
0x33b: {  	[tilespmem:s18], [sflag:$0x1] =	stream.indirect.gather @!p1 [hbm4b:s6+s15], $0x80, s11, s15, $0xb8;
	[tilespmem:$0x1E000] =	vst v63  }
0x33c: {  	_ =	swait.ge [sflag:s30], $0x4000  }
0x33d: {  	[sflag:s30] =	ssyncset.done $0x0  }
0x33e: {  	s11 =	simm.s32 $0xD80;
	[sflag:s30] =	ssyncadd.s32 $0xFFFFC000  }
0x33f: {  	[spmem:s2] =	stream.indirect.scatter.add.f32 [tilespmem:s0], [sflag:$0x5], $0x80, s11, s26, $0xb8;
	[tilespmem:$0x1E000] =	vst v63  }
0x340: {  	_ =	swait.ge [sflag:s22], $0x4000  }
0x341: {  	[sflag:s22] =	ssyncset.done $0x0  }
0x342: {  	s10 =	simm.s32 @p1 $0x680;
	[sflag:s22] =	ssyncadd.s32 $0xFFFFC000  }
0x343: {  	[tilespmem:s13], [sflag:$0x2] =	stream.indirect.gather @p1 [hbm4b:s5+s14], $0x80, s10, s14, $0xb8;
	[tilespmem:$0x1E000] =	vst v63  }
0x344: {  	s10 =	simm.s32 @!p1 $0x680  }
0x345: {  	[tilespmem:s16], [sflag:$0x2] =	stream.indirect.gather @!p1 [hbm4b:s6+s15], $0x80, s10, s15, $0xb8;
	[tilespmem:$0x1E000] =	vst v63  }
0x346: {  	_ =	swait.ge [sflag:s25], $0x4000  }
0x347: {  	[sflag:s25] =	ssyncset.done $0x0  }
0x348: {  	s28 =	simm.s32 $0xE00;
	[sflag:s25] =	ssyncadd.s32 $0xFFFFC000  }
0x349: {  	[spmem:s2] =	stream.indirect.scatter.add.f32 [tilespmem:s29], [sflag:$0x5], $0x80, s28, s26, $0xb8;
	[tilespmem:$0x1E000] =	vst v63  }
0x34a: {  	_ =	swait.ge [sflag:s22], $0x4000  }
0x34b: {  	[sflag:s22] =	ssyncset.done $0x0  }
0x34c: {  	s11 =	simm.s32 @p1 $0x700;
	[sflag:s22] =	ssyncadd.s32 $0xFFFFC000  }
0x34d: {  	[tilespmem:s8], [sflag:$0x1] =	stream.indirect.gather @p1 [hbm4b:s5+s14], $0x80, s11, s14, $0xb8;
	[tilespmem:$0x1E000] =	vst v63  }
0x34e: {  	s11 =	simm.s32 @!p1 $0x700  }
0x34f: {  	[tilespmem:s18], [sflag:$0x1] =	stream.indirect.gather @!p1 [hbm4b:s6+s15], $0x80, s11, s15, $0xb8;
	[tilespmem:$0x1E000] =	vst v63  }
0x350: {  	_ =	swait.ge [sflag:s30], $0x4000  }
0x351: {  	[sflag:s30] =	ssyncset.done $0x0  }
0x352: {  	s11 =	simm.s32 $0xE80;
	[sflag:s30] =	ssyncadd.s32 $0xFFFFC000  }
0x353: {  	[spmem:s2] =	stream.indirect.scatter.add.f32 [tilespmem:s0], [sflag:$0x5], $0x80, s11, s26, $0xb8;
	[tilespmem:$0x1E000] =	vst v63  }
0x354: {  	_ =	swait.ge [sflag:s22], $0x4000  }
0x355: {  	[sflag:s22] =	ssyncset.done $0x0  }
0x356: {  	s10 =	simm.s32 @p1 $0x780;
	[sflag:s22] =	ssyncadd.s32 $0xFFFFC000  }
0x357: {  	[tilespmem:s13], [sflag:$0x2] =	stream.indirect.gather @p1 [hbm4b:s5+s14], $0x80, s10, s14, $0xb8;
	[tilespmem:$0x1E000] =	vst v63  }
0x358: {  	s10 =	simm.s32 @!p1 $0x780  }
0x359: {  	[tilespmem:s16], [sflag:$0x2] =	stream.indirect.gather @!p1 [hbm4b:s6+s15], $0x80, s10, s15, $0xb8;
	[tilespmem:$0x1E000] =	vst v63  }
0x35a: {  	_ =	swait.ge [sflag:s25], $0x4000  }
0x35b: {  	[sflag:s25] =	ssyncset.done $0x0  }
0x35c: {  	s28 =	simm.s32 $0xF00;
	[sflag:s25] =	ssyncadd.s32 $0xFFFFC000  }
0x35d: {  	[spmem:s2] =	stream.indirect.scatter.add.f32 [tilespmem:s29], [sflag:$0x5], $0x80, s28, s26, $0xb8;
	[tilespmem:$0x1E000] =	vst v63  }
0x35e: {  	_ =	swait.ge [sflag:s22], $0x4000  }
0x35f: {  	[sflag:s22] =	ssyncset.done $0x0  }
0x360: {  	[sflag:s22] =	ssyncadd.s32 $0xFFFFC000  }
0x361: {  	_ =	swait.ge [sflag:s30], $0x4000  }
0x362: {  	[sflag:s30] =	ssyncset.done $0x0  }
0x363: {  	s28 =	simm.s32 $0xF80;
	[sflag:s30] =	ssyncadd.s32 $0xFFFFC000  }
0x364: {  	[spmem:s2] =	stream.indirect.scatter.add.f32 [tilespmem:s0], [sflag:$0x5], $0x80, s28, s26, $0xb8;
	[tilespmem:$0x1E000] =	vst v63  }
0x365: {  	p2 =	seq.s32 s12, $0xFFFFFC00;
	_ =	swait.ge [sflag:s22], $0x4000  }
0x366: {  	s11 =	sadd.s32 @!p2 s12, s19;
	[sflag:s22] =	ssyncset.done $0x0  }
0x367: {  	s12 =	simm.s32 @!p2 $0x0;
	s11 =	sadd.s32 @!p2 $0x1800, s11;
	[sflag:s22] =	ssyncadd.s32 $0xFFFFC000  }
0x368: {  	[tilespmem:s12], [sflag:$0x3] =	stream.linear.gather @!p2 [hbm4b:s11+s12], $0x1000, $0x38;
	[tilespmem:$0x1E000] =	vst v63  }
0x369: {  	_ =	swait.ge [sflag:s4], $0x1000  }
0x36a: {  	[sflag:s4] =	ssyncset.done $0x0  }
0x36b: {  	s11 =	simm.s32 @p0 $0x1000;
	[sflag:s4] =	ssyncadd.s32 $0xFFFFF000  }
0x36c: {  	[tilespmem:s3], [sflag:$0x1] =	stream.indirect.gather @p0 [hbm4b:s6+s23], $0x80, s11, s23, $0xb8;
	[tilespmem:$0x1E000] =	vst v63  }
0x36d: {  	s11 =	simm.s32 @p0 $0x1080  }
0x36e: {  	[tilespmem:s21], [sflag:$0x2] =	stream.indirect.gather @p0 [hbm4b:s6+s23], $0x80, s11, s23, $0xb8;
	[tilespmem:$0x1E000] =	vst v63  }
0x36f: {  	s11 =	simm.s32 @!p0 $0x1000  }
0x370: {  	[tilespmem:s1], [sflag:$0x1] =	stream.indirect.gather @!p0 [hbm4b:s5+s31], $0x80, s11, s31, $0xb8;
	[tilespmem:$0x1E000] =	vst v63  }
0x371: {  	s11 =	simm.s32 @!p0 $0x1080  }
0x372: {  	[tilespmem:s20], [sflag:$0x2] =	stream.indirect.gather @!p0 [hbm4b:s5+s31], $0x80, s11, s31, $0xb8;
	[tilespmem:$0x1E000] =	vst v63  }
0x373: {  	_ =	swait.ge [sflag:s25], $0x4000  }
0x374: {  	[sflag:s25] =	ssyncset.done $0x0  }
0x375: {  	s28 =	simm.s32 $0x1800;
	[sflag:s25] =	ssyncadd.s32 $0xFFFFC000  }
0x376: {  	[spmem:s2] =	stream.indirect.scatter.add.f32 [tilespmem:s29], [sflag:$0x5], $0x80, s28, s26, $0xb8;
	[tilespmem:$0x1E000] =	vst v63  }
0x377: {  	_ =	swait.ge [sflag:s22], $0x4000  }
0x378: {  	[sflag:s22] =	ssyncset.done $0x0  }
0x379: {  	s11 =	simm.s32 @p0 $0x1100;
	[sflag:s22] =	ssyncadd.s32 $0xFFFFC000  }
0x37a: {  	[tilespmem:s3], [sflag:$0x1] =	stream.indirect.gather @p0 [hbm4b:s6+s23], $0x80, s11, s23, $0xb8;
	[tilespmem:$0x1E000] =	vst v63  }
0x37b: {  	s11 =	simm.s32 @!p0 $0x1100  }
0x37c: {  	[tilespmem:s1], [sflag:$0x1] =	stream.indirect.gather @!p0 [hbm4b:s5+s31], $0x80, s11, s31, $0xb8;
	[tilespmem:$0x1E000] =	vst v63  }
0x37d: {  	_ =	swait.ge [sflag:s30], $0x4000  }
0x37e: {  	[sflag:s30] =	ssyncset.done $0x0  }
0x37f: {  	s12 =	simm.s32 $0x1880;
	[sflag:s30] =	ssyncadd.s32 $0xFFFFC000  }
0x380: {  	[spmem:s2] =	stream.indirect.scatter.add.f32 [tilespmem:s0], [sflag:$0x5], $0x80, s12, s26, $0xb8;
	[tilespmem:$0x1E000] =	vst v63  }
0x381: {  	_ =	swait.ge [sflag:s22], $0x4000  }
0x382: {  	[sflag:s22] =	ssyncset.done $0x0  }
0x383: {  	s11 =	simm.s32 @p1 $0x1180;
	[sflag:s22] =	ssyncadd.s32 $0xFFFFC000  }
0x384: {  	[tilespmem:s13], [sflag:$0x2] =	stream.indirect.gather @p1 [hbm4b:s5+s14], $0x80, s11, s14, $0xb8;
	[tilespmem:$0x1E000] =	vst v63  }
0x385: {  	s11 =	simm.s32 @!p1 $0x1180  }
0x386: {  	[tilespmem:s16], [sflag:$0x2] =	stream.indirect.gather @!p1 [hbm4b:s6+s15], $0x80, s11, s15, $0xb8;
	[tilespmem:$0x1E000] =	vst v63  }
0x387: {  	_ =	swait.ge [sflag:s25], $0x4000  }
0x388: {  	[sflag:s25] =	ssyncset.done $0x0  }
0x389: {  	s10 =	smov.u32 s19;
	s19 =	simm.s32 $0x1900;
	[sflag:s25] =	ssyncadd.s32 $0xFFFFC000  }
0x38a: {  	[spmem:s2] =	stream.indirect.scatter.add.f32 [tilespmem:s29], [sflag:$0x5], $0x80, s19, s26, $0xb8;
	[tilespmem:$0x1E000] =	vst v63  }
0x38b: {  	_ =	swait.ge [sflag:s22], $0x4000  }
0x38c: {  	[sflag:s22] =	ssyncset.done $0x0  }
0x38d: {  	s11 =	simm.s32 @p1 $0x1200;
	[sflag:s22] =	ssyncadd.s32 $0xFFFFC000  }
0x38e: {  	[tilespmem:s8], [sflag:$0x1] =	stream.indirect.gather @p1 [hbm4b:s5+s14], $0x80, s11, s14, $0xb8;
	[tilespmem:$0x1E000] =	vst v63  }
0x38f: {  	s11 =	simm.s32 @!p1 $0x1200  }
0x390: {  	[tilespmem:s18], [sflag:$0x1] =	stream.indirect.gather @!p1 [hbm4b:s6+s15], $0x80, s11, s15, $0xb8;
	[tilespmem:$0x1E000] =	vst v63  }
0x391: {  	_ =	swait.ge [sflag:s30], $0x4000  }
0x392: {  	[sflag:s30] =	ssyncset.done $0x0  }
0x393: {  	s28 =	simm.s32 $0x1980;
	[sflag:s30] =	ssyncadd.s32 $0xFFFFC000  }
0x394: {  	[spmem:s2] =	stream.indirect.scatter.add.f32 [tilespmem:s0], [sflag:$0x5], $0x80, s28, s26, $0xb8;
	[tilespmem:$0x1E000] =	vst v63  }
0x395: {  	_ =	swait.ge [sflag:s22], $0x4000  }
0x396: {  	[sflag:s22] =	ssyncset.done $0x0  }
0x397: {  	s11 =	simm.s32 @p1 $0x1280;
	[sflag:s22] =	ssyncadd.s32 $0xFFFFC000  }
0x398: {  	[tilespmem:s13], [sflag:$0x2] =	stream.indirect.gather @p1 [hbm4b:s5+s14], $0x80, s11, s14, $0xb8;
	[tilespmem:$0x1E000] =	vst v63  }
0x399: {  	s11 =	simm.s32 @!p1 $0x1280  }
0x39a: {  	[tilespmem:s16], [sflag:$0x2] =	stream.indirect.gather @!p1 [hbm4b:s6+s15], $0x80, s11, s15, $0xb8;
	[tilespmem:$0x1E000] =	vst v63  }
0x39b: {  	_ =	swait.ge [sflag:s25], $0x4000  }
0x39c: {  	[sflag:s25] =	ssyncset.done $0x0  }
0x39d: {  	s12 =	simm.s32 $0x1A00;
	[sflag:s25] =	ssyncadd.s32 $0xFFFFC000  }
0x39e: {  	[spmem:s2] =	stream.indirect.scatter.add.f32 [tilespmem:s29], [sflag:$0x5], $0x80, s12, s26, $0xb8;
	[tilespmem:$0x1E000] =	vst v63  }
0x39f: {  	_ =	swait.ge [sflag:s22], $0x4000  }
0x3a0: {  	[sflag:s22] =	ssyncset.done $0x0  }
0x3a1: {  	s11 =	simm.s32 @p1 $0x1300;
	[sflag:s22] =	ssyncadd.s32 $0xFFFFC000  }
0x3a2: {  	[tilespmem:s8], [sflag:$0x1] =	stream.indirect.gather @p1 [hbm4b:s5+s14], $0x80, s11, s14, $0xb8;
	[tilespmem:$0x1E000] =	vst v63  }
0x3a3: {  	s11 =	simm.s32 @!p1 $0x1300  }
0x3a4: {  	[tilespmem:s18], [sflag:$0x1] =	stream.indirect.gather @!p1 [hbm4b:s6+s15], $0x80, s11, s15, $0xb8;
	[tilespmem:$0x1E000] =	vst v63  }
0x3a5: {  	_ =	swait.ge [sflag:s30], $0x4000  }
0x3a6: {  	[sflag:s30] =	ssyncset.done $0x0  }
0x3a7: {  	s19 =	simm.s32 $0x1A80;
	[sflag:s30] =	ssyncadd.s32 $0xFFFFC000  }
0x3a8: {  	[spmem:s2] =	stream.indirect.scatter.add.f32 [tilespmem:s0], [sflag:$0x5], $0x80, s19, s26, $0xb8;
	[tilespmem:$0x1E000] =	vst v63  }
0x3a9: {  	_ =	swait.ge [sflag:s22], $0x4000  }
0x3aa: {  	[sflag:s22] =	ssyncset.done $0x0  }
0x3ab: {  	s11 =	simm.s32 @p1 $0x1380;
	[sflag:s22] =	ssyncadd.s32 $0xFFFFC000  }
0x3ac: {  	[tilespmem:s13], [sflag:$0x2] =	stream.indirect.gather @p1 [hbm4b:s5+s14], $0x80, s11, s14, $0xb8;
	[tilespmem:$0x1E000] =	vst v63  }
0x3ad: {  	s11 =	simm.s32 @!p1 $0x1380  }
0x3ae: {  	[tilespmem:s16], [sflag:$0x2] =	stream.indirect.gather @!p1 [hbm4b:s6+s15], $0x80, s11, s15, $0xb8;
	[tilespmem:$0x1E000] =	vst v63  }
0x3af: {  	_ =	swait.ge [sflag:s25], $0x4000  }
0x3b0: {  	[sflag:s25] =	ssyncset.done $0x0  }
0x3b1: {  	s28 =	simm.s32 $0x1B00;
	[sflag:s25] =	ssyncadd.s32 $0xFFFFC000  }
0x3b2: {  	[spmem:s2] =	stream.indirect.scatter.add.f32 [tilespmem:s29], [sflag:$0x5], $0x80, s28, s26, $0xb8;
	[tilespmem:$0x1E000] =	vst v63  }
0x3b3: {  	_ =	swait.ge [sflag:s22], $0x4000  }
0x3b4: {  	[sflag:s22] =	ssyncset.done $0x0  }
0x3b5: {  	s11 =	simm.s32 @p1 $0x1400;
	[sflag:s22] =	ssyncadd.s32 $0xFFFFC000  }
0x3b6: {  	[tilespmem:s8], [sflag:$0x1] =	stream.indirect.gather @p1 [hbm4b:s5+s14], $0x80, s11, s14, $0xb8;
	[tilespmem:$0x1E000] =	vst v63  }
0x3b7: {  	s11 =	simm.s32 @!p1 $0x1400  }
0x3b8: {  	[tilespmem:s18], [sflag:$0x1] =	stream.indirect.gather @!p1 [hbm4b:s6+s15], $0x80, s11, s15, $0xb8;
	[tilespmem:$0x1E000] =	vst v63  }
0x3b9: {  	_ =	swait.ge [sflag:s30], $0x4000  }
0x3ba: {  	[sflag:s30] =	ssyncset.done $0x0  }
0x3bb: {  	s12 =	simm.s32 $0x1B80;
	[sflag:s30] =	ssyncadd.s32 $0xFFFFC000  }
0x3bc: {  	[spmem:s2] =	stream.indirect.scatter.add.f32 [tilespmem:s0], [sflag:$0x5], $0x80, s12, s26, $0xb8;
	[tilespmem:$0x1E000] =	vst v63  }
0x3bd: {  	_ =	swait.ge [sflag:s22], $0x4000  }
0x3be: {  	[sflag:s22] =	ssyncset.done $0x0  }
0x3bf: {  	s11 =	simm.s32 @p1 $0x1480;
	[sflag:s22] =	ssyncadd.s32 $0xFFFFC000  }
0x3c0: {  	[tilespmem:s13], [sflag:$0x2] =	stream.indirect.gather @p1 [hbm4b:s5+s14], $0x80, s11, s14, $0xb8;
	[tilespmem:$0x1E000] =	vst v63  }
0x3c1: {  	s11 =	simm.s32 @!p1 $0x1480  }
0x3c2: {  	[tilespmem:s16], [sflag:$0x2] =	stream.indirect.gather @!p1 [hbm4b:s6+s15], $0x80, s11, s15, $0xb8;
	[tilespmem:$0x1E000] =	vst v63  }
0x3c3: {  	_ =	swait.ge [sflag:s25], $0x4000  }
0x3c4: {  	[sflag:s25] =	ssyncset.done $0x0  }
0x3c5: {  	s19 =	simm.s32 $0x1C00;
	[sflag:s25] =	ssyncadd.s32 $0xFFFFC000  }
0x3c6: {  	[spmem:s2] =	stream.indirect.scatter.add.f32 [tilespmem:s29], [sflag:$0x5], $0x80, s19, s26, $0xb8;
	[tilespmem:$0x1E000] =	vst v63  }
0x3c7: {  	_ =	swait.ge [sflag:s22], $0x4000  }
0x3c8: {  	[sflag:s22] =	ssyncset.done $0x0  }
0x3c9: {  	s11 =	simm.s32 @p1 $0x1500;
	[sflag:s22] =	ssyncadd.s32 $0xFFFFC000  }
0x3ca: {  	[tilespmem:s8], [sflag:$0x1] =	stream.indirect.gather @p1 [hbm4b:s5+s14], $0x80, s11, s14, $0xb8;
	[tilespmem:$0x1E000] =	vst v63  }
0x3cb: {  	s11 =	simm.s32 @!p1 $0x1500  }
0x3cc: {  	[tilespmem:s18], [sflag:$0x1] =	stream.indirect.gather @!p1 [hbm4b:s6+s15], $0x80, s11, s15, $0xb8;
	[tilespmem:$0x1E000] =	vst v63  }
0x3cd: {  	_ =	swait.ge [sflag:s30], $0x4000  }
0x3ce: {  	[sflag:s30] =	ssyncset.done $0x0  }
0x3cf: {  	s28 =	simm.s32 $0x1C80;
	[sflag:s30] =	ssyncadd.s32 $0xFFFFC000  }
0x3d0: {  	[spmem:s2] =	stream.indirect.scatter.add.f32 [tilespmem:s0], [sflag:$0x5], $0x80, s28, s26, $0xb8;
	[tilespmem:$0x1E000] =	vst v63  }
0x3d1: {  	_ =	swait.ge [sflag:s22], $0x4000  }
0x3d2: {  	[sflag:s22] =	ssyncset.done $0x0  }
0x3d3: {  	s11 =	simm.s32 @p1 $0x1580;
	[sflag:s22] =	ssyncadd.s32 $0xFFFFC000  }
0x3d4: {  	[tilespmem:s13], [sflag:$0x2] =	stream.indirect.gather @p1 [hbm4b:s5+s14], $0x80, s11, s14, $0xb8;
	[tilespmem:$0x1E000] =	vst v63  }
0x3d5: {  	s11 =	simm.s32 @!p1 $0x1580  }
0x3d6: {  	[tilespmem:s16], [sflag:$0x2] =	stream.indirect.gather @!p1 [hbm4b:s6+s15], $0x80, s11, s15, $0xb8;
	[tilespmem:$0x1E000] =	vst v63  }
0x3d7: {  	_ =	swait.ge [sflag:s25], $0x4000  }
0x3d8: {  	[sflag:s25] =	ssyncset.done $0x0  }
0x3d9: {  	s12 =	simm.s32 $0x1D00;
	[sflag:s25] =	ssyncadd.s32 $0xFFFFC000  }
0x3da: {  	[spmem:s2] =	stream.indirect.scatter.add.f32 [tilespmem:s29], [sflag:$0x5], $0x80, s12, s26, $0xb8;
	[tilespmem:$0x1E000] =	vst v63  }
0x3db: {  	_ =	swait.ge [sflag:s22], $0x4000  }
0x3dc: {  	[sflag:s22] =	ssyncset.done $0x0  }
0x3dd: {  	s11 =	simm.s32 @p1 $0x1600;
	[sflag:s22] =	ssyncadd.s32 $0xFFFFC000  }
0x3de: {  	[tilespmem:s8], [sflag:$0x1] =	stream.indirect.gather @p1 [hbm4b:s5+s14], $0x80, s11, s14, $0xb8;
	[tilespmem:$0x1E000] =	vst v63  }
0x3df: {  	s11 =	simm.s32 @!p1 $0x1600  }
0x3e0: {  	[tilespmem:s18], [sflag:$0x1] =	stream.indirect.gather @!p1 [hbm4b:s6+s15], $0x80, s11, s15, $0xb8;
	[tilespmem:$0x1E000] =	vst v63  }
0x3e1: {  	_ =	swait.ge [sflag:s30], $0x4000  }
0x3e2: {  	[sflag:s30] =	ssyncset.done $0x0  }
0x3e3: {  	s19 =	simm.s32 $0x1D80;
	[sflag:s30] =	ssyncadd.s32 $0xFFFFC000  }
0x3e4: {  	[spmem:s2] =	stream.indirect.scatter.add.f32 [tilespmem:s0], [sflag:$0x5], $0x80, s19, s26, $0xb8;
	[tilespmem:$0x1E000] =	vst v63  }
0x3e5: {  	_ =	swait.ge [sflag:s22], $0x4000  }
0x3e6: {  	[sflag:s22] =	ssyncset.done $0x0  }
0x3e7: {  	s11 =	simm.s32 @p1 $0x1680;
	[sflag:s22] =	ssyncadd.s32 $0xFFFFC000  }
0x3e8: {  	[tilespmem:s13], [sflag:$0x2] =	stream.indirect.gather @p1 [hbm4b:s5+s14], $0x80, s11, s14, $0xb8;
	[tilespmem:$0x1E000] =	vst v63  }
0x3e9: {  	s11 =	simm.s32 @!p1 $0x1680  }
0x3ea: {  	[tilespmem:s16], [sflag:$0x2] =	stream.indirect.gather @!p1 [hbm4b:s6+s15], $0x80, s11, s15, $0xb8;
	[tilespmem:$0x1E000] =	vst v63  }
0x3eb: {  	_ =	swait.ge [sflag:s25], $0x4000  }
0x3ec: {  	[sflag:s25] =	ssyncset.done $0x0  }
0x3ed: {  	s28 =	simm.s32 $0x1E00;
	[sflag:s25] =	ssyncadd.s32 $0xFFFFC000  }
0x3ee: {  	[spmem:s2] =	stream.indirect.scatter.add.f32 [tilespmem:s29], [sflag:$0x5], $0x80, s28, s26, $0xb8;
	[tilespmem:$0x1E000] =	vst v63  }
0x3ef: {  	_ =	swait.ge [sflag:s22], $0x4000  }
0x3f0: {  	[sflag:s22] =	ssyncset.done $0x0  }
0x3f1: {  	s11 =	simm.s32 @p1 $0x1700;
	[sflag:s22] =	ssyncadd.s32 $0xFFFFC000  }
0x3f2: {  	[tilespmem:s8], [sflag:$0x1] =	stream.indirect.gather @p1 [hbm4b:s5+s14], $0x80, s11, s14, $0xb8;
	[tilespmem:$0x1E000] =	vst v63  }
0x3f3: {  	s8 =	simm.s32 @!p1 $0x1700  }
0x3f4: {  	[tilespmem:s18], [sflag:$0x1] =	stream.indirect.gather @!p1 [hbm4b:s6+s15], $0x80, s8, s15, $0xb8;
	[tilespmem:$0x1E000] =	vst v63  }
0x3f5: {  	_ =	swait.ge [sflag:s30], $0x4000  }
0x3f6: {  	[sflag:s30] =	ssyncset.done $0x0  }
0x3f7: {  	s12 =	simm.s32 $0x1E80;
	[sflag:s30] =	ssyncadd.s32 $0xFFFFC000  }
0x3f8: {  	[spmem:s2] =	stream.indirect.scatter.add.f32 [tilespmem:s0], [sflag:$0x5], $0x80, s12, s26, $0xb8;
	[tilespmem:$0x1E000] =	vst v63  }
0x3f9: {  	_ =	swait.ge [sflag:s22], $0x4000  }
0x3fa: {  	[sflag:s22] =	ssyncset.done $0x0  }
0x3fb: {  	s8 =	simm.s32 @p1 $0x1780;
	[sflag:s22] =	ssyncadd.s32 $0xFFFFC000  }
0x3fc: {  	[tilespmem:s13], [sflag:$0x2] =	stream.indirect.gather @p1 [hbm4b:s5+s14], $0x80, s8, s14, $0xb8;
	[tilespmem:$0x1E000] =	vst v63  }
0x3fd: {  	s8 =	simm.s32 @!p1 $0x1780  }
0x3fe: {  	[tilespmem:s16], [sflag:$0x2] =	stream.indirect.gather @!p1 [hbm4b:s6+s15], $0x80, s8, s15, $0xb8;
	[tilespmem:$0x1E000] =	vst v63  }
0x3ff: {  	_ =	swait.ge [sflag:s25], $0x4000  }
0x400: {  	[sflag:s25] =	ssyncset.done $0x0  }
0x401: {  	s28 =	simm.s32 $0x1F00;
	[sflag:s25] =	ssyncadd.s32 $0xFFFFC000  }
0x402: {  	[spmem:s2] =	stream.indirect.scatter.add.f32 [tilespmem:s29], [sflag:$0x5], $0x80, s28, s26, $0xb8;
	[tilespmem:$0x1E000] =	vst v63  }
0x403: {  	_ =	swait.ge [sflag:s22], $0x4000  }
0x404: {  	[sflag:s22] =	ssyncset.done $0x0  }
0x405: {  	[sflag:s22] =	ssyncadd.s32 $0xFFFFC000  }
0x406: {  	_ =	swait.ge [sflag:s30], $0x4000  }
0x407: {  	[sflag:s30] =	ssyncset.done $0x0  }
0x408: {  	s19 =	simm.s32 $0x1F80;
	[sflag:s30] =	ssyncadd.s32 $0xFFFFC000  }
0x409: {  	[spmem:s2] =	stream.indirect.scatter.add.f32 [tilespmem:s0], [sflag:$0x5], $0x80, s19, s26, $0xb8;
	[tilespmem:$0x1E000] =	vst v63  }
0x40a: {  	_ =	swait.ge [sflag:s22], $0x4000  }
0x40b: {  	[sflag:s22] =	ssyncset.done $0x0  }
0x40c: {  	[sflag:s22] =	ssyncadd.s32 $0xFFFFC000  }
0x40d: {  	[bflag:$0x0] =	sbarrier.arrive $0xFFFF  }
0x40e: {  	s11 =	rddreg [dreg:$0x15]  }
0x40f: {  	s18 =	rddreg [dreg:$0x17]  }
0x410: {  	s12 =	rddreg [dreg:$0x1e]  }
0x411: {  	[hbm:s18], [sflag:s11] =	dma.local [spmem:s12], $0x2800  }
0x412: {  	_ =	swait.ge [sflag:s22], $0x2800  }
0x413: {  	[sflag:s22] =	ssyncset.done $0x0  }
0x414: {  	s18 =	rddreg [dreg:$0x14];
	[sflag:s22] =	ssyncadd.s32 $0xFFFFD800  }
0x415: {  	[spmem:s12], [sflag:s11] =	dma.local [hbm:s18], $0x2800  }
0x416: {  	_ =	swait.ge [sflag:s22], $0x2800  }
0x417: {  	[sflag:s22] =	ssyncset.done $0x0  }
0x418: {  	s11 =	sadd.s32 $0xFFFFEC00, s10;
	s18 =	rddreg [dreg:$0x18];
	[sflag:s22] =	ssyncadd.s32 $0xFFFFD800  }
0x419: {  	[tilespmem:s9], [sflag:$0x3] =	stream.linear.gather [hbm4b:s18+s9], $0x1000, $0x38;
	[tilespmem:$0x1E000] =	vst v63  }
0x41a: {  	s12 =	simm.s32 $0x1000;
	s8 =	sadd.s32 $0x15600, s11;
	[bflag:$0x0] =	sbarrier.arrive $0xFFFF  }
0x41b: {  	[tilespmem:s12], [sflag:$0x4] =	stream.linear.gather [hbm4b:s8+s9], $0x1000, $0x38;
	[tilespmem:$0x1E000] =	vst v63  }
0x41c: {  	_ =	swait.ge [sflag:s24], $0x1000  }
0x41d: {  	[sflag:s24] =	ssyncset.done $0x0  }
0x41e: {  	s8 =	simm.s32 @p0 $0x0;
	[sflag:s24] =	ssyncadd.s32 $0xFFFFF000  }
0x41f: {  	[tilespmem:s3], [sflag:$0x1] =	stream.indirect.gather @p0 [hbm4b:s17+s23], $0x80, s8, s23, $0xb8;
	[tilespmem:$0x1E000] =	vst v63  }
0x420: {  	_ = 	snop  }
0x421: {  	[tilespmem:s21], [sflag:$0x2] =	stream.indirect.gather @p0 [hbm4b:s17+s23], $0x80, s23, s23, $0xb8;
	[tilespmem:$0x1E000] =	vst v63  }
0x422: {  	s8 =	simm.s32 @!p0 $0x0  }
0x423: {  	[tilespmem:s1], [sflag:$0x1] =	stream.indirect.gather @!p0 [hbm4b:s7+s31], $0x80, s8, s31, $0xb8;
	[tilespmem:$0x1E000] =	vst v63  }
0x424: {  	_ = 	snop  }
0x425: {  	[tilespmem:s20], [sflag:$0x2] =	stream.indirect.gather @!p0 [hbm4b:s7+s31], $0x80, s31, s31, $0xb8;
	[tilespmem:$0x1E000] =	vst v63  }
0x426: {  	_ =	swait.ge [sflag:s25], $0x4000  }
0x427: {  	[sflag:s25] =	ssyncset.done $0x0  }
0x428: {  	s18 =	simm.s32 $0x800;
	[sflag:s25] =	ssyncadd.s32 $0xFFFFC000  }
0x429: {  	[spmem:s2] =	stream.indirect.scatter.add.f32 [tilespmem:s29], [sflag:$0x5], $0x80, s18, s26, $0xb8;
	[tilespmem:$0x1E000] =	vst v63  }
0x42a: {  	_ =	swait.ge [sflag:s22], $0x4000  }
0x42b: {  	s18 =	smov.u32 s7;
	[sflag:s22] =	ssyncset.done $0x0  }
0x42c: {  	s18 =	smov.u32 @p0 s17;
	s9 =	rddreg [dreg:$0x4];
	[sflag:s22] =	ssyncadd.s32 $0xFFFFC000  }
0x42d: {  	[tilespmem:s29], [sflag:$0x1] =	stream.indirect.gather [hbm4b:s18+s26], $0x80, s9, s26, $0xb8;
	[tilespmem:$0x1E000] =	vst v63  }
0x42e: {  	_ =	swait.ge [sflag:s30], $0x4000  }
0x42f: {  	[sflag:s30] =	ssyncset.done $0x0  }
0x430: {  	s11 =	simm.s32 $0x880;
	[sflag:s30] =	ssyncadd.s32 $0xFFFFC000  }
0x431: {  	[spmem:s2] =	stream.indirect.scatter.add.f32 [tilespmem:s0], [sflag:$0x5], $0x80, s11, s26, $0xb8;
	[tilespmem:$0x1E000] =	vst v63  }
0x432: {  	_ =	swait.ge [sflag:s22], $0x4000  }
0x433: {  	[sflag:s22] =	ssyncset.done $0x0  }
0x434: {  	s8 =	simm.s32 @p1 $0x180;
	[sflag:s22] =	ssyncadd.s32 $0xFFFFC000  }
0x435: {  	[tilespmem:s13], [sflag:$0x2] =	stream.indirect.gather @p1 [hbm4b:s7+s14], $0x80, s8, s14, $0xb8;
	[tilespmem:$0x1E000] =	vst v63  }
0x436: {  	s8 =	simm.s32 @!p1 $0x180  }
0x437: {  	[tilespmem:s16], [sflag:$0x2] =	stream.indirect.gather @!p1 [hbm4b:s17+s15], $0x80, s8, s15, $0xb8;
	[tilespmem:$0x1E000] =	vst v63  }
0x438: {  	_ =	swait.ge [sflag:s25], $0x4000  }
0x439: {  	[sflag:s25] =	ssyncset.done $0x0  }
0x43a: {  	s12 =	simm.s32 $0x900;
	[sflag:s25] =	ssyncadd.s32 $0xFFFFC000  }
0x43b: {  	[spmem:s2] =	stream.indirect.scatter.add.f32 [tilespmem:s29], [sflag:$0x5], $0x80, s12, s26, $0xb8;
	[tilespmem:$0x1E000] =	vst v63  }
0x43c: {  	_ =	swait.ge [sflag:s22], $0x4000  }
0x43d: {  	s8 =	smov.u32 s17;
	[sflag:s22] =	ssyncset.done $0x0  }
0x43e: {  	s8 =	smov.u32 @p1 s7;
	s9 =	rddreg [dreg:$0x5];
	[sflag:s22] =	ssyncadd.s32 $0xFFFFC000  }
0x43f: {  	[tilespmem:s29], [sflag:$0x1] =	stream.indirect.gather [hbm4b:s8+s26], $0x80, s9, s26, $0xb8;
	[tilespmem:$0x1E000] =	vst v63  }
0x440: {  	_ =	swait.ge [sflag:s30], $0x4000  }
0x441: {  	[sflag:s30] =	ssyncset.done $0x0  }
0x442: {  	s11 =	simm.s32 $0x980;
	[sflag:s30] =	ssyncadd.s32 $0xFFFFC000  }
0x443: {  	[spmem:s2] =	stream.indirect.scatter.add.f32 [tilespmem:s0], [sflag:$0x5], $0x80, s11, s26, $0xb8;
	[tilespmem:$0x1E000] =	vst v63  }
0x444: {  	_ =	swait.ge [sflag:s22], $0x4000  }
0x445: {  	[sflag:s22] =	ssyncset.done $0x0  }
0x446: {  	s9 =	simm.s32 @p1 $0x280;
	[sflag:s22] =	ssyncadd.s32 $0xFFFFC000  }
0x447: {  	[tilespmem:s13], [sflag:$0x2] =	stream.indirect.gather @p1 [hbm4b:s7+s14], $0x80, s9, s14, $0xb8;
	[tilespmem:$0x1E000] =	vst v63  }
0x448: {  	s9 =	simm.s32 @!p1 $0x280  }
0x449: {  	[tilespmem:s16], [sflag:$0x2] =	stream.indirect.gather @!p1 [hbm4b:s17+s15], $0x80, s9, s15, $0xb8;
	[tilespmem:$0x1E000] =	vst v63  }
0x44a: {  	_ =	swait.ge [sflag:s25], $0x4000  }
0x44b: {  	[sflag:s25] =	ssyncset.done $0x0  }
0x44c: {  	s12 =	simm.s32 $0xA00;
	[sflag:s25] =	ssyncadd.s32 $0xFFFFC000  }
0x44d: {  	[spmem:s2] =	stream.indirect.scatter.add.f32 [tilespmem:s29], [sflag:$0x5], $0x80, s12, s26, $0xb8;
	[tilespmem:$0x1E000] =	vst v63  }
0x44e: {  	_ =	swait.ge [sflag:s22], $0x4000  }
0x44f: {  	[sflag:s22] =	ssyncset.done $0x0  }
0x450: {  	s9 =	rddreg [dreg:$0x6];
	[sflag:s22] =	ssyncadd.s32 $0xFFFFC000  }
0x451: {  	[tilespmem:s29], [sflag:$0x1] =	stream.indirect.gather [hbm4b:s8+s26], $0x80, s9, s26, $0xb8;
	[tilespmem:$0x1E000] =	vst v63  }
0x452: {  	_ =	swait.ge [sflag:s30], $0x4000  }
0x453: {  	[sflag:s30] =	ssyncset.done $0x0  }
0x454: {  	s11 =	simm.s32 $0xA80;
	[sflag:s30] =	ssyncadd.s32 $0xFFFFC000  }
0x455: {  	[spmem:s2] =	stream.indirect.scatter.add.f32 [tilespmem:s0], [sflag:$0x5], $0x80, s11, s26, $0xb8;
	[tilespmem:$0x1E000] =	vst v63  }
0x456: {  	_ =	swait.ge [sflag:s22], $0x4000  }
0x457: {  	[sflag:s22] =	ssyncset.done $0x0  }
0x458: {  	s9 =	simm.s32 @p1 $0x380;
	[sflag:s22] =	ssyncadd.s32 $0xFFFFC000  }
0x459: {  	[tilespmem:s13], [sflag:$0x2] =	stream.indirect.gather @p1 [hbm4b:s7+s14], $0x80, s9, s14, $0xb8;
	[tilespmem:$0x1E000] =	vst v63  }
0x45a: {  	s9 =	simm.s32 @!p1 $0x380  }
0x45b: {  	[tilespmem:s16], [sflag:$0x2] =	stream.indirect.gather @!p1 [hbm4b:s17+s15], $0x80, s9, s15, $0xb8;
	[tilespmem:$0x1E000] =	vst v63  }
0x45c: {  	_ =	swait.ge [sflag:s25], $0x4000  }
0x45d: {  	[sflag:s25] =	ssyncset.done $0x0  }
0x45e: {  	s12 =	simm.s32 $0xB00;
	[sflag:s25] =	ssyncadd.s32 $0xFFFFC000  }
0x45f: {  	[spmem:s2] =	stream.indirect.scatter.add.f32 [tilespmem:s29], [sflag:$0x5], $0x80, s12, s26, $0xb8;
	[tilespmem:$0x1E000] =	vst v63  }
0x460: {  	_ =	swait.ge [sflag:s22], $0x4000  }
0x461: {  	[sflag:s22] =	ssyncset.done $0x0  }
0x462: {  	s9 =	rddreg [dreg:$0x7];
	[sflag:s22] =	ssyncadd.s32 $0xFFFFC000  }
0x463: {  	[tilespmem:s29], [sflag:$0x1] =	stream.indirect.gather [hbm4b:s8+s26], $0x80, s9, s26, $0xb8;
	[tilespmem:$0x1E000] =	vst v63  }
0x464: {  	_ =	swait.ge [sflag:s30], $0x4000  }
0x465: {  	[sflag:s30] =	ssyncset.done $0x0  }
0x466: {  	s11 =	simm.s32 $0xB80;
	[sflag:s30] =	ssyncadd.s32 $0xFFFFC000  }
0x467: {  	[spmem:s2] =	stream.indirect.scatter.add.f32 [tilespmem:s0], [sflag:$0x5], $0x80, s11, s26, $0xb8;
	[tilespmem:$0x1E000] =	vst v63  }
0x468: {  	_ =	swait.ge [sflag:s22], $0x4000  }
0x469: {  	[sflag:s22] =	ssyncset.done $0x0  }
0x46a: {  	s9 =	simm.s32 @p1 $0x480;
	[sflag:s22] =	ssyncadd.s32 $0xFFFFC000  }
0x46b: {  	[tilespmem:s13], [sflag:$0x2] =	stream.indirect.gather @p1 [hbm4b:s7+s14], $0x80, s9, s14, $0xb8;
	[tilespmem:$0x1E000] =	vst v63  }
0x46c: {  	s9 =	simm.s32 @!p1 $0x480  }
0x46d: {  	[tilespmem:s16], [sflag:$0x2] =	stream.indirect.gather @!p1 [hbm4b:s17+s15], $0x80, s9, s15, $0xb8;
	[tilespmem:$0x1E000] =	vst v63  }
0x46e: {  	_ =	swait.ge [sflag:s25], $0x4000  }
0x46f: {  	[sflag:s25] =	ssyncset.done $0x0  }
0x470: {  	s12 =	simm.s32 $0xC00;
	[sflag:s25] =	ssyncadd.s32 $0xFFFFC000  }
0x471: {  	[spmem:s2] =	stream.indirect.scatter.add.f32 [tilespmem:s29], [sflag:$0x5], $0x80, s12, s26, $0xb8;
	[tilespmem:$0x1E000] =	vst v63  }
0x472: {  	_ =	swait.ge [sflag:s22], $0x4000  }
0x473: {  	[sflag:s22] =	ssyncset.done $0x0  }
0x474: {  	s9 =	rddreg [dreg:$0x8];
	[sflag:s22] =	ssyncadd.s32 $0xFFFFC000  }
0x475: {  	[tilespmem:s29], [sflag:$0x1] =	stream.indirect.gather [hbm4b:s8+s26], $0x80, s9, s26, $0xb8;
	[tilespmem:$0x1E000] =	vst v63  }
0x476: {  	_ =	swait.ge [sflag:s30], $0x4000  }
0x477: {  	[sflag:s30] =	ssyncset.done $0x0  }
0x478: {  	s11 =	simm.s32 $0xC80;
	[sflag:s30] =	ssyncadd.s32 $0xFFFFC000  }
0x479: {  	[spmem:s2] =	stream.indirect.scatter.add.f32 [tilespmem:s0], [sflag:$0x5], $0x80, s11, s26, $0xb8;
	[tilespmem:$0x1E000] =	vst v63  }
0x47a: {  	_ =	swait.ge [sflag:s22], $0x4000  }
0x47b: {  	[sflag:s22] =	ssyncset.done $0x0  }
0x47c: {  	s9 =	simm.s32 @p1 $0x580;
	[sflag:s22] =	ssyncadd.s32 $0xFFFFC000  }
0x47d: {  	[tilespmem:s13], [sflag:$0x2] =	stream.indirect.gather @p1 [hbm4b:s7+s14], $0x80, s9, s14, $0xb8;
	[tilespmem:$0x1E000] =	vst v63  }
0x47e: {  	s9 =	simm.s32 @!p1 $0x580  }
0x47f: {  	[tilespmem:s16], [sflag:$0x2] =	stream.indirect.gather @!p1 [hbm4b:s17+s15], $0x80, s9, s15, $0xb8;
	[tilespmem:$0x1E000] =	vst v63  }
0x480: {  	_ =	swait.ge [sflag:s25], $0x4000  }
0x481: {  	[sflag:s25] =	ssyncset.done $0x0  }
0x482: {  	s12 =	simm.s32 $0xD00;
	[sflag:s25] =	ssyncadd.s32 $0xFFFFC000  }
0x483: {  	[spmem:s2] =	stream.indirect.scatter.add.f32 [tilespmem:s29], [sflag:$0x5], $0x80, s12, s26, $0xb8;
	[tilespmem:$0x1E000] =	vst v63  }
0x484: {  	_ =	swait.ge [sflag:s22], $0x4000  }
0x485: {  	[sflag:s22] =	ssyncset.done $0x0  }
0x486: {  	s9 =	rddreg [dreg:$0x9];
	[sflag:s22] =	ssyncadd.s32 $0xFFFFC000  }
0x487: {  	[tilespmem:s29], [sflag:$0x1] =	stream.indirect.gather [hbm4b:s8+s26], $0x80, s9, s26, $0xb8;
	[tilespmem:$0x1E000] =	vst v63  }
0x488: {  	_ =	swait.ge [sflag:s30], $0x4000  }
0x489: {  	[sflag:s30] =	ssyncset.done $0x0  }
0x48a: {  	s11 =	simm.s32 $0xD80;
	[sflag:s30] =	ssyncadd.s32 $0xFFFFC000  }
0x48b: {  	[spmem:s2] =	stream.indirect.scatter.add.f32 [tilespmem:s0], [sflag:$0x5], $0x80, s11, s26, $0xb8;
	[tilespmem:$0x1E000] =	vst v63  }
0x48c: {  	_ =	swait.ge [sflag:s22], $0x4000  }
0x48d: {  	[sflag:s22] =	ssyncset.done $0x0  }
0x48e: {  	s9 =	simm.s32 @p1 $0x680;
	[sflag:s22] =	ssyncadd.s32 $0xFFFFC000  }
0x48f: {  	[tilespmem:s13], [sflag:$0x2] =	stream.indirect.gather @p1 [hbm4b:s7+s14], $0x80, s9, s14, $0xb8;
	[tilespmem:$0x1E000] =	vst v63  }
0x490: {  	s9 =	simm.s32 @!p1 $0x680  }
0x491: {  	[tilespmem:s16], [sflag:$0x2] =	stream.indirect.gather @!p1 [hbm4b:s17+s15], $0x80, s9, s15, $0xb8;
	[tilespmem:$0x1E000] =	vst v63  }
0x492: {  	_ =	swait.ge [sflag:s25], $0x4000  }
0x493: {  	[sflag:s25] =	ssyncset.done $0x0  }
0x494: {  	s12 =	simm.s32 $0xE00;
	[sflag:s25] =	ssyncadd.s32 $0xFFFFC000  }
0x495: {  	[spmem:s2] =	stream.indirect.scatter.add.f32 [tilespmem:s29], [sflag:$0x5], $0x80, s12, s26, $0xb8;
	[tilespmem:$0x1E000] =	vst v63  }
0x496: {  	_ =	swait.ge [sflag:s22], $0x4000  }
0x497: {  	[sflag:s22] =	ssyncset.done $0x0  }
0x498: {  	s9 =	rddreg [dreg:$0xa];
	[sflag:s22] =	ssyncadd.s32 $0xFFFFC000  }
0x499: {  	[tilespmem:s29], [sflag:$0x1] =	stream.indirect.gather [hbm4b:s8+s26], $0x80, s9, s26, $0xb8;
	[tilespmem:$0x1E000] =	vst v63  }
0x49a: {  	_ =	swait.ge [sflag:s30], $0x4000  }
0x49b: {  	[sflag:s30] =	ssyncset.done $0x0  }
0x49c: {  	s11 =	simm.s32 $0xE80;
	[sflag:s30] =	ssyncadd.s32 $0xFFFFC000  }
0x49d: {  	[spmem:s2] =	stream.indirect.scatter.add.f32 [tilespmem:s0], [sflag:$0x5], $0x80, s11, s26, $0xb8;
	[tilespmem:$0x1E000] =	vst v63  }
0x49e: {  	_ =	swait.ge [sflag:s22], $0x4000  }
0x49f: {  	[sflag:s22] =	ssyncset.done $0x0  }
0x4a0: {  	s9 =	simm.s32 @p1 $0x780;
	[sflag:s22] =	ssyncadd.s32 $0xFFFFC000  }
0x4a1: {  	[tilespmem:s13], [sflag:$0x2] =	stream.indirect.gather @p1 [hbm4b:s7+s14], $0x80, s9, s14, $0xb8;
	[tilespmem:$0x1E000] =	vst v63  }
0x4a2: {  	s9 =	simm.s32 @!p1 $0x780  }
0x4a3: {  	[tilespmem:s16], [sflag:$0x2] =	stream.indirect.gather @!p1 [hbm4b:s17+s15], $0x80, s9, s15, $0xb8;
	[tilespmem:$0x1E000] =	vst v63  }
0x4a4: {  	_ =	swait.ge [sflag:s25], $0x4000  }
0x4a5: {  	[sflag:s25] =	ssyncset.done $0x0  }
0x4a6: {  	s12 =	simm.s32 $0xF00;
	[sflag:s25] =	ssyncadd.s32 $0xFFFFC000  }
0x4a7: {  	[spmem:s2] =	stream.indirect.scatter.add.f32 [tilespmem:s29], [sflag:$0x5], $0x80, s12, s26, $0xb8;
	[tilespmem:$0x1E000] =	vst v63  }
0x4a8: {  	_ =	swait.ge [sflag:s22], $0x4000  }
0x4a9: {  	[sflag:s22] =	ssyncset.done $0x0  }
0x4aa: {  	[sflag:s22] =	ssyncadd.s32 $0xFFFFC000  }
0x4ab: {  	_ =	swait.ge [sflag:s30], $0x4000  }
0x4ac: {  	[sflag:s30] =	ssyncset.done $0x0  }
0x4ad: {  	s11 =	simm.s32 $0xF80;
	[sflag:s30] =	ssyncadd.s32 $0xFFFFC000  }
0x4ae: {  	[spmem:s2] =	stream.indirect.scatter.add.f32 [tilespmem:s0], [sflag:$0x5], $0x80, s11, s26, $0xb8;
	[tilespmem:$0x1E000] =	vst v63  }
0x4af: {  	p2 =	por $0x0, $0x0;
	_ =	swait.ge [sflag:s22], $0x4000  }
0x4b0: {  	s11 =	sadd.s32 @!p2 $0xFFFFEC00, s10;
	[sflag:s22] =	ssyncset.done $0x0  }
0x4b1: {  	s12 =	simm.s32 @!p2 $0x0;
	s11 =	sadd.s32 @!p2 $0x15800, s11;
	[sflag:s22] =	ssyncadd.s32 $0xFFFFC000  }
0x4b2: {  	[tilespmem:s12], [sflag:$0x3] =	stream.linear.gather @!p2 [hbm4b:s11+s12], $0x1000, $0x38;
	[tilespmem:$0x1E000] =	vst v63  }
0x4b3: {  	_ =	swait.ge [sflag:s4], $0x1000  }
0x4b4: {  	[sflag:s4] =	ssyncset.done $0x0  }
0x4b5: {  	s9 =	simm.s32 @p0 $0x1000;
	[sflag:s4] =	ssyncadd.s32 $0xFFFFF000  }
0x4b6: {  	[tilespmem:s3], [sflag:$0x1] =	stream.indirect.gather @p0 [hbm4b:s17+s23], $0x80, s9, s23, $0xb8;
	[tilespmem:$0x1E000] =	vst v63  }
0x4b7: {  	s3 =	simm.s32 @p0 $0x1080  }
0x4b8: {  	[tilespmem:s21], [sflag:$0x2] =	stream.indirect.gather @p0 [hbm4b:s17+s23], $0x80, s3, s23, $0xb8;
	[tilespmem:$0x1E000] =	vst v63  }
0x4b9: {  	s3 =	simm.s32 @!p0 $0x1000  }
0x4ba: {  	[tilespmem:s1], [sflag:$0x1] =	stream.indirect.gather @!p0 [hbm4b:s7+s31], $0x80, s3, s31, $0xb8;
	[tilespmem:$0x1E000] =	vst v63  }
0x4bb: {  	s1 =	simm.s32 @!p0 $0x1080  }
0x4bc: {  	[tilespmem:s20], [sflag:$0x2] =	stream.indirect.gather @!p0 [hbm4b:s7+s31], $0x80, s1, s31, $0xb8;
	[tilespmem:$0x1E000] =	vst v63  }
0x4bd: {  	_ =	swait.ge [sflag:s25], $0x4000  }
0x4be: {  	[sflag:s25] =	ssyncset.done $0x0  }
0x4bf: {  	s12 =	simm.s32 $0x1800;
	[sflag:s25] =	ssyncadd.s32 $0xFFFFC000  }
0x4c0: {  	[spmem:s2] =	stream.indirect.scatter.add.f32 [tilespmem:s29], [sflag:$0x5], $0x80, s12, s26, $0xb8;
	[tilespmem:$0x1E000] =	vst v63  }
0x4c1: {  	_ =	swait.ge [sflag:s22], $0x4000  }
0x4c2: {  	[sflag:s22] =	ssyncset.done $0x0  }
0x4c3: {  	s20 =	rddreg [dreg:$0xb];
	[sflag:s22] =	ssyncadd.s32 $0xFFFFC000  }
0x4c4: {  	[tilespmem:s29], [sflag:$0x1] =	stream.indirect.gather [hbm4b:s18+s26], $0x80, s20, s26, $0xb8;
	[tilespmem:$0x1E000] =	vst v63  }
0x4c5: {  	_ =	swait.ge [sflag:s30], $0x4000  }
0x4c6: {  	[sflag:s30] =	ssyncset.done $0x0  }
0x4c7: {  	s21 =	simm.s32 $0x1880;
	[sflag:s30] =	ssyncadd.s32 $0xFFFFC000  }
0x4c8: {  	[spmem:s2] =	stream.indirect.scatter.add.f32 [tilespmem:s0], [sflag:$0x5], $0x80, s21, s26, $0xb8;
	[tilespmem:$0x1E000] =	vst v63  }
0x4c9: {  	_ =	swait.ge [sflag:s22], $0x4000  }
0x4ca: {  	[sflag:s22] =	ssyncset.done $0x0  }
0x4cb: {  	s1 =	simm.s32 @p1 $0x1180;
	[sflag:s22] =	ssyncadd.s32 $0xFFFFC000  }
0x4cc: {  	[tilespmem:s13], [sflag:$0x2] =	stream.indirect.gather @p1 [hbm4b:s7+s14], $0x80, s1, s14, $0xb8;
	[tilespmem:$0x1E000] =	vst v63  }
0x4cd: {  	s1 =	simm.s32 @!p1 $0x1180  }
0x4ce: {  	[tilespmem:s16], [sflag:$0x2] =	stream.indirect.gather @!p1 [hbm4b:s17+s15], $0x80, s1, s15, $0xb8;
	[tilespmem:$0x1E000] =	vst v63  }
0x4cf: {  	_ =	swait.ge [sflag:s25], $0x4000  }
0x4d0: {  	[sflag:s25] =	ssyncset.done $0x0  }
0x4d1: {  	s3 =	simm.s32 $0x1900;
	[sflag:s25] =	ssyncadd.s32 $0xFFFFC000  }
0x4d2: {  	[spmem:s2] =	stream.indirect.scatter.add.f32 [tilespmem:s29], [sflag:$0x5], $0x80, s3, s26, $0xb8;
	[tilespmem:$0x1E000] =	vst v63  }
0x4d3: {  	_ =	swait.ge [sflag:s22], $0x4000  }
0x4d4: {  	[sflag:s22] =	ssyncset.done $0x0  }
0x4d5: {  	s9 =	rddreg [dreg:$0xc];
	[sflag:s22] =	ssyncadd.s32 $0xFFFFC000  }
0x4d6: {  	[tilespmem:s29], [sflag:$0x1] =	stream.indirect.gather [hbm4b:s8+s26], $0x80, s9, s26, $0xb8;
	[tilespmem:$0x1E000] =	vst v63  }
0x4d7: {  	_ =	swait.ge [sflag:s30], $0x4000  }
0x4d8: {  	[sflag:s30] =	ssyncset.done $0x0  }
0x4d9: {  	s11 =	simm.s32 $0x1980;
	[sflag:s30] =	ssyncadd.s32 $0xFFFFC000  }
0x4da: {  	[spmem:s2] =	stream.indirect.scatter.add.f32 [tilespmem:s0], [sflag:$0x5], $0x80, s11, s26, $0xb8;
	[tilespmem:$0x1E000] =	vst v63  }
0x4db: {  	_ =	swait.ge [sflag:s22], $0x4000  }
0x4dc: {  	[sflag:s22] =	ssyncset.done $0x0  }
0x4dd: {  	s1 =	simm.s32 @p1 $0x1280;
	[sflag:s22] =	ssyncadd.s32 $0xFFFFC000  }
0x4de: {  	[tilespmem:s13], [sflag:$0x2] =	stream.indirect.gather @p1 [hbm4b:s7+s14], $0x80, s1, s14, $0xb8;
	[tilespmem:$0x1E000] =	vst v63  }
0x4df: {  	s1 =	simm.s32 @!p1 $0x1280  }
0x4e0: {  	[tilespmem:s16], [sflag:$0x2] =	stream.indirect.gather @!p1 [hbm4b:s17+s15], $0x80, s1, s15, $0xb8;
	[tilespmem:$0x1E000] =	vst v63  }
0x4e1: {  	_ =	swait.ge [sflag:s25], $0x4000  }
0x4e2: {  	[sflag:s25] =	ssyncset.done $0x0  }
0x4e3: {  	s12 =	simm.s32 $0x1A00;
	[sflag:s25] =	ssyncadd.s32 $0xFFFFC000  }
0x4e4: {  	[spmem:s2] =	stream.indirect.scatter.add.f32 [tilespmem:s29], [sflag:$0x5], $0x80, s12, s26, $0xb8;
	[tilespmem:$0x1E000] =	vst v63  }
0x4e5: {  	_ =	swait.ge [sflag:s22], $0x4000  }
0x4e6: {  	[sflag:s22] =	ssyncset.done $0x0  }
0x4e7: {  	s20 =	rddreg [dreg:$0xd];
	[sflag:s22] =	ssyncadd.s32 $0xFFFFC000  }
0x4e8: {  	[tilespmem:s29], [sflag:$0x1] =	stream.indirect.gather [hbm4b:s8+s26], $0x80, s20, s26, $0xb8;
	[tilespmem:$0x1E000] =	vst v63  }
0x4e9: {  	_ =	swait.ge [sflag:s30], $0x4000  }
0x4ea: {  	[sflag:s30] =	ssyncset.done $0x0  }
0x4eb: {  	s21 =	simm.s32 $0x1A80;
	[sflag:s30] =	ssyncadd.s32 $0xFFFFC000  }
0x4ec: {  	[spmem:s2] =	stream.indirect.scatter.add.f32 [tilespmem:s0], [sflag:$0x5], $0x80, s21, s26, $0xb8;
	[tilespmem:$0x1E000] =	vst v63  }
0x4ed: {  	_ =	swait.ge [sflag:s22], $0x4000  }
0x4ee: {  	[sflag:s22] =	ssyncset.done $0x0  }
0x4ef: {  	s1 =	simm.s32 @p1 $0x1380;
	[sflag:s22] =	ssyncadd.s32 $0xFFFFC000  }
0x4f0: {  	[tilespmem:s13], [sflag:$0x2] =	stream.indirect.gather @p1 [hbm4b:s7+s14], $0x80, s1, s14, $0xb8;
	[tilespmem:$0x1E000] =	vst v63  }
0x4f1: {  	s1 =	simm.s32 @!p1 $0x1380  }
0x4f2: {  	[tilespmem:s16], [sflag:$0x2] =	stream.indirect.gather @!p1 [hbm4b:s17+s15], $0x80, s1, s15, $0xb8;
	[tilespmem:$0x1E000] =	vst v63  }
0x4f3: {  	_ =	swait.ge [sflag:s25], $0x4000  }
0x4f4: {  	[sflag:s25] =	ssyncset.done $0x0  }
0x4f5: {  	s3 =	simm.s32 $0x1B00;
	[sflag:s25] =	ssyncadd.s32 $0xFFFFC000  }
0x4f6: {  	[spmem:s2] =	stream.indirect.scatter.add.f32 [tilespmem:s29], [sflag:$0x5], $0x80, s3, s26, $0xb8;
	[tilespmem:$0x1E000] =	vst v63  }
0x4f7: {  	_ =	swait.ge [sflag:s22], $0x4000  }
0x4f8: {  	[sflag:s22] =	ssyncset.done $0x0  }
0x4f9: {  	s9 =	rddreg [dreg:$0xe];
	[sflag:s22] =	ssyncadd.s32 $0xFFFFC000  }
0x4fa: {  	[tilespmem:s29], [sflag:$0x1] =	stream.indirect.gather [hbm4b:s8+s26], $0x80, s9, s26, $0xb8;
	[tilespmem:$0x1E000] =	vst v63  }
0x4fb: {  	_ =	swait.ge [sflag:s30], $0x4000  }
0x4fc: {  	[sflag:s30] =	ssyncset.done $0x0  }
0x4fd: {  	s11 =	simm.s32 $0x1B80;
	[sflag:s30] =	ssyncadd.s32 $0xFFFFC000  }
0x4fe: {  	[spmem:s2] =	stream.indirect.scatter.add.f32 [tilespmem:s0], [sflag:$0x5], $0x80, s11, s26, $0xb8;
	[tilespmem:$0x1E000] =	vst v63  }
0x4ff: {  	_ =	swait.ge [sflag:s22], $0x4000  }
0x500: {  	[sflag:s22] =	ssyncset.done $0x0  }
0x501: {  	s1 =	simm.s32 @p1 $0x1480;
	[sflag:s22] =	ssyncadd.s32 $0xFFFFC000  }
0x502: {  	[tilespmem:s13], [sflag:$0x2] =	stream.indirect.gather @p1 [hbm4b:s7+s14], $0x80, s1, s14, $0xb8;
	[tilespmem:$0x1E000] =	vst v63  }
0x503: {  	s1 =	simm.s32 @!p1 $0x1480  }
0x504: {  	[tilespmem:s16], [sflag:$0x2] =	stream.indirect.gather @!p1 [hbm4b:s17+s15], $0x80, s1, s15, $0xb8;
	[tilespmem:$0x1E000] =	vst v63  }
0x505: {  	_ =	swait.ge [sflag:s25], $0x4000  }
0x506: {  	[sflag:s25] =	ssyncset.done $0x0  }
0x507: {  	s12 =	simm.s32 $0x1C00;
	[sflag:s25] =	ssyncadd.s32 $0xFFFFC000  }
0x508: {  	[spmem:s2] =	stream.indirect.scatter.add.f32 [tilespmem:s29], [sflag:$0x5], $0x80, s12, s26, $0xb8;
	[tilespmem:$0x1E000] =	vst v63  }
0x509: {  	_ =	swait.ge [sflag:s22], $0x4000  }
0x50a: {  	[sflag:s22] =	ssyncset.done $0x0  }
0x50b: {  	s20 =	rddreg [dreg:$0xf];
	[sflag:s22] =	ssyncadd.s32 $0xFFFFC000  }
0x50c: {  	[tilespmem:s29], [sflag:$0x1] =	stream.indirect.gather [hbm4b:s8+s26], $0x80, s20, s26, $0xb8;
	[tilespmem:$0x1E000] =	vst v63  }
0x50d: {  	_ =	swait.ge [sflag:s30], $0x4000  }
0x50e: {  	[sflag:s30] =	ssyncset.done $0x0  }
0x50f: {  	s21 =	simm.s32 $0x1C80;
	[sflag:s30] =	ssyncadd.s32 $0xFFFFC000  }
0x510: {  	[spmem:s2] =	stream.indirect.scatter.add.f32 [tilespmem:s0], [sflag:$0x5], $0x80, s21, s26, $0xb8;
	[tilespmem:$0x1E000] =	vst v63  }
0x511: {  	_ =	swait.ge [sflag:s22], $0x4000  }
0x512: {  	[sflag:s22] =	ssyncset.done $0x0  }
0x513: {  	s1 =	simm.s32 @p1 $0x1580;
	[sflag:s22] =	ssyncadd.s32 $0xFFFFC000  }
0x514: {  	[tilespmem:s13], [sflag:$0x2] =	stream.indirect.gather @p1 [hbm4b:s7+s14], $0x80, s1, s14, $0xb8;
	[tilespmem:$0x1E000] =	vst v63  }
0x515: {  	s1 =	simm.s32 @!p1 $0x1580  }
0x516: {  	[tilespmem:s16], [sflag:$0x2] =	stream.indirect.gather @!p1 [hbm4b:s17+s15], $0x80, s1, s15, $0xb8;
	[tilespmem:$0x1E000] =	vst v63  }
0x517: {  	_ =	swait.ge [sflag:s25], $0x4000  }
0x518: {  	[sflag:s25] =	ssyncset.done $0x0  }
0x519: {  	s3 =	simm.s32 $0x1D00;
	[sflag:s25] =	ssyncadd.s32 $0xFFFFC000  }
0x51a: {  	[spmem:s2] =	stream.indirect.scatter.add.f32 [tilespmem:s29], [sflag:$0x5], $0x80, s3, s26, $0xb8;
	[tilespmem:$0x1E000] =	vst v63  }
0x51b: {  	_ =	swait.ge [sflag:s22], $0x4000  }
0x51c: {  	[sflag:s22] =	ssyncset.done $0x0  }
0x51d: {  	s9 =	rddreg [dreg:$0x10];
	[sflag:s22] =	ssyncadd.s32 $0xFFFFC000  }
0x51e: {  	[tilespmem:s29], [sflag:$0x1] =	stream.indirect.gather [hbm4b:s8+s26], $0x80, s9, s26, $0xb8;
	[tilespmem:$0x1E000] =	vst v63  }
0x51f: {  	_ =	swait.ge [sflag:s30], $0x4000  }
0x520: {  	[sflag:s30] =	ssyncset.done $0x0  }
0x521: {  	s11 =	simm.s32 $0x1D80;
	[sflag:s30] =	ssyncadd.s32 $0xFFFFC000  }
0x522: {  	[spmem:s2] =	stream.indirect.scatter.add.f32 [tilespmem:s0], [sflag:$0x5], $0x80, s11, s26, $0xb8;
	[tilespmem:$0x1E000] =	vst v63  }
0x523: {  	_ =	swait.ge [sflag:s22], $0x4000  }
0x524: {  	[sflag:s22] =	ssyncset.done $0x0  }
0x525: {  	s1 =	simm.s32 @p1 $0x1680;
	[sflag:s22] =	ssyncadd.s32 $0xFFFFC000  }
0x526: {  	[tilespmem:s13], [sflag:$0x2] =	stream.indirect.gather @p1 [hbm4b:s7+s14], $0x80, s1, s14, $0xb8;
	[tilespmem:$0x1E000] =	vst v63  }
0x527: {  	s1 =	simm.s32 @!p1 $0x1680  }
0x528: {  	[tilespmem:s16], [sflag:$0x2] =	stream.indirect.gather @!p1 [hbm4b:s17+s15], $0x80, s1, s15, $0xb8;
	[tilespmem:$0x1E000] =	vst v63  }
0x529: {  	_ =	swait.ge [sflag:s25], $0x4000  }
0x52a: {  	[sflag:s25] =	ssyncset.done $0x0  }
0x52b: {  	s12 =	simm.s32 $0x1E00;
	[sflag:s25] =	ssyncadd.s32 $0xFFFFC000  }
0x52c: {  	[spmem:s2] =	stream.indirect.scatter.add.f32 [tilespmem:s29], [sflag:$0x5], $0x80, s12, s26, $0xb8;
	[tilespmem:$0x1E000] =	vst v63  }
0x52d: {  	_ =	swait.ge [sflag:s22], $0x4000  }
0x52e: {  	[sflag:s22] =	ssyncset.done $0x0  }
0x52f: {  	s20 =	rddreg [dreg:$0x11];
	[sflag:s22] =	ssyncadd.s32 $0xFFFFC000  }
0x530: {  	[tilespmem:s29], [sflag:$0x1] =	stream.indirect.gather [hbm4b:s8+s26], $0x80, s20, s26, $0xb8;
	[tilespmem:$0x1E000] =	vst v63  }
0x531: {  	_ =	swait.ge [sflag:s30], $0x4000  }
0x532: {  	[sflag:s30] =	ssyncset.done $0x0  }
0x533: {  	s21 =	simm.s32 $0x1E80;
	[sflag:s30] =	ssyncadd.s32 $0xFFFFC000  }
0x534: {  	[spmem:s2] =	stream.indirect.scatter.add.f32 [tilespmem:s0], [sflag:$0x5], $0x80, s21, s26, $0xb8;
	[tilespmem:$0x1E000] =	vst v63  }
0x535: {  	_ =	swait.ge [sflag:s22], $0x4000  }
0x536: {  	[sflag:s22] =	ssyncset.done $0x0  }
0x537: {  	s1 =	simm.s32 @p1 $0x1780;
	[sflag:s22] =	ssyncadd.s32 $0xFFFFC000  }
0x538: {  	[tilespmem:s13], [sflag:$0x2] =	stream.indirect.gather @p1 [hbm4b:s7+s14], $0x80, s1, s14, $0xb8;
	[tilespmem:$0x1E000] =	vst v63  }
0x539: {  	s1 =	simm.s32 @!p1 $0x1780  }
0x53a: {  	[tilespmem:s16], [sflag:$0x2] =	stream.indirect.gather @!p1 [hbm4b:s17+s15], $0x80, s1, s15, $0xb8;
	[tilespmem:$0x1E000] =	vst v63  }
0x53b: {  	_ =	swait.ge [sflag:s25], $0x4000  }
0x53c: {  	[sflag:s25] =	ssyncset.done $0x0  }
0x53d: {  	[sflag:s25] =	ssyncadd.s32 $0xFFFFC000  }
0x53e: {  	[spmem:s2] =	stream.indirect.scatter.add.f32 [tilespmem:s29], [sflag:$0x5], $0x80, s28, s26, $0xb8;
	[tilespmem:$0x1E000] =	vst v63  }
0x53f: {  	_ =	swait.ge [sflag:s22], $0x4000  }
0x540: {  	[sflag:s22] =	ssyncset.done $0x0  }
0x541: {  	[sflag:s22] =	ssyncadd.s32 $0xFFFFC000  }
0x542: {  	_ =	swait.ge [sflag:s30], $0x4000  }
0x543: {  	[sflag:s30] =	ssyncset.done $0x0  }
0x544: {  	[sflag:s30] =	ssyncadd.s32 $0xFFFFC000  }
0x545: {  	[spmem:s2] =	stream.indirect.scatter.add.f32 [tilespmem:s0], [sflag:$0x5], $0x80, s19, s26, $0xb8;
	[tilespmem:$0x1E000] =	vst v63  }
0x546: {  	s11 =	simm.s32 $0xFFFFF000;
	_ =	swait.ge [sflag:s22], $0x4000  }
0x547: {  	s12 =	sadd.s32 $0xFFFFF000, s10;
	s21 =	simm.s32 $0xFFFFF400;
	[sflag:s22] =	ssyncset.done $0x0  }
.LBB2_4:
0x548: {  	s20 =	sadd.s32 $0x15600, s12  }
0x549: {  	[sflag:s22] =	ssyncadd.s32 $0xFFFFC000;
	s19 =	simm.s32 $0x0;
	s3 =	simm.s32 $0x1000  }
0x54a: {  	[tilespmem:s3], [sflag:$0x4] =	stream.linear.gather [hbm4b:s20+s19], $0x1000, $0x38;
	[tilespmem:$0x1E000] =	vst v63  }
0x54b: {  	_ =	swait.ge [sflag:s24], $0x1000  }
0x54c: {  	[sflag:s24] =	ssyncset.done $0x0  }
0x54d: {  	s3 =	simm.s32 @p0 $0x2000;
	s19 =	simm.s32 @p0 $0x0;
	[sflag:s24] =	ssyncadd.s32 $0xFFFFF000  }
0x54e: {  	[tilespmem:s3], [sflag:$0x1] =	stream.indirect.gather @p0 [hbm4b:s17+s23], $0x80, s19, s23, $0xb8;
	[tilespmem:$0x1E000] =	vst v63  }
0x54f: {  	s1 =	simm.s32 @p0 $0x6000  }
0x550: {  	[tilespmem:s1], [sflag:$0x2] =	stream.indirect.gather @p0 [hbm4b:s17+s23], $0x80, s23, s23, $0xb8;
	[tilespmem:$0x1E000] =	vst v63  }
0x551: {  	s9 =	simm.s32 @!p0 $0x2000;
	s19 =	simm.s32 @!p0 $0x0  }
0x552: {  	[tilespmem:s9], [sflag:$0x1] =	stream.indirect.gather @!p0 [hbm4b:s7+s31], $0x80, s19, s31, $0xb8;
	[tilespmem:$0x1E000] =	vst v63  }
0x553: {  	s28 =	simm.s32 @!p0 $0x6000  }
0x554: {  	[tilespmem:s28], [sflag:$0x2] =	stream.indirect.gather @!p0 [hbm4b:s7+s31], $0x80, s31, s31, $0xb8;
	[tilespmem:$0x1E000] =	vst v63  }
0x555: {  	_ =	swait.ge [sflag:s25], $0x4000  }
0x556: {  	[sflag:s25] =	ssyncset.done $0x0  }
0x557: {  	s20 =	simm.s32 $0x800;
	[sflag:s25] =	ssyncadd.s32 $0xFFFFC000  }
0x558: {  	[spmem:s2] =	stream.indirect.scatter.add.f32 [tilespmem:s29], [sflag:$0x5], $0x80, s20, s26, $0xb8;
	[tilespmem:$0x1E000] =	vst v63  }
0x559: {  	_ =	swait.ge [sflag:s22], $0x4000  }
0x55a: {  	[sflag:s22] =	ssyncset.done $0x0  }
0x55b: {  	s19 =	rddreg [dreg:$0x4];
	[sflag:s22] =	ssyncadd.s32 $0xFFFFC000  }
0x55c: {  	[tilespmem:s29], [sflag:$0x1] =	stream.indirect.gather [hbm4b:s18+s26], $0x80, s19, s26, $0xb8;
	[tilespmem:$0x1E000] =	vst v63  }
0x55d: {  	_ =	swait.ge [sflag:s30], $0x4000  }
0x55e: {  	[sflag:s30] =	ssyncset.done $0x0  }
0x55f: {  	s20 =	simm.s32 $0x880;
	[sflag:s30] =	ssyncadd.s32 $0xFFFFC000  }
0x560: {  	[spmem:s2] =	stream.indirect.scatter.add.f32 [tilespmem:s0], [sflag:$0x5], $0x80, s20, s26, $0xb8;
	[tilespmem:$0x1E000] =	vst v63  }
0x561: {  	_ =	swait.ge [sflag:s22], $0x4000  }
0x562: {  	[sflag:s22] =	ssyncset.done $0x0  }
0x563: {  	s19 =	simm.s32 @p1 $0x180;
	[sflag:s22] =	ssyncadd.s32 $0xFFFFC000  }
0x564: {  	[tilespmem:s13], [sflag:$0x2] =	stream.indirect.gather @p1 [hbm4b:s7+s14], $0x80, s19, s14, $0xb8;
	[tilespmem:$0x1E000] =	vst v63  }
0x565: {  	s19 =	simm.s32 @!p1 $0x180  }
0x566: {  	[tilespmem:s16], [sflag:$0x2] =	stream.indirect.gather @!p1 [hbm4b:s17+s15], $0x80, s19, s15, $0xb8;
	[tilespmem:$0x1E000] =	vst v63  }
0x567: {  	_ =	swait.ge [sflag:s25], $0x4000  }
0x568: {  	[sflag:s25] =	ssyncset.done $0x0  }
0x569: {  	s20 =	simm.s32 $0x900;
	[sflag:s25] =	ssyncadd.s32 $0xFFFFC000  }
0x56a: {  	[spmem:s2] =	stream.indirect.scatter.add.f32 [tilespmem:s29], [sflag:$0x5], $0x80, s20, s26, $0xb8;
	[tilespmem:$0x1E000] =	vst v63  }
0x56b: {  	_ =	swait.ge [sflag:s22], $0x4000  }
0x56c: {  	[sflag:s22] =	ssyncset.done $0x0  }
0x56d: {  	s19 =	rddreg [dreg:$0x5];
	[sflag:s22] =	ssyncadd.s32 $0xFFFFC000  }
0x56e: {  	[tilespmem:s29], [sflag:$0x1] =	stream.indirect.gather [hbm4b:s8+s26], $0x80, s19, s26, $0xb8;
	[tilespmem:$0x1E000] =	vst v63  }
0x56f: {  	_ =	swait.ge [sflag:s30], $0x4000  }
0x570: {  	[sflag:s30] =	ssyncset.done $0x0  }
0x571: {  	s20 =	simm.s32 $0x980;
	[sflag:s30] =	ssyncadd.s32 $0xFFFFC000  }
0x572: {  	[spmem:s2] =	stream.indirect.scatter.add.f32 [tilespmem:s0], [sflag:$0x5], $0x80, s20, s26, $0xb8;
	[tilespmem:$0x1E000] =	vst v63  }
0x573: {  	_ =	swait.ge [sflag:s22], $0x4000  }
0x574: {  	[sflag:s22] =	ssyncset.done $0x0  }
0x575: {  	s19 =	simm.s32 @p1 $0x280;
	[sflag:s22] =	ssyncadd.s32 $0xFFFFC000  }
0x576: {  	[tilespmem:s13], [sflag:$0x2] =	stream.indirect.gather @p1 [hbm4b:s7+s14], $0x80, s19, s14, $0xb8;
	[tilespmem:$0x1E000] =	vst v63  }
0x577: {  	s19 =	simm.s32 @!p1 $0x280  }
0x578: {  	[tilespmem:s16], [sflag:$0x2] =	stream.indirect.gather @!p1 [hbm4b:s17+s15], $0x80, s19, s15, $0xb8;
	[tilespmem:$0x1E000] =	vst v63  }
0x579: {  	_ =	swait.ge [sflag:s25], $0x4000  }
0x57a: {  	[sflag:s25] =	ssyncset.done $0x0  }
0x57b: {  	s20 =	simm.s32 $0xA00;
	[sflag:s25] =	ssyncadd.s32 $0xFFFFC000  }
0x57c: {  	[spmem:s2] =	stream.indirect.scatter.add.f32 [tilespmem:s29], [sflag:$0x5], $0x80, s20, s26, $0xb8;
	[tilespmem:$0x1E000] =	vst v63  }
0x57d: {  	_ =	swait.ge [sflag:s22], $0x4000  }
0x57e: {  	[sflag:s22] =	ssyncset.done $0x0  }
0x57f: {  	s19 =	rddreg [dreg:$0x6];
	[sflag:s22] =	ssyncadd.s32 $0xFFFFC000  }
0x580: {  	[tilespmem:s29], [sflag:$0x1] =	stream.indirect.gather [hbm4b:s8+s26], $0x80, s19, s26, $0xb8;
	[tilespmem:$0x1E000] =	vst v63  }
0x581: {  	_ =	swait.ge [sflag:s30], $0x4000  }
0x582: {  	[sflag:s30] =	ssyncset.done $0x0  }
0x583: {  	s20 =	simm.s32 $0xA80;
	[sflag:s30] =	ssyncadd.s32 $0xFFFFC000  }
0x584: {  	[spmem:s2] =	stream.indirect.scatter.add.f32 [tilespmem:s0], [sflag:$0x5], $0x80, s20, s26, $0xb8;
	[tilespmem:$0x1E000] =	vst v63  }
0x585: {  	_ =	swait.ge [sflag:s22], $0x4000  }
0x586: {  	[sflag:s22] =	ssyncset.done $0x0  }
0x587: {  	s19 =	simm.s32 @p1 $0x380;
	[sflag:s22] =	ssyncadd.s32 $0xFFFFC000  }
0x588: {  	[tilespmem:s13], [sflag:$0x2] =	stream.indirect.gather @p1 [hbm4b:s7+s14], $0x80, s19, s14, $0xb8;
	[tilespmem:$0x1E000] =	vst v63  }
0x589: {  	s19 =	simm.s32 @!p1 $0x380  }
0x58a: {  	[tilespmem:s16], [sflag:$0x2] =	stream.indirect.gather @!p1 [hbm4b:s17+s15], $0x80, s19, s15, $0xb8;
	[tilespmem:$0x1E000] =	vst v63  }
0x58b: {  	_ =	swait.ge [sflag:s25], $0x4000  }
0x58c: {  	[sflag:s25] =	ssyncset.done $0x0  }
0x58d: {  	s20 =	simm.s32 $0xB00;
	[sflag:s25] =	ssyncadd.s32 $0xFFFFC000  }
0x58e: {  	[spmem:s2] =	stream.indirect.scatter.add.f32 [tilespmem:s29], [sflag:$0x5], $0x80, s20, s26, $0xb8;
	[tilespmem:$0x1E000] =	vst v63  }
0x58f: {  	_ =	swait.ge [sflag:s22], $0x4000  }
0x590: {  	[sflag:s22] =	ssyncset.done $0x0  }
0x591: {  	s19 =	rddreg [dreg:$0x7];
	[sflag:s22] =	ssyncadd.s32 $0xFFFFC000  }
0x592: {  	[tilespmem:s29], [sflag:$0x1] =	stream.indirect.gather [hbm4b:s8+s26], $0x80, s19, s26, $0xb8;
	[tilespmem:$0x1E000] =	vst v63  }
0x593: {  	_ =	swait.ge [sflag:s30], $0x4000  }
0x594: {  	[sflag:s30] =	ssyncset.done $0x0  }
0x595: {  	s20 =	simm.s32 $0xB80;
	[sflag:s30] =	ssyncadd.s32 $0xFFFFC000  }
0x596: {  	[spmem:s2] =	stream.indirect.scatter.add.f32 [tilespmem:s0], [sflag:$0x5], $0x80, s20, s26, $0xb8;
	[tilespmem:$0x1E000] =	vst v63  }
0x597: {  	_ =	swait.ge [sflag:s22], $0x4000  }
0x598: {  	[sflag:s22] =	ssyncset.done $0x0  }
0x599: {  	s19 =	simm.s32 @p1 $0x480;
	[sflag:s22] =	ssyncadd.s32 $0xFFFFC000  }
0x59a: {  	[tilespmem:s13], [sflag:$0x2] =	stream.indirect.gather @p1 [hbm4b:s7+s14], $0x80, s19, s14, $0xb8;
	[tilespmem:$0x1E000] =	vst v63  }
0x59b: {  	s19 =	simm.s32 @!p1 $0x480  }
0x59c: {  	[tilespmem:s16], [sflag:$0x2] =	stream.indirect.gather @!p1 [hbm4b:s17+s15], $0x80, s19, s15, $0xb8;
	[tilespmem:$0x1E000] =	vst v63  }
0x59d: {  	_ =	swait.ge [sflag:s25], $0x4000  }
0x59e: {  	[sflag:s25] =	ssyncset.done $0x0  }
0x59f: {  	s19 =	simm.s32 $0xC00;
	[sflag:s25] =	ssyncadd.s32 $0xFFFFC000  }
0x5a0: {  	[spmem:s2] =	stream.indirect.scatter.add.f32 [tilespmem:s29], [sflag:$0x5], $0x80, s19, s26, $0xb8;
	[tilespmem:$0x1E000] =	vst v63  }
0x5a1: {  	_ =	swait.ge [sflag:s22], $0x4000  }
0x5a2: {  	[sflag:s22] =	ssyncset.done $0x0  }
0x5a3: {  	s19 =	rddreg [dreg:$0x8];
	[sflag:s22] =	ssyncadd.s32 $0xFFFFC000  }
0x5a4: {  	[tilespmem:s29], [sflag:$0x1] =	stream.indirect.gather [hbm4b:s8+s26], $0x80, s19, s26, $0xb8;
	[tilespmem:$0x1E000] =	vst v63  }
0x5a5: {  	_ =	swait.ge [sflag:s30], $0x4000  }
0x5a6: {  	[sflag:s30] =	ssyncset.done $0x0  }
0x5a7: {  	s19 =	simm.s32 $0xC80;
	[sflag:s30] =	ssyncadd.s32 $0xFFFFC000  }
0x5a8: {  	[spmem:s2] =	stream.indirect.scatter.add.f32 [tilespmem:s0], [sflag:$0x5], $0x80, s19, s26, $0xb8;
	[tilespmem:$0x1E000] =	vst v63  }
0x5a9: {  	_ =	swait.ge [sflag:s22], $0x4000  }
0x5aa: {  	[sflag:s22] =	ssyncset.done $0x0  }
0x5ab: {  	s19 =	simm.s32 @p1 $0x580;
	[sflag:s22] =	ssyncadd.s32 $0xFFFFC000  }
0x5ac: {  	[tilespmem:s13], [sflag:$0x2] =	stream.indirect.gather @p1 [hbm4b:s7+s14], $0x80, s19, s14, $0xb8;
	[tilespmem:$0x1E000] =	vst v63  }
0x5ad: {  	s19 =	simm.s32 @!p1 $0x580  }
0x5ae: {  	[tilespmem:s16], [sflag:$0x2] =	stream.indirect.gather @!p1 [hbm4b:s17+s15], $0x80, s19, s15, $0xb8;
	[tilespmem:$0x1E000] =	vst v63  }
0x5af: {  	_ =	swait.ge [sflag:s25], $0x4000  }
0x5b0: {  	[sflag:s25] =	ssyncset.done $0x0  }
0x5b1: {  	s19 =	simm.s32 $0xD00;
	[sflag:s25] =	ssyncadd.s32 $0xFFFFC000  }
0x5b2: {  	[spmem:s2] =	stream.indirect.scatter.add.f32 [tilespmem:s29], [sflag:$0x5], $0x80, s19, s26, $0xb8;
	[tilespmem:$0x1E000] =	vst v63  }
0x5b3: {  	_ =	swait.ge [sflag:s22], $0x4000  }
0x5b4: {  	[sflag:s22] =	ssyncset.done $0x0  }
0x5b5: {  	s19 =	rddreg [dreg:$0x9];
	[sflag:s22] =	ssyncadd.s32 $0xFFFFC000  }
0x5b6: {  	[tilespmem:s29], [sflag:$0x1] =	stream.indirect.gather [hbm4b:s8+s26], $0x80, s19, s26, $0xb8;
	[tilespmem:$0x1E000] =	vst v63  }
0x5b7: {  	_ =	swait.ge [sflag:s30], $0x4000  }
0x5b8: {  	[sflag:s30] =	ssyncset.done $0x0  }
0x5b9: {  	s19 =	simm.s32 $0xD80;
	[sflag:s30] =	ssyncadd.s32 $0xFFFFC000  }
0x5ba: {  	[spmem:s2] =	stream.indirect.scatter.add.f32 [tilespmem:s0], [sflag:$0x5], $0x80, s19, s26, $0xb8;
	[tilespmem:$0x1E000] =	vst v63  }
0x5bb: {  	_ =	swait.ge [sflag:s22], $0x4000  }
0x5bc: {  	[sflag:s22] =	ssyncset.done $0x0  }
0x5bd: {  	s19 =	simm.s32 @p1 $0x680;
	[sflag:s22] =	ssyncadd.s32 $0xFFFFC000  }
0x5be: {  	[tilespmem:s13], [sflag:$0x2] =	stream.indirect.gather @p1 [hbm4b:s7+s14], $0x80, s19, s14, $0xb8;
	[tilespmem:$0x1E000] =	vst v63  }
0x5bf: {  	s19 =	simm.s32 @!p1 $0x680  }
0x5c0: {  	[tilespmem:s16], [sflag:$0x2] =	stream.indirect.gather @!p1 [hbm4b:s17+s15], $0x80, s19, s15, $0xb8;
	[tilespmem:$0x1E000] =	vst v63  }
0x5c1: {  	_ =	swait.ge [sflag:s25], $0x4000  }
0x5c2: {  	[sflag:s25] =	ssyncset.done $0x0  }
0x5c3: {  	s19 =	simm.s32 $0xE00;
	[sflag:s25] =	ssyncadd.s32 $0xFFFFC000  }
0x5c4: {  	[spmem:s2] =	stream.indirect.scatter.add.f32 [tilespmem:s29], [sflag:$0x5], $0x80, s19, s26, $0xb8;
	[tilespmem:$0x1E000] =	vst v63  }
0x5c5: {  	_ =	swait.ge [sflag:s22], $0x4000  }
0x5c6: {  	[sflag:s22] =	ssyncset.done $0x0  }
0x5c7: {  	s19 =	rddreg [dreg:$0xa];
	[sflag:s22] =	ssyncadd.s32 $0xFFFFC000  }
0x5c8: {  	[tilespmem:s29], [sflag:$0x1] =	stream.indirect.gather [hbm4b:s8+s26], $0x80, s19, s26, $0xb8;
	[tilespmem:$0x1E000] =	vst v63  }
0x5c9: {  	_ =	swait.ge [sflag:s30], $0x4000  }
0x5ca: {  	[sflag:s30] =	ssyncset.done $0x0  }
0x5cb: {  	s20 =	simm.s32 $0xE80;
	[sflag:s30] =	ssyncadd.s32 $0xFFFFC000  }
0x5cc: {  	[spmem:s2] =	stream.indirect.scatter.add.f32 [tilespmem:s0], [sflag:$0x5], $0x80, s20, s26, $0xb8;
	[tilespmem:$0x1E000] =	vst v63  }
0x5cd: {  	_ =	swait.ge [sflag:s22], $0x4000  }
0x5ce: {  	[sflag:s22] =	ssyncset.done $0x0  }
0x5cf: {  	s19 =	simm.s32 @p1 $0x780;
	[sflag:s22] =	ssyncadd.s32 $0xFFFFC000  }
0x5d0: {  	[tilespmem:s13], [sflag:$0x2] =	stream.indirect.gather @p1 [hbm4b:s7+s14], $0x80, s19, s14, $0xb8;
	[tilespmem:$0x1E000] =	vst v63  }
0x5d1: {  	s19 =	simm.s32 @!p1 $0x780  }
0x5d2: {  	[tilespmem:s16], [sflag:$0x2] =	stream.indirect.gather @!p1 [hbm4b:s17+s15], $0x80, s19, s15, $0xb8;
	[tilespmem:$0x1E000] =	vst v63  }
0x5d3: {  	_ =	swait.ge [sflag:s25], $0x4000  }
0x5d4: {  	[sflag:s25] =	ssyncset.done $0x0  }
0x5d5: {  	s20 =	simm.s32 $0xF00;
	[sflag:s25] =	ssyncadd.s32 $0xFFFFC000  }
0x5d6: {  	[spmem:s2] =	stream.indirect.scatter.add.f32 [tilespmem:s29], [sflag:$0x5], $0x80, s20, s26, $0xb8;
	[tilespmem:$0x1E000] =	vst v63  }
0x5d7: {  	_ =	swait.ge [sflag:s22], $0x4000  }
0x5d8: {  	[sflag:s22] =	ssyncset.done $0x0  }
0x5d9: {  	[sflag:s22] =	ssyncadd.s32 $0xFFFFC000  }
0x5da: {  	_ =	swait.ge [sflag:s30], $0x4000  }
0x5db: {  	[sflag:s30] =	ssyncset.done $0x0  }
0x5dc: {  	s20 =	simm.s32 $0xF80;
	[sflag:s30] =	ssyncadd.s32 $0xFFFFC000  }
0x5dd: {  	[spmem:s2] =	stream.indirect.scatter.add.f32 [tilespmem:s0], [sflag:$0x5], $0x80, s20, s26, $0xb8;
	[tilespmem:$0x1E000] =	vst v63  }
0x5de: {  	s12 =	smov.u32 s21;
	p3 =	seq.s32 s11, $0xFFFFFC00;
	_ =	swait.ge [sflag:s22], $0x4000  }
0x5df: {  	s20 =	sadd.s32 @!p3 s11, s10;
	s11 =	smov.u32 s12;
	[sflag:s22] =	ssyncset.done $0x0  }
0x5e0: {  	s12 =	sadd.s32 @!p3 $0x15800, s20;
	s20 =	simm.s32 @!p3 $0x0;
	[sflag:s22] =	ssyncadd.s32 $0xFFFFC000  }
0x5e1: {  	[tilespmem:s20], [sflag:$0x3] =	stream.linear.gather @!p3 [hbm4b:s12+s20], $0x1000, $0x38;
	[tilespmem:$0x1E000] =	vst v63  }
0x5e2: {  	_ =	swait.ge [sflag:s4], $0x1000  }
0x5e3: {  	[sflag:s4] =	ssyncset.done $0x0  }
0x5e4: {  	s12 =	simm.s32 @p0 $0x1000;
	[sflag:s4] =	ssyncadd.s32 $0xFFFFF000  }
0x5e5: {  	[tilespmem:s3], [sflag:$0x1] =	stream.indirect.gather @p0 [hbm4b:s17+s23], $0x80, s12, s23, $0xb8;
	[tilespmem:$0x1E000] =	vst v63  }
0x5e6: {  	s3 =	simm.s32 @p0 $0x1080  }
0x5e7: {  	[tilespmem:s1], [sflag:$0x2] =	stream.indirect.gather @p0 [hbm4b:s17+s23], $0x80, s3, s23, $0xb8;
	[tilespmem:$0x1E000] =	vst v63  }
0x5e8: {  	s1 =	simm.s32 @!p0 $0x1000  }
0x5e9: {  	[tilespmem:s9], [sflag:$0x1] =	stream.indirect.gather @!p0 [hbm4b:s7+s31], $0x80, s1, s31, $0xb8;
	[tilespmem:$0x1E000] =	vst v63  }
0x5ea: {  	s1 =	simm.s32 @!p0 $0x1080  }
0x5eb: {  	[tilespmem:s28], [sflag:$0x2] =	stream.indirect.gather @!p0 [hbm4b:s7+s31], $0x80, s1, s31, $0xb8;
	[tilespmem:$0x1E000] =	vst v63  }
0x5ec: {  	_ =	swait.ge [sflag:s25], $0x4000  }
0x5ed: {  	[sflag:s25] =	ssyncset.done $0x0  }
0x5ee: {  	s3 =	simm.s32 $0x1800;
	[sflag:s25] =	ssyncadd.s32 $0xFFFFC000  }
0x5ef: {  	[spmem:s2] =	stream.indirect.scatter.add.f32 [tilespmem:s29], [sflag:$0x5], $0x80, s3, s26, $0xb8;
	[tilespmem:$0x1E000] =	vst v63  }
0x5f0: {  	_ =	swait.ge [sflag:s22], $0x4000  }
0x5f1: {  	[sflag:s22] =	ssyncset.done $0x0  }
0x5f2: {  	s9 =	rddreg [dreg:$0xb];
	[sflag:s22] =	ssyncadd.s32 $0xFFFFC000  }
0x5f3: {  	[tilespmem:s29], [sflag:$0x1] =	stream.indirect.gather [hbm4b:s18+s26], $0x80, s9, s26, $0xb8;
	[tilespmem:$0x1E000] =	vst v63  }
0x5f4: {  	_ =	swait.ge [sflag:s30], $0x4000  }
0x5f5: {  	[sflag:s30] =	ssyncset.done $0x0  }
0x5f6: {  	s19 =	simm.s32 $0x1880;
	[sflag:s30] =	ssyncadd.s32 $0xFFFFC000  }
0x5f7: {  	[spmem:s2] =	stream.indirect.scatter.add.f32 [tilespmem:s0], [sflag:$0x5], $0x80, s19, s26, $0xb8;
	[tilespmem:$0x1E000] =	vst v63  }
0x5f8: {  	_ =	swait.ge [sflag:s22], $0x4000  }
0x5f9: {  	[sflag:s22] =	ssyncset.done $0x0  }
0x5fa: {  	s1 =	simm.s32 @p1 $0x1180;
	[sflag:s22] =	ssyncadd.s32 $0xFFFFC000  }
0x5fb: {  	[tilespmem:s13], [sflag:$0x2] =	stream.indirect.gather @p1 [hbm4b:s7+s14], $0x80, s1, s14, $0xb8;
	[tilespmem:$0x1E000] =	vst v63  }
0x5fc: {  	s1 =	simm.s32 @!p1 $0x1180  }
0x5fd: {  	[tilespmem:s16], [sflag:$0x2] =	stream.indirect.gather @!p1 [hbm4b:s17+s15], $0x80, s1, s15, $0xb8;
	[tilespmem:$0x1E000] =	vst v63  }
0x5fe: {  	_ =	swait.ge [sflag:s25], $0x4000  }
0x5ff: {  	[sflag:s25] =	ssyncset.done $0x0  }
0x600: {  	s20 =	simm.s32 $0x1900;
	[sflag:s25] =	ssyncadd.s32 $0xFFFFC000  }
0x601: {  	[spmem:s2] =	stream.indirect.scatter.add.f32 [tilespmem:s29], [sflag:$0x5], $0x80, s20, s26, $0xb8;
	[tilespmem:$0x1E000] =	vst v63  }
0x602: {  	_ =	swait.ge [sflag:s22], $0x4000  }
0x603: {  	[sflag:s22] =	ssyncset.done $0x0  }
0x604: {  	s28 =	rddreg [dreg:$0xc];
	[sflag:s22] =	ssyncadd.s32 $0xFFFFC000  }
0x605: {  	[tilespmem:s29], [sflag:$0x1] =	stream.indirect.gather [hbm4b:s8+s26], $0x80, s28, s26, $0xb8;
	[tilespmem:$0x1E000] =	vst v63  }
0x606: {  	_ =	swait.ge [sflag:s30], $0x4000  }
0x607: {  	[sflag:s30] =	ssyncset.done $0x0  }
0x608: {  	s1 =	simm.s32 $0x1980;
	[sflag:s30] =	ssyncadd.s32 $0xFFFFC000  }
0x609: {  	[spmem:s2] =	stream.indirect.scatter.add.f32 [tilespmem:s0], [sflag:$0x5], $0x80, s1, s26, $0xb8;
	[tilespmem:$0x1E000] =	vst v63  }
0x60a: {  	_ =	swait.ge [sflag:s22], $0x4000  }
0x60b: {  	[sflag:s22] =	ssyncset.done $0x0  }
0x60c: {  	s1 =	simm.s32 @p1 $0x1280;
	[sflag:s22] =	ssyncadd.s32 $0xFFFFC000  }
0x60d: {  	[tilespmem:s13], [sflag:$0x2] =	stream.indirect.gather @p1 [hbm4b:s7+s14], $0x80, s1, s14, $0xb8;
	[tilespmem:$0x1E000] =	vst v63  }
0x60e: {  	s1 =	simm.s32 @!p1 $0x1280  }
0x60f: {  	[tilespmem:s16], [sflag:$0x2] =	stream.indirect.gather @!p1 [hbm4b:s17+s15], $0x80, s1, s15, $0xb8;
	[tilespmem:$0x1E000] =	vst v63  }
0x610: {  	_ =	swait.ge [sflag:s25], $0x4000  }
0x611: {  	[sflag:s25] =	ssyncset.done $0x0  }
0x612: {  	s3 =	simm.s32 $0x1A00;
	[sflag:s25] =	ssyncadd.s32 $0xFFFFC000  }
0x613: {  	[spmem:s2] =	stream.indirect.scatter.add.f32 [tilespmem:s29], [sflag:$0x5], $0x80, s3, s26, $0xb8;
	[tilespmem:$0x1E000] =	vst v63  }
0x614: {  	_ =	swait.ge [sflag:s22], $0x4000  }
0x615: {  	[sflag:s22] =	ssyncset.done $0x0  }
0x616: {  	s9 =	rddreg [dreg:$0xd];
	[sflag:s22] =	ssyncadd.s32 $0xFFFFC000  }
0x617: {  	[tilespmem:s29], [sflag:$0x1] =	stream.indirect.gather [hbm4b:s8+s26], $0x80, s9, s26, $0xb8;
	[tilespmem:$0x1E000] =	vst v63  }
0x618: {  	_ =	swait.ge [sflag:s30], $0x4000  }
0x619: {  	[sflag:s30] =	ssyncset.done $0x0  }
0x61a: {  	s19 =	simm.s32 $0x1A80;
	[sflag:s30] =	ssyncadd.s32 $0xFFFFC000  }
0x61b: {  	[spmem:s2] =	stream.indirect.scatter.add.f32 [tilespmem:s0], [sflag:$0x5], $0x80, s19, s26, $0xb8;
	[tilespmem:$0x1E000] =	vst v63  }
0x61c: {  	_ =	swait.ge [sflag:s22], $0x4000  }
0x61d: {  	[sflag:s22] =	ssyncset.done $0x0  }
0x61e: {  	s1 =	simm.s32 @p1 $0x1380;
	[sflag:s22] =	ssyncadd.s32 $0xFFFFC000  }
0x61f: {  	[tilespmem:s13], [sflag:$0x2] =	stream.indirect.gather @p1 [hbm4b:s7+s14], $0x80, s1, s14, $0xb8;
	[tilespmem:$0x1E000] =	vst v63  }
0x620: {  	s1 =	simm.s32 @!p1 $0x1380  }
0x621: {  	[tilespmem:s16], [sflag:$0x2] =	stream.indirect.gather @!p1 [hbm4b:s17+s15], $0x80, s1, s15, $0xb8;
	[tilespmem:$0x1E000] =	vst v63  }
0x622: {  	_ =	swait.ge [sflag:s25], $0x4000  }
0x623: {  	[sflag:s25] =	ssyncset.done $0x0  }
0x624: {  	s20 =	simm.s32 $0x1B00;
	[sflag:s25] =	ssyncadd.s32 $0xFFFFC000  }
0x625: {  	[spmem:s2] =	stream.indirect.scatter.add.f32 [tilespmem:s29], [sflag:$0x5], $0x80, s20, s26, $0xb8;
	[tilespmem:$0x1E000] =	vst v63  }
0x626: {  	_ =	swait.ge [sflag:s22], $0x4000  }
0x627: {  	[sflag:s22] =	ssyncset.done $0x0  }
0x628: {  	s28 =	rddreg [dreg:$0xe];
	[sflag:s22] =	ssyncadd.s32 $0xFFFFC000  }
0x629: {  	[tilespmem:s29], [sflag:$0x1] =	stream.indirect.gather [hbm4b:s8+s26], $0x80, s28, s26, $0xb8;
	[tilespmem:$0x1E000] =	vst v63  }
0x62a: {  	_ =	swait.ge [sflag:s30], $0x4000  }
0x62b: {  	[sflag:s30] =	ssyncset.done $0x0  }
0x62c: {  	s1 =	simm.s32 $0x1B80;
	[sflag:s30] =	ssyncadd.s32 $0xFFFFC000  }
0x62d: {  	[spmem:s2] =	stream.indirect.scatter.add.f32 [tilespmem:s0], [sflag:$0x5], $0x80, s1, s26, $0xb8;
	[tilespmem:$0x1E000] =	vst v63  }
0x62e: {  	_ =	swait.ge [sflag:s22], $0x4000  }
0x62f: {  	[sflag:s22] =	ssyncset.done $0x0  }
0x630: {  	s1 =	simm.s32 @p1 $0x1480;
	[sflag:s22] =	ssyncadd.s32 $0xFFFFC000  }
0x631: {  	[tilespmem:s13], [sflag:$0x2] =	stream.indirect.gather @p1 [hbm4b:s7+s14], $0x80, s1, s14, $0xb8;
	[tilespmem:$0x1E000] =	vst v63  }
0x632: {  	s1 =	simm.s32 @!p1 $0x1480  }
0x633: {  	[tilespmem:s16], [sflag:$0x2] =	stream.indirect.gather @!p1 [hbm4b:s17+s15], $0x80, s1, s15, $0xb8;
	[tilespmem:$0x1E000] =	vst v63  }
0x634: {  	_ =	swait.ge [sflag:s25], $0x4000  }
0x635: {  	[sflag:s25] =	ssyncset.done $0x0  }
0x636: {  	s3 =	simm.s32 $0x1C00;
	[sflag:s25] =	ssyncadd.s32 $0xFFFFC000  }
0x637: {  	[spmem:s2] =	stream.indirect.scatter.add.f32 [tilespmem:s29], [sflag:$0x5], $0x80, s3, s26, $0xb8;
	[tilespmem:$0x1E000] =	vst v63  }
0x638: {  	_ =	swait.ge [sflag:s22], $0x4000  }
0x639: {  	[sflag:s22] =	ssyncset.done $0x0  }
0x63a: {  	s9 =	rddreg [dreg:$0xf];
	[sflag:s22] =	ssyncadd.s32 $0xFFFFC000  }
0x63b: {  	[tilespmem:s29], [sflag:$0x1] =	stream.indirect.gather [hbm4b:s8+s26], $0x80, s9, s26, $0xb8;
	[tilespmem:$0x1E000] =	vst v63  }
0x63c: {  	_ =	swait.ge [sflag:s30], $0x4000  }
0x63d: {  	[sflag:s30] =	ssyncset.done $0x0  }
0x63e: {  	s19 =	simm.s32 $0x1C80;
	[sflag:s30] =	ssyncadd.s32 $0xFFFFC000  }
0x63f: {  	[spmem:s2] =	stream.indirect.scatter.add.f32 [tilespmem:s0], [sflag:$0x5], $0x80, s19, s26, $0xb8;
	[tilespmem:$0x1E000] =	vst v63  }
0x640: {  	_ =	swait.ge [sflag:s22], $0x4000  }
0x641: {  	[sflag:s22] =	ssyncset.done $0x0  }
0x642: {  	s1 =	simm.s32 @p1 $0x1580;
	[sflag:s22] =	ssyncadd.s32 $0xFFFFC000  }
0x643: {  	[tilespmem:s13], [sflag:$0x2] =	stream.indirect.gather @p1 [hbm4b:s7+s14], $0x80, s1, s14, $0xb8;
	[tilespmem:$0x1E000] =	vst v63  }
0x644: {  	s1 =	simm.s32 @!p1 $0x1580  }
0x645: {  	[tilespmem:s16], [sflag:$0x2] =	stream.indirect.gather @!p1 [hbm4b:s17+s15], $0x80, s1, s15, $0xb8;
	[tilespmem:$0x1E000] =	vst v63  }
0x646: {  	_ =	swait.ge [sflag:s25], $0x4000  }
0x647: {  	[sflag:s25] =	ssyncset.done $0x0  }
0x648: {  	s20 =	simm.s32 $0x1D00;
	[sflag:s25] =	ssyncadd.s32 $0xFFFFC000  }
0x649: {  	[spmem:s2] =	stream.indirect.scatter.add.f32 [tilespmem:s29], [sflag:$0x5], $0x80, s20, s26, $0xb8;
	[tilespmem:$0x1E000] =	vst v63  }
0x64a: {  	_ =	swait.ge [sflag:s22], $0x4000  }
0x64b: {  	[sflag:s22] =	ssyncset.done $0x0  }
0x64c: {  	s28 =	rddreg [dreg:$0x10];
	[sflag:s22] =	ssyncadd.s32 $0xFFFFC000  }
0x64d: {  	[tilespmem:s29], [sflag:$0x1] =	stream.indirect.gather [hbm4b:s8+s26], $0x80, s28, s26, $0xb8;
	[tilespmem:$0x1E000] =	vst v63  }
0x64e: {  	_ =	swait.ge [sflag:s30], $0x4000  }
0x64f: {  	[sflag:s30] =	ssyncset.done $0x0  }
0x650: {  	s1 =	simm.s32 $0x1D80;
	[sflag:s30] =	ssyncadd.s32 $0xFFFFC000  }
0x651: {  	[spmem:s2] =	stream.indirect.scatter.add.f32 [tilespmem:s0], [sflag:$0x5], $0x80, s1, s26, $0xb8;
	[tilespmem:$0x1E000] =	vst v63  }
0x652: {  	_ =	swait.ge [sflag:s22], $0x4000  }
0x653: {  	[sflag:s22] =	ssyncset.done $0x0  }
0x654: {  	s1 =	simm.s32 @p1 $0x1680;
	[sflag:s22] =	ssyncadd.s32 $0xFFFFC000  }
0x655: {  	[tilespmem:s13], [sflag:$0x2] =	stream.indirect.gather @p1 [hbm4b:s7+s14], $0x80, s1, s14, $0xb8;
	[tilespmem:$0x1E000] =	vst v63  }
0x656: {  	s1 =	simm.s32 @!p1 $0x1680  }
0x657: {  	[tilespmem:s16], [sflag:$0x2] =	stream.indirect.gather @!p1 [hbm4b:s17+s15], $0x80, s1, s15, $0xb8;
	[tilespmem:$0x1E000] =	vst v63  }
0x658: {  	_ =	swait.ge [sflag:s25], $0x4000  }
0x659: {  	[sflag:s25] =	ssyncset.done $0x0  }
0x65a: {  	s3 =	simm.s32 $0x1E00;
	[sflag:s25] =	ssyncadd.s32 $0xFFFFC000  }
0x65b: {  	[spmem:s2] =	stream.indirect.scatter.add.f32 [tilespmem:s29], [sflag:$0x5], $0x80, s3, s26, $0xb8;
	[tilespmem:$0x1E000] =	vst v63  }
0x65c: {  	_ =	swait.ge [sflag:s22], $0x4000  }
0x65d: {  	[sflag:s22] =	ssyncset.done $0x0  }
0x65e: {  	s9 =	rddreg [dreg:$0x11];
	[sflag:s22] =	ssyncadd.s32 $0xFFFFC000  }
0x65f: {  	[tilespmem:s29], [sflag:$0x1] =	stream.indirect.gather [hbm4b:s8+s26], $0x80, s9, s26, $0xb8;
	[tilespmem:$0x1E000] =	vst v63  }
0x660: {  	_ =	swait.ge [sflag:s30], $0x4000  }
0x661: {  	[sflag:s30] =	ssyncset.done $0x0  }
0x662: {  	s19 =	simm.s32 $0x1E80;
	[sflag:s30] =	ssyncadd.s32 $0xFFFFC000  }
0x663: {  	[spmem:s2] =	stream.indirect.scatter.add.f32 [tilespmem:s0], [sflag:$0x5], $0x80, s19, s26, $0xb8;
	[tilespmem:$0x1E000] =	vst v63  }
0x664: {  	_ =	swait.ge [sflag:s22], $0x4000  }
0x665: {  	[sflag:s22] =	ssyncset.done $0x0  }
0x666: {  	s1 =	simm.s32 @p1 $0x1780;
	[sflag:s22] =	ssyncadd.s32 $0xFFFFC000  }
0x667: {  	[tilespmem:s13], [sflag:$0x2] =	stream.indirect.gather @p1 [hbm4b:s7+s14], $0x80, s1, s14, $0xb8;
	[tilespmem:$0x1E000] =	vst v63  }
0x668: {  	s1 =	simm.s32 @!p1 $0x1780  }
0x669: {  	[tilespmem:s16], [sflag:$0x2] =	stream.indirect.gather @!p1 [hbm4b:s17+s15], $0x80, s1, s15, $0xb8;
	[tilespmem:$0x1E000] =	vst v63  }
0x66a: {  	_ =	swait.ge [sflag:s25], $0x4000  }
0x66b: {  	[sflag:s25] =	ssyncset.done $0x0  }
0x66c: {  	s20 =	simm.s32 $0x1F00;
	[sflag:s25] =	ssyncadd.s32 $0xFFFFC000  }
0x66d: {  	[spmem:s2] =	stream.indirect.scatter.add.f32 [tilespmem:s29], [sflag:$0x5], $0x80, s20, s26, $0xb8;
	[tilespmem:$0x1E000] =	vst v63  }
0x66e: {  	_ =	swait.ge [sflag:s22], $0x4000  }
0x66f: {  	[sflag:s22] =	ssyncset.done $0x0  }
0x670: {  	s21 =	sadd.s32 $0x400, s21;
	[sflag:s22] =	ssyncadd.s32 $0xFFFFC000  }
0x671: {  	p2 =	sne.s32 s21, $0x0;
	_ =	swait.ge [sflag:s30], $0x4000  }
.Ltmp1:
0x672: {  	[sflag:s30] =	ssyncset.done $0x0;
	(pc) =	sbr.rel @p2 .LBB2_4-.Ltmp1, $4  }
0x673: {  	s28 =	simm.s32 $0x1F80;
	[sflag:s30] =	ssyncadd.s32 $0xFFFFC000  }
0x674: {  	[spmem:s2] =	stream.indirect.scatter.add.f32 [tilespmem:s0], [sflag:$0x5], $0x80, s28, s26, $0xb8;
	[tilespmem:$0x1E000] =	vst v63  }
0x675: {  	_ =	swait.ge [sflag:s22], $0x4000  }
0x676: {  	s12 =	sadd.s32 s11, s10;
	[sflag:s22] =	ssyncset.done $0x0  }
0x677: {  	s1 =	sadd.s32 $0x15600, s12  }
0x678: {  	[sflag:s22] =	ssyncadd.s32 $0xFFFFC000;
	s3 =	simm.s32 $0x0;
	s4 =	simm.s32 $0x1000  }
0x679: {  	[tilespmem:s4], [sflag:$0x4] =	stream.linear.gather [hbm4b:s1+s3], $0x1000, $0x38;
	[tilespmem:$0x1E000] =	vst v63  }
0x67a: {  	_ =	swait.ge [sflag:s24], $0x1000  }
0x67b: {  	s23 =	simm.s32 @p0 $0x2000;
	[sflag:s24] =	ssyncset.done $0x0  }
0x67c: {  	s13 =	simm.s32 @p0 $0x80;
	s1 =	simm.s32 @p0 $0x0;
	[sflag:s24] =	ssyncadd.s32 $0xFFFFF000  }
0x67d: {  	[tilespmem:s23], [sflag:$0x1] =	stream.indirect.gather @p0 [hbm4b:s17+s13], $0x80, s1, s13, $0xb8;
	[tilespmem:$0x1E000] =	vst v63  }
0x67e: {  	s15 =	simm.s32 @p0 $0x6000  }
0x67f: {  	[tilespmem:s15], [sflag:$0x2] =	stream.indirect.gather @p0 [hbm4b:s17+s13], $0x80, s13, s13, $0xb8;
	[tilespmem:$0x1E000] =	vst v63  }
0x680: {  	s14 =	simm.s32 @!p0 $0x80;
	s16 =	simm.s32 @!p0 $0x2000;
	s1 =	simm.s32 @!p0 $0x0  }
0x681: {  	[tilespmem:s16], [sflag:$0x1] =	stream.indirect.gather @!p0 [hbm4b:s7+s14], $0x80, s1, s14, $0xb8;
	[tilespmem:$0x1E000] =	vst v63  }
0x682: {  	s20 =	simm.s32 @!p0 $0x6000  }
0x683: {  	[tilespmem:s20], [sflag:$0x2] =	stream.indirect.gather @!p0 [hbm4b:s7+s14], $0x80, s14, s14, $0xb8;
	[tilespmem:$0x1E000] =	vst v63  }
0x684: {  	_ =	swait.ge [sflag:s25], $0x4000  }
0x685: {  	[sflag:s25] =	ssyncset.done $0x0  }
0x686: {  	s12 =	simm.s32 $0x800;
	[sflag:s25] =	ssyncadd.s32 $0xFFFFC000  }
0x687: {  	[spmem:s2] =	stream.indirect.scatter.add.f32 [tilespmem:s29], [sflag:$0x5], $0x80, s12, s26, $0xb8;
	[tilespmem:$0x1E000] =	vst v63  }
0x688: {  	_ =	swait.ge [sflag:s22], $0x4000  }
0x689: {  	[sflag:s22] =	ssyncset.done $0x0  }
0x68a: {  	s19 =	rddreg [dreg:$0x4];
	[sflag:s22] =	ssyncadd.s32 $0xFFFFC000  }
0x68b: {  	[tilespmem:s29], [sflag:$0x1] =	stream.indirect.gather [hbm4b:s18+s26], $0x80, s19, s26, $0xb8;
	[tilespmem:$0x1E000] =	vst v63  }
0x68c: {  	_ =	swait.ge [sflag:s30], $0x4000  }
0x68d: {  	[sflag:s30] =	ssyncset.done $0x0  }
0x68e: {  	s21 =	simm.s32 $0x880;
	[sflag:s30] =	ssyncadd.s32 $0xFFFFC000  }
0x68f: {  	[spmem:s2] =	stream.indirect.scatter.add.f32 [tilespmem:s0], [sflag:$0x5], $0x80, s21, s26, $0xb8;
	[tilespmem:$0x1E000] =	vst v63  }
0x690: {  	_ =	swait.ge [sflag:s22], $0x4000  }
0x691: {  	s9 =	simm.s32 @p1 $0x180;
	[sflag:s22] =	ssyncset.done $0x0  }
0x692: {  	s1 =	simm.s32 @p1 $0x80;
	s12 =	simm.s32 @p1 $0x6000;
	[sflag:s22] =	ssyncadd.s32 $0xFFFFC000  }
0x693: {  	[tilespmem:s12], [sflag:$0x2] =	stream.indirect.gather @p1 [hbm4b:s7+s1], $0x80, s9, s1, $0xb8;
	[tilespmem:$0x1E000] =	vst v63  }
0x694: {  	s3 =	simm.s32 @!p1 $0x6000;
	s21 =	simm.s32 @!p1 $0x180;
	s9 =	simm.s32 @!p1 $0x80  }
0x695: {  	[tilespmem:s3], [sflag:$0x2] =	stream.indirect.gather @!p1 [hbm4b:s17+s9], $0x80, s21, s9, $0xb8;
	[tilespmem:$0x1E000] =	vst v63  }
0x696: {  	_ =	swait.ge [sflag:s25], $0x4000  }
0x697: {  	[sflag:s25] =	ssyncset.done $0x0  }
0x698: {  	s24 =	simm.s32 $0x900;
	[sflag:s25] =	ssyncadd.s32 $0xFFFFC000  }
0x699: {  	[spmem:s2] =	stream.indirect.scatter.add.f32 [tilespmem:s29], [sflag:$0x5], $0x80, s24, s26, $0xb8;
	[tilespmem:$0x1E000] =	vst v63  }
0x69a: {  	_ =	swait.ge [sflag:s22], $0x4000  }
0x69b: {  	[sflag:s22] =	ssyncset.done $0x0  }
0x69c: {  	s19 =	rddreg [dreg:$0x5];
	[sflag:s22] =	ssyncadd.s32 $0xFFFFC000  }
0x69d: {  	[tilespmem:s29], [sflag:$0x1] =	stream.indirect.gather [hbm4b:s8+s26], $0x80, s19, s26, $0xb8;
	[tilespmem:$0x1E000] =	vst v63  }
0x69e: {  	_ =	swait.ge [sflag:s30], $0x4000  }
0x69f: {  	[sflag:s30] =	ssyncset.done $0x0  }
0x6a0: {  	s21 =	simm.s32 $0x980;
	[sflag:s30] =	ssyncadd.s32 $0xFFFFC000  }
0x6a1: {  	[spmem:s2] =	stream.indirect.scatter.add.f32 [tilespmem:s0], [sflag:$0x5], $0x80, s21, s26, $0xb8;
	[tilespmem:$0x1E000] =	vst v63  }
0x6a2: {  	_ =	swait.ge [sflag:s22], $0x4000  }
0x6a3: {  	[sflag:s22] =	ssyncset.done $0x0  }
0x6a4: {  	s21 =	simm.s32 @p1 $0x280;
	[sflag:s22] =	ssyncadd.s32 $0xFFFFC000  }
0x6a5: {  	[tilespmem:s12], [sflag:$0x2] =	stream.indirect.gather @p1 [hbm4b:s7+s1], $0x80, s21, s1, $0xb8;
	[tilespmem:$0x1E000] =	vst v63  }
0x6a6: {  	s21 =	simm.s32 @!p1 $0x280  }
0x6a7: {  	[tilespmem:s3], [sflag:$0x2] =	stream.indirect.gather @!p1 [hbm4b:s17+s9], $0x80, s21, s9, $0xb8;
	[tilespmem:$0x1E000] =	vst v63  }
0x6a8: {  	_ =	swait.ge [sflag:s25], $0x4000  }
0x6a9: {  	[sflag:s25] =	ssyncset.done $0x0  }
0x6aa: {  	s24 =	simm.s32 $0xA00;
	[sflag:s25] =	ssyncadd.s32 $0xFFFFC000  }
0x6ab: {  	[spmem:s2] =	stream.indirect.scatter.add.f32 [tilespmem:s29], [sflag:$0x5], $0x80, s24, s26, $0xb8;
	[tilespmem:$0x1E000] =	vst v63  }
0x6ac: {  	_ =	swait.ge [sflag:s22], $0x4000  }
0x6ad: {  	[sflag:s22] =	ssyncset.done $0x0  }
0x6ae: {  	s19 =	rddreg [dreg:$0x6];
	[sflag:s22] =	ssyncadd.s32 $0xFFFFC000  }
0x6af: {  	[tilespmem:s29], [sflag:$0x1] =	stream.indirect.gather [hbm4b:s8+s26], $0x80, s19, s26, $0xb8;
	[tilespmem:$0x1E000] =	vst v63  }
0x6b0: {  	_ =	swait.ge [sflag:s30], $0x4000  }
0x6b1: {  	[sflag:s30] =	ssyncset.done $0x0  }
0x6b2: {  	s21 =	simm.s32 $0xA80;
	[sflag:s30] =	ssyncadd.s32 $0xFFFFC000  }
0x6b3: {  	[spmem:s2] =	stream.indirect.scatter.add.f32 [tilespmem:s0], [sflag:$0x5], $0x80, s21, s26, $0xb8;
	[tilespmem:$0x1E000] =	vst v63  }
0x6b4: {  	_ =	swait.ge [sflag:s22], $0x4000  }
0x6b5: {  	[sflag:s22] =	ssyncset.done $0x0  }
0x6b6: {  	s21 =	simm.s32 @p1 $0x380;
	[sflag:s22] =	ssyncadd.s32 $0xFFFFC000  }
0x6b7: {  	[tilespmem:s12], [sflag:$0x2] =	stream.indirect.gather @p1 [hbm4b:s7+s1], $0x80, s21, s1, $0xb8;
	[tilespmem:$0x1E000] =	vst v63  }
0x6b8: {  	s21 =	simm.s32 @!p1 $0x380  }
0x6b9: {  	[tilespmem:s3], [sflag:$0x2] =	stream.indirect.gather @!p1 [hbm4b:s17+s9], $0x80, s21, s9, $0xb8;
	[tilespmem:$0x1E000] =	vst v63  }
0x6ba: {  	_ =	swait.ge [sflag:s25], $0x4000  }
0x6bb: {  	[sflag:s25] =	ssyncset.done $0x0  }
0x6bc: {  	s24 =	simm.s32 $0xB00;
	[sflag:s25] =	ssyncadd.s32 $0xFFFFC000  }
0x6bd: {  	[spmem:s2] =	stream.indirect.scatter.add.f32 [tilespmem:s29], [sflag:$0x5], $0x80, s24, s26, $0xb8;
	[tilespmem:$0x1E000] =	vst v63  }
0x6be: {  	_ =	swait.ge [sflag:s22], $0x4000  }
0x6bf: {  	[sflag:s22] =	ssyncset.done $0x0  }
0x6c0: {  	s19 =	rddreg [dreg:$0x7];
	[sflag:s22] =	ssyncadd.s32 $0xFFFFC000  }
0x6c1: {  	[tilespmem:s29], [sflag:$0x1] =	stream.indirect.gather [hbm4b:s8+s26], $0x80, s19, s26, $0xb8;
	[tilespmem:$0x1E000] =	vst v63  }
0x6c2: {  	_ =	swait.ge [sflag:s30], $0x4000  }
0x6c3: {  	[sflag:s30] =	ssyncset.done $0x0  }
0x6c4: {  	s21 =	simm.s32 $0xB80;
	[sflag:s30] =	ssyncadd.s32 $0xFFFFC000  }
0x6c5: {  	[spmem:s2] =	stream.indirect.scatter.add.f32 [tilespmem:s0], [sflag:$0x5], $0x80, s21, s26, $0xb8;
	[tilespmem:$0x1E000] =	vst v63  }
0x6c6: {  	_ =	swait.ge [sflag:s22], $0x4000  }
0x6c7: {  	[sflag:s22] =	ssyncset.done $0x0  }
0x6c8: {  	s21 =	simm.s32 @p1 $0x480;
	[sflag:s22] =	ssyncadd.s32 $0xFFFFC000  }
0x6c9: {  	[tilespmem:s12], [sflag:$0x2] =	stream.indirect.gather @p1 [hbm4b:s7+s1], $0x80, s21, s1, $0xb8;
	[tilespmem:$0x1E000] =	vst v63  }
0x6ca: {  	s21 =	simm.s32 @!p1 $0x480  }
0x6cb: {  	[tilespmem:s3], [sflag:$0x2] =	stream.indirect.gather @!p1 [hbm4b:s17+s9], $0x80, s21, s9, $0xb8;
	[tilespmem:$0x1E000] =	vst v63  }
0x6cc: {  	_ =	swait.ge [sflag:s25], $0x4000  }
0x6cd: {  	[sflag:s25] =	ssyncset.done $0x0  }
0x6ce: {  	s24 =	simm.s32 $0xC00;
	[sflag:s25] =	ssyncadd.s32 $0xFFFFC000  }
0x6cf: {  	[spmem:s2] =	stream.indirect.scatter.add.f32 [tilespmem:s29], [sflag:$0x5], $0x80, s24, s26, $0xb8;
	[tilespmem:$0x1E000] =	vst v63  }
0x6d0: {  	_ =	swait.ge [sflag:s22], $0x4000  }
0x6d1: {  	[sflag:s22] =	ssyncset.done $0x0  }
0x6d2: {  	s19 =	rddreg [dreg:$0x8];
	[sflag:s22] =	ssyncadd.s32 $0xFFFFC000  }
0x6d3: {  	[tilespmem:s29], [sflag:$0x1] =	stream.indirect.gather [hbm4b:s8+s26], $0x80, s19, s26, $0xb8;
	[tilespmem:$0x1E000] =	vst v63  }
0x6d4: {  	_ =	swait.ge [sflag:s30], $0x4000  }
0x6d5: {  	[sflag:s30] =	ssyncset.done $0x0  }
0x6d6: {  	s21 =	simm.s32 $0xC80;
	[sflag:s30] =	ssyncadd.s32 $0xFFFFC000  }
0x6d7: {  	[spmem:s2] =	stream.indirect.scatter.add.f32 [tilespmem:s0], [sflag:$0x5], $0x80, s21, s26, $0xb8;
	[tilespmem:$0x1E000] =	vst v63  }
0x6d8: {  	_ =	swait.ge [sflag:s22], $0x4000  }
0x6d9: {  	[sflag:s22] =	ssyncset.done $0x0  }
0x6da: {  	s21 =	simm.s32 @p1 $0x580;
	[sflag:s22] =	ssyncadd.s32 $0xFFFFC000  }
0x6db: {  	[tilespmem:s12], [sflag:$0x2] =	stream.indirect.gather @p1 [hbm4b:s7+s1], $0x80, s21, s1, $0xb8;
	[tilespmem:$0x1E000] =	vst v63  }
0x6dc: {  	s21 =	simm.s32 @!p1 $0x580  }
0x6dd: {  	[tilespmem:s3], [sflag:$0x2] =	stream.indirect.gather @!p1 [hbm4b:s17+s9], $0x80, s21, s9, $0xb8;
	[tilespmem:$0x1E000] =	vst v63  }
0x6de: {  	_ =	swait.ge [sflag:s25], $0x4000  }
0x6df: {  	[sflag:s25] =	ssyncset.done $0x0  }
0x6e0: {  	s24 =	simm.s32 $0xD00;
	[sflag:s25] =	ssyncadd.s32 $0xFFFFC000  }
0x6e1: {  	[spmem:s2] =	stream.indirect.scatter.add.f32 [tilespmem:s29], [sflag:$0x5], $0x80, s24, s26, $0xb8;
	[tilespmem:$0x1E000] =	vst v63  }
0x6e2: {  	_ =	swait.ge [sflag:s22], $0x4000  }
0x6e3: {  	[sflag:s22] =	ssyncset.done $0x0  }
0x6e4: {  	s19 =	rddreg [dreg:$0x9];
	[sflag:s22] =	ssyncadd.s32 $0xFFFFC000  }
0x6e5: {  	[tilespmem:s29], [sflag:$0x1] =	stream.indirect.gather [hbm4b:s8+s26], $0x80, s19, s26, $0xb8;
	[tilespmem:$0x1E000] =	vst v63  }
0x6e6: {  	_ =	swait.ge [sflag:s30], $0x4000  }
0x6e7: {  	[sflag:s30] =	ssyncset.done $0x0  }
0x6e8: {  	s21 =	simm.s32 $0xD80;
	[sflag:s30] =	ssyncadd.s32 $0xFFFFC000  }
0x6e9: {  	[spmem:s2] =	stream.indirect.scatter.add.f32 [tilespmem:s0], [sflag:$0x5], $0x80, s21, s26, $0xb8;
	[tilespmem:$0x1E000] =	vst v63  }
0x6ea: {  	_ =	swait.ge [sflag:s22], $0x4000  }
0x6eb: {  	[sflag:s22] =	ssyncset.done $0x0  }
0x6ec: {  	s21 =	simm.s32 @p1 $0x680;
	[sflag:s22] =	ssyncadd.s32 $0xFFFFC000  }
0x6ed: {  	[tilespmem:s12], [sflag:$0x2] =	stream.indirect.gather @p1 [hbm4b:s7+s1], $0x80, s21, s1, $0xb8;
	[tilespmem:$0x1E000] =	vst v63  }
0x6ee: {  	s21 =	simm.s32 @!p1 $0x680  }
0x6ef: {  	[tilespmem:s3], [sflag:$0x2] =	stream.indirect.gather @!p1 [hbm4b:s17+s9], $0x80, s21, s9, $0xb8;
	[tilespmem:$0x1E000] =	vst v63  }
0x6f0: {  	_ =	swait.ge [sflag:s25], $0x4000  }
0x6f1: {  	[sflag:s25] =	ssyncset.done $0x0  }
0x6f2: {  	s24 =	simm.s32 $0xE00;
	[sflag:s25] =	ssyncadd.s32 $0xFFFFC000  }
0x6f3: {  	[spmem:s2] =	stream.indirect.scatter.add.f32 [tilespmem:s29], [sflag:$0x5], $0x80, s24, s26, $0xb8;
	[tilespmem:$0x1E000] =	vst v63  }
0x6f4: {  	_ =	swait.ge [sflag:s22], $0x4000  }
0x6f5: {  	[sflag:s22] =	ssyncset.done $0x0  }
0x6f6: {  	s19 =	rddreg [dreg:$0xa];
	[sflag:s22] =	ssyncadd.s32 $0xFFFFC000  }
0x6f7: {  	[tilespmem:s29], [sflag:$0x1] =	stream.indirect.gather [hbm4b:s8+s26], $0x80, s19, s26, $0xb8;
	[tilespmem:$0x1E000] =	vst v63  }
0x6f8: {  	_ =	swait.ge [sflag:s30], $0x4000  }
0x6f9: {  	[sflag:s30] =	ssyncset.done $0x0  }
0x6fa: {  	s24 =	simm.s32 $0xE80;
	[sflag:s30] =	ssyncadd.s32 $0xFFFFC000  }
0x6fb: {  	[spmem:s2] =	stream.indirect.scatter.add.f32 [tilespmem:s0], [sflag:$0x5], $0x80, s24, s26, $0xb8;
	[tilespmem:$0x1E000] =	vst v63  }
0x6fc: {  	_ =	swait.ge [sflag:s22], $0x4000  }
0x6fd: {  	[sflag:s22] =	ssyncset.done $0x0  }
0x6fe: {  	s21 =	simm.s32 @p1 $0x780;
	[sflag:s22] =	ssyncadd.s32 $0xFFFFC000  }
0x6ff: {  	[tilespmem:s12], [sflag:$0x2] =	stream.indirect.gather @p1 [hbm4b:s7+s1], $0x80, s21, s1, $0xb8;
	[tilespmem:$0x1E000] =	vst v63  }
0x700: {  	s21 =	simm.s32 @!p1 $0x780  }
0x701: {  	[tilespmem:s3], [sflag:$0x2] =	stream.indirect.gather @!p1 [hbm4b:s17+s9], $0x80, s21, s9, $0xb8;
	[tilespmem:$0x1E000] =	vst v63  }
0x702: {  	_ =	swait.ge [sflag:s25], $0x4000  }
0x703: {  	[sflag:s25] =	ssyncset.done $0x0  }
0x704: {  	s24 =	simm.s32 $0xF00;
	[sflag:s25] =	ssyncadd.s32 $0xFFFFC000  }
0x705: {  	[spmem:s2] =	stream.indirect.scatter.add.f32 [tilespmem:s29], [sflag:$0x5], $0x80, s24, s26, $0xb8;
	[tilespmem:$0x1E000] =	vst v63  }
0x706: {  	_ =	swait.ge [sflag:s22], $0x4000  }
0x707: {  	[sflag:s22] =	ssyncset.done $0x0  }
0x708: {  	[sflag:s22] =	ssyncadd.s32 $0xFFFFC000  }
0x709: {  	_ =	swait.ge [sflag:s30], $0x4000  }
0x70a: {  	[sflag:s30] =	ssyncset.done $0x0  }
0x70b: {  	p2 =	seq.s32 s11, $0xFFFFFC00;
	s24 =	simm.s32 $0xF80;
	[sflag:s30] =	ssyncadd.s32 $0xFFFFC000  }
0x70c: {  	[spmem:s2] =	stream.indirect.scatter.add.f32 [tilespmem:s0], [sflag:$0x5], $0x80, s24, s26, $0xb8;
	[tilespmem:$0x1E000] =	vst v63  }
0x70d: {  	s11 =	sadd.s32 @!p2 s11, s10;
	_ =	swait.ge [sflag:s22], $0x4000  }
0x70e: {  	s11 =	sadd.s32 @!p2 $0x15800, s11;
	[sflag:s22] =	ssyncset.done $0x0  }
0x70f: {  	s19 =	simm.s32 $0x4;
	s21 =	simm.s32 @!p2 $0x0;
	[sflag:s22] =	ssyncadd.s32 $0xFFFFC000  }
0x710: {  	[tilespmem:s21], [sflag:$0x3] =	stream.linear.gather @!p2 [hbm4b:s11+s21], $0x1000, $0x38;
	[tilespmem:$0x1E000] =	vst v63  }
0x711: {  	_ =	swait.ge [sflag:s19], $0x1000  }
0x712: {  	[sflag:s19] =	ssyncset.done $0x0  }
0x713: {  	s11 =	simm.s32 @p0 $0x1000;
	[sflag:s19] =	ssyncadd.s32 $0xFFFFF000  }
0x714: {  	[tilespmem:s23], [sflag:$0x1] =	stream.indirect.gather @p0 [hbm4b:s17+s13], $0x80, s11, s13, $0xb8;
	[tilespmem:$0x1E000] =	vst v63  }
0x715: {  	s11 =	simm.s32 @p0 $0x1080  }
0x716: {  	[tilespmem:s15], [sflag:$0x2] =	stream.indirect.gather @p0 [hbm4b:s17+s13], $0x80, s11, s13, $0xb8;
	[tilespmem:$0x1E000] =	vst v63  }
0x717: {  	s11 =	simm.s32 @!p0 $0x1000  }
0x718: {  	[tilespmem:s16], [sflag:$0x1] =	stream.indirect.gather @!p0 [hbm4b:s7+s14], $0x80, s11, s14, $0xb8;
	[tilespmem:$0x1E000] =	vst v63  }
0x719: {  	s11 =	simm.s32 @!p0 $0x1080  }
0x71a: {  	[tilespmem:s20], [sflag:$0x2] =	stream.indirect.gather @!p0 [hbm4b:s7+s14], $0x80, s11, s14, $0xb8;
	[tilespmem:$0x1E000] =	vst v63  }
0x71b: {  	_ =	swait.ge [sflag:s25], $0x4000  }
0x71c: {  	[sflag:s25] =	ssyncset.done $0x0  }
0x71d: {  	s11 =	simm.s32 $0x1800;
	[sflag:s25] =	ssyncadd.s32 $0xFFFFC000  }
0x71e: {  	[spmem:s2] =	stream.indirect.scatter.add.f32 [tilespmem:s29], [sflag:$0x5], $0x80, s11, s26, $0xb8;
	[tilespmem:$0x1E000] =	vst v63  }
0x71f: {  	_ =	swait.ge [sflag:s22], $0x4000  }
0x720: {  	[sflag:s22] =	ssyncset.done $0x0  }
0x721: {  	s13 =	rddreg [dreg:$0xb];
	[sflag:s22] =	ssyncadd.s32 $0xFFFFC000  }
0x722: {  	[tilespmem:s29], [sflag:$0x1] =	stream.indirect.gather [hbm4b:s18+s26], $0x80, s13, s26, $0xb8;
	[tilespmem:$0x1E000] =	vst v63  }
0x723: {  	_ =	swait.ge [sflag:s30], $0x4000  }
0x724: {  	[sflag:s30] =	ssyncset.done $0x0  }
0x725: {  	s14 =	simm.s32 $0x1880;
	[sflag:s30] =	ssyncadd.s32 $0xFFFFC000  }
0x726: {  	[spmem:s2] =	stream.indirect.scatter.add.f32 [tilespmem:s0], [sflag:$0x5], $0x80, s14, s26, $0xb8;
	[tilespmem:$0x1E000] =	vst v63  }
0x727: {  	_ =	swait.ge [sflag:s22], $0x4000  }
0x728: {  	[sflag:s22] =	ssyncset.done $0x0  }
0x729: {  	s11 =	simm.s32 @p1 $0x1180;
	[sflag:s22] =	ssyncadd.s32 $0xFFFFC000  }
0x72a: {  	[tilespmem:s12], [sflag:$0x2] =	stream.indirect.gather @p1 [hbm4b:s7+s1], $0x80, s11, s1, $0xb8;
	[tilespmem:$0x1E000] =	vst v63  }
0x72b: {  	s11 =	simm.s32 @!p1 $0x1180  }
0x72c: {  	[tilespmem:s3], [sflag:$0x2] =	stream.indirect.gather @!p1 [hbm4b:s17+s9], $0x80, s11, s9, $0xb8;
	[tilespmem:$0x1E000] =	vst v63  }
0x72d: {  	_ =	swait.ge [sflag:s25], $0x4000  }
0x72e: {  	[sflag:s25] =	ssyncset.done $0x0  }
0x72f: {  	s15 =	simm.s32 $0x1900;
	[sflag:s25] =	ssyncadd.s32 $0xFFFFC000  }
0x730: {  	[spmem:s2] =	stream.indirect.scatter.add.f32 [tilespmem:s29], [sflag:$0x5], $0x80, s15, s26, $0xb8;
	[tilespmem:$0x1E000] =	vst v63  }
0x731: {  	_ =	swait.ge [sflag:s22], $0x4000  }
0x732: {  	[sflag:s22] =	ssyncset.done $0x0  }
0x733: {  	s16 =	rddreg [dreg:$0xc];
	[sflag:s22] =	ssyncadd.s32 $0xFFFFC000  }
0x734: {  	[tilespmem:s29], [sflag:$0x1] =	stream.indirect.gather [hbm4b:s8+s26], $0x80, s16, s26, $0xb8;
	[tilespmem:$0x1E000] =	vst v63  }
0x735: {  	_ =	swait.ge [sflag:s30], $0x4000  }
0x736: {  	[sflag:s30] =	ssyncset.done $0x0  }
0x737: {  	s31 =	simm.s32 $0x1980;
	[sflag:s30] =	ssyncadd.s32 $0xFFFFC000  }
0x738: {  	[spmem:s2] =	stream.indirect.scatter.add.f32 [tilespmem:s0], [sflag:$0x5], $0x80, s31, s26, $0xb8;
	[tilespmem:$0x1E000] =	vst v63  }
0x739: {  	_ =	swait.ge [sflag:s22], $0x4000  }
0x73a: {  	[sflag:s22] =	ssyncset.done $0x0  }
0x73b: {  	s11 =	simm.s32 @p1 $0x1280;
	[sflag:s22] =	ssyncadd.s32 $0xFFFFC000  }
0x73c: {  	[tilespmem:s12], [sflag:$0x2] =	stream.indirect.gather @p1 [hbm4b:s7+s1], $0x80, s11, s1, $0xb8;
	[tilespmem:$0x1E000] =	vst v63  }
0x73d: {  	s11 =	simm.s32 @!p1 $0x1280  }
0x73e: {  	[tilespmem:s3], [sflag:$0x2] =	stream.indirect.gather @!p1 [hbm4b:s17+s9], $0x80, s11, s9, $0xb8;
	[tilespmem:$0x1E000] =	vst v63  }
0x73f: {  	_ =	swait.ge [sflag:s25], $0x4000  }
0x740: {  	[sflag:s25] =	ssyncset.done $0x0  }
0x741: {  	s24 =	simm.s32 $0x1A00;
	[sflag:s25] =	ssyncadd.s32 $0xFFFFC000  }
0x742: {  	[spmem:s2] =	stream.indirect.scatter.add.f32 [tilespmem:s29], [sflag:$0x5], $0x80, s24, s26, $0xb8;
	[tilespmem:$0x1E000] =	vst v63  }
0x743: {  	_ =	swait.ge [sflag:s22], $0x4000  }
0x744: {  	[sflag:s22] =	ssyncset.done $0x0  }
0x745: {  	s18 =	rddreg [dreg:$0xd];
	[sflag:s22] =	ssyncadd.s32 $0xFFFFC000  }
0x746: {  	[tilespmem:s29], [sflag:$0x1] =	stream.indirect.gather [hbm4b:s8+s26], $0x80, s18, s26, $0xb8;
	[tilespmem:$0x1E000] =	vst v63  }
0x747: {  	_ =	swait.ge [sflag:s30], $0x4000  }
0x748: {  	[sflag:s30] =	ssyncset.done $0x0  }
0x749: {  	s23 =	simm.s32 $0x1A80;
	[sflag:s30] =	ssyncadd.s32 $0xFFFFC000  }
0x74a: {  	[spmem:s2] =	stream.indirect.scatter.add.f32 [tilespmem:s0], [sflag:$0x5], $0x80, s23, s26, $0xb8;
	[tilespmem:$0x1E000] =	vst v63  }
0x74b: {  	_ =	swait.ge [sflag:s22], $0x4000  }
0x74c: {  	[sflag:s22] =	ssyncset.done $0x0  }
0x74d: {  	s11 =	simm.s32 @p1 $0x1380;
	[sflag:s22] =	ssyncadd.s32 $0xFFFFC000  }
0x74e: {  	[tilespmem:s12], [sflag:$0x2] =	stream.indirect.gather @p1 [hbm4b:s7+s1], $0x80, s11, s1, $0xb8;
	[tilespmem:$0x1E000] =	vst v63  }
0x74f: {  	s11 =	simm.s32 @!p1 $0x1380  }
0x750: {  	[tilespmem:s3], [sflag:$0x2] =	stream.indirect.gather @!p1 [hbm4b:s17+s9], $0x80, s11, s9, $0xb8;
	[tilespmem:$0x1E000] =	vst v63  }
0x751: {  	_ =	swait.ge [sflag:s25], $0x4000  }
0x752: {  	[sflag:s25] =	ssyncset.done $0x0  }
0x753: {  	s21 =	simm.s32 $0x1B00;
	[sflag:s25] =	ssyncadd.s32 $0xFFFFC000  }
0x754: {  	[spmem:s2] =	stream.indirect.scatter.add.f32 [tilespmem:s29], [sflag:$0x5], $0x80, s21, s26, $0xb8;
	[tilespmem:$0x1E000] =	vst v63  }
0x755: {  	_ =	swait.ge [sflag:s22], $0x4000  }
0x756: {  	[sflag:s22] =	ssyncset.done $0x0  }
0x757: {  	s20 =	rddreg [dreg:$0xe];
	[sflag:s22] =	ssyncadd.s32 $0xFFFFC000  }
0x758: {  	[tilespmem:s29], [sflag:$0x1] =	stream.indirect.gather [hbm4b:s8+s26], $0x80, s20, s26, $0xb8;
	[tilespmem:$0x1E000] =	vst v63  }
0x759: {  	_ =	swait.ge [sflag:s30], $0x4000  }
0x75a: {  	[sflag:s30] =	ssyncset.done $0x0  }
0x75b: {  	s20 =	simm.s32 $0x1B80;
	[sflag:s30] =	ssyncadd.s32 $0xFFFFC000  }
0x75c: {  	[spmem:s2] =	stream.indirect.scatter.add.f32 [tilespmem:s0], [sflag:$0x5], $0x80, s20, s26, $0xb8;
	[tilespmem:$0x1E000] =	vst v63  }
0x75d: {  	_ =	swait.ge [sflag:s22], $0x4000  }
0x75e: {  	[sflag:s22] =	ssyncset.done $0x0  }
0x75f: {  	s11 =	simm.s32 @p1 $0x1480;
	[sflag:s22] =	ssyncadd.s32 $0xFFFFC000  }
0x760: {  	[tilespmem:s12], [sflag:$0x2] =	stream.indirect.gather @p1 [hbm4b:s7+s1], $0x80, s11, s1, $0xb8;
	[tilespmem:$0x1E000] =	vst v63  }
0x761: {  	s11 =	simm.s32 @!p1 $0x1480  }
0x762: {  	[tilespmem:s3], [sflag:$0x2] =	stream.indirect.gather @!p1 [hbm4b:s17+s9], $0x80, s11, s9, $0xb8;
	[tilespmem:$0x1E000] =	vst v63  }
0x763: {  	_ =	swait.ge [sflag:s25], $0x4000  }
0x764: {  	[sflag:s25] =	ssyncset.done $0x0  }
0x765: {  	s28 =	simm.s32 $0x1C00;
	[sflag:s25] =	ssyncadd.s32 $0xFFFFC000  }
0x766: {  	[spmem:s2] =	stream.indirect.scatter.add.f32 [tilespmem:s29], [sflag:$0x5], $0x80, s28, s26, $0xb8;
	[tilespmem:$0x1E000] =	vst v63  }
0x767: {  	_ =	swait.ge [sflag:s22], $0x4000  }
0x768: {  	[sflag:s22] =	ssyncset.done $0x0  }
0x769: {  	s10 =	rddreg [dreg:$0xf];
	[sflag:s22] =	ssyncadd.s32 $0xFFFFC000  }
0x76a: {  	[tilespmem:s29], [sflag:$0x1] =	stream.indirect.gather [hbm4b:s8+s26], $0x80, s10, s26, $0xb8;
	[tilespmem:$0x1E000] =	vst v63  }
0x76b: {  	_ =	swait.ge [sflag:s30], $0x4000  }
0x76c: {  	[sflag:s30] =	ssyncset.done $0x0  }
0x76d: {  	s18 =	simm.s32 $0x1C80;
	[sflag:s30] =	ssyncadd.s32 $0xFFFFC000  }
0x76e: {  	[spmem:s2] =	stream.indirect.scatter.add.f32 [tilespmem:s0], [sflag:$0x5], $0x80, s18, s26, $0xb8;
	[tilespmem:$0x1E000] =	vst v63  }
0x76f: {  	_ =	swait.ge [sflag:s22], $0x4000  }
0x770: {  	[sflag:s22] =	ssyncset.done $0x0  }
0x771: {  	s11 =	simm.s32 @p1 $0x1580;
	[sflag:s22] =	ssyncadd.s32 $0xFFFFC000  }
0x772: {  	[tilespmem:s12], [sflag:$0x2] =	stream.indirect.gather @p1 [hbm4b:s7+s1], $0x80, s11, s1, $0xb8;
	[tilespmem:$0x1E000] =	vst v63  }
0x773: {  	s11 =	simm.s32 @!p1 $0x1580  }
0x774: {  	[tilespmem:s3], [sflag:$0x2] =	stream.indirect.gather @!p1 [hbm4b:s17+s9], $0x80, s11, s9, $0xb8;
	[tilespmem:$0x1E000] =	vst v63  }
0x775: {  	_ =	swait.ge [sflag:s25], $0x4000  }
0x776: {  	[sflag:s25] =	ssyncset.done $0x0  }
0x777: {  	s16 =	simm.s32 $0x1D00;
	[sflag:s25] =	ssyncadd.s32 $0xFFFFC000  }
0x778: {  	[spmem:s2] =	stream.indirect.scatter.add.f32 [tilespmem:s29], [sflag:$0x5], $0x80, s16, s26, $0xb8;
	[tilespmem:$0x1E000] =	vst v63  }
0x779: {  	_ =	swait.ge [sflag:s22], $0x4000  }
0x77a: {  	[sflag:s22] =	ssyncset.done $0x0  }
0x77b: {  	s13 =	rddreg [dreg:$0x10];
	[sflag:s22] =	ssyncadd.s32 $0xFFFFC000  }
0x77c: {  	[tilespmem:s29], [sflag:$0x1] =	stream.indirect.gather [hbm4b:s8+s26], $0x80, s13, s26, $0xb8;
	[tilespmem:$0x1E000] =	vst v63  }
0x77d: {  	_ =	swait.ge [sflag:s30], $0x4000  }
0x77e: {  	[sflag:s30] =	ssyncset.done $0x0  }
0x77f: {  	s10 =	simm.s32 $0x1D80;
	[sflag:s30] =	ssyncadd.s32 $0xFFFFC000  }
0x780: {  	[spmem:s2] =	stream.indirect.scatter.add.f32 [tilespmem:s0], [sflag:$0x5], $0x80, s10, s26, $0xb8;
	[tilespmem:$0x1E000] =	vst v63  }
0x781: {  	_ =	swait.ge [sflag:s22], $0x4000  }
0x782: {  	[sflag:s22] =	ssyncset.done $0x0  }
0x783: {  	s11 =	simm.s32 @p1 $0x1680;
	[sflag:s22] =	ssyncadd.s32 $0xFFFFC000  }
0x784: {  	[tilespmem:s12], [sflag:$0x2] =	stream.indirect.gather @p1 [hbm4b:s7+s1], $0x80, s11, s1, $0xb8;
	[tilespmem:$0x1E000] =	vst v63  }
0x785: {  	s11 =	simm.s32 @!p1 $0x1680  }
0x786: {  	[tilespmem:s3], [sflag:$0x2] =	stream.indirect.gather @!p1 [hbm4b:s17+s9], $0x80, s11, s9, $0xb8;
	[tilespmem:$0x1E000] =	vst v63  }
0x787: {  	_ =	swait.ge [sflag:s25], $0x4000  }
0x788: {  	[sflag:s25] =	ssyncset.done $0x0  }
0x789: {  	s15 =	simm.s32 $0x1E00;
	[sflag:s25] =	ssyncadd.s32 $0xFFFFC000  }
0x78a: {  	[spmem:s2] =	stream.indirect.scatter.add.f32 [tilespmem:s29], [sflag:$0x5], $0x80, s15, s26, $0xb8;
	[tilespmem:$0x1E000] =	vst v63  }
0x78b: {  	_ =	swait.ge [sflag:s22], $0x4000  }
0x78c: {  	[sflag:s22] =	ssyncset.done $0x0  }
0x78d: {  	s14 =	rddreg [dreg:$0x11];
	[sflag:s22] =	ssyncadd.s32 $0xFFFFC000  }
0x78e: {  	[tilespmem:s29], [sflag:$0x1] =	stream.indirect.gather [hbm4b:s8+s26], $0x80, s14, s26, $0xb8;
	[tilespmem:$0x1E000] =	vst v63  }
0x78f: {  	_ =	swait.ge [sflag:s30], $0x4000  }
0x790: {  	[sflag:s30] =	ssyncset.done $0x0  }
0x791: {  	s13 =	simm.s32 $0x1E80;
	[sflag:s30] =	ssyncadd.s32 $0xFFFFC000  }
0x792: {  	[spmem:s2] =	stream.indirect.scatter.add.f32 [tilespmem:s0], [sflag:$0x5], $0x80, s13, s26, $0xb8;
	[tilespmem:$0x1E000] =	vst v63  }
0x793: {  	_ =	swait.ge [sflag:s22], $0x4000  }
0x794: {  	[sflag:s22] =	ssyncset.done $0x0  }
0x795: {  	s8 =	simm.s32 @p1 $0x1780;
	[sflag:s22] =	ssyncadd.s32 $0xFFFFC000  }
0x796: {  	[tilespmem:s12], [sflag:$0x2] =	stream.indirect.gather @p1 [hbm4b:s7+s1], $0x80, s8, s1, $0xb8;
	[tilespmem:$0x1E000] =	vst v63  }
0x797: {  	s1 =	simm.s32 @!p1 $0x1780  }
0x798: {  	[tilespmem:s3], [sflag:$0x2] =	stream.indirect.gather @!p1 [hbm4b:s17+s9], $0x80, s1, s9, $0xb8;
	[tilespmem:$0x1E000] =	vst v63  }
0x799: {  	_ =	swait.ge [sflag:s25], $0x4000  }
0x79a: {  	[sflag:s25] =	ssyncset.done $0x0  }
0x79b: {  	s9 =	simm.s32 $0x1F00;
	[sflag:s25] =	ssyncadd.s32 $0xFFFFC000  }
0x79c: {  	[spmem:s2] =	stream.indirect.scatter.add.f32 [tilespmem:s29], [sflag:$0x5], $0x80, s9, s26, $0xb8;
	[tilespmem:$0x1E000] =	vst v63  }
0x79d: {  	_ =	swait.ge [sflag:s22], $0x4000  }
0x79e: {  	[sflag:s22] =	ssyncset.done $0x0  }
0x79f: {  	[sflag:s22] =	ssyncadd.s32 $0xFFFFC000  }
0x7a0: {  	_ =	swait.ge [sflag:s30], $0x4000  }
0x7a1: {  	[sflag:s30] =	ssyncset.done $0x0  }
0x7a2: {  	s12 =	simm.s32 $0x1F80;
	[sflag:s30] =	ssyncadd.s32 $0xFFFFC000  }
0x7a3: {  	[spmem:s2] =	stream.indirect.scatter.add.f32 [tilespmem:s0], [sflag:$0x5], $0x80, s12, s26, $0xb8;
	[tilespmem:$0x1E000] =	vst v63  }
0x7a4: {  	_ =	swait.ge [sflag:s22], $0x4000  }
0x7a5: {  	[sflag:s22] =	ssyncset.done $0x0  }
0x7a6: {  	[sflag:s22] =	ssyncadd.s32 $0xFFFFC000  }
0x7a7: {  	[bflag:$0x0] =	sbarrier.arrive $0xFFFF  }
0x7a8: {  	s3 =	rddreg [dreg:$0x15]  }
0x7a9: {  	s8 =	rddreg [dreg:$0x19]  }
0x7aa: {  	s11 =	rddreg [dreg:$0x1e]  }
0x7ab: {  	[hbm:s8], [sflag:s3] =	dma.local [spmem:s11], $0x2800  }
0x7ac: {  	_ =	swait.ge [sflag:s22], $0x2800  }
0x7ad: {  	[sflag:s22] =	ssyncset.done $0x0  }
0x7ae: {  	s14 =	rddreg [dreg:$0x14];
	[sflag:s22] =	ssyncadd.s32 $0xFFFFD800  }
0x7af: {  	[spmem:s11], [sflag:s3] =	dma.local [hbm:s14], $0x2800  }
0x7b0: {  	_ =	swait.ge [sflag:s22], $0x2800  }
0x7b1: {  	[sflag:s22] =	ssyncset.done $0x0  }
0x7b2: {  	[sflag:s22] =	ssyncadd.s32 $0xFFFFD800  }
0x7b3: {  	s8 =	simm.s32 $0x0;
	s11 =	rddreg [dreg:$0x1]  }
0x7b4: {  	[tilespmem:s29], [sflag:$0x5] =	stream.linear.gather [hbm4b:s11+s8], $0x4000, $0x38;
	[tilespmem:$0x1E000] =	vst v63  }
0x7b5: {  	_ =	swait.ge [sflag:s22], $0x4000  }
0x7b6: {  	[sflag:s22] =	ssyncset.done $0x0  }
0x7b7: {  	s14 =	rddreg [dreg:$0x1a];
	[sflag:s22] =	ssyncadd.s32 $0xFFFFC000  }
0x7b8: {  	[tilespmem:s8], [sflag:$0x3] =	stream.linear.gather [hbm4b:s14+s8], $0x1000, $0x38;
	[tilespmem:$0x1E000] =	vst v63  }
0x7b9: {  	[bflag:$0x0] =	sbarrier.arrive $0xFFFF  }
0x7ba: {  	s4 =	simm.s32 $0x3;
	s8 =	rddreg [dreg:$0x12]  }
0x7bb: {  	s11 =	simm.s32 $0x1000;
	s14 =	simm.s32 $0x0;
	s1 =	sadd.s32 $0x0, s8  }
0x7bc: {  	[tilespmem:s11], [sflag:$0x4] =	stream.linear.gather [hbm4b:s1+s14], $0x1000, $0x38;
	[tilespmem:$0x1E000] =	vst v63  }
0x7bd: {  	_ =	swait.ge [sflag:s4], $0x1000  }
0x7be: {  	[sflag:s4] =	ssyncset.done $0x0  }
0x7bf: {  	s11 =	simm.s32 $0x800;
	[sflag:s4] =	ssyncadd.s32 $0xFFFFF000  }
0x7c0: {  	[spmem:s2] =	stream.indirect.scatter.add.f32 [tilespmem:s29], [sflag:$0x5], $0x80, s11, s26, $0xb8;
	[tilespmem:$0x1E000] =	vst v63  }
0x7c1: {  	_ =	swait.ge [sflag:s22], $0x4000  }
0x7c2: {  	[sflag:s22] =	ssyncset.done $0x0  }
0x7c3: {  	s14 =	simm.s32 $0x880;
	[sflag:s22] =	ssyncadd.s32 $0xFFFFC000  }
0x7c4: {  	[spmem:s2] =	stream.indirect.scatter.add.f32 [tilespmem:s29], [sflag:$0x5], $0x80, s14, s26, $0xb8;
	[tilespmem:$0x1E000] =	vst v63  }
0x7c5: {  	_ =	swait.ge [sflag:s22], $0x4000  }
0x7c6: {  	[sflag:s22] =	ssyncset.done $0x0  }
0x7c7: {  	s3 =	simm.s32 $0x900;
	[sflag:s22] =	ssyncadd.s32 $0xFFFFC000  }
0x7c8: {  	[spmem:s2] =	stream.indirect.scatter.add.f32 [tilespmem:s29], [sflag:$0x5], $0x80, s3, s26, $0xb8;
	[tilespmem:$0x1E000] =	vst v63  }
0x7c9: {  	_ =	swait.ge [sflag:s22], $0x4000  }
0x7ca: {  	[sflag:s22] =	ssyncset.done $0x0  }
0x7cb: {  	s8 =	simm.s32 $0x980;
	[sflag:s22] =	ssyncadd.s32 $0xFFFFC000  }
0x7cc: {  	[spmem:s2] =	stream.indirect.scatter.add.f32 [tilespmem:s29], [sflag:$0x5], $0x80, s8, s26, $0xb8;
	[tilespmem:$0x1E000] =	vst v63  }
0x7cd: {  	_ =	swait.ge [sflag:s22], $0x4000  }
0x7ce: {  	[sflag:s22] =	ssyncset.done $0x0  }
0x7cf: {  	s11 =	simm.s32 $0xA00;
	[sflag:s22] =	ssyncadd.s32 $0xFFFFC000  }
0x7d0: {  	[spmem:s2] =	stream.indirect.scatter.add.f32 [tilespmem:s29], [sflag:$0x5], $0x80, s11, s26, $0xb8;
	[tilespmem:$0x1E000] =	vst v63  }
0x7d1: {  	_ =	swait.ge [sflag:s22], $0x4000  }
0x7d2: {  	[sflag:s22] =	ssyncset.done $0x0  }
0x7d3: {  	s14 =	simm.s32 $0xA80;
	[sflag:s22] =	ssyncadd.s32 $0xFFFFC000  }
0x7d4: {  	[spmem:s2] =	stream.indirect.scatter.add.f32 [tilespmem:s29], [sflag:$0x5], $0x80, s14, s26, $0xb8;
	[tilespmem:$0x1E000] =	vst v63  }
0x7d5: {  	_ =	swait.ge [sflag:s22], $0x4000  }
0x7d6: {  	[sflag:s22] =	ssyncset.done $0x0  }
0x7d7: {  	s3 =	simm.s32 $0xB00;
	[sflag:s22] =	ssyncadd.s32 $0xFFFFC000  }
0x7d8: {  	[spmem:s2] =	stream.indirect.scatter.add.f32 [tilespmem:s29], [sflag:$0x5], $0x80, s3, s26, $0xb8;
	[tilespmem:$0x1E000] =	vst v63  }
0x7d9: {  	_ =	swait.ge [sflag:s22], $0x4000  }
0x7da: {  	[sflag:s22] =	ssyncset.done $0x0  }
0x7db: {  	s8 =	simm.s32 $0xB80;
	[sflag:s22] =	ssyncadd.s32 $0xFFFFC000  }
0x7dc: {  	[spmem:s2] =	stream.indirect.scatter.add.f32 [tilespmem:s29], [sflag:$0x5], $0x80, s8, s26, $0xb8;
	[tilespmem:$0x1E000] =	vst v63  }
0x7dd: {  	_ =	swait.ge [sflag:s22], $0x4000  }
0x7de: {  	[sflag:s22] =	ssyncset.done $0x0  }
0x7df: {  	s11 =	simm.s32 $0xC00;
	[sflag:s22] =	ssyncadd.s32 $0xFFFFC000  }
0x7e0: {  	[spmem:s2] =	stream.indirect.scatter.add.f32 [tilespmem:s29], [sflag:$0x5], $0x80, s11, s26, $0xb8;
	[tilespmem:$0x1E000] =	vst v63  }
0x7e1: {  	_ =	swait.ge [sflag:s22], $0x4000  }
0x7e2: {  	[sflag:s22] =	ssyncset.done $0x0  }
0x7e3: {  	s14 =	simm.s32 $0xC80;
	[sflag:s22] =	ssyncadd.s32 $0xFFFFC000  }
0x7e4: {  	[spmem:s2] =	stream.indirect.scatter.add.f32 [tilespmem:s29], [sflag:$0x5], $0x80, s14, s26, $0xb8;
	[tilespmem:$0x1E000] =	vst v63  }
0x7e5: {  	_ =	swait.ge [sflag:s22], $0x4000  }
0x7e6: {  	[sflag:s22] =	ssyncset.done $0x0  }
0x7e7: {  	s3 =	simm.s32 $0xD00;
	[sflag:s22] =	ssyncadd.s32 $0xFFFFC000  }
0x7e8: {  	[spmem:s2] =	stream.indirect.scatter.add.f32 [tilespmem:s29], [sflag:$0x5], $0x80, s3, s26, $0xb8;
	[tilespmem:$0x1E000] =	vst v63  }
0x7e9: {  	_ =	swait.ge [sflag:s22], $0x4000  }
0x7ea: {  	[sflag:s22] =	ssyncset.done $0x0  }
0x7eb: {  	s8 =	simm.s32 $0xD80;
	[sflag:s22] =	ssyncadd.s32 $0xFFFFC000  }
0x7ec: {  	[spmem:s2] =	stream.indirect.scatter.add.f32 [tilespmem:s29], [sflag:$0x5], $0x80, s8, s26, $0xb8;
	[tilespmem:$0x1E000] =	vst v63  }
0x7ed: {  	_ =	swait.ge [sflag:s22], $0x4000  }
0x7ee: {  	[sflag:s22] =	ssyncset.done $0x0  }
0x7ef: {  	s11 =	simm.s32 $0xE00;
	[sflag:s22] =	ssyncadd.s32 $0xFFFFC000  }
0x7f0: {  	[spmem:s2] =	stream.indirect.scatter.add.f32 [tilespmem:s29], [sflag:$0x5], $0x80, s11, s26, $0xb8;
	[tilespmem:$0x1E000] =	vst v63  }
0x7f1: {  	_ =	swait.ge [sflag:s22], $0x4000  }
0x7f2: {  	[sflag:s22] =	ssyncset.done $0x0  }
0x7f3: {  	s14 =	simm.s32 $0xE80;
	[sflag:s22] =	ssyncadd.s32 $0xFFFFC000  }
0x7f4: {  	[spmem:s2] =	stream.indirect.scatter.add.f32 [tilespmem:s29], [sflag:$0x5], $0x80, s14, s26, $0xb8;
	[tilespmem:$0x1E000] =	vst v63  }
0x7f5: {  	_ =	swait.ge [sflag:s22], $0x4000  }
0x7f6: {  	[sflag:s22] =	ssyncset.done $0x0  }
0x7f7: {  	s3 =	simm.s32 $0xF00;
	[sflag:s22] =	ssyncadd.s32 $0xFFFFC000  }
0x7f8: {  	[spmem:s2] =	stream.indirect.scatter.add.f32 [tilespmem:s29], [sflag:$0x5], $0x80, s3, s26, $0xb8;
	[tilespmem:$0x1E000] =	vst v63  }
0x7f9: {  	_ =	swait.ge [sflag:s22], $0x4000  }
0x7fa: {  	[sflag:s22] =	ssyncset.done $0x0  }
0x7fb: {  	s8 =	simm.s32 $0xF80;
	[sflag:s22] =	ssyncadd.s32 $0xFFFFC000  }
0x7fc: {  	[spmem:s2] =	stream.indirect.scatter.add.f32 [tilespmem:s29], [sflag:$0x5], $0x80, s8, s26, $0xb8;
	[tilespmem:$0x1E000] =	vst v63  }
0x7fd: {  	_ =	swait.ge [sflag:s22], $0x4000  }
0x7fe: {  	p2 =	por $0x0, $0x0;
	s8 =	rddreg [dreg:$0x1d]  }
0x7ff: {  	[sflag:s22] =	ssyncset.done $0x0;
	s14 =	rddreg [dreg:$0x13];
	s1 =	sshrl.u32 @!p2 s8, $0x3  }
0x800: {  	s3 =	simm.s32 @!p2 $0x0;
	[sflag:s22] =	ssyncadd.s32 $0xFFFFC000;
	s1 =	sadd.s32 @!p2 s14, s1  }
0x801: {  	[tilespmem:s3], [sflag:$0x3] =	stream.linear.gather @!p2 [hbm4b:s1+s3], $0x1000, $0x38;
	[tilespmem:$0x1E000] =	vst v63  }
0x802: {  	_ =	swait.ge [sflag:s19], $0x1000  }
0x803: {  	[sflag:s19] =	ssyncset.done $0x0  }
0x804: {  	s11 =	simm.s32 $0x1800;
	[sflag:s19] =	ssyncadd.s32 $0xFFFFF000  }
0x805: {  	[spmem:s2] =	stream.indirect.scatter.add.f32 [tilespmem:s29], [sflag:$0x5], $0x80, s11, s26, $0xb8;
	[tilespmem:$0x1E000] =	vst v63  }
0x806: {  	_ =	swait.ge [sflag:s22], $0x4000  }
0x807: {  	[sflag:s22] =	ssyncset.done $0x0  }
0x808: {  	s3 =	simm.s32 $0x1880;
	[sflag:s22] =	ssyncadd.s32 $0xFFFFC000  }
0x809: {  	[spmem:s2] =	stream.indirect.scatter.add.f32 [tilespmem:s29], [sflag:$0x5], $0x80, s3, s26, $0xb8;
	[tilespmem:$0x1E000] =	vst v63  }
0x80a: {  	_ =	swait.ge [sflag:s22], $0x4000  }
0x80b: {  	[sflag:s22] =	ssyncset.done $0x0  }
0x80c: {  	s11 =	simm.s32 $0x1900;
	[sflag:s22] =	ssyncadd.s32 $0xFFFFC000  }
0x80d: {  	[spmem:s2] =	stream.indirect.scatter.add.f32 [tilespmem:s29], [sflag:$0x5], $0x80, s11, s26, $0xb8;
	[tilespmem:$0x1E000] =	vst v63  }
0x80e: {  	_ =	swait.ge [sflag:s22], $0x4000  }
0x80f: {  	[sflag:s22] =	ssyncset.done $0x0  }
0x810: {  	[sflag:s22] =	ssyncadd.s32 $0xFFFFC000  }
0x811: {  	[spmem:s2] =	stream.indirect.scatter.add.f32 [tilespmem:s29], [sflag:$0x5], $0x80, s31, s26, $0xb8;
	[tilespmem:$0x1E000] =	vst v63  }
0x812: {  	_ =	swait.ge [sflag:s22], $0x4000  }
0x813: {  	[sflag:s22] =	ssyncset.done $0x0  }
0x814: {  	[sflag:s22] =	ssyncadd.s32 $0xFFFFC000  }
0x815: {  	[spmem:s2] =	stream.indirect.scatter.add.f32 [tilespmem:s29], [sflag:$0x5], $0x80, s24, s26, $0xb8;
	[tilespmem:$0x1E000] =	vst v63  }
0x816: {  	_ =	swait.ge [sflag:s22], $0x4000  }
0x817: {  	[sflag:s22] =	ssyncset.done $0x0  }
0x818: {  	[sflag:s22] =	ssyncadd.s32 $0xFFFFC000  }
0x819: {  	[spmem:s2] =	stream.indirect.scatter.add.f32 [tilespmem:s29], [sflag:$0x5], $0x80, s23, s26, $0xb8;
	[tilespmem:$0x1E000] =	vst v63  }
0x81a: {  	_ =	swait.ge [sflag:s22], $0x4000  }
0x81b: {  	[sflag:s22] =	ssyncset.done $0x0  }
0x81c: {  	[sflag:s22] =	ssyncadd.s32 $0xFFFFC000  }
0x81d: {  	[spmem:s2] =	stream.indirect.scatter.add.f32 [tilespmem:s29], [sflag:$0x5], $0x80, s21, s26, $0xb8;
	[tilespmem:$0x1E000] =	vst v63  }
0x81e: {  	_ =	swait.ge [sflag:s22], $0x4000  }
0x81f: {  	[sflag:s22] =	ssyncset.done $0x0  }
0x820: {  	[sflag:s22] =	ssyncadd.s32 $0xFFFFC000  }
0x821: {  	[spmem:s2] =	stream.indirect.scatter.add.f32 [tilespmem:s29], [sflag:$0x5], $0x80, s20, s26, $0xb8;
	[tilespmem:$0x1E000] =	vst v63  }
0x822: {  	_ =	swait.ge [sflag:s22], $0x4000  }
0x823: {  	[sflag:s22] =	ssyncset.done $0x0  }
0x824: {  	[sflag:s22] =	ssyncadd.s32 $0xFFFFC000  }
0x825: {  	[spmem:s2] =	stream.indirect.scatter.add.f32 [tilespmem:s29], [sflag:$0x5], $0x80, s28, s26, $0xb8;
	[tilespmem:$0x1E000] =	vst v63  }
0x826: {  	_ =	swait.ge [sflag:s22], $0x4000  }
0x827: {  	[sflag:s22] =	ssyncset.done $0x0  }
0x828: {  	[sflag:s22] =	ssyncadd.s32 $0xFFFFC000  }
0x829: {  	[spmem:s2] =	stream.indirect.scatter.add.f32 [tilespmem:s29], [sflag:$0x5], $0x80, s18, s26, $0xb8;
	[tilespmem:$0x1E000] =	vst v63  }
0x82a: {  	_ =	swait.ge [sflag:s22], $0x4000  }
0x82b: {  	[sflag:s22] =	ssyncset.done $0x0  }
0x82c: {  	[sflag:s22] =	ssyncadd.s32 $0xFFFFC000  }
0x82d: {  	[spmem:s2] =	stream.indirect.scatter.add.f32 [tilespmem:s29], [sflag:$0x5], $0x80, s16, s26, $0xb8;
	[tilespmem:$0x1E000] =	vst v63  }
0x82e: {  	_ =	swait.ge [sflag:s22], $0x4000  }
0x82f: {  	[sflag:s22] =	ssyncset.done $0x0  }
0x830: {  	[sflag:s22] =	ssyncadd.s32 $0xFFFFC000  }
0x831: {  	[spmem:s2] =	stream.indirect.scatter.add.f32 [tilespmem:s29], [sflag:$0x5], $0x80, s10, s26, $0xb8;
	[tilespmem:$0x1E000] =	vst v63  }
0x832: {  	_ =	swait.ge [sflag:s22], $0x4000  }
0x833: {  	[sflag:s22] =	ssyncset.done $0x0  }
0x834: {  	[sflag:s22] =	ssyncadd.s32 $0xFFFFC000  }
0x835: {  	[spmem:s2] =	stream.indirect.scatter.add.f32 [tilespmem:s29], [sflag:$0x5], $0x80, s15, s26, $0xb8;
	[tilespmem:$0x1E000] =	vst v63  }
0x836: {  	_ =	swait.ge [sflag:s22], $0x4000  }
0x837: {  	[sflag:s22] =	ssyncset.done $0x0  }
0x838: {  	s1 =	simm.s32 $0x400;
	[sflag:s22] =	ssyncadd.s32 $0xFFFFC000  }
0x839: {  	[spmem:s2] =	stream.indirect.scatter.add.f32 [tilespmem:s29], [sflag:$0x5], $0x80, s13, s26, $0xb8;
	[tilespmem:$0x1E000] =	vst v63  }
0x83a: {  	s3 =	smov.u32 s8;
	s11 =	simm.s32 $0x1E80;
	_ =	swait.ge [sflag:s22], $0x4000  }
0x83b: {  	s31 =	simm.s32 $0xA00;
	s24 =	simm.s32 $0x1F00;
	[sflag:s22] =	ssyncset.done $0x0  }
0x83c: {  	s23 =	simm.s32 $0x980;
	s21 =	simm.s32 $0xB00;
	[sflag:s22] =	ssyncadd.s32 $0xFFFFC000  }
0x83d: {  	[spmem:s2] =	stream.indirect.scatter.add.f32 [tilespmem:s29], [sflag:$0x5], $0x80, s9, s26, $0xb8;
	[tilespmem:$0x1E000] =	vst v63  }
0x83e: {  	s20 =	simm.s32 $0x900;
	s28 =	simm.s32 $0xB80;
	_ =	swait.ge [sflag:s22], $0x4000  }
0x83f: {  	s18 =	simm.s32 $0xA80;
	s16 =	simm.s32 $0x880;
	[sflag:s22] =	ssyncset.done $0x0  }
0x840: {  	s10 =	simm.s32 $0x1F80;
	s15 =	simm.s32 $0x800;
	[sflag:s22] =	ssyncadd.s32 $0xFFFFC000  }
0x841: {  	[spmem:s2] =	stream.indirect.scatter.add.f32 [tilespmem:s29], [sflag:$0x5], $0x80, s12, s26, $0xb8;
	[tilespmem:$0x1E000] =	vst v63  }
0x842: {  	s13 =	simm.s32 $0x0;
	s12 =	simm.s32 $0x1000;
	_ =	swait.ge [sflag:s22], $0x4000  }
.LBB2_6:
0x843: {  	s9 =	rddreg [dreg:$0x12];
	s8 =	smov.u32 s1;
	[sflag:s22] =	ssyncset.done $0x0  }
0x844: {  	s9 =	sadd.s32 s8, s9;
	[sflag:s22] =	ssyncadd.s32 $0xFFFFC000  }
0x845: {  	[tilespmem:s12], [sflag:$0x4] =	stream.linear.gather [hbm4b:s9+s13], $0x1000, $0x38;
	[tilespmem:$0x1E000] =	vst v63  }
0x846: {  	_ =	swait.ge [sflag:s4], $0x1000  }
0x847: {  	[sflag:s4] =	ssyncset.done $0x0  }
0x848: {  	[sflag:s4] =	ssyncadd.s32 $0xFFFFF000  }
0x849: {  	[spmem:s2] =	stream.indirect.scatter.add.f32 [tilespmem:s29], [sflag:$0x5], $0x80, s15, s26, $0xb8;
	[tilespmem:$0x1E000] =	vst v63  }
0x84a: {  	_ =	swait.ge [sflag:s22], $0x4000  }
0x84b: {  	[sflag:s22] =	ssyncset.done $0x0  }
0x84c: {  	[sflag:s22] =	ssyncadd.s32 $0xFFFFC000  }
0x84d: {  	[spmem:s2] =	stream.indirect.scatter.add.f32 [tilespmem:s29], [sflag:$0x5], $0x80, s16, s26, $0xb8;
	[tilespmem:$0x1E000] =	vst v63  }
0x84e: {  	_ =	swait.ge [sflag:s22], $0x4000  }
0x84f: {  	[sflag:s22] =	ssyncset.done $0x0  }
0x850: {  	[sflag:s22] =	ssyncadd.s32 $0xFFFFC000  }
0x851: {  	[spmem:s2] =	stream.indirect.scatter.add.f32 [tilespmem:s29], [sflag:$0x5], $0x80, s20, s26, $0xb8;
	[tilespmem:$0x1E000] =	vst v63  }
0x852: {  	_ =	swait.ge [sflag:s22], $0x4000  }
0x853: {  	[sflag:s22] =	ssyncset.done $0x0  }
0x854: {  	[sflag:s22] =	ssyncadd.s32 $0xFFFFC000  }
0x855: {  	[spmem:s2] =	stream.indirect.scatter.add.f32 [tilespmem:s29], [sflag:$0x5], $0x80, s23, s26, $0xb8;
	[tilespmem:$0x1E000] =	vst v63  }
0x856: {  	_ =	swait.ge [sflag:s22], $0x4000  }
0x857: {  	[sflag:s22] =	ssyncset.done $0x0  }
0x858: {  	[sflag:s22] =	ssyncadd.s32 $0xFFFFC000  }
0x859: {  	[spmem:s2] =	stream.indirect.scatter.add.f32 [tilespmem:s29], [sflag:$0x5], $0x80, s31, s26, $0xb8;
	[tilespmem:$0x1E000] =	vst v63  }
0x85a: {  	_ =	swait.ge [sflag:s22], $0x4000  }
0x85b: {  	[sflag:s22] =	ssyncset.done $0x0  }
0x85c: {  	[sflag:s22] =	ssyncadd.s32 $0xFFFFC000  }
0x85d: {  	[spmem:s2] =	stream.indirect.scatter.add.f32 [tilespmem:s29], [sflag:$0x5], $0x80, s18, s26, $0xb8;
	[tilespmem:$0x1E000] =	vst v63  }
0x85e: {  	_ =	swait.ge [sflag:s22], $0x4000  }
0x85f: {  	[sflag:s22] =	ssyncset.done $0x0  }
0x860: {  	[sflag:s22] =	ssyncadd.s32 $0xFFFFC000  }
0x861: {  	[spmem:s2] =	stream.indirect.scatter.add.f32 [tilespmem:s29], [sflag:$0x5], $0x80, s21, s26, $0xb8;
	[tilespmem:$0x1E000] =	vst v63  }
0x862: {  	_ =	swait.ge [sflag:s22], $0x4000  }
0x863: {  	[sflag:s22] =	ssyncset.done $0x0  }
0x864: {  	[sflag:s22] =	ssyncadd.s32 $0xFFFFC000  }
0x865: {  	[spmem:s2] =	stream.indirect.scatter.add.f32 [tilespmem:s29], [sflag:$0x5], $0x80, s28, s26, $0xb8;
	[tilespmem:$0x1E000] =	vst v63  }
0x866: {  	_ =	swait.ge [sflag:s22], $0x4000  }
0x867: {  	[sflag:s22] =	ssyncset.done $0x0  }
0x868: {  	s9 =	simm.s32 $0xC00;
	[sflag:s22] =	ssyncadd.s32 $0xFFFFC000  }
0x869: {  	[spmem:s2] =	stream.indirect.scatter.add.f32 [tilespmem:s29], [sflag:$0x5], $0x80, s9, s26, $0xb8;
	[tilespmem:$0x1E000] =	vst v63  }
0x86a: {  	_ =	swait.ge [sflag:s22], $0x4000  }
0x86b: {  	[sflag:s22] =	ssyncset.done $0x0  }
0x86c: {  	s9 =	simm.s32 $0xC80;
	[sflag:s22] =	ssyncadd.s32 $0xFFFFC000  }
0x86d: {  	[spmem:s2] =	stream.indirect.scatter.add.f32 [tilespmem:s29], [sflag:$0x5], $0x80, s9, s26, $0xb8;
	[tilespmem:$0x1E000] =	vst v63  }
0x86e: {  	_ =	swait.ge [sflag:s22], $0x4000  }
0x86f: {  	[sflag:s22] =	ssyncset.done $0x0  }
0x870: {  	s9 =	simm.s32 $0xD00;
	[sflag:s22] =	ssyncadd.s32 $0xFFFFC000  }
0x871: {  	[spmem:s2] =	stream.indirect.scatter.add.f32 [tilespmem:s29], [sflag:$0x5], $0x80, s9, s26, $0xb8;
	[tilespmem:$0x1E000] =	vst v63  }
0x872: {  	_ =	swait.ge [sflag:s22], $0x4000  }
0x873: {  	[sflag:s22] =	ssyncset.done $0x0  }
0x874: {  	s9 =	simm.s32 $0xD80;
	[sflag:s22] =	ssyncadd.s32 $0xFFFFC000  }
0x875: {  	[spmem:s2] =	stream.indirect.scatter.add.f32 [tilespmem:s29], [sflag:$0x5], $0x80, s9, s26, $0xb8;
	[tilespmem:$0x1E000] =	vst v63  }
0x876: {  	_ =	swait.ge [sflag:s22], $0x4000  }
0x877: {  	[sflag:s22] =	ssyncset.done $0x0  }
0x878: {  	s9 =	simm.s32 $0xE00;
	[sflag:s22] =	ssyncadd.s32 $0xFFFFC000  }
0x879: {  	[spmem:s2] =	stream.indirect.scatter.add.f32 [tilespmem:s29], [sflag:$0x5], $0x80, s9, s26, $0xb8;
	[tilespmem:$0x1E000] =	vst v63  }
0x87a: {  	_ =	swait.ge [sflag:s22], $0x4000  }
0x87b: {  	[sflag:s22] =	ssyncset.done $0x0  }
0x87c: {  	s9 =	simm.s32 $0xE80;
	[sflag:s22] =	ssyncadd.s32 $0xFFFFC000  }
0x87d: {  	[spmem:s2] =	stream.indirect.scatter.add.f32 [tilespmem:s29], [sflag:$0x5], $0x80, s9, s26, $0xb8;
	[tilespmem:$0x1E000] =	vst v63  }
0x87e: {  	_ =	swait.ge [sflag:s22], $0x4000  }
0x87f: {  	[sflag:s22] =	ssyncset.done $0x0  }
0x880: {  	s9 =	simm.s32 $0xF00;
	[sflag:s22] =	ssyncadd.s32 $0xFFFFC000  }
0x881: {  	[spmem:s2] =	stream.indirect.scatter.add.f32 [tilespmem:s29], [sflag:$0x5], $0x80, s9, s26, $0xb8;
	[tilespmem:$0x1E000] =	vst v63  }
0x882: {  	_ =	swait.ge [sflag:s22], $0x4000  }
0x883: {  	[sflag:s22] =	ssyncset.done $0x0  }
0x884: {  	s9 =	simm.s32 $0xF80;
	[sflag:s22] =	ssyncadd.s32 $0xFFFFC000  }
0x885: {  	[spmem:s2] =	stream.indirect.scatter.add.f32 [tilespmem:s29], [sflag:$0x5], $0x80, s9, s26, $0xb8;
	[tilespmem:$0x1E000] =	vst v63  }
0x886: {  	s3 =	sadd.s32 $0x2000, s3;
	p3 =	seq.s32 s8, $0x1000;
	_ =	swait.ge [sflag:s22], $0x4000  }
0x887: {  	s8 =	sshrl.u32 @!p3 s3, $0x3;
	[sflag:s22] =	ssyncset.done $0x0  }
0x888: {  	s8 =	sadd.s32 @!p3 s14, s8;
	s9 =	simm.s32 @!p3 $0x0;
	[sflag:s22] =	ssyncadd.s32 $0xFFFFC000  }
0x889: {  	[tilespmem:s9], [sflag:$0x3] =	stream.linear.gather @!p3 [hbm4b:s8+s9], $0x1000, $0x38;
	[tilespmem:$0x1E000] =	vst v63  }
0x88a: {  	_ =	swait.ge [sflag:s19], $0x1000  }
0x88b: {  	[sflag:s19] =	ssyncset.done $0x0  }
0x88c: {  	s9 =	simm.s32 $0x1800;
	[sflag:s19] =	ssyncadd.s32 $0xFFFFF000  }
0x88d: {  	[spmem:s2] =	stream.indirect.scatter.add.f32 [tilespmem:s29], [sflag:$0x5], $0x80, s9, s26, $0xb8;
	[tilespmem:$0x1E000] =	vst v63  }
0x88e: {  	_ =	swait.ge [sflag:s22], $0x4000  }
0x88f: {  	[sflag:s22] =	ssyncset.done $0x0  }
0x890: {  	s9 =	simm.s32 $0x1880;
	[sflag:s22] =	ssyncadd.s32 $0xFFFFC000  }
0x891: {  	[spmem:s2] =	stream.indirect.scatter.add.f32 [tilespmem:s29], [sflag:$0x5], $0x80, s9, s26, $0xb8;
	[tilespmem:$0x1E000] =	vst v63  }
0x892: {  	_ =	swait.ge [sflag:s22], $0x4000  }
0x893: {  	[sflag:s22] =	ssyncset.done $0x0  }
0x894: {  	s9 =	simm.s32 $0x1900;
	[sflag:s22] =	ssyncadd.s32 $0xFFFFC000  }
0x895: {  	[spmem:s2] =	stream.indirect.scatter.add.f32 [tilespmem:s29], [sflag:$0x5], $0x80, s9, s26, $0xb8;
	[tilespmem:$0x1E000] =	vst v63  }
0x896: {  	_ =	swait.ge [sflag:s22], $0x4000  }
0x897: {  	[sflag:s22] =	ssyncset.done $0x0  }
0x898: {  	s9 =	simm.s32 $0x1980;
	[sflag:s22] =	ssyncadd.s32 $0xFFFFC000  }
0x899: {  	[spmem:s2] =	stream.indirect.scatter.add.f32 [tilespmem:s29], [sflag:$0x5], $0x80, s9, s26, $0xb8;
	[tilespmem:$0x1E000] =	vst v63  }
0x89a: {  	_ =	swait.ge [sflag:s22], $0x4000  }
0x89b: {  	[sflag:s22] =	ssyncset.done $0x0  }
0x89c: {  	s9 =	simm.s32 $0x1A00;
	[sflag:s22] =	ssyncadd.s32 $0xFFFFC000  }
0x89d: {  	[spmem:s2] =	stream.indirect.scatter.add.f32 [tilespmem:s29], [sflag:$0x5], $0x80, s9, s26, $0xb8;
	[tilespmem:$0x1E000] =	vst v63  }
0x89e: {  	_ =	swait.ge [sflag:s22], $0x4000  }
0x89f: {  	[sflag:s22] =	ssyncset.done $0x0  }
0x8a0: {  	s9 =	simm.s32 $0x1A80;
	[sflag:s22] =	ssyncadd.s32 $0xFFFFC000  }
0x8a1: {  	[spmem:s2] =	stream.indirect.scatter.add.f32 [tilespmem:s29], [sflag:$0x5], $0x80, s9, s26, $0xb8;
	[tilespmem:$0x1E000] =	vst v63  }
0x8a2: {  	_ =	swait.ge [sflag:s22], $0x4000  }
0x8a3: {  	[sflag:s22] =	ssyncset.done $0x0  }
0x8a4: {  	s9 =	simm.s32 $0x1B00;
	[sflag:s22] =	ssyncadd.s32 $0xFFFFC000  }
0x8a5: {  	[spmem:s2] =	stream.indirect.scatter.add.f32 [tilespmem:s29], [sflag:$0x5], $0x80, s9, s26, $0xb8;
	[tilespmem:$0x1E000] =	vst v63  }
0x8a6: {  	_ =	swait.ge [sflag:s22], $0x4000  }
0x8a7: {  	[sflag:s22] =	ssyncset.done $0x0  }
0x8a8: {  	s9 =	simm.s32 $0x1B80;
	[sflag:s22] =	ssyncadd.s32 $0xFFFFC000  }
0x8a9: {  	[spmem:s2] =	stream.indirect.scatter.add.f32 [tilespmem:s29], [sflag:$0x5], $0x80, s9, s26, $0xb8;
	[tilespmem:$0x1E000] =	vst v63  }
0x8aa: {  	_ =	swait.ge [sflag:s22], $0x4000  }
0x8ab: {  	[sflag:s22] =	ssyncset.done $0x0  }
0x8ac: {  	s9 =	simm.s32 $0x1C00;
	[sflag:s22] =	ssyncadd.s32 $0xFFFFC000  }
0x8ad: {  	[spmem:s2] =	stream.indirect.scatter.add.f32 [tilespmem:s29], [sflag:$0x5], $0x80, s9, s26, $0xb8;
	[tilespmem:$0x1E000] =	vst v63  }
0x8ae: {  	_ =	swait.ge [sflag:s22], $0x4000  }
0x8af: {  	[sflag:s22] =	ssyncset.done $0x0  }
0x8b0: {  	s9 =	simm.s32 $0x1C80;
	[sflag:s22] =	ssyncadd.s32 $0xFFFFC000  }
0x8b1: {  	[spmem:s2] =	stream.indirect.scatter.add.f32 [tilespmem:s29], [sflag:$0x5], $0x80, s9, s26, $0xb8;
	[tilespmem:$0x1E000] =	vst v63  }
0x8b2: {  	_ =	swait.ge [sflag:s22], $0x4000  }
0x8b3: {  	[sflag:s22] =	ssyncset.done $0x0  }
0x8b4: {  	s9 =	simm.s32 $0x1D00;
	[sflag:s22] =	ssyncadd.s32 $0xFFFFC000  }
0x8b5: {  	[spmem:s2] =	stream.indirect.scatter.add.f32 [tilespmem:s29], [sflag:$0x5], $0x80, s9, s26, $0xb8;
	[tilespmem:$0x1E000] =	vst v63  }
0x8b6: {  	_ =	swait.ge [sflag:s22], $0x4000  }
0x8b7: {  	[sflag:s22] =	ssyncset.done $0x0  }
0x8b8: {  	s9 =	simm.s32 $0x1D80;
	[sflag:s22] =	ssyncadd.s32 $0xFFFFC000  }
0x8b9: {  	[spmem:s2] =	stream.indirect.scatter.add.f32 [tilespmem:s29], [sflag:$0x5], $0x80, s9, s26, $0xb8;
	[tilespmem:$0x1E000] =	vst v63  }
0x8ba: {  	_ =	swait.ge [sflag:s22], $0x4000  }
0x8bb: {  	[sflag:s22] =	ssyncset.done $0x0  }
0x8bc: {  	s9 =	simm.s32 $0x1E00;
	[sflag:s22] =	ssyncadd.s32 $0xFFFFC000  }
0x8bd: {  	[spmem:s2] =	stream.indirect.scatter.add.f32 [tilespmem:s29], [sflag:$0x5], $0x80, s9, s26, $0xb8;
	[tilespmem:$0x1E000] =	vst v63  }
0x8be: {  	_ =	swait.ge [sflag:s22], $0x4000  }
0x8bf: {  	[sflag:s22] =	ssyncset.done $0x0  }
0x8c0: {  	[sflag:s22] =	ssyncadd.s32 $0xFFFFC000  }
0x8c1: {  	[spmem:s2] =	stream.indirect.scatter.add.f32 [tilespmem:s29], [sflag:$0x5], $0x80, s11, s26, $0xb8;
	[tilespmem:$0x1E000] =	vst v63  }
0x8c2: {  	_ =	swait.ge [sflag:s22], $0x4000  }
0x8c3: {  	s1 =	sadd.s32 $0x400, s1;
	[sflag:s22] =	ssyncset.done $0x0  }
0x8c4: {  	p2 =	sne.s32 s1, $0x1400;
	[sflag:s22] =	ssyncadd.s32 $0xFFFFC000  }
0x8c5: {  	[spmem:s2] =	stream.indirect.scatter.add.f32 [tilespmem:s29], [sflag:$0x5], $0x80, s24, s26, $0xb8;
	[tilespmem:$0x1E000] =	vst v63  }
.Ltmp2:
0x8c6: {  	_ =	swait.ge [sflag:s22], $0x4000;
	(pc) =	sbr.rel @p2 .LBB2_6-.Ltmp2, $4  }
0x8c7: {  	[sflag:s22] =	ssyncset.done $0x0  }
0x8c8: {  	[sflag:s22] =	ssyncadd.s32 $0xFFFFC000  }
0x8c9: {  	[spmem:s2] =	stream.indirect.scatter.add.f32 [tilespmem:s29], [sflag:$0x5], $0x80, s10, s26, $0xb8;
	[tilespmem:$0x1E000] =	vst v63  }
0x8ca: {  	_ =	swait.ge [sflag:s22], $0x4000  }
0x8cb: {  	[sflag:s22] =	ssyncset.done $0x0  }
0x8cc: {  	[sflag:s22] =	ssyncadd.s32 $0xFFFFC000  }
0x8cd: {  	[bflag:$0x0] =	sbarrier.arrive $0xFFFF  }
0x8ce: {  	s1 =	rddreg [dreg:$0x1b]  }
0x8cf: {  	s11 =	rddreg [dreg:$0x15]  }
0x8d0: {  	s8 =	rddreg [dreg:$0x1e]  }
0x8d1: {  	[hbm:s1], [sflag:s11] =	dma.local [spmem:s8], $0x2800  }
0x8d2: {  	_ =	swait.ge [sflag:s22], $0x2800  }
0x8d3: {  	s3 =	rddreg [dreg:$0x1f]  }
0x8d4: {  	s28 =	rddreg [dreg:$0x1c];
	s3 =	sadd.s32 $0x1, s3  }
0x8d5: {  	p2 =	sne.s32 s3, s28  }
.Ltmp3:
0x8d6: {  	_ = 	snop;
	(pc) =	sbr.rel @p2 .LBB2_1-.Ltmp3, $3  }
0x8d7: {  	_ =	sdelay $0x1  }
0x8d8: {  	s24 =	simm.s32 $0x3;
	[sflag:s22] =	ssyncset.done $0x0  }
0x8d9: {  	s4 =	simm.s32 $0x4;
	s19 =	sld [smem:$0x7FD];
	[sflag:s22] =	ssyncadd.s32 $0xFFFFD800  }
0x8da: {  	_ =	sfence.sel $0x180000  }
0x8db: {  	[bflag:$0x0] =	sbarrier.arrive $0xFFFF  }
0x8dc: {  	_ =	strace $0x90000047  }
0x8dd: {  	s0 =	stileid.u32;
	[bflag:$0x2] =	sbarrier.arrive $0xFFFF  }
0x8de: {  	p0 =	sne.s32 s0, $0x0;
	s0 =	rddreg [dreg:$0x3]  }
0x8df: {  	s0 =	sadd.s32 @!p0 $0x100000, s0  }
0x8e0: {  	[sflag:s0] =	ssyncadd.tile.s32 @!p0 $0x1;
	_ =	shalt  }
.Lfunc_end2:
_tile_overlayer_lowered:
.L_overlay_start_2:
0x8e1: {  	(tag) =	ssettag $0x2  }
0x8e2: {  	s0 =	rddreg [dreg:$0x0];
	s2 =	stileid.u32  }
0x8e3: {  	s1 =	rddreg [dreg:$0x1];
	p0 =	sne.s32 s2, $0x0  }
0x8e4: {  	s3 =	rddreg [dreg:$0x2];
	[bflag:$0x3] =	sbarrier.arrive $0xFFFF;
	s2 =	simm.s32 @!p0 $0x1C05  }
0x8e5: {  	[timem:s3], [sflag:s2] =	dma.local @!p0 [hbm:s0], s1  }
0x8e6: {  	s0 =	simm.s32 @!p0 $0x5  }
0x8e7: {  	_ =	swait.ge @!p0 [sflag:s0], s1  }
0x8e8: {  	s1 =	ssub.s32 @!p0 $0x0, s1;
	[sflag:s0] =	ssyncset.done @!p0 $0x0  }
0x8e9: {  	[sflag:s0] =	ssyncadd.s32 @!p0 s1  }
0x8ea: {  	[bflag:$0x3] =	sbarrier.arrive $0xFFFF  }
0x8eb: {  	_ =	shalt  }

</sc_bundles>
